<compile_context>
chip_gen: v7x
topology: tpu7x:2x2x1
jax: 0.10.2.dev20260603
libtpu: 0.0.44.dev20260713+nightly
codegen_flags: <defaults>
</compile_context>

<pallas_src>
import functools

import jax
import jax.numpy as jnp
from jax import lax
from jax.experimental import pallas as pl
from jax.experimental.pallas import tpu as pltpu
from jax.experimental.pallas import tpu_sc as plsc

VOC_SIZE = 1000000
EMB_SIZE = 16
BATCH = 16384

_NC = 2
_NS = 16
_NW = _NC * _NS
_BPW = BATCH // _NW
_G = 8
_NG = _BPW // _G
_GW = _G * 128
_WMAX = VOC_SIZE - 128


def _win_base_vec(v):
    c = lax.shift_left(lax.shift_right_logical(v, 7), 7)
    return jnp.minimum(c, _WMAX)


def _glove_body(center_hbm, outside_hbm, coocs_hbm, w_hbm,
                ceT_hbm, oeT_hbm, cb_hbm, ob_hbm, out_hbm,
                cidx_v, oidx_v, cooc_v, wv_v,
                cewA, cewB, oewA, oewB, cbwA, cbwB, obwA, obwB,
                out_v, semA, semB, semP):
    wid = lax.axis_index("s") * _NC + lax.axis_index("c")
    base = wid * _BPW

    c1 = pltpu.make_async_copy(center_hbm.at[pl.ds(base, _BPW)], cidx_v, semP)
    c2 = pltpu.make_async_copy(outside_hbm.at[pl.ds(base, _BPW)], oidx_v, semP)
    c3 = pltpu.make_async_copy(coocs_hbm.at[pl.ds(base, _BPW)], cooc_v, semP)
    c4 = pltpu.make_async_copy(w_hbm.at[pl.ds(base, _BPW)], wv_v, semP)
    c1.start(); c2.start(); c3.start(); c4.start()
    c1.wait(); c2.wait(); c3.wait(); c4.wait()

    lane = lax.broadcasted_iota(jnp.int32, (16,), 0)

    def fire(cvv, cuv, l0, cew, oew, cbw, obw, sem):
        for j in range(_G):
            cv = pl.multiple_of(cvv[l0 + j], 128)
            cu = pl.multiple_of(cuv[l0 + j], 128)
            pltpu.make_async_copy(
                ceT_hbm.at[pl.ds(0, 8), pl.ds(cv, 128)],
                cew.at[pl.ds(0, 8), pl.ds(j * 128, 128)], sem).start()
            pltpu.make_async_copy(
                ceT_hbm.at[pl.ds(8, 8), pl.ds(cv, 128)],
                cew.at[pl.ds(8, 8), pl.ds(j * 128, 128)], sem).start()
            pltpu.make_async_copy(
                oeT_hbm.at[pl.ds(0, 8), pl.ds(cu, 128)],
                oew.at[pl.ds(0, 8), pl.ds(j * 128, 128)], sem).start()
            pltpu.make_async_copy(
                oeT_hbm.at[pl.ds(8, 8), pl.ds(cu, 128)],
                oew.at[pl.ds(8, 8), pl.ds(j * 128, 128)], sem).start()
            pltpu.make_async_copy(cb_hbm.at[:, pl.ds(cv, 128)],
                                  cbw.at[pl.ds(j, 1), :], sem).start()
            pltpu.make_async_copy(ob_hbm.at[:, pl.ds(cu, 128)],
                                  obw.at[pl.ds(j, 1), :], sem).start()

    def drain(cew, oew, cbw, obw, sem):
        pltpu.make_async_copy(ceT_hbm.at[:, pl.ds(0, _GW)], cew, sem).wait()
        pltpu.make_async_copy(oeT_hbm.at[:, pl.ds(0, _GW)], oew, sem).wait()
        pltpu.make_async_copy(ceT_hbm.at[pl.ds(0, _G), pl.ds(0, 128)],
                              cbw, sem).wait()
        pltpu.make_async_copy(ceT_hbm.at[pl.ds(0, _G), pl.ds(0, 128)],
                              obw, sem).wait()

    halfj = lane & 7

    def compute(i, l0, cew, oew, cbw, obw, acc):
        off16 = i * 16 + l0 + halfj
        vh = plsc.load_gather(cidx_v, [off16])
        uh = plsc.load_gather(oidx_v, [off16])
        lvh = vh - _win_base_vec(vh)
        luh = uh - _win_base_vec(uh)
        colv = halfj * 128 + lvh
        colu = halfj * 128 + luh
        ip = jnp.zeros((16,), jnp.float32)
        for e in range(EMB_SIZE):
            e16 = jnp.full((16,), e, jnp.int32)
            ce = plsc.load_gather(cew, [e16, colv])
            oe = plsc.load_gather(oew, [e16, colu])
            ip = ip + ce * oe
        cb = plsc.load_gather(cbw, [halfj, lvh])
        tb = plsc.load_gather(obw, [halfj, luh])
        cooc = plsc.load_gather(cooc_v, [off16])
        w = plsc.load_gather(wv_v, [off16])
        r = ip + cb + tb - cooc
        return acc + jnp.where(lane < 8, w * r * r, 0.0)

    vc0 = cidx_v[pl.ds(0, 16)]
    vo0 = oidx_v[pl.ds(0, 16)]
    cv0 = _win_base_vec(vc0)
    cu0 = _win_base_vec(vo0)
    fire(cv0, cu0, 0, cewA, oewA, cbwA, obwA, semA)
    fire(cv0, cu0, 8, cewB, oewB, cbwB, obwB, semB)

    def pair_body(p, carry):
        vc, vo, cv, cu, acc = carry
        pnext = jnp.minimum(p + 1, _NG // 2 - 1) * 16
        vcn = cidx_v[pl.ds(pnext, 16)]
        von = oidx_v[pl.ds(pnext, 16)]
        cvn = _win_base_vec(vcn)
        cun = _win_base_vec(von)
        drain(cewA, oewA, cbwA, obwA, semA)
        acc = compute(p, 0, cewA, oewA, cbwA, obwA, acc)

        @pl.when(p < _NG // 2 - 1)
        def _():
            fire(cvn, cun, 0, cewA, oewA, cbwA, obwA, semA)

        drain(cewB, oewB, cbwB, obwB, semB)
        acc = compute(p, 8, cewB, oewB, cbwB, obwB, acc)

        @pl.when(p < _NG // 2 - 1)
        def _():
            fire(cvn, cun, 8, cewB, oewB, cbwB, obwB, semB)

        return (vcn, von, cvn, cun, acc)

    _, _, _, _, acc = lax.fori_loop(
        0, _NG // 2, pair_body,
        (vc0, vo0, cv0, cu0, jnp.zeros((16,), jnp.float32)))

    out_v[...] = acc
    pltpu.sync_copy(out_v, out_hbm.at[wid])


def _glove_partials(center, outside, coocs, weighting, ceT, oeT, cb, ob):
    mesh = plsc.VectorSubcoreMesh(core_axis_name="c", subcore_axis_name="s")
    k = functools.partial(
        pl.kernel,
        mesh=mesh,
        out_type=jax.ShapeDtypeStruct((_NW, 16), jnp.float32),
        scratch_types=[
            pltpu.VMEM((_BPW,), jnp.int32),
            pltpu.VMEM((_BPW,), jnp.int32),
            pltpu.VMEM((_BPW,), jnp.float32),
            pltpu.VMEM((_BPW,), jnp.float32),
            pltpu.VMEM((EMB_SIZE, _GW), jnp.float32),
            pltpu.VMEM((EMB_SIZE, _GW), jnp.float32),
            pltpu.VMEM((EMB_SIZE, _GW), jnp.float32),
            pltpu.VMEM((EMB_SIZE, _GW), jnp.float32),
            pltpu.VMEM((_G, 128), jnp.float32),
            pltpu.VMEM((_G, 128), jnp.float32),
            pltpu.VMEM((_G, 128), jnp.float32),
            pltpu.VMEM((_G, 128), jnp.float32),
            pltpu.VMEM((16,), jnp.float32),
            pltpu.SemaphoreType.DMA,
            pltpu.SemaphoreType.DMA,
            pltpu.SemaphoreType.DMA,
        ],
        compiler_params=pltpu.CompilerParams(
            needs_layout_passes=False,
            use_tc_tiling_on_sc=True,
        ),
    )(_glove_body)
    return k(center, outside, coocs, weighting, ceT, oeT, cb, ob)


def kernel(center, outside, coocs, weighting, center_embedding,
           outside_embedding, center_bias, outside_bias):
    parts = _glove_partials(
        center.reshape(-1), outside.reshape(-1),
        coocs.reshape(-1), weighting.reshape(-1),
        center_embedding.T, outside_embedding.T,
        center_bias.T, outside_bias.T,
    )
    return jnp.sum(parts)

# --- scband reference (transcript-rebuilt; emitter-appended) ---
"""Pipeline reference for scband-glove-24704651887361 (READ-ONLY COPY).

The authoritative reference and input builder live on the scoring server;
editing this copy changes nothing except your own understanding.
"""

import jax, jax.numpy as jnp
import numpy as np

VOC_SIZE = 1000000
EMB_SIZE = 16
BATCH = 16384

def setup_inputs(seed: int = 0) -> dict:
    key = jax.random.key(seed)
    k1, k2, k3, k4, k5, k6, k7, k8 = jax.random.split(key, 8)
    center = jax.random.randint(k1, (BATCH, 1), 0, VOC_SIZE, dtype=jnp.int64 if jax.config.jax_enable_x64 else jnp.int32).astype(jnp.int32)
    outside = jax.random.randint(k2, (BATCH, 1), 0, VOC_SIZE, dtype=jnp.int32)
    coocs = jax.random.uniform(k3, (BATCH, 1), dtype=jnp.float32)
    weighting = jax.random.uniform(k4, (BATCH, 1), dtype=jnp.float32)
    center_embedding = jax.random.normal(k5, (VOC_SIZE, EMB_SIZE), dtype=jnp.float32)
    outside_embedding = jax.random.normal(k6, (VOC_SIZE, EMB_SIZE), dtype=jnp.float32)
    center_bias = jax.random.normal(k7, (VOC_SIZE, 1), dtype=jnp.float32)
    outside_bias = jax.random.normal(k8, (VOC_SIZE, 1), dtype=jnp.float32)
    return {
        "center": center,
        "outside": outside,
        "coocs": coocs,
        "weighting": weighting,
        "center_embedding": center_embedding,
        "outside_embedding": outside_embedding,
        "center_bias": center_bias,
        "outside_bias": outside_bias,
    }

def reference(center, outside, coocs, weighting, center_embedding, outside_embedding, center_bias, outside_bias):
    # Embedding lookups (gather)
    center_embeds = jnp.take(center_embedding, center, axis=0)      # [B, 1, E]
    outside_embeds = jnp.take(outside_embedding, outside, axis=0)   # [B, 1, E]
    cb = jnp.squeeze(jnp.take(center_bias, center, axis=0), axis=1)   # [B,1,1] -> [B,1]
    tb = jnp.squeeze(jnp.take(outside_bias, outside, axis=0), axis=1) # [B,1,1] -> [B,1]
    # bmm: [B,1,E] @ [B,E,1] -> [B,1,1] -> squeeze(2) -> [B,1]
    inner_product = jnp.squeeze(jnp.matmul(outside_embeds, jnp.transpose(center_embeds, (0, 2, 1))), axis=2)
    loss = weighting * jnp.power(inner_product + cb + tb - coocs, 2)
    return jnp.sum(loss)

if __name__ == "__main__":
    import jax
    _d = setup_inputs()
    print(jax.jit(kernel)(*tuple(_d.values())))

</pallas_src>

<mosaic_0001>
#map = affine_map<(d0, d1) -> (0)>
#map1 = affine_map<(d0, d1) -> (0, 0)>
module attributes {stable_mosaic.version = 14 : i64} {
  func.func @_glove_body(%arg0: i32, %arg1: i32, %arg2: memref<16384xi32, #tpu.memory_space<hbm>>, %arg3: memref<16384xi32, #tpu.memory_space<hbm>>, %arg4: memref<16384xf32, #tpu.memory_space<hbm>>, %arg5: memref<16384xf32, #tpu.memory_space<hbm>>, %arg6: memref<16x1000000xf32, #tpu.memory_space<hbm>>, %arg7: memref<16x1000000xf32, #tpu.memory_space<hbm>>, %arg8: memref<1x1000000xf32, #tpu.memory_space<hbm>>, %arg9: memref<1x1000000xf32, #tpu.memory_space<hbm>>, %arg10: memref<32x16xf32, #tpu.memory_space<hbm>>, %arg11: memref<512xi32, #tpu.memory_space<vmem>>, %arg12: memref<512xi32, #tpu.memory_space<vmem>>, %arg13: memref<512xf32, #tpu.memory_space<vmem>>, %arg14: memref<512xf32, #tpu.memory_space<vmem>>, %arg15: memref<16x1024xf32, #tpu.memory_space<vmem>>, %arg16: memref<16x1024xf32, #tpu.memory_space<vmem>>, %arg17: memref<16x1024xf32, #tpu.memory_space<vmem>>, %arg18: memref<16x1024xf32, #tpu.memory_space<vmem>>, %arg19: memref<8x128xf32, #tpu.memory_space<vmem>>, %arg20: memref<8x128xf32, #tpu.memory_space<vmem>>, %arg21: memref<8x128xf32, #tpu.memory_space<vmem>>, %arg22: memref<8x128xf32, #tpu.memory_space<vmem>>, %arg23: memref<16xf32, #tpu.memory_space<vmem>>, %arg24: memref<!tpu.dma_semaphore, #tpu.memory_space<semaphore_mem>>, %arg25: memref<!tpu.dma_semaphore, #tpu.memory_space<semaphore_mem>>, %arg26: memref<!tpu.dma_semaphore, #tpu.memory_space<semaphore_mem>>) attributes {dimension_semantics = [#tpu.dimension_semantics<core_parallel>, #tpu.dimension_semantics<subcore_parallel>], iteration_bounds = array<i64: 2, 16>, scalar_prefetch = 0 : i64, scratch_operands = 16 : i64, tpu.core_type = #tpu.core_type<sc_vector_subcore>, window_params = [{transform_indices = #map}, {transform_indices = #map}, {transform_indices = #map}, {transform_indices = #map}, {transform_indices = #map1}, {transform_indices = #map1}, {transform_indices = #map1}, {transform_indices = #map1}, {transform_indices = #map1}]} {
    %mul3A = arith.constant 2 : i32
    %mul3A_0 = arith.muli %arg1, %mul3A : i32
    %add3A = arith.addi %mul3A_0, %arg0 : i32
    %mul3A_1 = arith.constant 512 : i32
    %mul3A_2 = arith.muli %add3A, %mul3A_1 : i32
    %dma_start3A = tpu.memref_slice %arg2[%mul3A_2] : memref<16384xi32, #tpu.memory_space<hbm>> -> memref<512xi32, #tpu.memory_space<hbm>>
    %dma_start3A_3 = tpu.memref_slice %arg2[%mul3A_2] : memref<16384xi32, #tpu.memory_space<hbm>> -> memref<512xi32, #tpu.memory_space<hbm>>
    tpu.enqueue_dma source(%dma_start3A_3 : memref<512xi32, #tpu.memory_space<hbm>>) target(%arg11 : memref<512xi32, #tpu.memory_space<vmem>>) target_semaphore(%arg26 : memref<!tpu.dma_semaphore, #tpu.memory_space<semaphore_mem>>)
    %dma_start3A_4 = tpu.memref_slice %arg3[%mul3A_2] : memref<16384xi32, #tpu.memory_space<hbm>> -> memref<512xi32, #tpu.memory_space<hbm>>
    %dma_start3A_5 = tpu.memref_slice %arg3[%mul3A_2] : memref<16384xi32, #tpu.memory_space<hbm>> -> memref<512xi32, #tpu.memory_space<hbm>>
    tpu.enqueue_dma source(%dma_start3A_5 : memref<512xi32, #tpu.memory_space<hbm>>) target(%arg12 : memref<512xi32, #tpu.memory_space<vmem>>) target_semaphore(%arg26 : memref<!tpu.dma_semaphore, #tpu.memory_space<semaphore_mem>>)
    %dma_start3A_6 = tpu.memref_slice %arg4[%mul3A_2] : memref<16384xf32, #tpu.memory_space<hbm>> -> memref<512xf32, #tpu.memory_space<hbm>>
    %dma_start3A_7 = tpu.memref_slice %arg4[%mul3A_2] : memref<16384xf32, #tpu.memory_space<hbm>> -> memref<512xf32, #tpu.memory_space<hbm>>
    tpu.enqueue_dma source(%dma_start3A_7 : memref<512xf32, #tpu.memory_space<hbm>>) target(%arg13 : memref<512xf32, #tpu.memory_space<vmem>>) target_semaphore(%arg26 : memref<!tpu.dma_semaphore, #tpu.memory_space<semaphore_mem>>)
    %dma_start3A_8 = tpu.memref_slice %arg5[%mul3A_2] : memref<16384xf32, #tpu.memory_space<hbm>> -> memref<512xf32, #tpu.memory_space<hbm>>
    %dma_start3A_9 = tpu.memref_slice %arg5[%mul3A_2] : memref<16384xf32, #tpu.memory_space<hbm>> -> memref<512xf32, #tpu.memory_space<hbm>>
    tpu.enqueue_dma source(%dma_start3A_9 : memref<512xf32, #tpu.memory_space<hbm>>) target(%arg14 : memref<512xf32, #tpu.memory_space<vmem>>) target_semaphore(%arg26 : memref<!tpu.dma_semaphore, #tpu.memory_space<semaphore_mem>>)
    %dma_wait3A = tpu.memref_slice %arg2[%mul3A_2] : memref<16384xi32, #tpu.memory_space<hbm>> -> memref<512xi32, #tpu.memory_space<hbm>>
    %dma_wait3A_10 = tpu.memref_slice %arg2[%mul3A_2] : memref<16384xi32, #tpu.memory_space<hbm>> -> memref<512xi32, #tpu.memory_space<hbm>>
    tpu.wait_dma2 semaphore(%arg26 : memref<!tpu.dma_semaphore, #tpu.memory_space<semaphore_mem>>) src(%dma_wait3A_10 : memref<512xi32, #tpu.memory_space<hbm>>) dst(%arg11 : memref<512xi32, #tpu.memory_space<vmem>>)
    %dma_wait3A_11 = tpu.memref_slice %arg3[%mul3A_2] : memref<16384xi32, #tpu.memory_space<hbm>> -> memref<512xi32, #tpu.memory_space<hbm>>
    %dma_wait3A_12 = tpu.memref_slice %arg3[%mul3A_2] : memref<16384xi32, #tpu.memory_space<hbm>> -> memref<512xi32, #tpu.memory_space<hbm>>
    tpu.wait_dma2 semaphore(%arg26 : memref<!tpu.dma_semaphore, #tpu.memory_space<semaphore_mem>>) src(%dma_wait3A_12 : memref<512xi32, #tpu.memory_space<hbm>>) dst(%arg12 : memref<512xi32, #tpu.memory_space<vmem>>)
    %dma_wait3A_13 = tpu.memref_slice %arg4[%mul3A_2] : memref<16384xf32, #tpu.memory_space<hbm>> -> memref<512xf32, #tpu.memory_space<hbm>>
    %dma_wait3A_14 = tpu.memref_slice %arg4[%mul3A_2] : memref<16384xf32, #tpu.memory_space<hbm>> -> memref<512xf32, #tpu.memory_space<hbm>>
    tpu.wait_dma2 semaphore(%arg26 : memref<!tpu.dma_semaphore, #tpu.memory_space<semaphore_mem>>) src(%dma_wait3A_14 : memref<512xf32, #tpu.memory_space<hbm>>) dst(%arg13 : memref<512xf32, #tpu.memory_space<vmem>>)
    %dma_wait3A_15 = tpu.memref_slice %arg5[%mul3A_2] : memref<16384xf32, #tpu.memory_space<hbm>> -> memref<512xf32, #tpu.memory_space<hbm>>
    %dma_wait3A_16 = tpu.memref_slice %arg5[%mul3A_2] : memref<16384xf32, #tpu.memory_space<hbm>> -> memref<512xf32, #tpu.memory_space<hbm>>
    tpu.wait_dma2 semaphore(%arg26 : memref<!tpu.dma_semaphore, #tpu.memory_space<semaphore_mem>>) src(%dma_wait3A_16 : memref<512xf32, #tpu.memory_space<hbm>>) dst(%arg14 : memref<512xf32, #tpu.memory_space<vmem>>)
    %iota3A = tpu.iota {dimensions = array<i32: 0>} : vector<16xi32>
    %and3A = arith.constant 7 : i32
    %and3A_17 = vector.broadcast %and3A : i32 to vector<16xi32>
    %and3A_18 = arith.andi %iota3A, %and3A_17 : vector<16xi32>
    %get3A = arith.constant 0 : index
    %get3A_19 = tpu.vector_load %arg11[%get3A] {strides = array<i32>} : memref<512xi32, #tpu.memory_space<vmem>>, vector<16xi32>,
    %get3A_20 = arith.constant 0 : index
    %get3A_21 = tpu.vector_load %arg12[%get3A_20] {strides = array<i32>} : memref<512xi32, #tpu.memory_space<vmem>>, vector<16xi32>,
    %shift_right_logical3A = arith.constant 7 : i32
    %shift_right_logical3A_22 = vector.broadcast %shift_right_logical3A : i32 to vector<16xi32>
    %shift_right_logical3A_23 = arith.shrui %get3A_19, %shift_right_logical3A_22 : vector<16xi32>
    %shift_left3A = arith.constant 7 : i32
    %shift_left3A_24 = vector.broadcast %shift_left3A : i32 to vector<16xi32>
    %shift_left3A_25 = arith.shli %shift_right_logical3A_23, %shift_left3A_24 : vector<16xi32>
    %min3A = arith.constant 999872 : i32
    %min3A_26 = vector.broadcast %min3A : i32 to vector<16xi32>
    %min3A_27 = arith.minsi %shift_left3A_25, %min3A_26 : vector<16xi32>
    %shift_right_logical3A_28 = arith.constant 7 : i32
    %shift_right_logical3A_29 = vector.broadcast %shift_right_logical3A_28 : i32 to vector<16xi32>
    %shift_right_logical3A_30 = arith.shrui %get3A_21, %shift_right_logical3A_29 : vector<16xi32>
    %shift_left3A_31 = arith.constant 7 : i32
    %shift_left3A_32 = vector.broadcast %shift_left3A_31 : i32 to vector<16xi32>
    %shift_left3A_33 = arith.shli %shift_right_logical3A_30, %shift_left3A_32 : vector<16xi32>
    %min3A_34 = arith.constant 999872 : i32
    %min3A_35 = vector.broadcast %min3A_34 : i32 to vector<16xi32>
    %min3A_36 = arith.minsi %shift_left3A_33, %min3A_35 : vector<16xi32>
    %slice3A = vector.extract_strided_slice %min3A_27 {offsets = [0], sizes = [1], strides = [1]} : vector<16xi32> to vector<1xi32>
    %squeeze3A = vector.extract %slice3A[0] : i32 from vector<1xi32>
    %multiple_of3A = tpu.assume_multiple %squeeze3A, 128 : i32
    %slice3A_37 = vector.extract_strided_slice %min3A_36 {offsets = [0], sizes = [1], strides = [1]} : vector<16xi32> to vector<1xi32>
    %squeeze3A_38 = vector.extract %slice3A_37[0] : i32 from vector<1xi32>
    %multiple_of3A_39 = tpu.assume_multiple %squeeze3A_38, 128 : i32
    %dma_start3A_40 = arith.constant 0 : i32
    %dma_start3A_41 = arith.constant 0 : i32
    %dma_start3A_42 = tpu.memref_slice %arg15[%dma_start3A_40, %dma_start3A_41] : memref<16x1024xf32, #tpu.memory_space<vmem>> -> memref<8x128xf32, #tpu.memory_space<vmem>>
    %dma_start3A_43 = arith.constant 0 : i32
    %dma_start3A_44 = tpu.memref_slice %arg6[%dma_start3A_43, %multiple_of3A] : memref<16x1000000xf32, #tpu.memory_space<hbm>> -> memref<8x128xf32, #tpu.memory_space<hbm>>
    %dma_start3A_45 = arith.constant 0 : i32
    %dma_start3A_46 = arith.constant 0 : i32
    %dma_start3A_47 = tpu.memref_slice %arg15[%dma_start3A_45, %dma_start3A_46] : memref<16x1024xf32, #tpu.memory_space<vmem>> -> memref<8x128xf32, #tpu.memory_space<vmem>>
    %dma_start3A_48 = arith.constant 0 : i32
    %dma_start3A_49 = tpu.memref_slice %arg6[%dma_start3A_48, %multiple_of3A] : memref<16x1000000xf32, #tpu.memory_space<hbm>> -> memref<8x128xf32, #tpu.memory_space<hbm>>
    tpu.enqueue_dma source(%dma_start3A_49 : memref<8x128xf32, #tpu.memory_space<hbm>>) target(%dma_start3A_47 : memref<8x128xf32, #tpu.memory_space<vmem>>) target_semaphore(%arg24 : memref<!tpu.dma_semaphore, #tpu.memory_space<semaphore_mem>>)
    %dma_start3A_50 = arith.constant 8 : i32
    %dma_start3A_51 = arith.constant 0 : i32
    %dma_start3A_52 = tpu.memref_slice %arg15[%dma_start3A_50, %dma_start3A_51] : memref<16x1024xf32, #tpu.memory_space<vmem>> -> memref<8x128xf32, #tpu.memory_space<vmem>>
    %dma_start3A_53 = arith.constant 8 : i32
    %dma_start3A_54 = tpu.memref_slice %arg6[%dma_start3A_53, %multiple_of3A] : memref<16x1000000xf32, #tpu.memory_space<hbm>> -> memref<8x128xf32, #tpu.memory_space<hbm>>
    %dma_start3A_55 = arith.constant 8 : i32
    %dma_start3A_56 = arith.constant 0 : i32
    %dma_start3A_57 = tpu.memref_slice %arg15[%dma_start3A_55, %dma_start3A_56] : memref<16x1024xf32, #tpu.memory_space<vmem>> -> memref<8x128xf32, #tpu.memory_space<vmem>>
    %dma_start3A_58 = arith.constant 8 : i32
    %dma_start3A_59 = tpu.memref_slice %arg6[%dma_start3A_58, %multiple_of3A] : memref<16x1000000xf32, #tpu.memory_space<hbm>> -> memref<8x128xf32, #tpu.memory_space<hbm>>
    tpu.enqueue_dma source(%dma_start3A_59 : memref<8x128xf32, #tpu.memory_space<hbm>>) target(%dma_start3A_57 : memref<8x128xf32, #tpu.memory_space<vmem>>) target_semaphore(%arg24 : memref<!tpu.dma_semaphore, #tpu.memory_space<semaphore_mem>>)
    %dma_start3A_60 = arith.constant 0 : i32
    %dma_start3A_61 = arith.constant 0 : i32
    %dma_start3A_62 = tpu.memref_slice %arg17[%dma_start3A_60, %dma_start3A_61] : memref<16x1024xf32, #tpu.memory_space<vmem>> -> memref<8x128xf32, #tpu.memory_space<vmem>>
    %dma_start3A_63 = arith.constant 0 : i32
    %dma_start3A_64 = tpu.memref_slice %arg7[%dma_start3A_63, %multiple_of3A_39] : memref<16x1000000xf32, #tpu.memory_space<hbm>> -> memref<8x128xf32, #tpu.memory_space<hbm>>
    %dma_start3A_65 = arith.constant 0 : i32
    %dma_start3A_66 = arith.constant 0 : i32
    %dma_start3A_67 = tpu.memref_slice %arg17[%dma_start3A_65, %dma_start3A_66] : memref<16x1024xf32, #tpu.memory_space<vmem>> -> memref<8x128xf32, #tpu.memory_space<vmem>>
    %dma_start3A_68 = arith.constant 0 : i32
    %dma_start3A_69 = tpu.memref_slice %arg7[%dma_start3A_68, %multiple_of3A_39] : memref<16x1000000xf32, #tpu.memory_space<hbm>> -> memref<8x128xf32, #tpu.memory_space<hbm>>
    tpu.enqueue_dma source(%dma_start3A_69 : memref<8x128xf32, #tpu.memory_space<hbm>>) target(%dma_start3A_67 : memref<8x128xf32, #tpu.memory_space<vmem>>) target_semaphore(%arg24 : memref<!tpu.dma_semaphore, #tpu.memory_space<semaphore_mem>>)
    %dma_start3A_70 = arith.constant 8 : i32
    %dma_start3A_71 = arith.constant 0 : i32
    %dma_start3A_72 = tpu.memref_slice %arg17[%dma_start3A_70, %dma_start3A_71] : memref<16x1024xf32, #tpu.memory_space<vmem>> -> memref<8x128xf32, #tpu.memory_space<vmem>>
    %dma_start3A_73 = arith.constant 8 : i32
    %dma_start3A_74 = tpu.memref_slice %arg7[%dma_start3A_73, %multiple_of3A_39] : memref<16x1000000xf32, #tpu.memory_space<hbm>> -> memref<8x128xf32, #tpu.memory_space<hbm>>
    %dma_start3A_75 = arith.constant 8 : i32
    %dma_start3A_76 = arith.constant 0 : i32
    %dma_start3A_77 = tpu.memref_slice %arg17[%dma_start3A_75, %dma_start3A_76] : memref<16x1024xf32, #tpu.memory_space<vmem>> -> memref<8x128xf32, #tpu.memory_space<vmem>>
    %dma_start3A_78 = arith.constant 8 : i32
    %dma_start3A_79 = tpu.memref_slice %arg7[%dma_start3A_78, %multiple_of3A_39] : memref<16x1000000xf32, #tpu.memory_space<hbm>> -> memref<8x128xf32, #tpu.memory_space<hbm>>
    tpu.enqueue_dma source(%dma_start3A_79 : memref<8x128xf32, #tpu.memory_space<hbm>>) target(%dma_start3A_77 : memref<8x128xf32, #tpu.memory_space<vmem>>) target_semaphore(%arg24 : memref<!tpu.dma_semaphore, #tpu.memory_space<semaphore_mem>>)
    %dma_start3A_80 = arith.constant 0 : i32
    %dma_start3A_81 = arith.constant 0 : i32
    %dma_start3A_82 = tpu.memref_slice %arg19[%dma_start3A_80, %dma_start3A_81] : memref<8x128xf32, #tpu.memory_space<vmem>> -> memref<1x128xf32, #tpu.memory_space<vmem>>
    %dma_start3A_83 = arith.constant 0 : i32
    %dma_start3A_84 = tpu.memref_slice %arg8[%dma_start3A_83, %multiple_of3A] : memref<1x1000000xf32, #tpu.memory_space<hbm>> -> memref<1x128xf32, #tpu.memory_space<hbm>>
    %dma_start3A_85 = arith.constant 0 : i32
    %dma_start3A_86 = arith.constant 0 : i32
    %dma_start3A_87 = tpu.memref_slice %arg19[%dma_start3A_85, %dma_start3A_86] : memref<8x128xf32, #tpu.memory_space<vmem>> -> memref<1x128xf32, #tpu.memory_space<vmem>>
    %dma_start3A_88 = arith.constant 0 : i32
    %dma_start3A_89 = tpu.memref_slice %arg8[%dma_start3A_88, %multiple_of3A] : memref<1x1000000xf32, #tpu.memory_space<hbm>> -> memref<1x128xf32, #tpu.memory_space<hbm>>
    tpu.enqueue_dma source(%dma_start3A_89 : memref<1x128xf32, #tpu.memory_space<hbm>>) target(%dma_start3A_87 : memref<1x128xf32, #tpu.memory_space<vmem>>) target_semaphore(%arg24 : memref<!tpu.dma_semaphore, #tpu.memory_space<semaphore_mem>>)
    %dma_start3A_90 = arith.constant 0 : i32
    %dma_start3A_91 = arith.constant 0 : i32
    %dma_start3A_92 = tpu.memref_slice %arg21[%dma_start3A_90, %dma_start3A_91] : memref<8x128xf32, #tpu.memory_space<vmem>> -> memref<1x128xf32, #tpu.memory_space<vmem>>
    %dma_start3A_93 = arith.constant 0 : i32
    %dma_start3A_94 = tpu.memref_slice %arg9[%dma_start3A_93, %multiple_of3A_39] : memref<1x1000000xf32, #tpu.memory_space<hbm>> -> memref<1x128xf32, #tpu.memory_space<hbm>>
    %dma_start3A_95 = arith.constant 0 : i32
    %dma_start3A_96 = arith.constant 0 : i32
    %dma_start3A_97 = tpu.memref_slice %arg21[%dma_start3A_95, %dma_start3A_96] : memref<8x128xf32, #tpu.memory_space<vmem>> -> memref<1x128xf32, #tpu.memory_space<vmem>>
    %dma_start3A_98 = arith.constant 0 : i32
    %dma_start3A_99 = tpu.memref_slice %arg9[%dma_start3A_98, %multiple_of3A_39] : memref<1x1000000xf32, #tpu.memory_space<hbm>> -> memref<1x128xf32, #tpu.memory_space<hbm>>
    tpu.enqueue_dma source(%dma_start3A_99 : memref<1x128xf32, #tpu.memory_space<hbm>>) target(%dma_start3A_97 : memref<1x128xf32, #tpu.memory_space<vmem>>) target_semaphore(%arg24 : memref<!tpu.dma_semaphore, #tpu.memory_space<semaphore_mem>>)
    %slice3A_100 = vector.extract_strided_slice %min3A_27 {offsets = [1], sizes = [1], strides = [1]} : vector<16xi32> to vector<1xi32>
    %squeeze3A_101 = vector.extract %slice3A_100[0] : i32 from vector<1xi32>
    %multiple_of3A_102 = tpu.assume_multiple %squeeze3A_101, 128 : i32
    %slice3A_103 = vector.extract_strided_slice %min3A_36 {offsets = [1], sizes = [1], strides = [1]} : vector<16xi32> to vector<1xi32>
    %squeeze3A_104 = vector.extract %slice3A_103[0] : i32 from vector<1xi32>
    %multiple_of3A_105 = tpu.assume_multiple %squeeze3A_104, 128 : i32
    %dma_start3A_106 = arith.constant 0 : i32
    %dma_start3A_107 = arith.constant 128 : i32
    %dma_start3A_108 = tpu.memref_slice %arg15[%dma_start3A_106, %dma_start3A_107] : memref<16x1024xf32, #tpu.memory_space<vmem>> -> memref<8x128xf32, #tpu.memory_space<vmem>>
    %dma_start3A_109 = arith.constant 0 : i32
    %dma_start3A_110 = tpu.memref_slice %arg6[%dma_start3A_109, %multiple_of3A_102] : memref<16x1000000xf32, #tpu.memory_space<hbm>> -> memref<8x128xf32, #tpu.memory_space<hbm>>
    %dma_start3A_111 = arith.constant 0 : i32
    %dma_start3A_112 = arith.constant 128 : i32
    %dma_start3A_113 = tpu.memref_slice %arg15[%dma_start3A_111, %dma_start3A_112] : memref<16x1024xf32, #tpu.memory_space<vmem>> -> memref<8x128xf32, #tpu.memory_space<vmem>>
    %dma_start3A_114 = arith.constant 0 : i32
    %dma_start3A_115 = tpu.memref_slice %arg6[%dma_start3A_114, %multiple_of3A_102] : memref<16x1000000xf32, #tpu.memory_space<hbm>> -> memref<8x128xf32, #tpu.memory_space<hbm>>
    tpu.enqueue_dma source(%dma_start3A_115 : memref<8x128xf32, #tpu.memory_space<hbm>>) target(%dma_start3A_113 : memref<8x128xf32, #tpu.memory_space<vmem>>) target_semaphore(%arg24 : memref<!tpu.dma_semaphore, #tpu.memory_space<semaphore_mem>>)
    %dma_start3A_116 = arith.constant 8 : i32
    %dma_start3A_117 = arith.constant 128 : i32
    %dma_start3A_118 = tpu.memref_slice %arg15[%dma_start3A_116, %dma_start3A_117] : memref<16x1024xf32, #tpu.memory_space<vmem>> -> memref<8x128xf32, #tpu.memory_space<vmem>>
    %dma_start3A_119 = arith.constant 8 : i32
    %dma_start3A_120 = tpu.memref_slice %arg6[%dma_start3A_119, %multiple_of3A_102] : memref<16x1000000xf32, #tpu.memory_space<hbm>> -> memref<8x128xf32, #tpu.memory_space<hbm>>
    %dma_start3A_121 = arith.constant 8 : i32
    %dma_start3A_122 = arith.constant 128 : i32
    %dma_start3A_123 = tpu.memref_slice %arg15[%dma_start3A_121, %dma_start3A_122] : memref<16x1024xf32, #tpu.memory_space<vmem>> -> memref<8x128xf32, #tpu.memory_space<vmem>>
    %dma_start3A_124 = arith.constant 8 : i32
    %dma_start3A_125 = tpu.memref_slice %arg6[%dma_start3A_124, %multiple_of3A_102] : memref<16x1000000xf32, #tpu.memory_space<hbm>> -> memref<8x128xf32, #tpu.memory_space<hbm>>
    tpu.enqueue_dma source(%dma_start3A_125 : memref<8x128xf32, #tpu.memory_space<hbm>>) target(%dma_start3A_123 : memref<8x128xf32, #tpu.memory_space<vmem>>) target_semaphore(%arg24 : memref<!tpu.dma_semaphore, #tpu.memory_space<semaphore_mem>>)
    %dma_start3A_126 = arith.constant 0 : i32
    %dma_start3A_127 = arith.constant 128 : i32
    %dma_start3A_128 = tpu.memref_slice %arg17[%dma_start3A_126, %dma_start3A_127] : memref<16x1024xf32, #tpu.memory_space<vmem>> -> memref<8x128xf32, #tpu.memory_space<vmem>>
    %dma_start3A_129 = arith.constant 0 : i32
    %dma_start3A_130 = tpu.memref_slice %arg7[%dma_start3A_129, %multiple_of3A_105] : memref<16x1000000xf32, #tpu.memory_space<hbm>> -> memref<8x128xf32, #tpu.memory_space<hbm>>
    %dma_start3A_131 = arith.constant 0 : i32
    %dma_start3A_132 = arith.constant 128 : i32
    %dma_start3A_133 = tpu.memref_slice %arg17[%dma_start3A_131, %dma_start3A_132] : memref<16x1024xf32, #tpu.memory_space<vmem>> -> memref<8x128xf32, #tpu.memory_space<vmem>>
    %dma_start3A_134 = arith.constant 0 : i32
    %dma_start3A_135 = tpu.memref_slice %arg7[%dma_start3A_134, %multiple_of3A_105] : memref<16x1000000xf32, #tpu.memory_space<hbm>> -> memref<8x128xf32, #tpu.memory_space<hbm>>
    tpu.enqueue_dma source(%dma_start3A_135 : memref<8x128xf32, #tpu.memory_space<hbm>>) target(%dma_start3A_133 : memref<8x128xf32, #tpu.memory_space<vmem>>) target_semaphore(%arg24 : memref<!tpu.dma_semaphore, #tpu.memory_space<semaphore_mem>>)
    %dma_start3A_136 = arith.constant 8 : i32
    %dma_start3A_137 = arith.constant 128 : i32
    %dma_start3A_138 = tpu.memref_slice %arg17[%dma_start3A_136, %dma_start3A_137] : memref<16x1024xf32, #tpu.memory_space<vmem>> -> memref<8x128xf32, #tpu.memory_space<vmem>>
    %dma_start3A_139 = arith.constant 8 : i32
    %dma_start3A_140 = tpu.memref_slice %arg7[%dma_start3A_139, %multiple_of3A_105] : memref<16x1000000xf32, #tpu.memory_space<hbm>> -> memref<8x128xf32, #tpu.memory_space<hbm>>
    %dma_start3A_141 = arith.constant 8 : i32
    %dma_start3A_142 = arith.constant 128 : i32
    %dma_start3A_143 = tpu.memref_slice %arg17[%dma_start3A_141, %dma_start3A_142] : memref<16x1024xf32, #tpu.memory_space<vmem>> -> memref<8x128xf32, #tpu.memory_space<vmem>>
    %dma_start3A_144 = arith.constant 8 : i32
    %dma_start3A_145 = tpu.memref_slice %arg7[%dma_start3A_144, %multiple_of3A_105] : memref<16x1000000xf32, #tpu.memory_space<hbm>> -> memref<8x128xf32, #tpu.memory_space<hbm>>
    tpu.enqueue_dma source(%dma_start3A_145 : memref<8x128xf32, #tpu.memory_space<hbm>>) target(%dma_start3A_143 : memref<8x128xf32, #tpu.memory_space<vmem>>) target_semaphore(%arg24 : memref<!tpu.dma_semaphore, #tpu.memory_space<semaphore_mem>>)
    %dma_start3A_146 = arith.constant 1 : i32
    %dma_start3A_147 = arith.constant 0 : i32
    %dma_start3A_148 = tpu.memref_slice %arg19[%dma_start3A_146, %dma_start3A_147] : memref<8x128xf32, #tpu.memory_space<vmem>> -> memref<1x128xf32, #tpu.memory_space<vmem>>
    %dma_start3A_149 = arith.constant 0 : i32
    %dma_start3A_150 = tpu.memref_slice %arg8[%dma_start3A_149, %multiple_of3A_102] : memref<1x1000000xf32, #tpu.memory_space<hbm>> -> memref<1x128xf32, #tpu.memory_space<hbm>>
    %dma_start3A_151 = arith.constant 1 : i32
    %dma_start3A_152 = arith.constant 0 : i32
    %dma_start3A_153 = tpu.memref_slice %arg19[%dma_start3A_151, %dma_start3A_152] : memref<8x128xf32, #tpu.memory_space<vmem>> -> memref<1x128xf32, #tpu.memory_space<vmem>>
    %dma_start3A_154 = arith.constant 0 : i32
    %dma_start3A_155 = tpu.memref_slice %arg8[%dma_start3A_154, %multiple_of3A_102] : memref<1x1000000xf32, #tpu.memory_space<hbm>> -> memref<1x128xf32, #tpu.memory_space<hbm>>
    tpu.enqueue_dma source(%dma_start3A_155 : memref<1x128xf32, #tpu.memory_space<hbm>>) target(%dma_start3A_153 : memref<1x128xf32, #tpu.memory_space<vmem>>) target_semaphore(%arg24 : memref<!tpu.dma_semaphore, #tpu.memory_space<semaphore_mem>>)
    %dma_start3A_156 = arith.constant 1 : i32
    %dma_start3A_157 = arith.constant 0 : i32
    %dma_start3A_158 = tpu.memref_slice %arg21[%dma_start3A_156, %dma_start3A_157] : memref<8x128xf32, #tpu.memory_space<vmem>> -> memref<1x128xf32, #tpu.memory_space<vmem>>
    %dma_start3A_159 = arith.constant 0 : i32
    %dma_start3A_160 = tpu.memref_slice %arg9[%dma_start3A_159, %multiple_of3A_105] : memref<1x1000000xf32, #tpu.memory_space<hbm>> -> memref<1x128xf32, #tpu.memory_space<hbm>>
    %dma_start3A_161 = arith.constant 1 : i32
    %dma_start3A_162 = arith.constant 0 : i32
    %dma_start3A_163 = tpu.memref_slice %arg21[%dma_start3A_161, %dma_start3A_162] : memref<8x128xf32, #tpu.memory_space<vmem>> -> memref<1x128xf32, #tpu.memory_space<vmem>>
    %dma_start3A_164 = arith.constant 0 : i32
    %dma_start3A_165 = tpu.memref_slice %arg9[%dma_start3A_164, %multiple_of3A_105] : memref<1x1000000xf32, #tpu.memory_space<hbm>> -> memref<1x128xf32, #tpu.memory_space<hbm>>
    tpu.enqueue_dma source(%dma_start3A_165 : memref<1x128xf32, #tpu.memory_space<hbm>>) target(%dma_start3A_163 : memref<1x128xf32, #tpu.memory_space<vmem>>) target_semaphore(%arg24 : memref<!tpu.dma_semaphore, #tpu.memory_space<semaphore_mem>>)
    %slice3A_166 = vector.extract_strided_slice %min3A_27 {offsets = [2], sizes = [1], strides = [1]} : vector<16xi32> to vector<1xi32>
    %squeeze3A_167 = vector.extract %slice3A_166[0] : i32 from vector<1xi32>
    %multiple_of3A_168 = tpu.assume_multiple %squeeze3A_167, 128 : i32
    %slice3A_169 = vector.extract_strided_slice %min3A_36 {offsets = [2], sizes = [1], strides = [1]} : vector<16xi32> to vector<1xi32>
    %squeeze3A_170 = vector.extract %slice3A_169[0] : i32 from vector<1xi32>
    %multiple_of3A_171 = tpu.assume_multiple %squeeze3A_170, 128 : i32
    %dma_start3A_172 = arith.constant 0 : i32
    %dma_start3A_173 = arith.constant 256 : i32
    %dma_start3A_174 = tpu.memref_slice %arg15[%dma_start3A_172, %dma_start3A_173] : memref<16x1024xf32, #tpu.memory_space<vmem>> -> memref<8x128xf32, #tpu.memory_space<vmem>>
    %dma_start3A_175 = arith.constant 0 : i32
    %dma_start3A_176 = tpu.memref_slice %arg6[%dma_start3A_175, %multiple_of3A_168] : memref<16x1000000xf32, #tpu.memory_space<hbm>> -> memref<8x128xf32, #tpu.memory_space<hbm>>
    %dma_start3A_177 = arith.constant 0 : i32
    %dma_start3A_178 = arith.constant 256 : i32
    %dma_start3A_179 = tpu.memref_slice %arg15[%dma_start3A_177, %dma_start3A_178] : memref<16x1024xf32, #tpu.memory_space<vmem>> -> memref<8x128xf32, #tpu.memory_space<vmem>>
    %dma_start3A_180 = arith.constant 0 : i32
    %dma_start3A_181 = tpu.memref_slice %arg6[%dma_start3A_180, %multiple_of3A_168] : memref<16x1000000xf32, #tpu.memory_space<hbm>> -> memref<8x128xf32, #tpu.memory_space<hbm>>
    tpu.enqueue_dma source(%dma_start3A_181 : memref<8x128xf32, #tpu.memory_space<hbm>>) target(%dma_start3A_179 : memref<8x128xf32, #tpu.memory_space<vmem>>) target_semaphore(%arg24 : memref<!tpu.dma_semaphore, #tpu.memory_space<semaphore_mem>>)
    %dma_start3A_182 = arith.constant 8 : i32
    %dma_start3A_183 = arith.constant 256 : i32
    %dma_start3A_184 = tpu.memref_slice %arg15[%dma_start3A_182, %dma_start3A_183] : memref<16x1024xf32, #tpu.memory_space<vmem>> -> memref<8x128xf32, #tpu.memory_space<vmem>>
    %dma_start3A_185 = arith.constant 8 : i32
    %dma_start3A_186 = tpu.memref_slice %arg6[%dma_start3A_185, %multiple_of3A_168] : memref<16x1000000xf32, #tpu.memory_space<hbm>> -> memref<8x128xf32, #tpu.memory_space<hbm>>
    %dma_start3A_187 = arith.constant 8 : i32
    %dma_start3A_188 = arith.constant 256 : i32
    %dma_start3A_189 = tpu.memref_slice %arg15[%dma_start3A_187, %dma_start3A_188] : memref<16x1024xf32, #tpu.memory_space<vmem>> -> memref<8x128xf32, #tpu.memory_space<vmem>>
    %dma_start3A_190 = arith.constant 8 : i32
    %dma_start3A_191 = tpu.memref_slice %arg6[%dma_start3A_190, %multiple_of3A_168] : memref<16x1000000xf32, #tpu.memory_space<hbm>> -> memref<8x128xf32, #tpu.memory_space<hbm>>
    tpu.enqueue_dma source(%dma_start3A_191 : memref<8x128xf32, #tpu.memory_space<hbm>>) target(%dma_start3A_189 : memref<8x128xf32, #tpu.memory_space<vmem>>) target_semaphore(%arg24 : memref<!tpu.dma_semaphore, #tpu.memory_space<semaphore_mem>>)
    %dma_start3A_192 = arith.constant 0 : i32
    %dma_start3A_193 = arith.constant 256 : i32
    %dma_start3A_194 = tpu.memref_slice %arg17[%dma_start3A_192, %dma_start3A_193] : memref<16x1024xf32, #tpu.memory_space<vmem>> -> memref<8x128xf32, #tpu.memory_space<vmem>>
    %dma_start3A_195 = arith.constant 0 : i32
    %dma_start3A_196 = tpu.memref_slice %arg7[%dma_start3A_195, %multiple_of3A_171] : memref<16x1000000xf32, #tpu.memory_space<hbm>> -> memref<8x128xf32, #tpu.memory_space<hbm>>
    %dma_start3A_197 = arith.constant 0 : i32
    %dma_start3A_198 = arith.constant 256 : i32
    %dma_start3A_199 = tpu.memref_slice %arg17[%dma_start3A_197, %dma_start3A_198] : memref<16x1024xf32, #tpu.memory_space<vmem>> -> memref<8x128xf32, #tpu.memory_space<vmem>>
    %dma_start3A_200 = arith.constant 0 : i32
    %dma_start3A_201 = tpu.memref_slice %arg7[%dma_start3A_200, %multiple_of3A_171] : memref<16x1000000xf32, #tpu.memory_space<hbm>> -> memref<8x128xf32, #tpu.memory_space<hbm>>
    tpu.enqueue_dma source(%dma_start3A_201 : memref<8x128xf32, #tpu.memory_space<hbm>>) target(%dma_start3A_199 : memref<8x128xf32, #tpu.memory_space<vmem>>) target_semaphore(%arg24 : memref<!tpu.dma_semaphore, #tpu.memory_space<semaphore_mem>>)
    %dma_start3A_202 = arith.constant 8 : i32
    %dma_start3A_203 = arith.constant 256 : i32
    %dma_start3A_204 = tpu.memref_slice %arg17[%dma_start3A_202, %dma_start3A_203] : memref<16x1024xf32, #tpu.memory_space<vmem>> -> memref<8x128xf32, #tpu.memory_space<vmem>>
    %dma_start3A_205 = arith.constant 8 : i32
    %dma_start3A_206 = tpu.memref_slice %arg7[%dma_start3A_205, %multiple_of3A_171] : memref<16x1000000xf32, #tpu.memory_space<hbm>> -> memref<8x128xf32, #tpu.memory_space<hbm>>
    %dma_start3A_207 = arith.constant 8 : i32
    %dma_start3A_208 = arith.constant 256 : i32
    %dma_start3A_209 = tpu.memref_slice %arg17[%dma_start3A_207, %dma_start3A_208] : memref<16x1024xf32, #tpu.memory_space<vmem>> -> memref<8x128xf32, #tpu.memory_space<vmem>>
    %dma_start3A_210 = arith.constant 8 : i32
    %dma_start3A_211 = tpu.memref_slice %arg7[%dma_start3A_210, %multiple_of3A_171] : memref<16x1000000xf32, #tpu.memory_space<hbm>> -> memref<8x128xf32, #tpu.memory_space<hbm>>
    tpu.enqueue_dma source(%dma_start3A_211 : memref<8x128xf32, #tpu.memory_space<hbm>>) target(%dma_start3A_209 : memref<8x128xf32, #tpu.memory_space<vmem>>) target_semaphore(%arg24 : memref<!tpu.dma_semaphore, #tpu.memory_space<semaphore_mem>>)
    %dma_start3A_212 = arith.constant 2 : i32
    %dma_start3A_213 = arith.constant 0 : i32
    %dma_start3A_214 = tpu.memref_slice %arg19[%dma_start3A_212, %dma_start3A_213] : memref<8x128xf32, #tpu.memory_space<vmem>> -> memref<1x128xf32, #tpu.memory_space<vmem>>
    %dma_start3A_215 = arith.constant 0 : i32
    %dma_start3A_216 = tpu.memref_slice %arg8[%dma_start3A_215, %multiple_of3A_168] : memref<1x1000000xf32, #tpu.memory_space<hbm>> -> memref<1x128xf32, #tpu.memory_space<hbm>>
    %dma_start3A_217 = arith.constant 2 : i32
    %dma_start3A_218 = arith.constant 0 : i32
    %dma_start3A_219 = tpu.memref_slice %arg19[%dma_start3A_217, %dma_start3A_218] : memref<8x128xf32, #tpu.memory_space<vmem>> -> memref<1x128xf32, #tpu.memory_space<vmem>>
    %dma_start3A_220 = arith.constant 0 : i32
    %dma_start3A_221 = tpu.memref_slice %arg8[%dma_start3A_220, %multiple_of3A_168] : memref<1x1000000xf32, #tpu.memory_space<hbm>> -> memref<1x128xf32, #tpu.memory_space<hbm>>
    tpu.enqueue_dma source(%dma_start3A_221 : memref<1x128xf32, #tpu.memory_space<hbm>>) target(%dma_start3A_219 : memref<1x128xf32, #tpu.memory_space<vmem>>) target_semaphore(%arg24 : memref<!tpu.dma_semaphore, #tpu.memory_space<semaphore_mem>>)
    %dma_start3A_222 = arith.constant 2 : i32
    %dma_start3A_223 = arith.constant 0 : i32
    %dma_start3A_224 = tpu.memref_slice %arg21[%dma_start3A_222, %dma_start3A_223] : memref<8x128xf32, #tpu.memory_space<vmem>> -> memref<1x128xf32, #tpu.memory_space<vmem>>
    %dma_start3A_225 = arith.constant 0 : i32
    %dma_start3A_226 = tpu.memref_slice %arg9[%dma_start3A_225, %multiple_of3A_171] : memref<1x1000000xf32, #tpu.memory_space<hbm>> -> memref<1x128xf32, #tpu.memory_space<hbm>>
    %dma_start3A_227 = arith.constant 2 : i32
    %dma_start3A_228 = arith.constant 0 : i32
    %dma_start3A_229 = tpu.memref_slice %arg21[%dma_start3A_227, %dma_start3A_228] : memref<8x128xf32, #tpu.memory_space<vmem>> -> memref<1x128xf32, #tpu.memory_space<vmem>>
    %dma_start3A_230 = arith.constant 0 : i32
    %dma_start3A_231 = tpu.memref_slice %arg9[%dma_start3A_230, %multiple_of3A_171] : memref<1x1000000xf32, #tpu.memory_space<hbm>> -> memref<1x128xf32, #tpu.memory_space<hbm>>
    tpu.enqueue_dma source(%dma_start3A_231 : memref<1x128xf32, #tpu.memory_space<hbm>>) target(%dma_start3A_229 : memref<1x128xf32, #tpu.memory_space<vmem>>) target_semaphore(%arg24 : memref<!tpu.dma_semaphore, #tpu.memory_space<semaphore_mem>>)
    %slice3A_232 = vector.extract_strided_slice %min3A_27 {offsets = [3], sizes = [1], strides = [1]} : vector<16xi32> to vector<1xi32>
    %squeeze3A_233 = vector.extract %slice3A_232[0] : i32 from vector<1xi32>
    %multiple_of3A_234 = tpu.assume_multiple %squeeze3A_233, 128 : i32
    %slice3A_235 = vector.extract_strided_slice %min3A_36 {offsets = [3], sizes = [1], strides = [1]} : vector<16xi32> to vector<1xi32>
    %squeeze3A_236 = vector.extract %slice3A_235[0] : i32 from vector<1xi32>
    %multiple_of3A_237 = tpu.assume_multiple %squeeze3A_236, 128 : i32
    %dma_start3A_238 = arith.constant 0 : i32
    %dma_start3A_239 = arith.constant 384 : i32
    %dma_start3A_240 = tpu.memref_slice %arg15[%dma_start3A_238, %dma_start3A_239] : memref<16x1024xf32, #tpu.memory_space<vmem>> -> memref<8x128xf32, #tpu.memory_space<vmem>>
    %dma_start3A_241 = arith.constant 0 : i32
    %dma_start3A_242 = tpu.memref_slice %arg6[%dma_start3A_241, %multiple_of3A_234] : memref<16x1000000xf32, #tpu.memory_space<hbm>> -> memref<8x128xf32, #tpu.memory_space<hbm>>
    %dma_start3A_243 = arith.constant 0 : i32
    %dma_start3A_244 = arith.constant 384 : i32
    %dma_start3A_245 = tpu.memref_slice %arg15[%dma_start3A_243, %dma_start3A_244] : memref<16x1024xf32, #tpu.memory_space<vmem>> -> memref<8x128xf32, #tpu.memory_space<vmem>>
    %dma_start3A_246 = arith.constant 0 : i32
    %dma_start3A_247 = tpu.memref_slice %arg6[%dma_start3A_246, %multiple_of3A_234] : memref<16x1000000xf32, #tpu.memory_space<hbm>> -> memref<8x128xf32, #tpu.memory_space<hbm>>
    tpu.enqueue_dma source(%dma_start3A_247 : memref<8x128xf32, #tpu.memory_space<hbm>>) target(%dma_start3A_245 : memref<8x128xf32, #tpu.memory_space<vmem>>) target_semaphore(%arg24 : memref<!tpu.dma_semaphore, #tpu.memory_space<semaphore_mem>>)
    %dma_start3A_248 = arith.constant 8 : i32
    %dma_start3A_249 = arith.constant 384 : i32
    %dma_start3A_250 = tpu.memref_slice %arg15[%dma_start3A_248, %dma_start3A_249] : memref<16x1024xf32, #tpu.memory_space<vmem>> -> memref<8x128xf32, #tpu.memory_space<vmem>>
    %dma_start3A_251 = arith.constant 8 : i32
    %dma_start3A_252 = tpu.memref_slice %arg6[%dma_start3A_251, %multiple_of3A_234] : memref<16x1000000xf32, #tpu.memory_space<hbm>> -> memref<8x128xf32, #tpu.memory_space<hbm>>
    %dma_start3A_253 = arith.constant 8 : i32
    %dma_start3A_254 = arith.constant 384 : i32
    %dma_start3A_255 = tpu.memref_slice %arg15[%dma_start3A_253, %dma_start3A_254] : memref<16x1024xf32, #tpu.memory_space<vmem>> -> memref<8x128xf32, #tpu.memory_space<vmem>>
    %dma_start3A_256 = arith.constant 8 : i32
    %dma_start3A_257 = tpu.memref_slice %arg6[%dma_start3A_256, %multiple_of3A_234] : memref<16x1000000xf32, #tpu.memory_space<hbm>> -> memref<8x128xf32, #tpu.memory_space<hbm>>
    tpu.enqueue_dma source(%dma_start3A_257 : memref<8x128xf32, #tpu.memory_space<hbm>>) target(%dma_start3A_255 : memref<8x128xf32, #tpu.memory_space<vmem>>) target_semaphore(%arg24 : memref<!tpu.dma_semaphore, #tpu.memory_space<semaphore_mem>>)
    %dma_start3A_258 = arith.constant 0 : i32
    %dma_start3A_259 = arith.constant 384 : i32
    %dma_start3A_260 = tpu.memref_slice %arg17[%dma_start3A_258, %dma_start3A_259] : memref<16x1024xf32, #tpu.memory_space<vmem>> -> memref<8x128xf32, #tpu.memory_space<vmem>>
    %dma_start3A_261 = arith.constant 0 : i32
    %dma_start3A_262 = tpu.memref_slice %arg7[%dma_start3A_261, %multiple_of3A_237] : memref<16x1000000xf32, #tpu.memory_space<hbm>> -> memref<8x128xf32, #tpu.memory_space<hbm>>
    %dma_start3A_263 = arith.constant 0 : i32
    %dma_start3A_264 = arith.constant 384 : i32
    %dma_start3A_265 = tpu.memref_slice %arg17[%dma_start3A_263, %dma_start3A_264] : memref<16x1024xf32, #tpu.memory_space<vmem>> -> memref<8x128xf32, #tpu.memory_space<vmem>>
    %dma_start3A_266 = arith.constant 0 : i32
    %dma_start3A_267 = tpu.memref_slice %arg7[%dma_start3A_266, %multiple_of3A_237] : memref<16x1000000xf32, #tpu.memory_space<hbm>> -> memref<8x128xf32, #tpu.memory_space<hbm>>
    tpu.enqueue_dma source(%dma_start3A_267 : memref<8x128xf32, #tpu.memory_space<hbm>>) target(%dma_start3A_265 : memref<8x128xf32, #tpu.memory_space<vmem>>) target_semaphore(%arg24 : memref<!tpu.dma_semaphore, #tpu.memory_space<semaphore_mem>>)
    %dma_start3A_268 = arith.constant 8 : i32
    %dma_start3A_269 = arith.constant 384 : i32
    %dma_start3A_270 = tpu.memref_slice %arg17[%dma_start3A_268, %dma_start3A_269] : memref<16x1024xf32, #tpu.memory_space<vmem>> -> memref<8x128xf32, #tpu.memory_space<vmem>>
    %dma_start3A_271 = arith.constant 8 : i32
    %dma_start3A_272 = tpu.memref_slice %arg7[%dma_start3A_271, %multiple_of3A_237] : memref<16x1000000xf32, #tpu.memory_space<hbm>> -> memref<8x128xf32, #tpu.memory_space<hbm>>
    %dma_start3A_273 = arith.constant 8 : i32
    %dma_start3A_274 = arith.constant 384 : i32
    %dma_start3A_275 = tpu.memref_slice %arg17[%dma_start3A_273, %dma_start3A_274] : memref<16x1024xf32, #tpu.memory_space<vmem>> -> memref<8x128xf32, #tpu.memory_space<vmem>>
    %dma_start3A_276 = arith.constant 8 : i32
    %dma_start3A_277 = tpu.memref_slice %arg7[%dma_start3A_276, %multiple_of3A_237] : memref<16x1000000xf32, #tpu.memory_space<hbm>> -> memref<8x128xf32, #tpu.memory_space<hbm>>
    tpu.enqueue_dma source(%dma_start3A_277 : memref<8x128xf32, #tpu.memory_space<hbm>>) target(%dma_start3A_275 : memref<8x128xf32, #tpu.memory_space<vmem>>) target_semaphore(%arg24 : memref<!tpu.dma_semaphore, #tpu.memory_space<semaphore_mem>>)
    %dma_start3A_278 = arith.constant 3 : i32
    %dma_start3A_279 = arith.constant 0 : i32
    %dma_start3A_280 = tpu.memref_slice %arg19[%dma_start3A_278, %dma_start3A_279] : memref<8x128xf32, #tpu.memory_space<vmem>> -> memref<1x128xf32, #tpu.memory_space<vmem>>
    %dma_start3A_281 = arith.constant 0 : i32
    %dma_start3A_282 = tpu.memref_slice %arg8[%dma_start3A_281, %multiple_of3A_234] : memref<1x1000000xf32, #tpu.memory_space<hbm>> -> memref<1x128xf32, #tpu.memory_space<hbm>>
    %dma_start3A_283 = arith.constant 3 : i32
    %dma_start3A_284 = arith.constant 0 : i32
    %dma_start3A_285 = tpu.memref_slice %arg19[%dma_start3A_283, %dma_start3A_284] : memref<8x128xf32, #tpu.memory_space<vmem>> -> memref<1x128xf32, #tpu.memory_space<vmem>>
    %dma_start3A_286 = arith.constant 0 : i32
    %dma_start3A_287 = tpu.memref_slice %arg8[%dma_start3A_286, %multiple_of3A_234] : memref<1x1000000xf32, #tpu.memory_space<hbm>> -> memref<1x128xf32, #tpu.memory_space<hbm>>
    tpu.enqueue_dma source(%dma_start3A_287 : memref<1x128xf32, #tpu.memory_space<hbm>>) target(%dma_start3A_285 : memref<1x128xf32, #tpu.memory_space<vmem>>) target_semaphore(%arg24 : memref<!tpu.dma_semaphore, #tpu.memory_space<semaphore_mem>>)
    %dma_start3A_288 = arith.constant 3 : i32
    %dma_start3A_289 = arith.constant 0 : i32
    %dma_start3A_290 = tpu.memref_slice %arg21[%dma_start3A_288, %dma_start3A_289] : memref<8x128xf32, #tpu.memory_space<vmem>> -> memref<1x128xf32, #tpu.memory_space<vmem>>
    %dma_start3A_291 = arith.constant 0 : i32
    %dma_start3A_292 = tpu.memref_slice %arg9[%dma_start3A_291, %multiple_of3A_237] : memref<1x1000000xf32, #tpu.memory_space<hbm>> -> memref<1x128xf32, #tpu.memory_space<hbm>>
    %dma_start3A_293 = arith.constant 3 : i32
    %dma_start3A_294 = arith.constant 0 : i32
    %dma_start3A_295 = tpu.memref_slice %arg21[%dma_start3A_293, %dma_start3A_294] : memref<8x128xf32, #tpu.memory_space<vmem>> -> memref<1x128xf32, #tpu.memory_space<vmem>>
    %dma_start3A_296 = arith.constant 0 : i32
    %dma_start3A_297 = tpu.memref_slice %arg9[%dma_start3A_296, %multiple_of3A_237] : memref<1x1000000xf32, #tpu.memory_space<hbm>> -> memref<1x128xf32, #tpu.memory_space<hbm>>
    tpu.enqueue_dma source(%dma_start3A_297 : memref<1x128xf32, #tpu.memory_space<hbm>>) target(%dma_start3A_295 : memref<1x128xf32, #tpu.memory_space<vmem>>) target_semaphore(%arg24 : memref<!tpu.dma_semaphore, #tpu.memory_space<semaphore_mem>>)
    %slice3A_298 = vector.extract_strided_slice %min3A_27 {offsets = [4], sizes = [1], strides = [1]} : vector<16xi32> to vector<1xi32>
    %squeeze3A_299 = vector.extract %slice3A_298[0] : i32 from vector<1xi32>
    %multiple_of3A_300 = tpu.assume_multiple %squeeze3A_299, 128 : i32
    %slice3A_301 = vector.extract_strided_slice %min3A_36 {offsets = [4], sizes = [1], strides = [1]} : vector<16xi32> to vector<1xi32>
    %squeeze3A_302 = vector.extract %slice3A_301[0] : i32 from vector<1xi32>
    %multiple_of3A_303 = tpu.assume_multiple %squeeze3A_302, 128 : i32
    %dma_start3A_304 = arith.constant 0 : i32
    %dma_start3A_305 = arith.constant 512 : i32
    %dma_start3A_306 = tpu.memref_slice %arg15[%dma_start3A_304, %dma_start3A_305] : memref<16x1024xf32, #tpu.memory_space<vmem>> -> memref<8x128xf32, #tpu.memory_space<vmem>>
    %dma_start3A_307 = arith.constant 0 : i32
    %dma_start3A_308 = tpu.memref_slice %arg6[%dma_start3A_307, %multiple_of3A_300] : memref<16x1000000xf32, #tpu.memory_space<hbm>> -> memref<8x128xf32, #tpu.memory_space<hbm>>
    %dma_start3A_309 = arith.constant 0 : i32
    %dma_start3A_310 = arith.constant 512 : i32
    %dma_start3A_311 = tpu.memref_slice %arg15[%dma_start3A_309, %dma_start3A_310] : memref<16x1024xf32, #tpu.memory_space<vmem>> -> memref<8x128xf32, #tpu.memory_space<vmem>>
    %dma_start3A_312 = arith.constant 0 : i32
    %dma_start3A_313 = tpu.memref_slice %arg6[%dma_start3A_312, %multiple_of3A_300] : memref<16x1000000xf32, #tpu.memory_space<hbm>> -> memref<8x128xf32, #tpu.memory_space<hbm>>
    tpu.enqueue_dma source(%dma_start3A_313 : memref<8x128xf32, #tpu.memory_space<hbm>>) target(%dma_start3A_311 : memref<8x128xf32, #tpu.memory_space<vmem>>) target_semaphore(%arg24 : memref<!tpu.dma_semaphore, #tpu.memory_space<semaphore_mem>>)
    %dma_start3A_314 = arith.constant 8 : i32
    %dma_start3A_315 = arith.constant 512 : i32
    %dma_start3A_316 = tpu.memref_slice %arg15[%dma_start3A_314, %dma_start3A_315] : memref<16x1024xf32, #tpu.memory_space<vmem>> -> memref<8x128xf32, #tpu.memory_space<vmem>>
    %dma_start3A_317 = arith.constant 8 : i32
    %dma_start3A_318 = tpu.memref_slice %arg6[%dma_start3A_317, %multiple_of3A_300] : memref<16x1000000xf32, #tpu.memory_space<hbm>> -> memref<8x128xf32, #tpu.memory_space<hbm>>
    %dma_start3A_319 = arith.constant 8 : i32
    %dma_start3A_320 = arith.constant 512 : i32
    %dma_start3A_321 = tpu.memref_slice %arg15[%dma_start3A_319, %dma_start3A_320] : memref<16x1024xf32, #tpu.memory_space<vmem>> -> memref<8x128xf32, #tpu.memory_space<vmem>>
    %dma_start3A_322 = arith.constant 8 : i32
    %dma_start3A_323 = tpu.memref_slice %arg6[%dma_start3A_322, %multiple_of3A_300] : memref<16x1000000xf32, #tpu.memory_space<hbm>> -> memref<8x128xf32, #tpu.memory_space<hbm>>
    tpu.enqueue_dma source(%dma_start3A_323 : memref<8x128xf32, #tpu.memory_space<hbm>>) target(%dma_start3A_321 : memref<8x128xf32, #tpu.memory_space<vmem>>) target_semaphore(%arg24 : memref<!tpu.dma_semaphore, #tpu.memory_space<semaphore_mem>>)
    %dma_start3A_324 = arith.constant 0 : i32
    %dma_start3A_325 = arith.constant 512 : i32
    %dma_start3A_326 = tpu.memref_slice %arg17[%dma_start3A_324, %dma_start3A_325] : memref<16x1024xf32, #tpu.memory_space<vmem>> -> memref<8x128xf32, #tpu.memory_space<vmem>>
    %dma_start3A_327 = arith.constant 0 : i32
    %dma_start3A_328 = tpu.memref_slice %arg7[%dma_start3A_327, %multiple_of3A_303] : memref<16x1000000xf32, #tpu.memory_space<hbm>> -> memref<8x128xf32, #tpu.memory_space<hbm>>
    %dma_start3A_329 = arith.constant 0 : i32
    %dma_start3A_330 = arith.constant 512 : i32
    %dma_start3A_331 = tpu.memref_slice %arg17[%dma_start3A_329, %dma_start3A_330] : memref<16x1024xf32, #tpu.memory_space<vmem>> -> memref<8x128xf32, #tpu.memory_space<vmem>>
    %dma_start3A_332 = arith.constant 0 : i32
    %dma_start3A_333 = tpu.memref_slice %arg7[%dma_start3A_332, %multiple_of3A_303] : memref<16x1000000xf32, #tpu.memory_space<hbm>> -> memref<8x128xf32, #tpu.memory_space<hbm>>
    tpu.enqueue_dma source(%dma_start3A_333 : memref<8x128xf32, #tpu.memory_space<hbm>>) target(%dma_start3A_331 : memref<8x128xf32, #tpu.memory_space<vmem>>) target_semaphore(%arg24 : memref<!tpu.dma_semaphore, #tpu.memory_space<semaphore_mem>>)
    %dma_start3A_334 = arith.constant 8 : i32
    %dma_start3A_335 = arith.constant 512 : i32
    %dma_start3A_336 = tpu.memref_slice %arg17[%dma_start3A_334, %dma_start3A_335] : memref<16x1024xf32, #tpu.memory_space<vmem>> -> memref<8x128xf32, #tpu.memory_space<vmem>>
    %dma_start3A_337 = arith.constant 8 : i32
    %dma_start3A_338 = tpu.memref_slice %arg7[%dma_start3A_337, %multiple_of3A_303] : memref<16x1000000xf32, #tpu.memory_space<hbm>> -> memref<8x128xf32, #tpu.memory_space<hbm>>
    %dma_start3A_339 = arith.constant 8 : i32
    %dma_start3A_340 = arith.constant 512 : i32
    %dma_start3A_341 = tpu.memref_slice %arg17[%dma_start3A_339, %dma_start3A_340] : memref<16x1024xf32, #tpu.memory_space<vmem>> -> memref<8x128xf32, #tpu.memory_space<vmem>>
    %dma_start3A_342 = arith.constant 8 : i32
    %dma_start3A_343 = tpu.memref_slice %arg7[%dma_start3A_342, %multiple_of3A_303] : memref<16x1000000xf32, #tpu.memory_space<hbm>> -> memref<8x128xf32, #tpu.memory_space<hbm>>
    tpu.enqueue_dma source(%dma_start3A_343 : memref<8x128xf32, #tpu.memory_space<hbm>>) target(%dma_start3A_341 : memref<8x128xf32, #tpu.memory_space<vmem>>) target_semaphore(%arg24 : memref<!tpu.dma_semaphore, #tpu.memory_space<semaphore_mem>>)
    %dma_start3A_344 = arith.constant 4 : i32
    %dma_start3A_345 = arith.constant 0 : i32
    %dma_start3A_346 = tpu.memref_slice %arg19[%dma_start3A_344, %dma_start3A_345] : memref<8x128xf32, #tpu.memory_space<vmem>> -> memref<1x128xf32, #tpu.memory_space<vmem>>
    %dma_start3A_347 = arith.constant 0 : i32
    %dma_start3A_348 = tpu.memref_slice %arg8[%dma_start3A_347, %multiple_of3A_300] : memref<1x1000000xf32, #tpu.memory_space<hbm>> -> memref<1x128xf32, #tpu.memory_space<hbm>>
    %dma_start3A_349 = arith.constant 4 : i32
    %dma_start3A_350 = arith.constant 0 : i32
    %dma_start3A_351 = tpu.memref_slice %arg19[%dma_start3A_349, %dma_start3A_350] : memref<8x128xf32, #tpu.memory_space<vmem>> -> memref<1x128xf32, #tpu.memory_space<vmem>>
    %dma_start3A_352 = arith.constant 0 : i32
    %dma_start3A_353 = tpu.memref_slice %arg8[%dma_start3A_352, %multiple_of3A_300] : memref<1x1000000xf32, #tpu.memory_space<hbm>> -> memref<1x128xf32, #tpu.memory_space<hbm>>
    tpu.enqueue_dma source(%dma_start3A_353 : memref<1x128xf32, #tpu.memory_space<hbm>>) target(%dma_start3A_351 : memref<1x128xf32, #tpu.memory_space<vmem>>) target_semaphore(%arg24 : memref<!tpu.dma_semaphore, #tpu.memory_space<semaphore_mem>>)
    %dma_start3A_354 = arith.constant 4 : i32
    %dma_start3A_355 = arith.constant 0 : i32
    %dma_start3A_356 = tpu.memref_slice %arg21[%dma_start3A_354, %dma_start3A_355] : memref<8x128xf32, #tpu.memory_space<vmem>> -> memref<1x128xf32, #tpu.memory_space<vmem>>
    %dma_start3A_357 = arith.constant 0 : i32
    %dma_start3A_358 = tpu.memref_slice %arg9[%dma_start3A_357, %multiple_of3A_303] : memref<1x1000000xf32, #tpu.memory_space<hbm>> -> memref<1x128xf32, #tpu.memory_space<hbm>>
    %dma_start3A_359 = arith.constant 4 : i32
    %dma_start3A_360 = arith.constant 0 : i32
    %dma_start3A_361 = tpu.memref_slice %arg21[%dma_start3A_359, %dma_start3A_360] : memref<8x128xf32, #tpu.memory_space<vmem>> -> memref<1x128xf32, #tpu.memory_space<vmem>>
    %dma_start3A_362 = arith.constant 0 : i32
    %dma_start3A_363 = tpu.memref_slice %arg9[%dma_start3A_362, %multiple_of3A_303] : memref<1x1000000xf32, #tpu.memory_space<hbm>> -> memref<1x128xf32, #tpu.memory_space<hbm>>
    tpu.enqueue_dma source(%dma_start3A_363 : memref<1x128xf32, #tpu.memory_space<hbm>>) target(%dma_start3A_361 : memref<1x128xf32, #tpu.memory_space<vmem>>) target_semaphore(%arg24 : memref<!tpu.dma_semaphore, #tpu.memory_space<semaphore_mem>>)
    %slice3A_364 = vector.extract_strided_slice %min3A_27 {offsets = [5], sizes = [1], strides = [1]} : vector<16xi32> to vector<1xi32>
    %squeeze3A_365 = vector.extract %slice3A_364[0] : i32 from vector<1xi32>
    %multiple_of3A_366 = tpu.assume_multiple %squeeze3A_365, 128 : i32
    %slice3A_367 = vector.extract_strided_slice %min3A_36 {offsets = [5], sizes = [1], strides = [1]} : vector<16xi32> to vector<1xi32>
    %squeeze3A_368 = vector.extract %slice3A_367[0] : i32 from vector<1xi32>
    %multiple_of3A_369 = tpu.assume_multiple %squeeze3A_368, 128 : i32
    %dma_start3A_370 = arith.constant 0 : i32
    %dma_start3A_371 = arith.constant 640 : i32
    %dma_start3A_372 = tpu.memref_slice %arg15[%dma_start3A_370, %dma_start3A_371] : memref<16x1024xf32, #tpu.memory_space<vmem>> -> memref<8x128xf32, #tpu.memory_space<vmem>>
    %dma_start3A_373 = arith.constant 0 : i32
    %dma_start3A_374 = tpu.memref_slice %arg6[%dma_start3A_373, %multiple_of3A_366] : memref<16x1000000xf32, #tpu.memory_space<hbm>> -> memref<8x128xf32, #tpu.memory_space<hbm>>
    %dma_start3A_375 = arith.constant 0 : i32
    %dma_start3A_376 = arith.constant 640 : i32
    %dma_start3A_377 = tpu.memref_slice %arg15[%dma_start3A_375, %dma_start3A_376] : memref<16x1024xf32, #tpu.memory_space<vmem>> -> memref<8x128xf32, #tpu.memory_space<vmem>>
    %dma_start3A_378 = arith.constant 0 : i32
    %dma_start3A_379 = tpu.memref_slice %arg6[%dma_start3A_378, %multiple_of3A_366] : memref<16x1000000xf32, #tpu.memory_space<hbm>> -> memref<8x128xf32, #tpu.memory_space<hbm>>
    tpu.enqueue_dma source(%dma_start3A_379 : memref<8x128xf32, #tpu.memory_space<hbm>>) target(%dma_start3A_377 : memref<8x128xf32, #tpu.memory_space<vmem>>) target_semaphore(%arg24 : memref<!tpu.dma_semaphore, #tpu.memory_space<semaphore_mem>>)
    %dma_start3A_380 = arith.constant 8 : i32
    %dma_start3A_381 = arith.constant 640 : i32
    %dma_start3A_382 = tpu.memref_slice %arg15[%dma_start3A_380, %dma_start3A_381] : memref<16x1024xf32, #tpu.memory_space<vmem>> -> memref<8x128xf32, #tpu.memory_space<vmem>>
    %dma_start3A_383 = arith.constant 8 : i32
    %dma_start3A_384 = tpu.memref_slice %arg6[%dma_start3A_383, %multiple_of3A_366] : memref<16x1000000xf32, #tpu.memory_space<hbm>> -> memref<8x128xf32, #tpu.memory_space<hbm>>
    %dma_start3A_385 = arith.constant 8 : i32
    %dma_start3A_386 = arith.constant 640 : i32
    %dma_start3A_387 = tpu.memref_slice %arg15[%dma_start3A_385, %dma_start3A_386] : memref<16x1024xf32, #tpu.memory_space<vmem>> -> memref<8x128xf32, #tpu.memory_space<vmem>>
    %dma_start3A_388 = arith.constant 8 : i32
    %dma_start3A_389 = tpu.memref_slice %arg6[%dma_start3A_388, %multiple_of3A_366] : memref<16x1000000xf32, #tpu.memory_space<hbm>> -> memref<8x128xf32, #tpu.memory_space<hbm>>
    tpu.enqueue_dma source(%dma_start3A_389 : memref<8x128xf32, #tpu.memory_space<hbm>>) target(%dma_start3A_387 : memref<8x128xf32, #tpu.memory_space<vmem>>) target_semaphore(%arg24 : memref<!tpu.dma_semaphore, #tpu.memory_space<semaphore_mem>>)
    %dma_start3A_390 = arith.constant 0 : i32
    %dma_start3A_391 = arith.constant 640 : i32
    %dma_start3A_392 = tpu.memref_slice %arg17[%dma_start3A_390, %dma_start3A_391] : memref<16x1024xf32, #tpu.memory_space<vmem>> -> memref<8x128xf32, #tpu.memory_space<vmem>>
    %dma_start3A_393 = arith.constant 0 : i32
    %dma_start3A_394 = tpu.memref_slice %arg7[%dma_start3A_393, %multiple_of3A_369] : memref<16x1000000xf32, #tpu.memory_space<hbm>> -> memref<8x128xf32, #tpu.memory_space<hbm>>
    %dma_start3A_395 = arith.constant 0 : i32
    %dma_start3A_396 = arith.constant 640 : i32
    %dma_start3A_397 = tpu.memref_slice %arg17[%dma_start3A_395, %dma_start3A_396] : memref<16x1024xf32, #tpu.memory_space<vmem>> -> memref<8x128xf32, #tpu.memory_space<vmem>>
    %dma_start3A_398 = arith.constant 0 : i32
    %dma_start3A_399 = tpu.memref_slice %arg7[%dma_start3A_398, %multiple_of3A_369] : memref<16x1000000xf32, #tpu.memory_space<hbm>> -> memref<8x128xf32, #tpu.memory_space<hbm>>
    tpu.enqueue_dma source(%dma_start3A_399 : memref<8x128xf32, #tpu.memory_space<hbm>>) target(%dma_start3A_397 : memref<8x128xf32, #tpu.memory_space<vmem>>) target_semaphore(%arg24 : memref<!tpu.dma_semaphore, #tpu.memory_space<semaphore_mem>>)
    %dma_start3A_400 = arith.constant 8 : i32
    %dma_start3A_401 = arith.constant 640 : i32
    %dma_start3A_402 = tpu.memref_slice %arg17[%dma_start3A_400, %dma_start3A_401] : memref<16x1024xf32, #tpu.memory_space<vmem>> -> memref<8x128xf32, #tpu.memory_space<vmem>>
    %dma_start3A_403 = arith.constant 8 : i32
    %dma_start3A_404 = tpu.memref_slice %arg7[%dma_start3A_403, %multiple_of3A_369] : memref<16x1000000xf32, #tpu.memory_space<hbm>> -> memref<8x128xf32, #tpu.memory_space<hbm>>
    %dma_start3A_405 = arith.constant 8 : i32
    %dma_start3A_406 = arith.constant 640 : i32
    %dma_start3A_407 = tpu.memref_slice %arg17[%dma_start3A_405, %dma_start3A_406] : memref<16x1024xf32, #tpu.memory_space<vmem>> -> memref<8x128xf32, #tpu.memory_space<vmem>>
    %dma_start3A_408 = arith.constant 8 : i32
    %dma_start3A_409 = tpu.memref_slice %arg7[%dma_start3A_408, %multiple_of3A_369] : memref<16x1000000xf32, #tpu.memory_space<hbm>> -> memref<8x128xf32, #tpu.memory_space<hbm>>
    tpu.enqueue_dma source(%dma_start3A_409 : memref<8x128xf32, #tpu.memory_space<hbm>>) target(%dma_start3A_407 : memref<8x128xf32, #tpu.memory_space<vmem>>) target_semaphore(%arg24 : memref<!tpu.dma_semaphore, #tpu.memory_space<semaphore_mem>>)
    %dma_start3A_410 = arith.constant 5 : i32
    %dma_start3A_411 = arith.constant 0 : i32
    %dma_start3A_412 = tpu.memref_slice %arg19[%dma_start3A_410, %dma_start3A_411] : memref<8x128xf32, #tpu.memory_space<vmem>> -> memref<1x128xf32, #tpu.memory_space<vmem>>
    %dma_start3A_413 = arith.constant 0 : i32
    %dma_start3A_414 = tpu.memref_slice %arg8[%dma_start3A_413, %multiple_of3A_366] : memref<1x1000000xf32, #tpu.memory_space<hbm>> -> memref<1x128xf32, #tpu.memory_space<hbm>>
    %dma_start3A_415 = arith.constant 5 : i32
    %dma_start3A_416 = arith.constant 0 : i32
    %dma_start3A_417 = tpu.memref_slice %arg19[%dma_start3A_415, %dma_start3A_416] : memref<8x128xf32, #tpu.memory_space<vmem>> -> memref<1x128xf32, #tpu.memory_space<vmem>>
    %dma_start3A_418 = arith.constant 0 : i32
    %dma_start3A_419 = tpu.memref_slice %arg8[%dma_start3A_418, %multiple_of3A_366] : memref<1x1000000xf32, #tpu.memory_space<hbm>> -> memref<1x128xf32, #tpu.memory_space<hbm>>
    tpu.enqueue_dma source(%dma_start3A_419 : memref<1x128xf32, #tpu.memory_space<hbm>>) target(%dma_start3A_417 : memref<1x128xf32, #tpu.memory_space<vmem>>) target_semaphore(%arg24 : memref<!tpu.dma_semaphore, #tpu.memory_space<semaphore_mem>>)
    %dma_start3A_420 = arith.constant 5 : i32
    %dma_start3A_421 = arith.constant 0 : i32
    %dma_start3A_422 = tpu.memref_slice %arg21[%dma_start3A_420, %dma_start3A_421] : memref<8x128xf32, #tpu.memory_space<vmem>> -> memref<1x128xf32, #tpu.memory_space<vmem>>
    %dma_start3A_423 = arith.constant 0 : i32
    %dma_start3A_424 = tpu.memref_slice %arg9[%dma_start3A_423, %multiple_of3A_369] : memref<1x1000000xf32, #tpu.memory_space<hbm>> -> memref<1x128xf32, #tpu.memory_space<hbm>>
    %dma_start3A_425 = arith.constant 5 : i32
    %dma_start3A_426 = arith.constant 0 : i32
    %dma_start3A_427 = tpu.memref_slice %arg21[%dma_start3A_425, %dma_start3A_426] : memref<8x128xf32, #tpu.memory_space<vmem>> -> memref<1x128xf32, #tpu.memory_space<vmem>>
    %dma_start3A_428 = arith.constant 0 : i32
    %dma_start3A_429 = tpu.memref_slice %arg9[%dma_start3A_428, %multiple_of3A_369] : memref<1x1000000xf32, #tpu.memory_space<hbm>> -> memref<1x128xf32, #tpu.memory_space<hbm>>
    tpu.enqueue_dma source(%dma_start3A_429 : memref<1x128xf32, #tpu.memory_space<hbm>>) target(%dma_start3A_427 : memref<1x128xf32, #tpu.memory_space<vmem>>) target_semaphore(%arg24 : memref<!tpu.dma_semaphore, #tpu.memory_space<semaphore_mem>>)
    %slice3A_430 = vector.extract_strided_slice %min3A_27 {offsets = [6], sizes = [1], strides = [1]} : vector<16xi32> to vector<1xi32>
    %squeeze3A_431 = vector.extract %slice3A_430[0] : i32 from vector<1xi32>
    %multiple_of3A_432 = tpu.assume_multiple %squeeze3A_431, 128 : i32
    %slice3A_433 = vector.extract_strided_slice %min3A_36 {offsets = [6], sizes = [1], strides = [1]} : vector<16xi32> to vector<1xi32>
    %squeeze3A_434 = vector.extract %slice3A_433[0] : i32 from vector<1xi32>
    %multiple_of3A_435 = tpu.assume_multiple %squeeze3A_434, 128 : i32
    %dma_start3A_436 = arith.constant 0 : i32
    %dma_start3A_437 = arith.constant 768 : i32
    %dma_start3A_438 = tpu.memref_slice %arg15[%dma_start3A_436, %dma_start3A_437] : memref<16x1024xf32, #tpu.memory_space<vmem>> -> memref<8x128xf32, #tpu.memory_space<vmem>>
    %dma_start3A_439 = arith.constant 0 : i32
    %dma_start3A_440 = tpu.memref_slice %arg6[%dma_start3A_439, %multiple_of3A_432] : memref<16x1000000xf32, #tpu.memory_space<hbm>> -> memref<8x128xf32, #tpu.memory_space<hbm>>
    %dma_start3A_441 = arith.constant 0 : i32
    %dma_start3A_442 = arith.constant 768 : i32
    %dma_start3A_443 = tpu.memref_slice %arg15[%dma_start3A_441, %dma_start3A_442] : memref<16x1024xf32, #tpu.memory_space<vmem>> -> memref<8x128xf32, #tpu.memory_space<vmem>>
    %dma_start3A_444 = arith.constant 0 : i32
    %dma_start3A_445 = tpu.memref_slice %arg6[%dma_start3A_444, %multiple_of3A_432] : memref<16x1000000xf32, #tpu.memory_space<hbm>> -> memref<8x128xf32, #tpu.memory_space<hbm>>
    tpu.enqueue_dma source(%dma_start3A_445 : memref<8x128xf32, #tpu.memory_space<hbm>>) target(%dma_start3A_443 : memref<8x128xf32, #tpu.memory_space<vmem>>) target_semaphore(%arg24 : memref<!tpu.dma_semaphore, #tpu.memory_space<semaphore_mem>>)
    %dma_start3A_446 = arith.constant 8 : i32
    %dma_start3A_447 = arith.constant 768 : i32
    %dma_start3A_448 = tpu.memref_slice %arg15[%dma_start3A_446, %dma_start3A_447] : memref<16x1024xf32, #tpu.memory_space<vmem>> -> memref<8x128xf32, #tpu.memory_space<vmem>>
    %dma_start3A_449 = arith.constant 8 : i32
    %dma_start3A_450 = tpu.memref_slice %arg6[%dma_start3A_449, %multiple_of3A_432] : memref<16x1000000xf32, #tpu.memory_space<hbm>> -> memref<8x128xf32, #tpu.memory_space<hbm>>
    %dma_start3A_451 = arith.constant 8 : i32
    %dma_start3A_452 = arith.constant 768 : i32
    %dma_start3A_453 = tpu.memref_slice %arg15[%dma_start3A_451, %dma_start3A_452] : memref<16x1024xf32, #tpu.memory_space<vmem>> -> memref<8x128xf32, #tpu.memory_space<vmem>>
    %dma_start3A_454 = arith.constant 8 : i32
    %dma_start3A_455 = tpu.memref_slice %arg6[%dma_start3A_454, %multiple_of3A_432] : memref<16x1000000xf32, #tpu.memory_space<hbm>> -> memref<8x128xf32, #tpu.memory_space<hbm>>
    tpu.enqueue_dma source(%dma_start3A_455 : memref<8x128xf32, #tpu.memory_space<hbm>>) target(%dma_start3A_453 : memref<8x128xf32, #tpu.memory_space<vmem>>) target_semaphore(%arg24 : memref<!tpu.dma_semaphore, #tpu.memory_space<semaphore_mem>>)
    %dma_start3A_456 = arith.constant 0 : i32
    %dma_start3A_457 = arith.constant 768 : i32
    %dma_start3A_458 = tpu.memref_slice %arg17[%dma_start3A_456, %dma_start3A_457] : memref<16x1024xf32, #tpu.memory_space<vmem>> -> memref<8x128xf32, #tpu.memory_space<vmem>>
    %dma_start3A_459 = arith.constant 0 : i32
    %dma_start3A_460 = tpu.memref_slice %arg7[%dma_start3A_459, %multiple_of3A_435] : memref<16x1000000xf32, #tpu.memory_space<hbm>> -> memref<8x128xf32, #tpu.memory_space<hbm>>
    %dma_start3A_461 = arith.constant 0 : i32
    %dma_start3A_462 = arith.constant 768 : i32
    %dma_start3A_463 = tpu.memref_slice %arg17[%dma_start3A_461, %dma_start3A_462] : memref<16x1024xf32, #tpu.memory_space<vmem>> -> memref<8x128xf32, #tpu.memory_space<vmem>>
    %dma_start3A_464 = arith.constant 0 : i32
    %dma_start3A_465 = tpu.memref_slice %arg7[%dma_start3A_464, %multiple_of3A_435] : memref<16x1000000xf32, #tpu.memory_space<hbm>> -> memref<8x128xf32, #tpu.memory_space<hbm>>
    tpu.enqueue_dma source(%dma_start3A_465 : memref<8x128xf32, #tpu.memory_space<hbm>>) target(%dma_start3A_463 : memref<8x128xf32, #tpu.memory_space<vmem>>) target_semaphore(%arg24 : memref<!tpu.dma_semaphore, #tpu.memory_space<semaphore_mem>>)
    %dma_start3A_466 = arith.constant 8 : i32
    %dma_start3A_467 = arith.constant 768 : i32
    %dma_start3A_468 = tpu.memref_slice %arg17[%dma_start3A_466, %dma_start3A_467] : memref<16x1024xf32, #tpu.memory_space<vmem>> -> memref<8x128xf32, #tpu.memory_space<vmem>>
    %dma_start3A_469 = arith.constant 8 : i32
    %dma_start3A_470 = tpu.memref_slice %arg7[%dma_start3A_469, %multiple_of3A_435] : memref<16x1000000xf32, #tpu.memory_space<hbm>> -> memref<8x128xf32, #tpu.memory_space<hbm>>
    %dma_start3A_471 = arith.constant 8 : i32
    %dma_start3A_472 = arith.constant 768 : i32
    %dma_start3A_473 = tpu.memref_slice %arg17[%dma_start3A_471, %dma_start3A_472] : memref<16x1024xf32, #tpu.memory_space<vmem>> -> memref<8x128xf32, #tpu.memory_space<vmem>>
    %dma_start3A_474 = arith.constant 8 : i32
    %dma_start3A_475 = tpu.memref_slice %arg7[%dma_start3A_474, %multiple_of3A_435] : memref<16x1000000xf32, #tpu.memory_space<hbm>> -> memref<8x128xf32, #tpu.memory_space<hbm>>
    tpu.enqueue_dma source(%dma_start3A_475 : memref<8x128xf32, #tpu.memory_space<hbm>>) target(%dma_start3A_473 : memref<8x128xf32, #tpu.memory_space<vmem>>) target_semaphore(%arg24 : memref<!tpu.dma_semaphore, #tpu.memory_space<semaphore_mem>>)
    %dma_start3A_476 = arith.constant 6 : i32
    %dma_start3A_477 = arith.constant 0 : i32
    %dma_start3A_478 = tpu.memref_slice %arg19[%dma_start3A_476, %dma_start3A_477] : memref<8x128xf32, #tpu.memory_space<vmem>> -> memref<1x128xf32, #tpu.memory_space<vmem>>
    %dma_start3A_479 = arith.constant 0 : i32
    %dma_start3A_480 = tpu.memref_slice %arg8[%dma_start3A_479, %multiple_of3A_432] : memref<1x1000000xf32, #tpu.memory_space<hbm>> -> memref<1x128xf32, #tpu.memory_space<hbm>>
    %dma_start3A_481 = arith.constant 6 : i32
    %dma_start3A_482 = arith.constant 0 : i32
    %dma_start3A_483 = tpu.memref_slice %arg19[%dma_start3A_481, %dma_start3A_482] : memref<8x128xf32, #tpu.memory_space<vmem>> -> memref<1x128xf32, #tpu.memory_space<vmem>>
    %dma_start3A_484 = arith.constant 0 : i32
    %dma_start3A_485 = tpu.memref_slice %arg8[%dma_start3A_484, %multiple_of3A_432] : memref<1x1000000xf32, #tpu.memory_space<hbm>> -> memref<1x128xf32, #tpu.memory_space<hbm>>
    tpu.enqueue_dma source(%dma_start3A_485 : memref<1x128xf32, #tpu.memory_space<hbm>>) target(%dma_start3A_483 : memref<1x128xf32, #tpu.memory_space<vmem>>) target_semaphore(%arg24 : memref<!tpu.dma_semaphore, #tpu.memory_space<semaphore_mem>>)
    %dma_start3A_486 = arith.constant 6 : i32
    %dma_start3A_487 = arith.constant 0 : i32
    %dma_start3A_488 = tpu.memref_slice %arg21[%dma_start3A_486, %dma_start3A_487] : memref<8x128xf32, #tpu.memory_space<vmem>> -> memref<1x128xf32, #tpu.memory_space<vmem>>
    %dma_start3A_489 = arith.constant 0 : i32
    %dma_start3A_490 = tpu.memref_slice %arg9[%dma_start3A_489, %multiple_of3A_435] : memref<1x1000000xf32, #tpu.memory_space<hbm>> -> memref<1x128xf32, #tpu.memory_space<hbm>>
    %dma_start3A_491 = arith.constant 6 : i32
    %dma_start3A_492 = arith.constant 0 : i32
    %dma_start3A_493 = tpu.memref_slice %arg21[%dma_start3A_491, %dma_start3A_492] : memref<8x128xf32, #tpu.memory_space<vmem>> -> memref<1x128xf32, #tpu.memory_space<vmem>>
    %dma_start3A_494 = arith.constant 0 : i32
    %dma_start3A_495 = tpu.memref_slice %arg9[%dma_start3A_494, %multiple_of3A_435] : memref<1x1000000xf32, #tpu.memory_space<hbm>> -> memref<1x128xf32, #tpu.memory_space<hbm>>
    tpu.enqueue_dma source(%dma_start3A_495 : memref<1x128xf32, #tpu.memory_space<hbm>>) target(%dma_start3A_493 : memref<1x128xf32, #tpu.memory_space<vmem>>) target_semaphore(%arg24 : memref<!tpu.dma_semaphore, #tpu.memory_space<semaphore_mem>>)
    %slice3A_496 = vector.extract_strided_slice %min3A_27 {offsets = [7], sizes = [1], strides = [1]} : vector<16xi32> to vector<1xi32>
    %squeeze3A_497 = vector.extract %slice3A_496[0] : i32 from vector<1xi32>
    %multiple_of3A_498 = tpu.assume_multiple %squeeze3A_497, 128 : i32
    %slice3A_499 = vector.extract_strided_slice %min3A_36 {offsets = [7], sizes = [1], strides = [1]} : vector<16xi32> to vector<1xi32>
    %squeeze3A_500 = vector.extract %slice3A_499[0] : i32 from vector<1xi32>
    %multiple_of3A_501 = tpu.assume_multiple %squeeze3A_500, 128 : i32
    %dma_start3A_502 = arith.constant 0 : i32
    %dma_start3A_503 = arith.constant 896 : i32
    %dma_start3A_504 = tpu.memref_slice %arg15[%dma_start3A_502, %dma_start3A_503] : memref<16x1024xf32, #tpu.memory_space<vmem>> -> memref<8x128xf32, #tpu.memory_space<vmem>>
    %dma_start3A_505 = arith.constant 0 : i32
    %dma_start3A_506 = tpu.memref_slice %arg6[%dma_start3A_505, %multiple_of3A_498] : memref<16x1000000xf32, #tpu.memory_space<hbm>> -> memref<8x128xf32, #tpu.memory_space<hbm>>
    %dma_start3A_507 = arith.constant 0 : i32
    %dma_start3A_508 = arith.constant 896 : i32
    %dma_start3A_509 = tpu.memref_slice %arg15[%dma_start3A_507, %dma_start3A_508] : memref<16x1024xf32, #tpu.memory_space<vmem>> -> memref<8x128xf32, #tpu.memory_space<vmem>>
    %dma_start3A_510 = arith.constant 0 : i32
    %dma_start3A_511 = tpu.memref_slice %arg6[%dma_start3A_510, %multiple_of3A_498] : memref<16x1000000xf32, #tpu.memory_space<hbm>> -> memref<8x128xf32, #tpu.memory_space<hbm>>
    tpu.enqueue_dma source(%dma_start3A_511 : memref<8x128xf32, #tpu.memory_space<hbm>>) target(%dma_start3A_509 : memref<8x128xf32, #tpu.memory_space<vmem>>) target_semaphore(%arg24 : memref<!tpu.dma_semaphore, #tpu.memory_space<semaphore_mem>>)
    %dma_start3A_512 = arith.constant 8 : i32
    %dma_start3A_513 = arith.constant 896 : i32
    %dma_start3A_514 = tpu.memref_slice %arg15[%dma_start3A_512, %dma_start3A_513] : memref<16x1024xf32, #tpu.memory_space<vmem>> -> memref<8x128xf32, #tpu.memory_space<vmem>>
    %dma_start3A_515 = arith.constant 8 : i32
    %dma_start3A_516 = tpu.memref_slice %arg6[%dma_start3A_515, %multiple_of3A_498] : memref<16x1000000xf32, #tpu.memory_space<hbm>> -> memref<8x128xf32, #tpu.memory_space<hbm>>
    %dma_start3A_517 = arith.constant 8 : i32
    %dma_start3A_518 = arith.constant 896 : i32
    %dma_start3A_519 = tpu.memref_slice %arg15[%dma_start3A_517, %dma_start3A_518] : memref<16x1024xf32, #tpu.memory_space<vmem>> -> memref<8x128xf32, #tpu.memory_space<vmem>>
    %dma_start3A_520 = arith.constant 8 : i32
    %dma_start3A_521 = tpu.memref_slice %arg6[%dma_start3A_520, %multiple_of3A_498] : memref<16x1000000xf32, #tpu.memory_space<hbm>> -> memref<8x128xf32, #tpu.memory_space<hbm>>
    tpu.enqueue_dma source(%dma_start3A_521 : memref<8x128xf32, #tpu.memory_space<hbm>>) target(%dma_start3A_519 : memref<8x128xf32, #tpu.memory_space<vmem>>) target_semaphore(%arg24 : memref<!tpu.dma_semaphore, #tpu.memory_space<semaphore_mem>>)
    %dma_start3A_522 = arith.constant 0 : i32
    %dma_start3A_523 = arith.constant 896 : i32
    %dma_start3A_524 = tpu.memref_slice %arg17[%dma_start3A_522, %dma_start3A_523] : memref<16x1024xf32, #tpu.memory_space<vmem>> -> memref<8x128xf32, #tpu.memory_space<vmem>>
    %dma_start3A_525 = arith.constant 0 : i32
    %dma_start3A_526 = tpu.memref_slice %arg7[%dma_start3A_525, %multiple_of3A_501] : memref<16x1000000xf32, #tpu.memory_space<hbm>> -> memref<8x128xf32, #tpu.memory_space<hbm>>
    %dma_start3A_527 = arith.constant 0 : i32
    %dma_start3A_528 = arith.constant 896 : i32
    %dma_start3A_529 = tpu.memref_slice %arg17[%dma_start3A_527, %dma_start3A_528] : memref<16x1024xf32, #tpu.memory_space<vmem>> -> memref<8x128xf32, #tpu.memory_space<vmem>>
    %dma_start3A_530 = arith.constant 0 : i32
    %dma_start3A_531 = tpu.memref_slice %arg7[%dma_start3A_530, %multiple_of3A_501] : memref<16x1000000xf32, #tpu.memory_space<hbm>> -> memref<8x128xf32, #tpu.memory_space<hbm>>
    tpu.enqueue_dma source(%dma_start3A_531 : memref<8x128xf32, #tpu.memory_space<hbm>>) target(%dma_start3A_529 : memref<8x128xf32, #tpu.memory_space<vmem>>) target_semaphore(%arg24 : memref<!tpu.dma_semaphore, #tpu.memory_space<semaphore_mem>>)
    %dma_start3A_532 = arith.constant 8 : i32
    %dma_start3A_533 = arith.constant 896 : i32
    %dma_start3A_534 = tpu.memref_slice %arg17[%dma_start3A_532, %dma_start3A_533] : memref<16x1024xf32, #tpu.memory_space<vmem>> -> memref<8x128xf32, #tpu.memory_space<vmem>>
    %dma_start3A_535 = arith.constant 8 : i32
    %dma_start3A_536 = tpu.memref_slice %arg7[%dma_start3A_535, %multiple_of3A_501] : memref<16x1000000xf32, #tpu.memory_space<hbm>> -> memref<8x128xf32, #tpu.memory_space<hbm>>
    %dma_start3A_537 = arith.constant 8 : i32
    %dma_start3A_538 = arith.constant 896 : i32
    %dma_start3A_539 = tpu.memref_slice %arg17[%dma_start3A_537, %dma_start3A_538] : memref<16x1024xf32, #tpu.memory_space<vmem>> -> memref<8x128xf32, #tpu.memory_space<vmem>>
    %dma_start3A_540 = arith.constant 8 : i32
    %dma_start3A_541 = tpu.memref_slice %arg7[%dma_start3A_540, %multiple_of3A_501] : memref<16x1000000xf32, #tpu.memory_space<hbm>> -> memref<8x128xf32, #tpu.memory_space<hbm>>
    tpu.enqueue_dma source(%dma_start3A_541 : memref<8x128xf32, #tpu.memory_space<hbm>>) target(%dma_start3A_539 : memref<8x128xf32, #tpu.memory_space<vmem>>) target_semaphore(%arg24 : memref<!tpu.dma_semaphore, #tpu.memory_space<semaphore_mem>>)
    %dma_start3A_542 = arith.constant 7 : i32
    %dma_start3A_543 = arith.constant 0 : i32
    %dma_start3A_544 = tpu.memref_slice %arg19[%dma_start3A_542, %dma_start3A_543] : memref<8x128xf32, #tpu.memory_space<vmem>> -> memref<1x128xf32, #tpu.memory_space<vmem>>
    %dma_start3A_545 = arith.constant 0 : i32
    %dma_start3A_546 = tpu.memref_slice %arg8[%dma_start3A_545, %multiple_of3A_498] : memref<1x1000000xf32, #tpu.memory_space<hbm>> -> memref<1x128xf32, #tpu.memory_space<hbm>>
    %dma_start3A_547 = arith.constant 7 : i32
    %dma_start3A_548 = arith.constant 0 : i32
    %dma_start3A_549 = tpu.memref_slice %arg19[%dma_start3A_547, %dma_start3A_548] : memref<8x128xf32, #tpu.memory_space<vmem>> -> memref<1x128xf32, #tpu.memory_space<vmem>>
    %dma_start3A_550 = arith.constant 0 : i32
    %dma_start3A_551 = tpu.memref_slice %arg8[%dma_start3A_550, %multiple_of3A_498] : memref<1x1000000xf32, #tpu.memory_space<hbm>> -> memref<1x128xf32, #tpu.memory_space<hbm>>
    tpu.enqueue_dma source(%dma_start3A_551 : memref<1x128xf32, #tpu.memory_space<hbm>>) target(%dma_start3A_549 : memref<1x128xf32, #tpu.memory_space<vmem>>) target_semaphore(%arg24 : memref<!tpu.dma_semaphore, #tpu.memory_space<semaphore_mem>>)
    %dma_start3A_552 = arith.constant 7 : i32
    %dma_start3A_553 = arith.constant 0 : i32
    %dma_start3A_554 = tpu.memref_slice %arg21[%dma_start3A_552, %dma_start3A_553] : memref<8x128xf32, #tpu.memory_space<vmem>> -> memref<1x128xf32, #tpu.memory_space<vmem>>
    %dma_start3A_555 = arith.constant 0 : i32
    %dma_start3A_556 = tpu.memref_slice %arg9[%dma_start3A_555, %multiple_of3A_501] : memref<1x1000000xf32, #tpu.memory_space<hbm>> -> memref<1x128xf32, #tpu.memory_space<hbm>>
    %dma_start3A_557 = arith.constant 7 : i32
    %dma_start3A_558 = arith.constant 0 : i32
    %dma_start3A_559 = tpu.memref_slice %arg21[%dma_start3A_557, %dma_start3A_558] : memref<8x128xf32, #tpu.memory_space<vmem>> -> memref<1x128xf32, #tpu.memory_space<vmem>>
    %dma_start3A_560 = arith.constant 0 : i32
    %dma_start3A_561 = tpu.memref_slice %arg9[%dma_start3A_560, %multiple_of3A_501] : memref<1x1000000xf32, #tpu.memory_space<hbm>> -> memref<1x128xf32, #tpu.memory_space<hbm>>
    tpu.enqueue_dma source(%dma_start3A_561 : memref<1x128xf32, #tpu.memory_space<hbm>>) target(%dma_start3A_559 : memref<1x128xf32, #tpu.memory_space<vmem>>) target_semaphore(%arg24 : memref<!tpu.dma_semaphore, #tpu.memory_space<semaphore_mem>>)
    %slice3A_562 = vector.extract_strided_slice %min3A_27 {offsets = [8], sizes = [1], strides = [1]} : vector<16xi32> to vector<1xi32>
    %squeeze3A_563 = vector.extract %slice3A_562[0] : i32 from vector<1xi32>
    %multiple_of3A_564 = tpu.assume_multiple %squeeze3A_563, 128 : i32
    %slice3A_565 = vector.extract_strided_slice %min3A_36 {offsets = [8], sizes = [1], strides = [1]} : vector<16xi32> to vector<1xi32>
    %squeeze3A_566 = vector.extract %slice3A_565[0] : i32 from vector<1xi32>
    %multiple_of3A_567 = tpu.assume_multiple %squeeze3A_566, 128 : i32
    %dma_start3A_568 = arith.constant 0 : i32
    %dma_start3A_569 = arith.constant 0 : i32
    %dma_start3A_570 = tpu.memref_slice %arg16[%dma_start3A_568, %dma_start3A_569] : memref<16x1024xf32, #tpu.memory_space<vmem>> -> memref<8x128xf32, #tpu.memory_space<vmem>>
    %dma_start3A_571 = arith.constant 0 : i32
    %dma_start3A_572 = tpu.memref_slice %arg6[%dma_start3A_571, %multiple_of3A_564] : memref<16x1000000xf32, #tpu.memory_space<hbm>> -> memref<8x128xf32, #tpu.memory_space<hbm>>
    %dma_start3A_573 = arith.constant 0 : i32
    %dma_start3A_574 = arith.constant 0 : i32
    %dma_start3A_575 = tpu.memref_slice %arg16[%dma_start3A_573, %dma_start3A_574] : memref<16x1024xf32, #tpu.memory_space<vmem>> -> memref<8x128xf32, #tpu.memory_space<vmem>>
    %dma_start3A_576 = arith.constant 0 : i32
    %dma_start3A_577 = tpu.memref_slice %arg6[%dma_start3A_576, %multiple_of3A_564] : memref<16x1000000xf32, #tpu.memory_space<hbm>> -> memref<8x128xf32, #tpu.memory_space<hbm>>
    tpu.enqueue_dma source(%dma_start3A_577 : memref<8x128xf32, #tpu.memory_space<hbm>>) target(%dma_start3A_575 : memref<8x128xf32, #tpu.memory_space<vmem>>) target_semaphore(%arg25 : memref<!tpu.dma_semaphore, #tpu.memory_space<semaphore_mem>>)
    %dma_start3A_578 = arith.constant 8 : i32
    %dma_start3A_579 = arith.constant 0 : i32
    %dma_start3A_580 = tpu.memref_slice %arg16[%dma_start3A_578, %dma_start3A_579] : memref<16x1024xf32, #tpu.memory_space<vmem>> -> memref<8x128xf32, #tpu.memory_space<vmem>>
    %dma_start3A_581 = arith.constant 8 : i32
    %dma_start3A_582 = tpu.memref_slice %arg6[%dma_start3A_581, %multiple_of3A_564] : memref<16x1000000xf32, #tpu.memory_space<hbm>> -> memref<8x128xf32, #tpu.memory_space<hbm>>
    %dma_start3A_583 = arith.constant 8 : i32
    %dma_start3A_584 = arith.constant 0 : i32
    %dma_start3A_585 = tpu.memref_slice %arg16[%dma_start3A_583, %dma_start3A_584] : memref<16x1024xf32, #tpu.memory_space<vmem>> -> memref<8x128xf32, #tpu.memory_space<vmem>>
    %dma_start3A_586 = arith.constant 8 : i32
    %dma_start3A_587 = tpu.memref_slice %arg6[%dma_start3A_586, %multiple_of3A_564] : memref<16x1000000xf32, #tpu.memory_space<hbm>> -> memref<8x128xf32, #tpu.memory_space<hbm>>
    tpu.enqueue_dma source(%dma_start3A_587 : memref<8x128xf32, #tpu.memory_space<hbm>>) target(%dma_start3A_585 : memref<8x128xf32, #tpu.memory_space<vmem>>) target_semaphore(%arg25 : memref<!tpu.dma_semaphore, #tpu.memory_space<semaphore_mem>>)
    %dma_start3A_588 = arith.constant 0 : i32
    %dma_start3A_589 = arith.constant 0 : i32
    %dma_start3A_590 = tpu.memref_slice %arg18[%dma_start3A_588, %dma_start3A_589] : memref<16x1024xf32, #tpu.memory_space<vmem>> -> memref<8x128xf32, #tpu.memory_space<vmem>>
    %dma_start3A_591 = arith.constant 0 : i32
    %dma_start3A_592 = tpu.memref_slice %arg7[%dma_start3A_591, %multiple_of3A_567] : memref<16x1000000xf32, #tpu.memory_space<hbm>> -> memref<8x128xf32, #tpu.memory_space<hbm>>
    %dma_start3A_593 = arith.constant 0 : i32
    %dma_start3A_594 = arith.constant 0 : i32
    %dma_start3A_595 = tpu.memref_slice %arg18[%dma_start3A_593, %dma_start3A_594] : memref<16x1024xf32, #tpu.memory_space<vmem>> -> memref<8x128xf32, #tpu.memory_space<vmem>>
    %dma_start3A_596 = arith.constant 0 : i32
    %dma_start3A_597 = tpu.memref_slice %arg7[%dma_start3A_596, %multiple_of3A_567] : memref<16x1000000xf32, #tpu.memory_space<hbm>> -> memref<8x128xf32, #tpu.memory_space<hbm>>
    tpu.enqueue_dma source(%dma_start3A_597 : memref<8x128xf32, #tpu.memory_space<hbm>>) target(%dma_start3A_595 : memref<8x128xf32, #tpu.memory_space<vmem>>) target_semaphore(%arg25 : memref<!tpu.dma_semaphore, #tpu.memory_space<semaphore_mem>>)
    %dma_start3A_598 = arith.constant 8 : i32
    %dma_start3A_599 = arith.constant 0 : i32
    %dma_start3A_600 = tpu.memref_slice %arg18[%dma_start3A_598, %dma_start3A_599] : memref<16x1024xf32, #tpu.memory_space<vmem>> -> memref<8x128xf32, #tpu.memory_space<vmem>>
    %dma_start3A_601 = arith.constant 8 : i32
    %dma_start3A_602 = tpu.memref_slice %arg7[%dma_start3A_601, %multiple_of3A_567] : memref<16x1000000xf32, #tpu.memory_space<hbm>> -> memref<8x128xf32, #tpu.memory_space<hbm>>
    %dma_start3A_603 = arith.constant 8 : i32
    %dma_start3A_604 = arith.constant 0 : i32
    %dma_start3A_605 = tpu.memref_slice %arg18[%dma_start3A_603, %dma_start3A_604] : memref<16x1024xf32, #tpu.memory_space<vmem>> -> memref<8x128xf32, #tpu.memory_space<vmem>>
    %dma_start3A_606 = arith.constant 8 : i32
    %dma_start3A_607 = tpu.memref_slice %arg7[%dma_start3A_606, %multiple_of3A_567] : memref<16x1000000xf32, #tpu.memory_space<hbm>> -> memref<8x128xf32, #tpu.memory_space<hbm>>
    tpu.enqueue_dma source(%dma_start3A_607 : memref<8x128xf32, #tpu.memory_space<hbm>>) target(%dma_start3A_605 : memref<8x128xf32, #tpu.memory_space<vmem>>) target_semaphore(%arg25 : memref<!tpu.dma_semaphore, #tpu.memory_space<semaphore_mem>>)
    %dma_start3A_608 = arith.constant 0 : i32
    %dma_start3A_609 = arith.constant 0 : i32
    %dma_start3A_610 = tpu.memref_slice %arg20[%dma_start3A_608, %dma_start3A_609] : memref<8x128xf32, #tpu.memory_space<vmem>> -> memref<1x128xf32, #tpu.memory_space<vmem>>
    %dma_start3A_611 = arith.constant 0 : i32
    %dma_start3A_612 = tpu.memref_slice %arg8[%dma_start3A_611, %multiple_of3A_564] : memref<1x1000000xf32, #tpu.memory_space<hbm>> -> memref<1x128xf32, #tpu.memory_space<hbm>>
    %dma_start3A_613 = arith.constant 0 : i32
    %dma_start3A_614 = arith.constant 0 : i32
    %dma_start3A_615 = tpu.memref_slice %arg20[%dma_start3A_613, %dma_start3A_614] : memref<8x128xf32, #tpu.memory_space<vmem>> -> memref<1x128xf32, #tpu.memory_space<vmem>>
    %dma_start3A_616 = arith.constant 0 : i32
    %dma_start3A_617 = tpu.memref_slice %arg8[%dma_start3A_616, %multiple_of3A_564] : memref<1x1000000xf32, #tpu.memory_space<hbm>> -> memref<1x128xf32, #tpu.memory_space<hbm>>
    tpu.enqueue_dma source(%dma_start3A_617 : memref<1x128xf32, #tpu.memory_space<hbm>>) target(%dma_start3A_615 : memref<1x128xf32, #tpu.memory_space<vmem>>) target_semaphore(%arg25 : memref<!tpu.dma_semaphore, #tpu.memory_space<semaphore_mem>>)
    %dma_start3A_618 = arith.constant 0 : i32
    %dma_start3A_619 = arith.constant 0 : i32
    %dma_start3A_620 = tpu.memref_slice %arg22[%dma_start3A_618, %dma_start3A_619] : memref<8x128xf32, #tpu.memory_space<vmem>> -> memref<1x128xf32, #tpu.memory_space<vmem>>
    %dma_start3A_621 = arith.constant 0 : i32
    %dma_start3A_622 = tpu.memref_slice %arg9[%dma_start3A_621, %multiple_of3A_567] : memref<1x1000000xf32, #tpu.memory_space<hbm>> -> memref<1x128xf32, #tpu.memory_space<hbm>>
    %dma_start3A_623 = arith.constant 0 : i32
    %dma_start3A_624 = arith.constant 0 : i32
    %dma_start3A_625 = tpu.memref_slice %arg22[%dma_start3A_623, %dma_start3A_624] : memref<8x128xf32, #tpu.memory_space<vmem>> -> memref<1x128xf32, #tpu.memory_space<vmem>>
    %dma_start3A_626 = arith.constant 0 : i32
    %dma_start3A_627 = tpu.memref_slice %arg9[%dma_start3A_626, %multiple_of3A_567] : memref<1x1000000xf32, #tpu.memory_space<hbm>> -> memref<1x128xf32, #tpu.memory_space<hbm>>
    tpu.enqueue_dma source(%dma_start3A_627 : memref<1x128xf32, #tpu.memory_space<hbm>>) target(%dma_start3A_625 : memref<1x128xf32, #tpu.memory_space<vmem>>) target_semaphore(%arg25 : memref<!tpu.dma_semaphore, #tpu.memory_space<semaphore_mem>>)
    %slice3A_628 = vector.extract_strided_slice %min3A_27 {offsets = [9], sizes = [1], strides = [1]} : vector<16xi32> to vector<1xi32>
    %squeeze3A_629 = vector.extract %slice3A_628[0] : i32 from vector<1xi32>
    %multiple_of3A_630 = tpu.assume_multiple %squeeze3A_629, 128 : i32
    %slice3A_631 = vector.extract_strided_slice %min3A_36 {offsets = [9], sizes = [1], strides = [1]} : vector<16xi32> to vector<1xi32>
    %squeeze3A_632 = vector.extract %slice3A_631[0] : i32 from vector<1xi32>
    %multiple_of3A_633 = tpu.assume_multiple %squeeze3A_632, 128 : i32
    %dma_start3A_634 = arith.constant 0 : i32
    %dma_start3A_635 = arith.constant 128 : i32
    %dma_start3A_636 = tpu.memref_slice %arg16[%dma_start3A_634, %dma_start3A_635] : memref<16x1024xf32, #tpu.memory_space<vmem>> -> memref<8x128xf32, #tpu.memory_space<vmem>>
    %dma_start3A_637 = arith.constant 0 : i32
    %dma_start3A_638 = tpu.memref_slice %arg6[%dma_start3A_637, %multiple_of3A_630] : memref<16x1000000xf32, #tpu.memory_space<hbm>> -> memref<8x128xf32, #tpu.memory_space<hbm>>
    %dma_start3A_639 = arith.constant 0 : i32
    %dma_start3A_640 = arith.constant 128 : i32
    %dma_start3A_641 = tpu.memref_slice %arg16[%dma_start3A_639, %dma_start3A_640] : memref<16x1024xf32, #tpu.memory_space<vmem>> -> memref<8x128xf32, #tpu.memory_space<vmem>>
    %dma_start3A_642 = arith.constant 0 : i32
    %dma_start3A_643 = tpu.memref_slice %arg6[%dma_start3A_642, %multiple_of3A_630] : memref<16x1000000xf32, #tpu.memory_space<hbm>> -> memref<8x128xf32, #tpu.memory_space<hbm>>
    tpu.enqueue_dma source(%dma_start3A_643 : memref<8x128xf32, #tpu.memory_space<hbm>>) target(%dma_start3A_641 : memref<8x128xf32, #tpu.memory_space<vmem>>) target_semaphore(%arg25 : memref<!tpu.dma_semaphore, #tpu.memory_space<semaphore_mem>>)
    %dma_start3A_644 = arith.constant 8 : i32
    %dma_start3A_645 = arith.constant 128 : i32
    %dma_start3A_646 = tpu.memref_slice %arg16[%dma_start3A_644, %dma_start3A_645] : memref<16x1024xf32, #tpu.memory_space<vmem>> -> memref<8x128xf32, #tpu.memory_space<vmem>>
    %dma_start3A_647 = arith.constant 8 : i32
    %dma_start3A_648 = tpu.memref_slice %arg6[%dma_start3A_647, %multiple_of3A_630] : memref<16x1000000xf32, #tpu.memory_space<hbm>> -> memref<8x128xf32, #tpu.memory_space<hbm>>
    %dma_start3A_649 = arith.constant 8 : i32
    %dma_start3A_650 = arith.constant 128 : i32
    %dma_start3A_651 = tpu.memref_slice %arg16[%dma_start3A_649, %dma_start3A_650] : memref<16x1024xf32, #tpu.memory_space<vmem>> -> memref<8x128xf32, #tpu.memory_space<vmem>>
    %dma_start3A_652 = arith.constant 8 : i32
    %dma_start3A_653 = tpu.memref_slice %arg6[%dma_start3A_652, %multiple_of3A_630] : memref<16x1000000xf32, #tpu.memory_space<hbm>> -> memref<8x128xf32, #tpu.memory_space<hbm>>
    tpu.enqueue_dma source(%dma_start3A_653 : memref<8x128xf32, #tpu.memory_space<hbm>>) target(%dma_start3A_651 : memref<8x128xf32, #tpu.memory_space<vmem>>) target_semaphore(%arg25 : memref<!tpu.dma_semaphore, #tpu.memory_space<semaphore_mem>>)
    %dma_start3A_654 = arith.constant 0 : i32
    %dma_start3A_655 = arith.constant 128 : i32
    %dma_start3A_656 = tpu.memref_slice %arg18[%dma_start3A_654, %dma_start3A_655] : memref<16x1024xf32, #tpu.memory_space<vmem>> -> memref<8x128xf32, #tpu.memory_space<vmem>>
    %dma_start3A_657 = arith.constant 0 : i32
    %dma_start3A_658 = tpu.memref_slice %arg7[%dma_start3A_657, %multiple_of3A_633] : memref<16x1000000xf32, #tpu.memory_space<hbm>> -> memref<8x128xf32, #tpu.memory_space<hbm>>
    %dma_start3A_659 = arith.constant 0 : i32
    %dma_start3A_660 = arith.constant 128 : i32
    %dma_start3A_661 = tpu.memref_slice %arg18[%dma_start3A_659, %dma_start3A_660] : memref<16x1024xf32, #tpu.memory_space<vmem>> -> memref<8x128xf32, #tpu.memory_space<vmem>>
    %dma_start3A_662 = arith.constant 0 : i32
    %dma_start3A_663 = tpu.memref_slice %arg7[%dma_start3A_662, %multiple_of3A_633] : memref<16x1000000xf32, #tpu.memory_space<hbm>> -> memref<8x128xf32, #tpu.memory_space<hbm>>
    tpu.enqueue_dma source(%dma_start3A_663 : memref<8x128xf32, #tpu.memory_space<hbm>>) target(%dma_start3A_661 : memref<8x128xf32, #tpu.memory_space<vmem>>) target_semaphore(%arg25 : memref<!tpu.dma_semaphore, #tpu.memory_space<semaphore_mem>>)
    %dma_start3A_664 = arith.constant 8 : i32
    %dma_start3A_665 = arith.constant 128 : i32
    %dma_start3A_666 = tpu.memref_slice %arg18[%dma_start3A_664, %dma_start3A_665] : memref<16x1024xf32, #tpu.memory_space<vmem>> -> memref<8x128xf32, #tpu.memory_space<vmem>>
    %dma_start3A_667 = arith.constant 8 : i32
    %dma_start3A_668 = tpu.memref_slice %arg7[%dma_start3A_667, %multiple_of3A_633] : memref<16x1000000xf32, #tpu.memory_space<hbm>> -> memref<8x128xf32, #tpu.memory_space<hbm>>
    %dma_start3A_669 = arith.constant 8 : i32
    %dma_start3A_670 = arith.constant 128 : i32
    %dma_start3A_671 = tpu.memref_slice %arg18[%dma_start3A_669, %dma_start3A_670] : memref<16x1024xf32, #tpu.memory_space<vmem>> -> memref<8x128xf32, #tpu.memory_space<vmem>>
    %dma_start3A_672 = arith.constant 8 : i32
    %dma_start3A_673 = tpu.memref_slice %arg7[%dma_start3A_672, %multiple_of3A_633] : memref<16x1000000xf32, #tpu.memory_space<hbm>> -> memref<8x128xf32, #tpu.memory_space<hbm>>
    tpu.enqueue_dma source(%dma_start3A_673 : memref<8x128xf32, #tpu.memory_space<hbm>>) target(%dma_start3A_671 : memref<8x128xf32, #tpu.memory_space<vmem>>) target_semaphore(%arg25 : memref<!tpu.dma_semaphore, #tpu.memory_space<semaphore_mem>>)
    %dma_start3A_674 = arith.constant 1 : i32
    %dma_start3A_675 = arith.constant 0 : i32
    %dma_start3A_676 = tpu.memref_slice %arg20[%dma_start3A_674, %dma_start3A_675] : memref<8x128xf32, #tpu.memory_space<vmem>> -> memref<1x128xf32, #tpu.memory_space<vmem>>
    %dma_start3A_677 = arith.constant 0 : i32
    %dma_start3A_678 = tpu.memref_slice %arg8[%dma_start3A_677, %multiple_of3A_630] : memref<1x1000000xf32, #tpu.memory_space<hbm>> -> memref<1x128xf32, #tpu.memory_space<hbm>>
    %dma_start3A_679 = arith.constant 1 : i32
    %dma_start3A_680 = arith.constant 0 : i32
    %dma_start3A_681 = tpu.memref_slice %arg20[%dma_start3A_679, %dma_start3A_680] : memref<8x128xf32, #tpu.memory_space<vmem>> -> memref<1x128xf32, #tpu.memory_space<vmem>>
    %dma_start3A_682 = arith.constant 0 : i32
    %dma_start3A_683 = tpu.memref_slice %arg8[%dma_start3A_682, %multiple_of3A_630] : memref<1x1000000xf32, #tpu.memory_space<hbm>> -> memref<1x128xf32, #tpu.memory_space<hbm>>
    tpu.enqueue_dma source(%dma_start3A_683 : memref<1x128xf32, #tpu.memory_space<hbm>>) target(%dma_start3A_681 : memref<1x128xf32, #tpu.memory_space<vmem>>) target_semaphore(%arg25 : memref<!tpu.dma_semaphore, #tpu.memory_space<semaphore_mem>>)
    %dma_start3A_684 = arith.constant 1 : i32
    %dma_start3A_685 = arith.constant 0 : i32
    %dma_start3A_686 = tpu.memref_slice %arg22[%dma_start3A_684, %dma_start3A_685] : memref<8x128xf32, #tpu.memory_space<vmem>> -> memref<1x128xf32, #tpu.memory_space<vmem>>
    %dma_start3A_687 = arith.constant 0 : i32
    %dma_start3A_688 = tpu.memref_slice %arg9[%dma_start3A_687, %multiple_of3A_633] : memref<1x1000000xf32, #tpu.memory_space<hbm>> -> memref<1x128xf32, #tpu.memory_space<hbm>>
    %dma_start3A_689 = arith.constant 1 : i32
    %dma_start3A_690 = arith.constant 0 : i32
    %dma_start3A_691 = tpu.memref_slice %arg22[%dma_start3A_689, %dma_start3A_690] : memref<8x128xf32, #tpu.memory_space<vmem>> -> memref<1x128xf32, #tpu.memory_space<vmem>>
    %dma_start3A_692 = arith.constant 0 : i32
    %dma_start3A_693 = tpu.memref_slice %arg9[%dma_start3A_692, %multiple_of3A_633] : memref<1x1000000xf32, #tpu.memory_space<hbm>> -> memref<1x128xf32, #tpu.memory_space<hbm>>
    tpu.enqueue_dma source(%dma_start3A_693 : memref<1x128xf32, #tpu.memory_space<hbm>>) target(%dma_start3A_691 : memref<1x128xf32, #tpu.memory_space<vmem>>) target_semaphore(%arg25 : memref<!tpu.dma_semaphore, #tpu.memory_space<semaphore_mem>>)
    %slice3A_694 = vector.extract_strided_slice %min3A_27 {offsets = [10], sizes = [1], strides = [1]} : vector<16xi32> to vector<1xi32>
    %squeeze3A_695 = vector.extract %slice3A_694[0] : i32 from vector<1xi32>
    %multiple_of3A_696 = tpu.assume_multiple %squeeze3A_695, 128 : i32
    %slice3A_697 = vector.extract_strided_slice %min3A_36 {offsets = [10], sizes = [1], strides = [1]} : vector<16xi32> to vector<1xi32>
    %squeeze3A_698 = vector.extract %slice3A_697[0] : i32 from vector<1xi32>
    %multiple_of3A_699 = tpu.assume_multiple %squeeze3A_698, 128 : i32
    %dma_start3A_700 = arith.constant 0 : i32
    %dma_start3A_701 = arith.constant 256 : i32
    %dma_start3A_702 = tpu.memref_slice %arg16[%dma_start3A_700, %dma_start3A_701] : memref<16x1024xf32, #tpu.memory_space<vmem>> -> memref<8x128xf32, #tpu.memory_space<vmem>>
    %dma_start3A_703 = arith.constant 0 : i32
    %dma_start3A_704 = tpu.memref_slice %arg6[%dma_start3A_703, %multiple_of3A_696] : memref<16x1000000xf32, #tpu.memory_space<hbm>> -> memref<8x128xf32, #tpu.memory_space<hbm>>
    %dma_start3A_705 = arith.constant 0 : i32
    %dma_start3A_706 = arith.constant 256 : i32
    %dma_start3A_707 = tpu.memref_slice %arg16[%dma_start3A_705, %dma_start3A_706] : memref<16x1024xf32, #tpu.memory_space<vmem>> -> memref<8x128xf32, #tpu.memory_space<vmem>>
    %dma_start3A_708 = arith.constant 0 : i32
    %dma_start3A_709 = tpu.memref_slice %arg6[%dma_start3A_708, %multiple_of3A_696] : memref<16x1000000xf32, #tpu.memory_space<hbm>> -> memref<8x128xf32, #tpu.memory_space<hbm>>
    tpu.enqueue_dma source(%dma_start3A_709 : memref<8x128xf32, #tpu.memory_space<hbm>>) target(%dma_start3A_707 : memref<8x128xf32, #tpu.memory_space<vmem>>) target_semaphore(%arg25 : memref<!tpu.dma_semaphore, #tpu.memory_space<semaphore_mem>>)
    %dma_start3A_710 = arith.constant 8 : i32
    %dma_start3A_711 = arith.constant 256 : i32
    %dma_start3A_712 = tpu.memref_slice %arg16[%dma_start3A_710, %dma_start3A_711] : memref<16x1024xf32, #tpu.memory_space<vmem>> -> memref<8x128xf32, #tpu.memory_space<vmem>>
    %dma_start3A_713 = arith.constant 8 : i32
    %dma_start3A_714 = tpu.memref_slice %arg6[%dma_start3A_713, %multiple_of3A_696] : memref<16x1000000xf32, #tpu.memory_space<hbm>> -> memref<8x128xf32, #tpu.memory_space<hbm>>
    %dma_start3A_715 = arith.constant 8 : i32
    %dma_start3A_716 = arith.constant 256 : i32
    %dma_start3A_717 = tpu.memref_slice %arg16[%dma_start3A_715, %dma_start3A_716] : memref<16x1024xf32, #tpu.memory_space<vmem>> -> memref<8x128xf32, #tpu.memory_space<vmem>>
    %dma_start3A_718 = arith.constant 8 : i32
    %dma_start3A_719 = tpu.memref_slice %arg6[%dma_start3A_718, %multiple_of3A_696] : memref<16x1000000xf32, #tpu.memory_space<hbm>> -> memref<8x128xf32, #tpu.memory_space<hbm>>
    tpu.enqueue_dma source(%dma_start3A_719 : memref<8x128xf32, #tpu.memory_space<hbm>>) target(%dma_start3A_717 : memref<8x128xf32, #tpu.memory_space<vmem>>) target_semaphore(%arg25 : memref<!tpu.dma_semaphore, #tpu.memory_space<semaphore_mem>>)
    %dma_start3A_720 = arith.constant 0 : i32
    %dma_start3A_721 = arith.constant 256 : i32
    %dma_start3A_722 = tpu.memref_slice %arg18[%dma_start3A_720, %dma_start3A_721] : memref<16x1024xf32, #tpu.memory_space<vmem>> -> memref<8x128xf32, #tpu.memory_space<vmem>>
    %dma_start3A_723 = arith.constant 0 : i32
    %dma_start3A_724 = tpu.memref_slice %arg7[%dma_start3A_723, %multiple_of3A_699] : memref<16x1000000xf32, #tpu.memory_space<hbm>> -> memref<8x128xf32, #tpu.memory_space<hbm>>
    %dma_start3A_725 = arith.constant 0 : i32
    %dma_start3A_726 = arith.constant 256 : i32
    %dma_start3A_727 = tpu.memref_slice %arg18[%dma_start3A_725, %dma_start3A_726] : memref<16x1024xf32, #tpu.memory_space<vmem>> -> memref<8x128xf32, #tpu.memory_space<vmem>>
    %dma_start3A_728 = arith.constant 0 : i32
    %dma_start3A_729 = tpu.memref_slice %arg7[%dma_start3A_728, %multiple_of3A_699] : memref<16x1000000xf32, #tpu.memory_space<hbm>> -> memref<8x128xf32, #tpu.memory_space<hbm>>
    tpu.enqueue_dma source(%dma_start3A_729 : memref<8x128xf32, #tpu.memory_space<hbm>>) target(%dma_start3A_727 : memref<8x128xf32, #tpu.memory_space<vmem>>) target_semaphore(%arg25 : memref<!tpu.dma_semaphore, #tpu.memory_space<semaphore_mem>>)
    %dma_start3A_730 = arith.constant 8 : i32
    %dma_start3A_731 = arith.constant 256 : i32
    %dma_start3A_732 = tpu.memref_slice %arg18[%dma_start3A_730, %dma_start3A_731] : memref<16x1024xf32, #tpu.memory_space<vmem>> -> memref<8x128xf32, #tpu.memory_space<vmem>>
    %dma_start3A_733 = arith.constant 8 : i32
    %dma_start3A_734 = tpu.memref_slice %arg7[%dma_start3A_733, %multiple_of3A_699] : memref<16x1000000xf32, #tpu.memory_space<hbm>> -> memref<8x128xf32, #tpu.memory_space<hbm>>
    %dma_start3A_735 = arith.constant 8 : i32
    %dma_start3A_736 = arith.constant 256 : i32
    %dma_start3A_737 = tpu.memref_slice %arg18[%dma_start3A_735, %dma_start3A_736] : memref<16x1024xf32, #tpu.memory_space<vmem>> -> memref<8x128xf32, #tpu.memory_space<vmem>>
    %dma_start3A_738 = arith.constant 8 : i32
    %dma_start3A_739 = tpu.memref_slice %arg7[%dma_start3A_738, %multiple_of3A_699] : memref<16x1000000xf32, #tpu.memory_space<hbm>> -> memref<8x128xf32, #tpu.memory_space<hbm>>
    tpu.enqueue_dma source(%dma_start3A_739 : memref<8x128xf32, #tpu.memory_space<hbm>>) target(%dma_start3A_737 : memref<8x128xf32, #tpu.memory_space<vmem>>) target_semaphore(%arg25 : memref<!tpu.dma_semaphore, #tpu.memory_space<semaphore_mem>>)
    %dma_start3A_740 = arith.constant 2 : i32
    %dma_start3A_741 = arith.constant 0 : i32
    %dma_start3A_742 = tpu.memref_slice %arg20[%dma_start3A_740, %dma_start3A_741] : memref<8x128xf32, #tpu.memory_space<vmem>> -> memref<1x128xf32, #tpu.memory_space<vmem>>
    %dma_start3A_743 = arith.constant 0 : i32
    %dma_start3A_744 = tpu.memref_slice %arg8[%dma_start3A_743, %multiple_of3A_696] : memref<1x1000000xf32, #tpu.memory_space<hbm>> -> memref<1x128xf32, #tpu.memory_space<hbm>>
    %dma_start3A_745 = arith.constant 2 : i32
    %dma_start3A_746 = arith.constant 0 : i32
    %dma_start3A_747 = tpu.memref_slice %arg20[%dma_start3A_745, %dma_start3A_746] : memref<8x128xf32, #tpu.memory_space<vmem>> -> memref<1x128xf32, #tpu.memory_space<vmem>>
    %dma_start3A_748 = arith.constant 0 : i32
    %dma_start3A_749 = tpu.memref_slice %arg8[%dma_start3A_748, %multiple_of3A_696] : memref<1x1000000xf32, #tpu.memory_space<hbm>> -> memref<1x128xf32, #tpu.memory_space<hbm>>
    tpu.enqueue_dma source(%dma_start3A_749 : memref<1x128xf32, #tpu.memory_space<hbm>>) target(%dma_start3A_747 : memref<1x128xf32, #tpu.memory_space<vmem>>) target_semaphore(%arg25 : memref<!tpu.dma_semaphore, #tpu.memory_space<semaphore_mem>>)
    %dma_start3A_750 = arith.constant 2 : i32
    %dma_start3A_751 = arith.constant 0 : i32
    %dma_start3A_752 = tpu.memref_slice %arg22[%dma_start3A_750, %dma_start3A_751] : memref<8x128xf32, #tpu.memory_space<vmem>> -> memref<1x128xf32, #tpu.memory_space<vmem>>
    %dma_start3A_753 = arith.constant 0 : i32
    %dma_start3A_754 = tpu.memref_slice %arg9[%dma_start3A_753, %multiple_of3A_699] : memref<1x1000000xf32, #tpu.memory_space<hbm>> -> memref<1x128xf32, #tpu.memory_space<hbm>>
    %dma_start3A_755 = arith.constant 2 : i32
    %dma_start3A_756 = arith.constant 0 : i32
    %dma_start3A_757 = tpu.memref_slice %arg22[%dma_start3A_755, %dma_start3A_756] : memref<8x128xf32, #tpu.memory_space<vmem>> -> memref<1x128xf32, #tpu.memory_space<vmem>>
    %dma_start3A_758 = arith.constant 0 : i32
    %dma_start3A_759 = tpu.memref_slice %arg9[%dma_start3A_758, %multiple_of3A_699] : memref<1x1000000xf32, #tpu.memory_space<hbm>> -> memref<1x128xf32, #tpu.memory_space<hbm>>
    tpu.enqueue_dma source(%dma_start3A_759 : memref<1x128xf32, #tpu.memory_space<hbm>>) target(%dma_start3A_757 : memref<1x128xf32, #tpu.memory_space<vmem>>) target_semaphore(%arg25 : memref<!tpu.dma_semaphore, #tpu.memory_space<semaphore_mem>>)
    %slice3A_760 = vector.extract_strided_slice %min3A_27 {offsets = [11], sizes = [1], strides = [1]} : vector<16xi32> to vector<1xi32>
    %squeeze3A_761 = vector.extract %slice3A_760[0] : i32 from vector<1xi32>
    %multiple_of3A_762 = tpu.assume_multiple %squeeze3A_761, 128 : i32
    %slice3A_763 = vector.extract_strided_slice %min3A_36 {offsets = [11], sizes = [1], strides = [1]} : vector<16xi32> to vector<1xi32>
    %squeeze3A_764 = vector.extract %slice3A_763[0] : i32 from vector<1xi32>
    %multiple_of3A_765 = tpu.assume_multiple %squeeze3A_764, 128 : i32
    %dma_start3A_766 = arith.constant 0 : i32
    %dma_start3A_767 = arith.constant 384 : i32
    %dma_start3A_768 = tpu.memref_slice %arg16[%dma_start3A_766, %dma_start3A_767] : memref<16x1024xf32, #tpu.memory_space<vmem>> -> memref<8x128xf32, #tpu.memory_space<vmem>>
    %dma_start3A_769 = arith.constant 0 : i32
    %dma_start3A_770 = tpu.memref_slice %arg6[%dma_start3A_769, %multiple_of3A_762] : memref<16x1000000xf32, #tpu.memory_space<hbm>> -> memref<8x128xf32, #tpu.memory_space<hbm>>
    %dma_start3A_771 = arith.constant 0 : i32
    %dma_start3A_772 = arith.constant 384 : i32
    %dma_start3A_773 = tpu.memref_slice %arg16[%dma_start3A_771, %dma_start3A_772] : memref<16x1024xf32, #tpu.memory_space<vmem>> -> memref<8x128xf32, #tpu.memory_space<vmem>>
    %dma_start3A_774 = arith.constant 0 : i32
    %dma_start3A_775 = tpu.memref_slice %arg6[%dma_start3A_774, %multiple_of3A_762] : memref<16x1000000xf32, #tpu.memory_space<hbm>> -> memref<8x128xf32, #tpu.memory_space<hbm>>
    tpu.enqueue_dma source(%dma_start3A_775 : memref<8x128xf32, #tpu.memory_space<hbm>>) target(%dma_start3A_773 : memref<8x128xf32, #tpu.memory_space<vmem>>) target_semaphore(%arg25 : memref<!tpu.dma_semaphore, #tpu.memory_space<semaphore_mem>>)
    %dma_start3A_776 = arith.constant 8 : i32
    %dma_start3A_777 = arith.constant 384 : i32
    %dma_start3A_778 = tpu.memref_slice %arg16[%dma_start3A_776, %dma_start3A_777] : memref<16x1024xf32, #tpu.memory_space<vmem>> -> memref<8x128xf32, #tpu.memory_space<vmem>>
    %dma_start3A_779 = arith.constant 8 : i32
    %dma_start3A_780 = tpu.memref_slice %arg6[%dma_start3A_779, %multiple_of3A_762] : memref<16x1000000xf32, #tpu.memory_space<hbm>> -> memref<8x128xf32, #tpu.memory_space<hbm>>
    %dma_start3A_781 = arith.constant 8 : i32
    %dma_start3A_782 = arith.constant 384 : i32
    %dma_start3A_783 = tpu.memref_slice %arg16[%dma_start3A_781, %dma_start3A_782] : memref<16x1024xf32, #tpu.memory_space<vmem>> -> memref<8x128xf32, #tpu.memory_space<vmem>>
    %dma_start3A_784 = arith.constant 8 : i32
    %dma_start3A_785 = tpu.memref_slice %arg6[%dma_start3A_784, %multiple_of3A_762] : memref<16x1000000xf32, #tpu.memory_space<hbm>> -> memref<8x128xf32, #tpu.memory_space<hbm>>
    tpu.enqueue_dma source(%dma_start3A_785 : memref<8x128xf32, #tpu.memory_space<hbm>>) target(%dma_start3A_783 : memref<8x128xf32, #tpu.memory_space<vmem>>) target_semaphore(%arg25 : memref<!tpu.dma_semaphore, #tpu.memory_space<semaphore_mem>>)
    %dma_start3A_786 = arith.constant 0 : i32
    %dma_start3A_787 = arith.constant 384 : i32
    %dma_start3A_788 = tpu.memref_slice %arg18[%dma_start3A_786, %dma_start3A_787] : memref<16x1024xf32, #tpu.memory_space<vmem>> -> memref<8x128xf32, #tpu.memory_space<vmem>>
    %dma_start3A_789 = arith.constant 0 : i32
    %dma_start3A_790 = tpu.memref_slice %arg7[%dma_start3A_789, %multiple_of3A_765] : memref<16x1000000xf32, #tpu.memory_space<hbm>> -> memref<8x128xf32, #tpu.memory_space<hbm>>
    %dma_start3A_791 = arith.constant 0 : i32
    %dma_start3A_792 = arith.constant 384 : i32
    %dma_start3A_793 = tpu.memref_slice %arg18[%dma_start3A_791, %dma_start3A_792] : memref<16x1024xf32, #tpu.memory_space<vmem>> -> memref<8x128xf32, #tpu.memory_space<vmem>>
    %dma_start3A_794 = arith.constant 0 : i32
    %dma_start3A_795 = tpu.memref_slice %arg7[%dma_start3A_794, %multiple_of3A_765] : memref<16x1000000xf32, #tpu.memory_space<hbm>> -> memref<8x128xf32, #tpu.memory_space<hbm>>
    tpu.enqueue_dma source(%dma_start3A_795 : memref<8x128xf32, #tpu.memory_space<hbm>>) target(%dma_start3A_793 : memref<8x128xf32, #tpu.memory_space<vmem>>) target_semaphore(%arg25 : memref<!tpu.dma_semaphore, #tpu.memory_space<semaphore_mem>>)
    %dma_start3A_796 = arith.constant 8 : i32
    %dma_start3A_797 = arith.constant 384 : i32
    %dma_start3A_798 = tpu.memref_slice %arg18[%dma_start3A_796, %dma_start3A_797] : memref<16x1024xf32, #tpu.memory_space<vmem>> -> memref<8x128xf32, #tpu.memory_space<vmem>>
    %dma_start3A_799 = arith.constant 8 : i32
    %dma_start3A_800 = tpu.memref_slice %arg7[%dma_start3A_799, %multiple_of3A_765] : memref<16x1000000xf32, #tpu.memory_space<hbm>> -> memref<8x128xf32, #tpu.memory_space<hbm>>
    %dma_start3A_801 = arith.constant 8 : i32
    %dma_start3A_802 = arith.constant 384 : i32
    %dma_start3A_803 = tpu.memref_slice %arg18[%dma_start3A_801, %dma_start3A_802] : memref<16x1024xf32, #tpu.memory_space<vmem>> -> memref<8x128xf32, #tpu.memory_space<vmem>>
    %dma_start3A_804 = arith.constant 8 : i32
    %dma_start3A_805 = tpu.memref_slice %arg7[%dma_start3A_804, %multiple_of3A_765] : memref<16x1000000xf32, #tpu.memory_space<hbm>> -> memref<8x128xf32, #tpu.memory_space<hbm>>
    tpu.enqueue_dma source(%dma_start3A_805 : memref<8x128xf32, #tpu.memory_space<hbm>>) target(%dma_start3A_803 : memref<8x128xf32, #tpu.memory_space<vmem>>) target_semaphore(%arg25 : memref<!tpu.dma_semaphore, #tpu.memory_space<semaphore_mem>>)
    %dma_start3A_806 = arith.constant 3 : i32
    %dma_start3A_807 = arith.constant 0 : i32
    %dma_start3A_808 = tpu.memref_slice %arg20[%dma_start3A_806, %dma_start3A_807] : memref<8x128xf32, #tpu.memory_space<vmem>> -> memref<1x128xf32, #tpu.memory_space<vmem>>
    %dma_start3A_809 = arith.constant 0 : i32
    %dma_start3A_810 = tpu.memref_slice %arg8[%dma_start3A_809, %multiple_of3A_762] : memref<1x1000000xf32, #tpu.memory_space<hbm>> -> memref<1x128xf32, #tpu.memory_space<hbm>>
    %dma_start3A_811 = arith.constant 3 : i32
    %dma_start3A_812 = arith.constant 0 : i32
    %dma_start3A_813 = tpu.memref_slice %arg20[%dma_start3A_811, %dma_start3A_812] : memref<8x128xf32, #tpu.memory_space<vmem>> -> memref<1x128xf32, #tpu.memory_space<vmem>>
    %dma_start3A_814 = arith.constant 0 : i32
    %dma_start3A_815 = tpu.memref_slice %arg8[%dma_start3A_814, %multiple_of3A_762] : memref<1x1000000xf32, #tpu.memory_space<hbm>> -> memref<1x128xf32, #tpu.memory_space<hbm>>
    tpu.enqueue_dma source(%dma_start3A_815 : memref<1x128xf32, #tpu.memory_space<hbm>>) target(%dma_start3A_813 : memref<1x128xf32, #tpu.memory_space<vmem>>) target_semaphore(%arg25 : memref<!tpu.dma_semaphore, #tpu.memory_space<semaphore_mem>>)
    %dma_start3A_816 = arith.constant 3 : i32
    %dma_start3A_817 = arith.constant 0 : i32
    %dma_start3A_818 = tpu.memref_slice %arg22[%dma_start3A_816, %dma_start3A_817] : memref<8x128xf32, #tpu.memory_space<vmem>> -> memref<1x128xf32, #tpu.memory_space<vmem>>
    %dma_start3A_819 = arith.constant 0 : i32
    %dma_start3A_820 = tpu.memref_slice %arg9[%dma_start3A_819, %multiple_of3A_765] : memref<1x1000000xf32, #tpu.memory_space<hbm>> -> memref<1x128xf32, #tpu.memory_space<hbm>>
    %dma_start3A_821 = arith.constant 3 : i32
    %dma_start3A_822 = arith.constant 0 : i32
    %dma_start3A_823 = tpu.memref_slice %arg22[%dma_start3A_821, %dma_start3A_822] : memref<8x128xf32, #tpu.memory_space<vmem>> -> memref<1x128xf32, #tpu.memory_space<vmem>>
    %dma_start3A_824 = arith.constant 0 : i32
    %dma_start3A_825 = tpu.memref_slice %arg9[%dma_start3A_824, %multiple_of3A_765] : memref<1x1000000xf32, #tpu.memory_space<hbm>> -> memref<1x128xf32, #tpu.memory_space<hbm>>
    tpu.enqueue_dma source(%dma_start3A_825 : memref<1x128xf32, #tpu.memory_space<hbm>>) target(%dma_start3A_823 : memref<1x128xf32, #tpu.memory_space<vmem>>) target_semaphore(%arg25 : memref<!tpu.dma_semaphore, #tpu.memory_space<semaphore_mem>>)
    %slice3A_826 = vector.extract_strided_slice %min3A_27 {offsets = [12], sizes = [1], strides = [1]} : vector<16xi32> to vector<1xi32>
    %squeeze3A_827 = vector.extract %slice3A_826[0] : i32 from vector<1xi32>
    %multiple_of3A_828 = tpu.assume_multiple %squeeze3A_827, 128 : i32
    %slice3A_829 = vector.extract_strided_slice %min3A_36 {offsets = [12], sizes = [1], strides = [1]} : vector<16xi32> to vector<1xi32>
    %squeeze3A_830 = vector.extract %slice3A_829[0] : i32 from vector<1xi32>
    %multiple_of3A_831 = tpu.assume_multiple %squeeze3A_830, 128 : i32
    %dma_start3A_832 = arith.constant 0 : i32
    %dma_start3A_833 = arith.constant 512 : i32
    %dma_start3A_834 = tpu.memref_slice %arg16[%dma_start3A_832, %dma_start3A_833] : memref<16x1024xf32, #tpu.memory_space<vmem>> -> memref<8x128xf32, #tpu.memory_space<vmem>>
    %dma_start3A_835 = arith.constant 0 : i32
    %dma_start3A_836 = tpu.memref_slice %arg6[%dma_start3A_835, %multiple_of3A_828] : memref<16x1000000xf32, #tpu.memory_space<hbm>> -> memref<8x128xf32, #tpu.memory_space<hbm>>
    %dma_start3A_837 = arith.constant 0 : i32
    %dma_start3A_838 = arith.constant 512 : i32
    %dma_start3A_839 = tpu.memref_slice %arg16[%dma_start3A_837, %dma_start3A_838] : memref<16x1024xf32, #tpu.memory_space<vmem>> -> memref<8x128xf32, #tpu.memory_space<vmem>>
    %dma_start3A_840 = arith.constant 0 : i32
    %dma_start3A_841 = tpu.memref_slice %arg6[%dma_start3A_840, %multiple_of3A_828] : memref<16x1000000xf32, #tpu.memory_space<hbm>> -> memref<8x128xf32, #tpu.memory_space<hbm>>
    tpu.enqueue_dma source(%dma_start3A_841 : memref<8x128xf32, #tpu.memory_space<hbm>>) target(%dma_start3A_839 : memref<8x128xf32, #tpu.memory_space<vmem>>) target_semaphore(%arg25 : memref<!tpu.dma_semaphore, #tpu.memory_space<semaphore_mem>>)
    %dma_start3A_842 = arith.constant 8 : i32
    %dma_start3A_843 = arith.constant 512 : i32
    %dma_start3A_844 = tpu.memref_slice %arg16[%dma_start3A_842, %dma_start3A_843] : memref<16x1024xf32, #tpu.memory_space<vmem>> -> memref<8x128xf32, #tpu.memory_space<vmem>>
    %dma_start3A_845 = arith.constant 8 : i32
    %dma_start3A_846 = tpu.memref_slice %arg6[%dma_start3A_845, %multiple_of3A_828] : memref<16x1000000xf32, #tpu.memory_space<hbm>> -> memref<8x128xf32, #tpu.memory_space<hbm>>
    %dma_start3A_847 = arith.constant 8 : i32
    %dma_start3A_848 = arith.constant 512 : i32
    %dma_start3A_849 = tpu.memref_slice %arg16[%dma_start3A_847, %dma_start3A_848] : memref<16x1024xf32, #tpu.memory_space<vmem>> -> memref<8x128xf32, #tpu.memory_space<vmem>>
    %dma_start3A_850 = arith.constant 8 : i32
    %dma_start3A_851 = tpu.memref_slice %arg6[%dma_start3A_850, %multiple_of3A_828] : memref<16x1000000xf32, #tpu.memory_space<hbm>> -> memref<8x128xf32, #tpu.memory_space<hbm>>
    tpu.enqueue_dma source(%dma_start3A_851 : memref<8x128xf32, #tpu.memory_space<hbm>>) target(%dma_start3A_849 : memref<8x128xf32, #tpu.memory_space<vmem>>) target_semaphore(%arg25 : memref<!tpu.dma_semaphore, #tpu.memory_space<semaphore_mem>>)
    %dma_start3A_852 = arith.constant 0 : i32
    %dma_start3A_853 = arith.constant 512 : i32
    %dma_start3A_854 = tpu.memref_slice %arg18[%dma_start3A_852, %dma_start3A_853] : memref<16x1024xf32, #tpu.memory_space<vmem>> -> memref<8x128xf32, #tpu.memory_space<vmem>>
    %dma_start3A_855 = arith.constant 0 : i32
    %dma_start3A_856 = tpu.memref_slice %arg7[%dma_start3A_855, %multiple_of3A_831] : memref<16x1000000xf32, #tpu.memory_space<hbm>> -> memref<8x128xf32, #tpu.memory_space<hbm>>
    %dma_start3A_857 = arith.constant 0 : i32
    %dma_start3A_858 = arith.constant 512 : i32
    %dma_start3A_859 = tpu.memref_slice %arg18[%dma_start3A_857, %dma_start3A_858] : memref<16x1024xf32, #tpu.memory_space<vmem>> -> memref<8x128xf32, #tpu.memory_space<vmem>>
    %dma_start3A_860 = arith.constant 0 : i32
    %dma_start3A_861 = tpu.memref_slice %arg7[%dma_start3A_860, %multiple_of3A_831] : memref<16x1000000xf32, #tpu.memory_space<hbm>> -> memref<8x128xf32, #tpu.memory_space<hbm>>
    tpu.enqueue_dma source(%dma_start3A_861 : memref<8x128xf32, #tpu.memory_space<hbm>>) target(%dma_start3A_859 : memref<8x128xf32, #tpu.memory_space<vmem>>) target_semaphore(%arg25 : memref<!tpu.dma_semaphore, #tpu.memory_space<semaphore_mem>>)
    %dma_start3A_862 = arith.constant 8 : i32
    %dma_start3A_863 = arith.constant 512 : i32
    %dma_start3A_864 = tpu.memref_slice %arg18[%dma_start3A_862, %dma_start3A_863] : memref<16x1024xf32, #tpu.memory_space<vmem>> -> memref<8x128xf32, #tpu.memory_space<vmem>>
    %dma_start3A_865 = arith.constant 8 : i32
    %dma_start3A_866 = tpu.memref_slice %arg7[%dma_start3A_865, %multiple_of3A_831] : memref<16x1000000xf32, #tpu.memory_space<hbm>> -> memref<8x128xf32, #tpu.memory_space<hbm>>
    %dma_start3A_867 = arith.constant 8 : i32
    %dma_start3A_868 = arith.constant 512 : i32
    %dma_start3A_869 = tpu.memref_slice %arg18[%dma_start3A_867, %dma_start3A_868] : memref<16x1024xf32, #tpu.memory_space<vmem>> -> memref<8x128xf32, #tpu.memory_space<vmem>>
    %dma_start3A_870 = arith.constant 8 : i32
    %dma_start3A_871 = tpu.memref_slice %arg7[%dma_start3A_870, %multiple_of3A_831] : memref<16x1000000xf32, #tpu.memory_space<hbm>> -> memref<8x128xf32, #tpu.memory_space<hbm>>
    tpu.enqueue_dma source(%dma_start3A_871 : memref<8x128xf32, #tpu.memory_space<hbm>>) target(%dma_start3A_869 : memref<8x128xf32, #tpu.memory_space<vmem>>) target_semaphore(%arg25 : memref<!tpu.dma_semaphore, #tpu.memory_space<semaphore_mem>>)
    %dma_start3A_872 = arith.constant 4 : i32
    %dma_start3A_873 = arith.constant 0 : i32
    %dma_start3A_874 = tpu.memref_slice %arg20[%dma_start3A_872, %dma_start3A_873] : memref<8x128xf32, #tpu.memory_space<vmem>> -> memref<1x128xf32, #tpu.memory_space<vmem>>
    %dma_start3A_875 = arith.constant 0 : i32
    %dma_start3A_876 = tpu.memref_slice %arg8[%dma_start3A_875, %multiple_of3A_828] : memref<1x1000000xf32, #tpu.memory_space<hbm>> -> memref<1x128xf32, #tpu.memory_space<hbm>>
    %dma_start3A_877 = arith.constant 4 : i32
    %dma_start3A_878 = arith.constant 0 : i32
    %dma_start3A_879 = tpu.memref_slice %arg20[%dma_start3A_877, %dma_start3A_878] : memref<8x128xf32, #tpu.memory_space<vmem>> -> memref<1x128xf32, #tpu.memory_space<vmem>>
    %dma_start3A_880 = arith.constant 0 : i32
    %dma_start3A_881 = tpu.memref_slice %arg8[%dma_start3A_880, %multiple_of3A_828] : memref<1x1000000xf32, #tpu.memory_space<hbm>> -> memref<1x128xf32, #tpu.memory_space<hbm>>
    tpu.enqueue_dma source(%dma_start3A_881 : memref<1x128xf32, #tpu.memory_space<hbm>>) target(%dma_start3A_879 : memref<1x128xf32, #tpu.memory_space<vmem>>) target_semaphore(%arg25 : memref<!tpu.dma_semaphore, #tpu.memory_space<semaphore_mem>>)
    %dma_start3A_882 = arith.constant 4 : i32
    %dma_start3A_883 = arith.constant 0 : i32
    %dma_start3A_884 = tpu.memref_slice %arg22[%dma_start3A_882, %dma_start3A_883] : memref<8x128xf32, #tpu.memory_space<vmem>> -> memref<1x128xf32, #tpu.memory_space<vmem>>
    %dma_start3A_885 = arith.constant 0 : i32
    %dma_start3A_886 = tpu.memref_slice %arg9[%dma_start3A_885, %multiple_of3A_831] : memref<1x1000000xf32, #tpu.memory_space<hbm>> -> memref<1x128xf32, #tpu.memory_space<hbm>>
    %dma_start3A_887 = arith.constant 4 : i32
    %dma_start3A_888 = arith.constant 0 : i32
    %dma_start3A_889 = tpu.memref_slice %arg22[%dma_start3A_887, %dma_start3A_888] : memref<8x128xf32, #tpu.memory_space<vmem>> -> memref<1x128xf32, #tpu.memory_space<vmem>>
    %dma_start3A_890 = arith.constant 0 : i32
    %dma_start3A_891 = tpu.memref_slice %arg9[%dma_start3A_890, %multiple_of3A_831] : memref<1x1000000xf32, #tpu.memory_space<hbm>> -> memref<1x128xf32, #tpu.memory_space<hbm>>
    tpu.enqueue_dma source(%dma_start3A_891 : memref<1x128xf32, #tpu.memory_space<hbm>>) target(%dma_start3A_889 : memref<1x128xf32, #tpu.memory_space<vmem>>) target_semaphore(%arg25 : memref<!tpu.dma_semaphore, #tpu.memory_space<semaphore_mem>>)
    %slice3A_892 = vector.extract_strided_slice %min3A_27 {offsets = [13], sizes = [1], strides = [1]} : vector<16xi32> to vector<1xi32>
    %squeeze3A_893 = vector.extract %slice3A_892[0] : i32 from vector<1xi32>
    %multiple_of3A_894 = tpu.assume_multiple %squeeze3A_893, 128 : i32
    %slice3A_895 = vector.extract_strided_slice %min3A_36 {offsets = [13], sizes = [1], strides = [1]} : vector<16xi32> to vector<1xi32>
    %squeeze3A_896 = vector.extract %slice3A_895[0] : i32 from vector<1xi32>
    %multiple_of3A_897 = tpu.assume_multiple %squeeze3A_896, 128 : i32
    %dma_start3A_898 = arith.constant 0 : i32
    %dma_start3A_899 = arith.constant 640 : i32
    %dma_start3A_900 = tpu.memref_slice %arg16[%dma_start3A_898, %dma_start3A_899] : memref<16x1024xf32, #tpu.memory_space<vmem>> -> memref<8x128xf32, #tpu.memory_space<vmem>>
    %dma_start3A_901 = arith.constant 0 : i32
    %dma_start3A_902 = tpu.memref_slice %arg6[%dma_start3A_901, %multiple_of3A_894] : memref<16x1000000xf32, #tpu.memory_space<hbm>> -> memref<8x128xf32, #tpu.memory_space<hbm>>
    %dma_start3A_903 = arith.constant 0 : i32
    %dma_start3A_904 = arith.constant 640 : i32
    %dma_start3A_905 = tpu.memref_slice %arg16[%dma_start3A_903, %dma_start3A_904] : memref<16x1024xf32, #tpu.memory_space<vmem>> -> memref<8x128xf32, #tpu.memory_space<vmem>>
    %dma_start3A_906 = arith.constant 0 : i32
    %dma_start3A_907 = tpu.memref_slice %arg6[%dma_start3A_906, %multiple_of3A_894] : memref<16x1000000xf32, #tpu.memory_space<hbm>> -> memref<8x128xf32, #tpu.memory_space<hbm>>
    tpu.enqueue_dma source(%dma_start3A_907 : memref<8x128xf32, #tpu.memory_space<hbm>>) target(%dma_start3A_905 : memref<8x128xf32, #tpu.memory_space<vmem>>) target_semaphore(%arg25 : memref<!tpu.dma_semaphore, #tpu.memory_space<semaphore_mem>>)
    %dma_start3A_908 = arith.constant 8 : i32
    %dma_start3A_909 = arith.constant 640 : i32
    %dma_start3A_910 = tpu.memref_slice %arg16[%dma_start3A_908, %dma_start3A_909] : memref<16x1024xf32, #tpu.memory_space<vmem>> -> memref<8x128xf32, #tpu.memory_space<vmem>>
    %dma_start3A_911 = arith.constant 8 : i32
    %dma_start3A_912 = tpu.memref_slice %arg6[%dma_start3A_911, %multiple_of3A_894] : memref<16x1000000xf32, #tpu.memory_space<hbm>> -> memref<8x128xf32, #tpu.memory_space<hbm>>
    %dma_start3A_913 = arith.constant 8 : i32
    %dma_start3A_914 = arith.constant 640 : i32
    %dma_start3A_915 = tpu.memref_slice %arg16[%dma_start3A_913, %dma_start3A_914] : memref<16x1024xf32, #tpu.memory_space<vmem>> -> memref<8x128xf32, #tpu.memory_space<vmem>>
    %dma_start3A_916 = arith.constant 8 : i32
    %dma_start3A_917 = tpu.memref_slice %arg6[%dma_start3A_916, %multiple_of3A_894] : memref<16x1000000xf32, #tpu.memory_space<hbm>> -> memref<8x128xf32, #tpu.memory_space<hbm>>
    tpu.enqueue_dma source(%dma_start3A_917 : memref<8x128xf32, #tpu.memory_space<hbm>>) target(%dma_start3A_915 : memref<8x128xf32, #tpu.memory_space<vmem>>) target_semaphore(%arg25 : memref<!tpu.dma_semaphore, #tpu.memory_space<semaphore_mem>>)
    %dma_start3A_918 = arith.constant 0 : i32
    %dma_start3A_919 = arith.constant 640 : i32
    %dma_start3A_920 = tpu.memref_slice %arg18[%dma_start3A_918, %dma_start3A_919] : memref<16x1024xf32, #tpu.memory_space<vmem>> -> memref<8x128xf32, #tpu.memory_space<vmem>>
    %dma_start3A_921 = arith.constant 0 : i32
    %dma_start3A_922 = tpu.memref_slice %arg7[%dma_start3A_921, %multiple_of3A_897] : memref<16x1000000xf32, #tpu.memory_space<hbm>> -> memref<8x128xf32, #tpu.memory_space<hbm>>
    %dma_start3A_923 = arith.constant 0 : i32
    %dma_start3A_924 = arith.constant 640 : i32
    %dma_start3A_925 = tpu.memref_slice %arg18[%dma_start3A_923, %dma_start3A_924] : memref<16x1024xf32, #tpu.memory_space<vmem>> -> memref<8x128xf32, #tpu.memory_space<vmem>>
    %dma_start3A_926 = arith.constant 0 : i32
    %dma_start3A_927 = tpu.memref_slice %arg7[%dma_start3A_926, %multiple_of3A_897] : memref<16x1000000xf32, #tpu.memory_space<hbm>> -> memref<8x128xf32, #tpu.memory_space<hbm>>
    tpu.enqueue_dma source(%dma_start3A_927 : memref<8x128xf32, #tpu.memory_space<hbm>>) target(%dma_start3A_925 : memref<8x128xf32, #tpu.memory_space<vmem>>) target_semaphore(%arg25 : memref<!tpu.dma_semaphore, #tpu.memory_space<semaphore_mem>>)
    %dma_start3A_928 = arith.constant 8 : i32
    %dma_start3A_929 = arith.constant 640 : i32
    %dma_start3A_930 = tpu.memref_slice %arg18[%dma_start3A_928, %dma_start3A_929] : memref<16x1024xf32, #tpu.memory_space<vmem>> -> memref<8x128xf32, #tpu.memory_space<vmem>>
    %dma_start3A_931 = arith.constant 8 : i32
    %dma_start3A_932 = tpu.memref_slice %arg7[%dma_start3A_931, %multiple_of3A_897] : memref<16x1000000xf32, #tpu.memory_space<hbm>> -> memref<8x128xf32, #tpu.memory_space<hbm>>
    %dma_start3A_933 = arith.constant 8 : i32
    %dma_start3A_934 = arith.constant 640 : i32
    %dma_start3A_935 = tpu.memref_slice %arg18[%dma_start3A_933, %dma_start3A_934] : memref<16x1024xf32, #tpu.memory_space<vmem>> -> memref<8x128xf32, #tpu.memory_space<vmem>>
    %dma_start3A_936 = arith.constant 8 : i32
    %dma_start3A_937 = tpu.memref_slice %arg7[%dma_start3A_936, %multiple_of3A_897] : memref<16x1000000xf32, #tpu.memory_space<hbm>> -> memref<8x128xf32, #tpu.memory_space<hbm>>
    tpu.enqueue_dma source(%dma_start3A_937 : memref<8x128xf32, #tpu.memory_space<hbm>>) target(%dma_start3A_935 : memref<8x128xf32, #tpu.memory_space<vmem>>) target_semaphore(%arg25 : memref<!tpu.dma_semaphore, #tpu.memory_space<semaphore_mem>>)
    %dma_start3A_938 = arith.constant 5 : i32
    %dma_start3A_939 = arith.constant 0 : i32
    %dma_start3A_940 = tpu.memref_slice %arg20[%dma_start3A_938, %dma_start3A_939] : memref<8x128xf32, #tpu.memory_space<vmem>> -> memref<1x128xf32, #tpu.memory_space<vmem>>
    %dma_start3A_941 = arith.constant 0 : i32
    %dma_start3A_942 = tpu.memref_slice %arg8[%dma_start3A_941, %multiple_of3A_894] : memref<1x1000000xf32, #tpu.memory_space<hbm>> -> memref<1x128xf32, #tpu.memory_space<hbm>>
    %dma_start3A_943 = arith.constant 5 : i32
    %dma_start3A_944 = arith.constant 0 : i32
    %dma_start3A_945 = tpu.memref_slice %arg20[%dma_start3A_943, %dma_start3A_944] : memref<8x128xf32, #tpu.memory_space<vmem>> -> memref<1x128xf32, #tpu.memory_space<vmem>>
    %dma_start3A_946 = arith.constant 0 : i32
    %dma_start3A_947 = tpu.memref_slice %arg8[%dma_start3A_946, %multiple_of3A_894] : memref<1x1000000xf32, #tpu.memory_space<hbm>> -> memref<1x128xf32, #tpu.memory_space<hbm>>
    tpu.enqueue_dma source(%dma_start3A_947 : memref<1x128xf32, #tpu.memory_space<hbm>>) target(%dma_start3A_945 : memref<1x128xf32, #tpu.memory_space<vmem>>) target_semaphore(%arg25 : memref<!tpu.dma_semaphore, #tpu.memory_space<semaphore_mem>>)
    %dma_start3A_948 = arith.constant 5 : i32
    %dma_start3A_949 = arith.constant 0 : i32
    %dma_start3A_950 = tpu.memref_slice %arg22[%dma_start3A_948, %dma_start3A_949] : memref<8x128xf32, #tpu.memory_space<vmem>> -> memref<1x128xf32, #tpu.memory_space<vmem>>
    %dma_start3A_951 = arith.constant 0 : i32
    %dma_start3A_952 = tpu.memref_slice %arg9[%dma_start3A_951, %multiple_of3A_897] : memref<1x1000000xf32, #tpu.memory_space<hbm>> -> memref<1x128xf32, #tpu.memory_space<hbm>>
    %dma_start3A_953 = arith.constant 5 : i32
    %dma_start3A_954 = arith.constant 0 : i32
    %dma_start3A_955 = tpu.memref_slice %arg22[%dma_start3A_953, %dma_start3A_954] : memref<8x128xf32, #tpu.memory_space<vmem>> -> memref<1x128xf32, #tpu.memory_space<vmem>>
    %dma_start3A_956 = arith.constant 0 : i32
    %dma_start3A_957 = tpu.memref_slice %arg9[%dma_start3A_956, %multiple_of3A_897] : memref<1x1000000xf32, #tpu.memory_space<hbm>> -> memref<1x128xf32, #tpu.memory_space<hbm>>
    tpu.enqueue_dma source(%dma_start3A_957 : memref<1x128xf32, #tpu.memory_space<hbm>>) target(%dma_start3A_955 : memref<1x128xf32, #tpu.memory_space<vmem>>) target_semaphore(%arg25 : memref<!tpu.dma_semaphore, #tpu.memory_space<semaphore_mem>>)
    %slice3A_958 = vector.extract_strided_slice %min3A_27 {offsets = [14], sizes = [1], strides = [1]} : vector<16xi32> to vector<1xi32>
    %squeeze3A_959 = vector.extract %slice3A_958[0] : i32 from vector<1xi32>
    %multiple_of3A_960 = tpu.assume_multiple %squeeze3A_959, 128 : i32
    %slice3A_961 = vector.extract_strided_slice %min3A_36 {offsets = [14], sizes = [1], strides = [1]} : vector<16xi32> to vector<1xi32>
    %squeeze3A_962 = vector.extract %slice3A_961[0] : i32 from vector<1xi32>
    %multiple_of3A_963 = tpu.assume_multiple %squeeze3A_962, 128 : i32
    %dma_start3A_964 = arith.constant 0 : i32
    %dma_start3A_965 = arith.constant 768 : i32
    %dma_start3A_966 = tpu.memref_slice %arg16[%dma_start3A_964, %dma_start3A_965] : memref<16x1024xf32, #tpu.memory_space<vmem>> -> memref<8x128xf32, #tpu.memory_space<vmem>>
    %dma_start3A_967 = arith.constant 0 : i32
    %dma_start3A_968 = tpu.memref_slice %arg6[%dma_start3A_967, %multiple_of3A_960] : memref<16x1000000xf32, #tpu.memory_space<hbm>> -> memref<8x128xf32, #tpu.memory_space<hbm>>
    %dma_start3A_969 = arith.constant 0 : i32
    %dma_start3A_970 = arith.constant 768 : i32
    %dma_start3A_971 = tpu.memref_slice %arg16[%dma_start3A_969, %dma_start3A_970] : memref<16x1024xf32, #tpu.memory_space<vmem>> -> memref<8x128xf32, #tpu.memory_space<vmem>>
    %dma_start3A_972 = arith.constant 0 : i32
    %dma_start3A_973 = tpu.memref_slice %arg6[%dma_start3A_972, %multiple_of3A_960] : memref<16x1000000xf32, #tpu.memory_space<hbm>> -> memref<8x128xf32, #tpu.memory_space<hbm>>
    tpu.enqueue_dma source(%dma_start3A_973 : memref<8x128xf32, #tpu.memory_space<hbm>>) target(%dma_start3A_971 : memref<8x128xf32, #tpu.memory_space<vmem>>) target_semaphore(%arg25 : memref<!tpu.dma_semaphore, #tpu.memory_space<semaphore_mem>>)
    %dma_start3A_974 = arith.constant 8 : i32
    %dma_start3A_975 = arith.constant 768 : i32
    %dma_start3A_976 = tpu.memref_slice %arg16[%dma_start3A_974, %dma_start3A_975] : memref<16x1024xf32, #tpu.memory_space<vmem>> -> memref<8x128xf32, #tpu.memory_space<vmem>>
    %dma_start3A_977 = arith.constant 8 : i32
    %dma_start3A_978 = tpu.memref_slice %arg6[%dma_start3A_977, %multiple_of3A_960] : memref<16x1000000xf32, #tpu.memory_space<hbm>> -> memref<8x128xf32, #tpu.memory_space<hbm>>
    %dma_start3A_979 = arith.constant 8 : i32
    %dma_start3A_980 = arith.constant 768 : i32
    %dma_start3A_981 = tpu.memref_slice %arg16[%dma_start3A_979, %dma_start3A_980] : memref<16x1024xf32, #tpu.memory_space<vmem>> -> memref<8x128xf32, #tpu.memory_space<vmem>>
    %dma_start3A_982 = arith.constant 8 : i32
    %dma_start3A_983 = tpu.memref_slice %arg6[%dma_start3A_982, %multiple_of3A_960] : memref<16x1000000xf32, #tpu.memory_space<hbm>> -> memref<8x128xf32, #tpu.memory_space<hbm>>
    tpu.enqueue_dma source(%dma_start3A_983 : memref<8x128xf32, #tpu.memory_space<hbm>>) target(%dma_start3A_981 : memref<8x128xf32, #tpu.memory_space<vmem>>) target_semaphore(%arg25 : memref<!tpu.dma_semaphore, #tpu.memory_space<semaphore_mem>>)
    %dma_start3A_984 = arith.constant 0 : i32
    %dma_start3A_985 = arith.constant 768 : i32
    %dma_start3A_986 = tpu.memref_slice %arg18[%dma_start3A_984, %dma_start3A_985] : memref<16x1024xf32, #tpu.memory_space<vmem>> -> memref<8x128xf32, #tpu.memory_space<vmem>>
    %dma_start3A_987 = arith.constant 0 : i32
    %dma_start3A_988 = tpu.memref_slice %arg7[%dma_start3A_987, %multiple_of3A_963] : memref<16x1000000xf32, #tpu.memory_space<hbm>> -> memref<8x128xf32, #tpu.memory_space<hbm>>
    %dma_start3A_989 = arith.constant 0 : i32
    %dma_start3A_990 = arith.constant 768 : i32
    %dma_start3A_991 = tpu.memref_slice %arg18[%dma_start3A_989, %dma_start3A_990] : memref<16x1024xf32, #tpu.memory_space<vmem>> -> memref<8x128xf32, #tpu.memory_space<vmem>>
    %dma_start3A_992 = arith.constant 0 : i32
    %dma_start3A_993 = tpu.memref_slice %arg7[%dma_start3A_992, %multiple_of3A_963] : memref<16x1000000xf32, #tpu.memory_space<hbm>> -> memref<8x128xf32, #tpu.memory_space<hbm>>
    tpu.enqueue_dma source(%dma_start3A_993 : memref<8x128xf32, #tpu.memory_space<hbm>>) target(%dma_start3A_991 : memref<8x128xf32, #tpu.memory_space<vmem>>) target_semaphore(%arg25 : memref<!tpu.dma_semaphore, #tpu.memory_space<semaphore_mem>>)
    %dma_start3A_994 = arith.constant 8 : i32
    %dma_start3A_995 = arith.constant 768 : i32
    %dma_start3A_996 = tpu.memref_slice %arg18[%dma_start3A_994, %dma_start3A_995] : memref<16x1024xf32, #tpu.memory_space<vmem>> -> memref<8x128xf32, #tpu.memory_space<vmem>>
    %dma_start3A_997 = arith.constant 8 : i32
    %dma_start3A_998 = tpu.memref_slice %arg7[%dma_start3A_997, %multiple_of3A_963] : memref<16x1000000xf32, #tpu.memory_space<hbm>> -> memref<8x128xf32, #tpu.memory_space<hbm>>
    %dma_start3A_999 = arith.constant 8 : i32
    %dma_start3A_1000 = arith.constant 768 : i32
    %dma_start3A_1001 = tpu.memref_slice %arg18[%dma_start3A_999, %dma_start3A_1000] : memref<16x1024xf32, #tpu.memory_space<vmem>> -> memref<8x128xf32, #tpu.memory_space<vmem>>
    %dma_start3A_1002 = arith.constant 8 : i32
    %dma_start3A_1003 = tpu.memref_slice %arg7[%dma_start3A_1002, %multiple_of3A_963] : memref<16x1000000xf32, #tpu.memory_space<hbm>> -> memref<8x128xf32, #tpu.memory_space<hbm>>
    tpu.enqueue_dma source(%dma_start3A_1003 : memref<8x128xf32, #tpu.memory_space<hbm>>) target(%dma_start3A_1001 : memref<8x128xf32, #tpu.memory_space<vmem>>) target_semaphore(%arg25 : memref<!tpu.dma_semaphore, #tpu.memory_space<semaphore_mem>>)
    %dma_start3A_1004 = arith.constant 6 : i32
    %dma_start3A_1005 = arith.constant 0 : i32
    %dma_start3A_1006 = tpu.memref_slice %arg20[%dma_start3A_1004, %dma_start3A_1005] : memref<8x128xf32, #tpu.memory_space<vmem>> -> memref<1x128xf32, #tpu.memory_space<vmem>>
    %dma_start3A_1007 = arith.constant 0 : i32
    %dma_start3A_1008 = tpu.memref_slice %arg8[%dma_start3A_1007, %multiple_of3A_960] : memref<1x1000000xf32, #tpu.memory_space<hbm>> -> memref<1x128xf32, #tpu.memory_space<hbm>>
    %dma_start3A_1009 = arith.constant 6 : i32
    %dma_start3A_1010 = arith.constant 0 : i32
    %dma_start3A_1011 = tpu.memref_slice %arg20[%dma_start3A_1009, %dma_start3A_1010] : memref<8x128xf32, #tpu.memory_space<vmem>> -> memref<1x128xf32, #tpu.memory_space<vmem>>
    %dma_start3A_1012 = arith.constant 0 : i32
    %dma_start3A_1013 = tpu.memref_slice %arg8[%dma_start3A_1012, %multiple_of3A_960] : memref<1x1000000xf32, #tpu.memory_space<hbm>> -> memref<1x128xf32, #tpu.memory_space<hbm>>
    tpu.enqueue_dma source(%dma_start3A_1013 : memref<1x128xf32, #tpu.memory_space<hbm>>) target(%dma_start3A_1011 : memref<1x128xf32, #tpu.memory_space<vmem>>) target_semaphore(%arg25 : memref<!tpu.dma_semaphore, #tpu.memory_space<semaphore_mem>>)
    %dma_start3A_1014 = arith.constant 6 : i32
    %dma_start3A_1015 = arith.constant 0 : i32
    %dma_start3A_1016 = tpu.memref_slice %arg22[%dma_start3A_1014, %dma_start3A_1015] : memref<8x128xf32, #tpu.memory_space<vmem>> -> memref<1x128xf32, #tpu.memory_space<vmem>>
    %dma_start3A_1017 = arith.constant 0 : i32
    %dma_start3A_1018 = tpu.memref_slice %arg9[%dma_start3A_1017, %multiple_of3A_963] : memref<1x1000000xf32, #tpu.memory_space<hbm>> -> memref<1x128xf32, #tpu.memory_space<hbm>>
    %dma_start3A_1019 = arith.constant 6 : i32
    %dma_start3A_1020 = arith.constant 0 : i32
    %dma_start3A_1021 = tpu.memref_slice %arg22[%dma_start3A_1019, %dma_start3A_1020] : memref<8x128xf32, #tpu.memory_space<vmem>> -> memref<1x128xf32, #tpu.memory_space<vmem>>
    %dma_start3A_1022 = arith.constant 0 : i32
    %dma_start3A_1023 = tpu.memref_slice %arg9[%dma_start3A_1022, %multiple_of3A_963] : memref<1x1000000xf32, #tpu.memory_space<hbm>> -> memref<1x128xf32, #tpu.memory_space<hbm>>
    tpu.enqueue_dma source(%dma_start3A_1023 : memref<1x128xf32, #tpu.memory_space<hbm>>) target(%dma_start3A_1021 : memref<1x128xf32, #tpu.memory_space<vmem>>) target_semaphore(%arg25 : memref<!tpu.dma_semaphore, #tpu.memory_space<semaphore_mem>>)
    %slice3A_1024 = vector.extract_strided_slice %min3A_27 {offsets = [15], sizes = [1], strides = [1]} : vector<16xi32> to vector<1xi32>
    %squeeze3A_1025 = vector.extract %slice3A_1024[0] : i32 from vector<1xi32>
    %multiple_of3A_1026 = tpu.assume_multiple %squeeze3A_1025, 128 : i32
    %slice3A_1027 = vector.extract_strided_slice %min3A_36 {offsets = [15], sizes = [1], strides = [1]} : vector<16xi32> to vector<1xi32>
    %squeeze3A_1028 = vector.extract %slice3A_1027[0] : i32 from vector<1xi32>
    %multiple_of3A_1029 = tpu.assume_multiple %squeeze3A_1028, 128 : i32
    %dma_start3A_1030 = arith.constant 0 : i32
    %dma_start3A_1031 = arith.constant 896 : i32
    %dma_start3A_1032 = tpu.memref_slice %arg16[%dma_start3A_1030, %dma_start3A_1031] : memref<16x1024xf32, #tpu.memory_space<vmem>> -> memref<8x128xf32, #tpu.memory_space<vmem>>
    %dma_start3A_1033 = arith.constant 0 : i32
    %dma_start3A_1034 = tpu.memref_slice %arg6[%dma_start3A_1033, %multiple_of3A_1026] : memref<16x1000000xf32, #tpu.memory_space<hbm>> -> memref<8x128xf32, #tpu.memory_space<hbm>>
    %dma_start3A_1035 = arith.constant 0 : i32
    %dma_start3A_1036 = arith.constant 896 : i32
    %dma_start3A_1037 = tpu.memref_slice %arg16[%dma_start3A_1035, %dma_start3A_1036] : memref<16x1024xf32, #tpu.memory_space<vmem>> -> memref<8x128xf32, #tpu.memory_space<vmem>>
    %dma_start3A_1038 = arith.constant 0 : i32
    %dma_start3A_1039 = tpu.memref_slice %arg6[%dma_start3A_1038, %multiple_of3A_1026] : memref<16x1000000xf32, #tpu.memory_space<hbm>> -> memref<8x128xf32, #tpu.memory_space<hbm>>
    tpu.enqueue_dma source(%dma_start3A_1039 : memref<8x128xf32, #tpu.memory_space<hbm>>) target(%dma_start3A_1037 : memref<8x128xf32, #tpu.memory_space<vmem>>) target_semaphore(%arg25 : memref<!tpu.dma_semaphore, #tpu.memory_space<semaphore_mem>>)
    %dma_start3A_1040 = arith.constant 8 : i32
    %dma_start3A_1041 = arith.constant 896 : i32
    %dma_start3A_1042 = tpu.memref_slice %arg16[%dma_start3A_1040, %dma_start3A_1041] : memref<16x1024xf32, #tpu.memory_space<vmem>> -> memref<8x128xf32, #tpu.memory_space<vmem>>
    %dma_start3A_1043 = arith.constant 8 : i32
    %dma_start3A_1044 = tpu.memref_slice %arg6[%dma_start3A_1043, %multiple_of3A_1026] : memref<16x1000000xf32, #tpu.memory_space<hbm>> -> memref<8x128xf32, #tpu.memory_space<hbm>>
    %dma_start3A_1045 = arith.constant 8 : i32
    %dma_start3A_1046 = arith.constant 896 : i32
    %dma_start3A_1047 = tpu.memref_slice %arg16[%dma_start3A_1045, %dma_start3A_1046] : memref<16x1024xf32, #tpu.memory_space<vmem>> -> memref<8x128xf32, #tpu.memory_space<vmem>>
    %dma_start3A_1048 = arith.constant 8 : i32
    %dma_start3A_1049 = tpu.memref_slice %arg6[%dma_start3A_1048, %multiple_of3A_1026] : memref<16x1000000xf32, #tpu.memory_space<hbm>> -> memref<8x128xf32, #tpu.memory_space<hbm>>
    tpu.enqueue_dma source(%dma_start3A_1049 : memref<8x128xf32, #tpu.memory_space<hbm>>) target(%dma_start3A_1047 : memref<8x128xf32, #tpu.memory_space<vmem>>) target_semaphore(%arg25 : memref<!tpu.dma_semaphore, #tpu.memory_space<semaphore_mem>>)
    %dma_start3A_1050 = arith.constant 0 : i32
    %dma_start3A_1051 = arith.constant 896 : i32
    %dma_start3A_1052 = tpu.memref_slice %arg18[%dma_start3A_1050, %dma_start3A_1051] : memref<16x1024xf32, #tpu.memory_space<vmem>> -> memref<8x128xf32, #tpu.memory_space<vmem>>
    %dma_start3A_1053 = arith.constant 0 : i32
    %dma_start3A_1054 = tpu.memref_slice %arg7[%dma_start3A_1053, %multiple_of3A_1029] : memref<16x1000000xf32, #tpu.memory_space<hbm>> -> memref<8x128xf32, #tpu.memory_space<hbm>>
    %dma_start3A_1055 = arith.constant 0 : i32
    %dma_start3A_1056 = arith.constant 896 : i32
    %dma_start3A_1057 = tpu.memref_slice %arg18[%dma_start3A_1055, %dma_start3A_1056] : memref<16x1024xf32, #tpu.memory_space<vmem>> -> memref<8x128xf32, #tpu.memory_space<vmem>>
    %dma_start3A_1058 = arith.constant 0 : i32
    %dma_start3A_1059 = tpu.memref_slice %arg7[%dma_start3A_1058, %multiple_of3A_1029] : memref<16x1000000xf32, #tpu.memory_space<hbm>> -> memref<8x128xf32, #tpu.memory_space<hbm>>
    tpu.enqueue_dma source(%dma_start3A_1059 : memref<8x128xf32, #tpu.memory_space<hbm>>) target(%dma_start3A_1057 : memref<8x128xf32, #tpu.memory_space<vmem>>) target_semaphore(%arg25 : memref<!tpu.dma_semaphore, #tpu.memory_space<semaphore_mem>>)
    %dma_start3A_1060 = arith.constant 8 : i32
    %dma_start3A_1061 = arith.constant 896 : i32
    %dma_start3A_1062 = tpu.memref_slice %arg18[%dma_start3A_1060, %dma_start3A_1061] : memref<16x1024xf32, #tpu.memory_space<vmem>> -> memref<8x128xf32, #tpu.memory_space<vmem>>
    %dma_start3A_1063 = arith.constant 8 : i32
    %dma_start3A_1064 = tpu.memref_slice %arg7[%dma_start3A_1063, %multiple_of3A_1029] : memref<16x1000000xf32, #tpu.memory_space<hbm>> -> memref<8x128xf32, #tpu.memory_space<hbm>>
    %dma_start3A_1065 = arith.constant 8 : i32
    %dma_start3A_1066 = arith.constant 896 : i32
    %dma_start3A_1067 = tpu.memref_slice %arg18[%dma_start3A_1065, %dma_start3A_1066] : memref<16x1024xf32, #tpu.memory_space<vmem>> -> memref<8x128xf32, #tpu.memory_space<vmem>>
    %dma_start3A_1068 = arith.constant 8 : i32
    %dma_start3A_1069 = tpu.memref_slice %arg7[%dma_start3A_1068, %multiple_of3A_1029] : memref<16x1000000xf32, #tpu.memory_space<hbm>> -> memref<8x128xf32, #tpu.memory_space<hbm>>
    tpu.enqueue_dma source(%dma_start3A_1069 : memref<8x128xf32, #tpu.memory_space<hbm>>) target(%dma_start3A_1067 : memref<8x128xf32, #tpu.memory_space<vmem>>) target_semaphore(%arg25 : memref<!tpu.dma_semaphore, #tpu.memory_space<semaphore_mem>>)
    %dma_start3A_1070 = arith.constant 7 : i32
    %dma_start3A_1071 = arith.constant 0 : i32
    %dma_start3A_1072 = tpu.memref_slice %arg20[%dma_start3A_1070, %dma_start3A_1071] : memref<8x128xf32, #tpu.memory_space<vmem>> -> memref<1x128xf32, #tpu.memory_space<vmem>>
    %dma_start3A_1073 = arith.constant 0 : i32
    %dma_start3A_1074 = tpu.memref_slice %arg8[%dma_start3A_1073, %multiple_of3A_1026] : memref<1x1000000xf32, #tpu.memory_space<hbm>> -> memref<1x128xf32, #tpu.memory_space<hbm>>
    %dma_start3A_1075 = arith.constant 7 : i32
    %dma_start3A_1076 = arith.constant 0 : i32
    %dma_start3A_1077 = tpu.memref_slice %arg20[%dma_start3A_1075, %dma_start3A_1076] : memref<8x128xf32, #tpu.memory_space<vmem>> -> memref<1x128xf32, #tpu.memory_space<vmem>>
    %dma_start3A_1078 = arith.constant 0 : i32
    %dma_start3A_1079 = tpu.memref_slice %arg8[%dma_start3A_1078, %multiple_of3A_1026] : memref<1x1000000xf32, #tpu.memory_space<hbm>> -> memref<1x128xf32, #tpu.memory_space<hbm>>
    tpu.enqueue_dma source(%dma_start3A_1079 : memref<1x128xf32, #tpu.memory_space<hbm>>) target(%dma_start3A_1077 : memref<1x128xf32, #tpu.memory_space<vmem>>) target_semaphore(%arg25 : memref<!tpu.dma_semaphore, #tpu.memory_space<semaphore_mem>>)
    %dma_start3A_1080 = arith.constant 7 : i32
    %dma_start3A_1081 = arith.constant 0 : i32
    %dma_start3A_1082 = tpu.memref_slice %arg22[%dma_start3A_1080, %dma_start3A_1081] : memref<8x128xf32, #tpu.memory_space<vmem>> -> memref<1x128xf32, #tpu.memory_space<vmem>>
    %dma_start3A_1083 = arith.constant 0 : i32
    %dma_start3A_1084 = tpu.memref_slice %arg9[%dma_start3A_1083, %multiple_of3A_1029] : memref<1x1000000xf32, #tpu.memory_space<hbm>> -> memref<1x128xf32, #tpu.memory_space<hbm>>
    %dma_start3A_1085 = arith.constant 7 : i32
    %dma_start3A_1086 = arith.constant 0 : i32
    %dma_start3A_1087 = tpu.memref_slice %arg22[%dma_start3A_1085, %dma_start3A_1086] : memref<8x128xf32, #tpu.memory_space<vmem>> -> memref<1x128xf32, #tpu.memory_space<vmem>>
    %dma_start3A_1088 = arith.constant 0 : i32
    %dma_start3A_1089 = tpu.memref_slice %arg9[%dma_start3A_1088, %multiple_of3A_1029] : memref<1x1000000xf32, #tpu.memory_space<hbm>> -> memref<1x128xf32, #tpu.memory_space<hbm>>
    tpu.enqueue_dma source(%dma_start3A_1089 : memref<1x128xf32, #tpu.memory_space<hbm>>) target(%dma_start3A_1087 : memref<1x128xf32, #tpu.memory_space<vmem>>) target_semaphore(%arg25 : memref<!tpu.dma_semaphore, #tpu.memory_space<semaphore_mem>>)
    %broadcast_in_dim3A = arith.constant 0.000000e+00 : f32
    %broadcast_in_dim3A_1090 = vector.broadcast %broadcast_in_dim3A : f32 to vector<16xf32>
    %scan3A = arith.constant 0 : i32
    %scan3A_1091 = arith.constant 32 : i32
    %scan3A_1092 = arith.addi %scan3A, %scan3A_1091 : i32
    %scan3A_1093 = arith.constant 1 : i32
    %scan3A_1094:5 = scf.for %scan3A_1097 = %scan3A to %scan3A_1092 step %scan3A_1093 iter_args(%scan3A_1098 = %get3A_19, %scan3A_1099 = %get3A_21, %scan3A_1100 = %min3A_27, %scan3A_1101 = %min3A_36, %scan3A_1102 = %broadcast_in_dim3A_1090) -> (vector<16xi32>, vector<16xi32>, vector<16xi32>, vector<16xi32>, vector<16xf32>)  : i32 {
      %add3A_1103 = arith.constant 1 : i32
      %add3A_1104 = arith.addi %scan3A_1097, %add3A_1103 : i32
      %min3A_1105 = arith.constant 31 : i32
      %min3A_1106 = arith.minsi %add3A_1104, %min3A_1105 : i32
      %mul3A_1107 = arith.constant 16 : i32
      %mul3A_1108 = arith.muli %min3A_1106, %mul3A_1107 : i32
      %get3A_1109 = arith.index_cast %mul3A_1108 : i32 to index
      %get3A_1110 = tpu.vector_load %arg11[%get3A_1109] {strides = array<i32>} : memref<512xi32, #tpu.memory_space<vmem>>, vector<16xi32>,
      %get3A_1111 = arith.index_cast %mul3A_1108 : i32 to index
      %get3A_1112 = tpu.vector_load %arg12[%get3A_1111] {strides = array<i32>} : memref<512xi32, #tpu.memory_space<vmem>>, vector<16xi32>,
      %shift_right_logical3A_1113 = arith.constant 7 : i32
      %shift_right_logical3A_1114 = vector.broadcast %shift_right_logical3A_1113 : i32 to vector<16xi32>
      %shift_right_logical3A_1115 = arith.shrui %get3A_1110, %shift_right_logical3A_1114 : vector<16xi32>
      %shift_left3A_1116 = arith.constant 7 : i32
      %shift_left3A_1117 = vector.broadcast %shift_left3A_1116 : i32 to vector<16xi32>
      %shift_left3A_1118 = arith.shli %shift_right_logical3A_1115, %shift_left3A_1117 : vector<16xi32>
      %min3A_1119 = arith.constant 999872 : i32
      %min3A_1120 = vector.broadcast %min3A_1119 : i32 to vector<16xi32>
      %min3A_1121 = arith.minsi %shift_left3A_1118, %min3A_1120 : vector<16xi32>
      %shift_right_logical3A_1122 = arith.constant 7 : i32
      %shift_right_logical3A_1123 = vector.broadcast %shift_right_logical3A_1122 : i32 to vector<16xi32>
      %shift_right_logical3A_1124 = arith.shrui %get3A_1112, %shift_right_logical3A_1123 : vector<16xi32>
      %shift_left3A_1125 = arith.constant 7 : i32
      %shift_left3A_1126 = vector.broadcast %shift_left3A_1125 : i32 to vector<16xi32>
      %shift_left3A_1127 = arith.shli %shift_right_logical3A_1124, %shift_left3A_1126 : vector<16xi32>
      %min3A_1128 = arith.constant 999872 : i32
      %min3A_1129 = vector.broadcast %min3A_1128 : i32 to vector<16xi32>
      %min3A_1130 = arith.minsi %shift_left3A_1127, %min3A_1129 : vector<16xi32>
      %dma_wait3A_1131 = arith.constant 0 : i32
      %dma_wait3A_1132 = arith.constant 0 : i32
      %dma_wait3A_1133 = tpu.memref_slice %arg6[%dma_wait3A_1131, %dma_wait3A_1132] : memref<16x1000000xf32, #tpu.memory_space<hbm>> -> memref<16x1024xf32, #tpu.memory_space<hbm>>
      %dma_wait3A_1134 = arith.constant 0 : i32
      %dma_wait3A_1135 = arith.constant 0 : i32
      %dma_wait3A_1136 = tpu.memref_slice %arg6[%dma_wait3A_1134, %dma_wait3A_1135] : memref<16x1000000xf32, #tpu.memory_space<hbm>> -> memref<16x1024xf32, #tpu.memory_space<hbm>>
      tpu.wait_dma2 semaphore(%arg24 : memref<!tpu.dma_semaphore, #tpu.memory_space<semaphore_mem>>) src(%dma_wait3A_1136 : memref<16x1024xf32, #tpu.memory_space<hbm>>) dst(%arg15 : memref<16x1024xf32, #tpu.memory_space<vmem>>)
      %dma_wait3A_1137 = arith.constant 0 : i32
      %dma_wait3A_1138 = arith.constant 0 : i32
      %dma_wait3A_1139 = tpu.memref_slice %arg7[%dma_wait3A_1137, %dma_wait3A_1138] : memref<16x1000000xf32, #tpu.memory_space<hbm>> -> memref<16x1024xf32, #tpu.memory_space<hbm>>
      %dma_wait3A_1140 = arith.constant 0 : i32
      %dma_wait3A_1141 = arith.constant 0 : i32
      %dma_wait3A_1142 = tpu.memref_slice %arg7[%dma_wait3A_1140, %dma_wait3A_1141] : memref<16x1000000xf32, #tpu.memory_space<hbm>> -> memref<16x1024xf32, #tpu.memory_space<hbm>>
      tpu.wait_dma2 semaphore(%arg24 : memref<!tpu.dma_semaphore, #tpu.memory_space<semaphore_mem>>) src(%dma_wait3A_1142 : memref<16x1024xf32, #tpu.memory_space<hbm>>) dst(%arg17 : memref<16x1024xf32, #tpu.memory_space<vmem>>)
      %dma_wait3A_1143 = arith.constant 0 : i32
      %dma_wait3A_1144 = arith.constant 0 : i32
      %dma_wait3A_1145 = tpu.memref_slice %arg6[%dma_wait3A_1143, %dma_wait3A_1144] : memref<16x1000000xf32, #tpu.memory_space<hbm>> -> memref<8x128xf32, #tpu.memory_space<hbm>>
      %dma_wait3A_1146 = arith.constant 0 : i32
      %dma_wait3A_1147 = arith.constant 0 : i32
      %dma_wait3A_1148 = tpu.memref_slice %arg6[%dma_wait3A_1146, %dma_wait3A_1147] : memref<16x1000000xf32, #tpu.memory_space<hbm>> -> memref<8x128xf32, #tpu.memory_space<hbm>>
      tpu.wait_dma2 semaphore(%arg24 : memref<!tpu.dma_semaphore, #tpu.memory_space<semaphore_mem>>) src(%dma_wait3A_1148 : memref<8x128xf32, #tpu.memory_space<hbm>>) dst(%arg19 : memref<8x128xf32, #tpu.memory_space<vmem>>)
      %dma_wait3A_1149 = arith.constant 0 : i32
      %dma_wait3A_1150 = arith.constant 0 : i32
      %dma_wait3A_1151 = tpu.memref_slice %arg6[%dma_wait3A_1149, %dma_wait3A_1150] : memref<16x1000000xf32, #tpu.memory_space<hbm>> -> memref<8x128xf32, #tpu.memory_space<hbm>>
      %dma_wait3A_1152 = arith.constant 0 : i32
      %dma_wait3A_1153 = arith.constant 0 : i32
      %dma_wait3A_1154 = tpu.memref_slice %arg6[%dma_wait3A_1152, %dma_wait3A_1153] : memref<16x1000000xf32, #tpu.memory_space<hbm>> -> memref<8x128xf32, #tpu.memory_space<hbm>>
      tpu.wait_dma2 semaphore(%arg24 : memref<!tpu.dma_semaphore, #tpu.memory_space<semaphore_mem>>) src(%dma_wait3A_1154 : memref<8x128xf32, #tpu.memory_space<hbm>>) dst(%arg21 : memref<8x128xf32, #tpu.memory_space<vmem>>)
      %mul3A_1155 = arith.constant 16 : i32
      %mul3A_1156 = arith.muli %scan3A_1097, %mul3A_1155 : i32
      %add3A_1157 = arith.constant 0 : i32
      %add3A_1158 = arith.addi %mul3A_1156, %add3A_1157 : i32
      %add3A_1159 = vector.broadcast %add3A_1158 : i32 to vector<16xi32>
      %add3A_1160 = arith.addi %add3A_1159, %and3A_18 : vector<16xi32>
      %gather3A = tpu.vector_load_idx %arg11[%add3A_1160] : memref<512xi32, #tpu.memory_space<vmem>>[vector<16xi32>], vector<16xi32>,
      %gather3A_1161 = tpu.vector_load_idx %arg12[%add3A_1160] : memref<512xi32, #tpu.memory_space<vmem>>[vector<16xi32>], vector<16xi32>,
      %shift_right_logical3A_1162 = arith.constant 7 : i32
      %shift_right_logical3A_1163 = vector.broadcast %shift_right_logical3A_1162 : i32 to vector<16xi32>
      %shift_right_logical3A_1164 = arith.shrui %gather3A, %shift_right_logical3A_1163 : vector<16xi32>
      %shift_left3A_1165 = arith.constant 7 : i32
      %shift_left3A_1166 = vector.broadcast %shift_left3A_1165 : i32 to vector<16xi32>
      %shift_left3A_1167 = arith.shli %shift_right_logical3A_1164, %shift_left3A_1166 : vector<16xi32>
      %min3A_1168 = arith.constant 999872 : i32
      %min3A_1169 = vector.broadcast %min3A_1168 : i32 to vector<16xi32>
      %min3A_1170 = arith.minsi %shift_left3A_1167, %min3A_1169 : vector<16xi32>
      %sub3A = arith.subi %gather3A, %min3A_1170 : vector<16xi32>
      %shift_right_logical3A_1171 = arith.constant 7 : i32
      %shift_right_logical3A_1172 = vector.broadcast %shift_right_logical3A_1171 : i32 to vector<16xi32>
      %shift_right_logical3A_1173 = arith.shrui %gather3A_1161, %shift_right_logical3A_1172 : vector<16xi32>
      %shift_left3A_1174 = arith.constant 7 : i32
      %shift_left3A_1175 = vector.broadcast %shift_left3A_1174 : i32 to vector<16xi32>
      %shift_left3A_1176 = arith.shli %shift_right_logical3A_1173, %shift_left3A_1175 : vector<16xi32>
      %min3A_1177 = arith.constant 999872 : i32
      %min3A_1178 = vector.broadcast %min3A_1177 : i32 to vector<16xi32>
      %min3A_1179 = arith.minsi %shift_left3A_1176, %min3A_1178 : vector<16xi32>
      %sub3A_1180 = arith.subi %gather3A_1161, %min3A_1179 : vector<16xi32>
      %mul3A_1181 = arith.constant 128 : i32
      %mul3A_1182 = vector.broadcast %mul3A_1181 : i32 to vector<16xi32>
      %mul3A_1183 = arith.muli %and3A_18, %mul3A_1182 : vector<16xi32>
      %add3A_1184 = arith.addi %mul3A_1183, %sub3A : vector<16xi32>
      %mul3A_1185 = arith.constant 128 : i32
      %mul3A_1186 = vector.broadcast %mul3A_1185 : i32 to vector<16xi32>
      %mul3A_1187 = arith.muli %and3A_18, %mul3A_1186 : vector<16xi32>
      %add3A_1188 = arith.addi %mul3A_1187, %sub3A_1180 : vector<16xi32>
      %broadcast_in_dim3A_1189 = arith.constant 0.000000e+00 : f32
      %broadcast_in_dim3A_1190 = vector.broadcast %broadcast_in_dim3A_1189 : f32 to vector<16xf32>
      %broadcast_in_dim3A_1191 = arith.constant 0 : i32
      %broadcast_in_dim3A_1192 = vector.broadcast %broadcast_in_dim3A_1191 : i32 to vector<16xi32>
      %gather3A_1193 = tpu.vector_load_idx %arg15[%broadcast_in_dim3A_1192, %add3A_1184] : memref<16x1024xf32, #tpu.memory_space<vmem>>[vector<16xi32>, vector<16xi32>], vector<16xf32>,
      %gather3A_1194 = tpu.vector_load_idx %arg17[%broadcast_in_dim3A_1192, %add3A_1188] : memref<16x1024xf32, #tpu.memory_space<vmem>>[vector<16xi32>, vector<16xi32>], vector<16xf32>,
      %mul3A_1195 = arith.mulf %gather3A_1193, %gather3A_1194 : vector<16xf32>
      %add3A_1196 = arith.addf %broadcast_in_dim3A_1190, %mul3A_1195 : vector<16xf32>
      %broadcast_in_dim3A_1197 = arith.constant 1 : i32
      %broadcast_in_dim3A_1198 = vector.broadcast %broadcast_in_dim3A_1197 : i32 to vector<16xi32>
      %gather3A_1199 = tpu.vector_load_idx %arg15[%broadcast_in_dim3A_1198, %add3A_1184] : memref<16x1024xf32, #tpu.memory_space<vmem>>[vector<16xi32>, vector<16xi32>], vector<16xf32>,
      %gather3A_1200 = tpu.vector_load_idx %arg17[%broadcast_in_dim3A_1198, %add3A_1188] : memref<16x1024xf32, #tpu.memory_space<vmem>>[vector<16xi32>, vector<16xi32>], vector<16xf32>,
      %mul3A_1201 = arith.mulf %gather3A_1199, %gather3A_1200 : vector<16xf32>
      %add3A_1202 = arith.addf %add3A_1196, %mul3A_1201 : vector<16xf32>
      %broadcast_in_dim3A_1203 = arith.constant 2 : i32
      %broadcast_in_dim3A_1204 = vector.broadcast %broadcast_in_dim3A_1203 : i32 to vector<16xi32>
      %gather3A_1205 = tpu.vector_load_idx %arg15[%broadcast_in_dim3A_1204, %add3A_1184] : memref<16x1024xf32, #tpu.memory_space<vmem>>[vector<16xi32>, vector<16xi32>], vector<16xf32>,
      %gather3A_1206 = tpu.vector_load_idx %arg17[%broadcast_in_dim3A_1204, %add3A_1188] : memref<16x1024xf32, #tpu.memory_space<vmem>>[vector<16xi32>, vector<16xi32>], vector<16xf32>,
      %mul3A_1207 = arith.mulf %gather3A_1205, %gather3A_1206 : vector<16xf32>
      %add3A_1208 = arith.addf %add3A_1202, %mul3A_1207 : vector<16xf32>
      %broadcast_in_dim3A_1209 = arith.constant 3 : i32
      %broadcast_in_dim3A_1210 = vector.broadcast %broadcast_in_dim3A_1209 : i32 to vector<16xi32>
      %gather3A_1211 = tpu.vector_load_idx %arg15[%broadcast_in_dim3A_1210, %add3A_1184] : memref<16x1024xf32, #tpu.memory_space<vmem>>[vector<16xi32>, vector<16xi32>], vector<16xf32>,
      %gather3A_1212 = tpu.vector_load_idx %arg17[%broadcast_in_dim3A_1210, %add3A_1188] : memref<16x1024xf32, #tpu.memory_space<vmem>>[vector<16xi32>, vector<16xi32>], vector<16xf32>,
      %mul3A_1213 = arith.mulf %gather3A_1211, %gather3A_1212 : vector<16xf32>
      %add3A_1214 = arith.addf %add3A_1208, %mul3A_1213 : vector<16xf32>
      %broadcast_in_dim3A_1215 = arith.constant 4 : i32
      %broadcast_in_dim3A_1216 = vector.broadcast %broadcast_in_dim3A_1215 : i32 to vector<16xi32>
      %gather3A_1217 = tpu.vector_load_idx %arg15[%broadcast_in_dim3A_1216, %add3A_1184] : memref<16x1024xf32, #tpu.memory_space<vmem>>[vector<16xi32>, vector<16xi32>], vector<16xf32>,
      %gather3A_1218 = tpu.vector_load_idx %arg17[%broadcast_in_dim3A_1216, %add3A_1188] : memref<16x1024xf32, #tpu.memory_space<vmem>>[vector<16xi32>, vector<16xi32>], vector<16xf32>,
      %mul3A_1219 = arith.mulf %gather3A_1217, %gather3A_1218 : vector<16xf32>
      %add3A_1220 = arith.addf %add3A_1214, %mul3A_1219 : vector<16xf32>
      %broadcast_in_dim3A_1221 = arith.constant 5 : i32
      %broadcast_in_dim3A_1222 = vector.broadcast %broadcast_in_dim3A_1221 : i32 to vector<16xi32>
      %gather3A_1223 = tpu.vector_load_idx %arg15[%broadcast_in_dim3A_1222, %add3A_1184] : memref<16x1024xf32, #tpu.memory_space<vmem>>[vector<16xi32>, vector<16xi32>], vector<16xf32>,
      %gather3A_1224 = tpu.vector_load_idx %arg17[%broadcast_in_dim3A_1222, %add3A_1188] : memref<16x1024xf32, #tpu.memory_space<vmem>>[vector<16xi32>, vector<16xi32>], vector<16xf32>,
      %mul3A_1225 = arith.mulf %gather3A_1223, %gather3A_1224 : vector<16xf32>
      %add3A_1226 = arith.addf %add3A_1220, %mul3A_1225 : vector<16xf32>
      %broadcast_in_dim3A_1227 = arith.constant 6 : i32
      %broadcast_in_dim3A_1228 = vector.broadcast %broadcast_in_dim3A_1227 : i32 to vector<16xi32>
      %gather3A_1229 = tpu.vector_load_idx %arg15[%broadcast_in_dim3A_1228, %add3A_1184] : memref<16x1024xf32, #tpu.memory_space<vmem>>[vector<16xi32>, vector<16xi32>], vector<16xf32>,
      %gather3A_1230 = tpu.vector_load_idx %arg17[%broadcast_in_dim3A_1228, %add3A_1188] : memref<16x1024xf32, #tpu.memory_space<vmem>>[vector<16xi32>, vector<16xi32>], vector<16xf32>,
      %mul3A_1231 = arith.mulf %gather3A_1229, %gather3A_1230 : vector<16xf32>
      %add3A_1232 = arith.addf %add3A_1226, %mul3A_1231 : vector<16xf32>
      %broadcast_in_dim3A_1233 = arith.constant 7 : i32
      %broadcast_in_dim3A_1234 = vector.broadcast %broadcast_in_dim3A_1233 : i32 to vector<16xi32>
      %gather3A_1235 = tpu.vector_load_idx %arg15[%broadcast_in_dim3A_1234, %add3A_1184] : memref<16x1024xf32, #tpu.memory_space<vmem>>[vector<16xi32>, vector<16xi32>], vector<16xf32>,
      %gather3A_1236 = tpu.vector_load_idx %arg17[%broadcast_in_dim3A_1234, %add3A_1188] : memref<16x1024xf32, #tpu.memory_space<vmem>>[vector<16xi32>, vector<16xi32>], vector<16xf32>,
      %mul3A_1237 = arith.mulf %gather3A_1235, %gather3A_1236 : vector<16xf32>
      %add3A_1238 = arith.addf %add3A_1232, %mul3A_1237 : vector<16xf32>
      %broadcast_in_dim3A_1239 = arith.constant 8 : i32
      %broadcast_in_dim3A_1240 = vector.broadcast %broadcast_in_dim3A_1239 : i32 to vector<16xi32>
      %gather3A_1241 = tpu.vector_load_idx %arg15[%broadcast_in_dim3A_1240, %add3A_1184] : memref<16x1024xf32, #tpu.memory_space<vmem>>[vector<16xi32>, vector<16xi32>], vector<16xf32>,
      %gather3A_1242 = tpu.vector_load_idx %arg17[%broadcast_in_dim3A_1240, %add3A_1188] : memref<16x1024xf32, #tpu.memory_space<vmem>>[vector<16xi32>, vector<16xi32>], vector<16xf32>,
      %mul3A_1243 = arith.mulf %gather3A_1241, %gather3A_1242 : vector<16xf32>
      %add3A_1244 = arith.addf %add3A_1238, %mul3A_1243 : vector<16xf32>
      %broadcast_in_dim3A_1245 = arith.constant 9 : i32
      %broadcast_in_dim3A_1246 = vector.broadcast %broadcast_in_dim3A_1245 : i32 to vector<16xi32>
      %gather3A_1247 = tpu.vector_load_idx %arg15[%broadcast_in_dim3A_1246, %add3A_1184] : memref<16x1024xf32, #tpu.memory_space<vmem>>[vector<16xi32>, vector<16xi32>], vector<16xf32>,
      %gather3A_1248 = tpu.vector_load_idx %arg17[%broadcast_in_dim3A_1246, %add3A_1188] : memref<16x1024xf32, #tpu.memory_space<vmem>>[vector<16xi32>, vector<16xi32>], vector<16xf32>,
      %mul3A_1249 = arith.mulf %gather3A_1247, %gather3A_1248 : vector<16xf32>
      %add3A_1250 = arith.addf %add3A_1244, %mul3A_1249 : vector<16xf32>
      %broadcast_in_dim3A_1251 = arith.constant 10 : i32
      %broadcast_in_dim3A_1252 = vector.broadcast %broadcast_in_dim3A_1251 : i32 to vector<16xi32>
      %gather3A_1253 = tpu.vector_load_idx %arg15[%broadcast_in_dim3A_1252, %add3A_1184] : memref<16x1024xf32, #tpu.memory_space<vmem>>[vector<16xi32>, vector<16xi32>], vector<16xf32>,
      %gather3A_1254 = tpu.vector_load_idx %arg17[%broadcast_in_dim3A_1252, %add3A_1188] : memref<16x1024xf32, #tpu.memory_space<vmem>>[vector<16xi32>, vector<16xi32>], vector<16xf32>,
      %mul3A_1255 = arith.mulf %gather3A_1253, %gather3A_1254 : vector<16xf32>
      %add3A_1256 = arith.addf %add3A_1250, %mul3A_1255 : vector<16xf32>
      %broadcast_in_dim3A_1257 = arith.constant 11 : i32
      %broadcast_in_dim3A_1258 = vector.broadcast %broadcast_in_dim3A_1257 : i32 to vector<16xi32>
      %gather3A_1259 = tpu.vector_load_idx %arg15[%broadcast_in_dim3A_1258, %add3A_1184] : memref<16x1024xf32, #tpu.memory_space<vmem>>[vector<16xi32>, vector<16xi32>], vector<16xf32>,
      %gather3A_1260 = tpu.vector_load_idx %arg17[%broadcast_in_dim3A_1258, %add3A_1188] : memref<16x1024xf32, #tpu.memory_space<vmem>>[vector<16xi32>, vector<16xi32>], vector<16xf32>,
      %mul3A_1261 = arith.mulf %gather3A_1259, %gather3A_1260 : vector<16xf32>
      %add3A_1262 = arith.addf %add3A_1256, %mul3A_1261 : vector<16xf32>
      %broadcast_in_dim3A_1263 = arith.constant 12 : i32
      %broadcast_in_dim3A_1264 = vector.broadcast %broadcast_in_dim3A_1263 : i32 to vector<16xi32>
      %gather3A_1265 = tpu.vector_load_idx %arg15[%broadcast_in_dim3A_1264, %add3A_1184] : memref<16x1024xf32, #tpu.memory_space<vmem>>[vector<16xi32>, vector<16xi32>], vector<16xf32>,
      %gather3A_1266 = tpu.vector_load_idx %arg17[%broadcast_in_dim3A_1264, %add3A_1188] : memref<16x1024xf32, #tpu.memory_space<vmem>>[vector<16xi32>, vector<16xi32>], vector<16xf32>,
      %mul3A_1267 = arith.mulf %gather3A_1265, %gather3A_1266 : vector<16xf32>
      %add3A_1268 = arith.addf %add3A_1262, %mul3A_1267 : vector<16xf32>
      %broadcast_in_dim3A_1269 = arith.constant 13 : i32
      %broadcast_in_dim3A_1270 = vector.broadcast %broadcast_in_dim3A_1269 : i32 to vector<16xi32>
      %gather3A_1271 = tpu.vector_load_idx %arg15[%broadcast_in_dim3A_1270, %add3A_1184] : memref<16x1024xf32, #tpu.memory_space<vmem>>[vector<16xi32>, vector<16xi32>], vector<16xf32>,
      %gather3A_1272 = tpu.vector_load_idx %arg17[%broadcast_in_dim3A_1270, %add3A_1188] : memref<16x1024xf32, #tpu.memory_space<vmem>>[vector<16xi32>, vector<16xi32>], vector<16xf32>,
      %mul3A_1273 = arith.mulf %gather3A_1271, %gather3A_1272 : vector<16xf32>
      %add3A_1274 = arith.addf %add3A_1268, %mul3A_1273 : vector<16xf32>
      %broadcast_in_dim3A_1275 = arith.constant 14 : i32
      %broadcast_in_dim3A_1276 = vector.broadcast %broadcast_in_dim3A_1275 : i32 to vector<16xi32>
      %gather3A_1277 = tpu.vector_load_idx %arg15[%broadcast_in_dim3A_1276, %add3A_1184] : memref<16x1024xf32, #tpu.memory_space<vmem>>[vector<16xi32>, vector<16xi32>], vector<16xf32>,
      %gather3A_1278 = tpu.vector_load_idx %arg17[%broadcast_in_dim3A_1276, %add3A_1188] : memref<16x1024xf32, #tpu.memory_space<vmem>>[vector<16xi32>, vector<16xi32>], vector<16xf32>,
      %mul3A_1279 = arith.mulf %gather3A_1277, %gather3A_1278 : vector<16xf32>
      %add3A_1280 = arith.addf %add3A_1274, %mul3A_1279 : vector<16xf32>
      %broadcast_in_dim3A_1281 = arith.constant 15 : i32
      %broadcast_in_dim3A_1282 = vector.broadcast %broadcast_in_dim3A_1281 : i32 to vector<16xi32>
      %gather3A_1283 = tpu.vector_load_idx %arg15[%broadcast_in_dim3A_1282, %add3A_1184] : memref<16x1024xf32, #tpu.memory_space<vmem>>[vector<16xi32>, vector<16xi32>], vector<16xf32>,
      %gather3A_1284 = tpu.vector_load_idx %arg17[%broadcast_in_dim3A_1282, %add3A_1188] : memref<16x1024xf32, #tpu.memory_space<vmem>>[vector<16xi32>, vector<16xi32>], vector<16xf32>,
      %mul3A_1285 = arith.mulf %gather3A_1283, %gather3A_1284 : vector<16xf32>
      %add3A_1286 = arith.addf %add3A_1280, %mul3A_1285 : vector<16xf32>
      %gather3A_1287 = tpu.vector_load_idx %arg19[%and3A_18, %sub3A] : memref<8x128xf32, #tpu.memory_space<vmem>>[vector<16xi32>, vector<16xi32>], vector<16xf32>,
      %gather3A_1288 = tpu.vector_load_idx %arg21[%and3A_18, %sub3A_1180] : memref<8x128xf32, #tpu.memory_space<vmem>>[vector<16xi32>, vector<16xi32>], vector<16xf32>,
      %gather3A_1289 = tpu.vector_load_idx %arg13[%add3A_1160] : memref<512xf32, #tpu.memory_space<vmem>>[vector<16xi32>], vector<16xf32>,
      %gather3A_1290 = tpu.vector_load_idx %arg14[%add3A_1160] : memref<512xf32, #tpu.memory_space<vmem>>[vector<16xi32>], vector<16xf32>,
      %add3A_1291 = arith.addf %add3A_1286, %gather3A_1287 : vector<16xf32>
      %add3A_1292 = arith.addf %add3A_1291, %gather3A_1288 : vector<16xf32>
      %sub3A_1293 = arith.subf %add3A_1292, %gather3A_1289 : vector<16xf32>
      %lt3A = arith.constant 8 : i32
      %lt3A_1294 = vector.broadcast %lt3A : i32 to vector<16xi32>
      %lt3A_1295 = arith.cmpi slt, %iota3A, %lt3A_1294 : vector<16xi32>
      %mul3A_1296 = arith.mulf %gather3A_1290, %sub3A_1293 : vector<16xf32>
      %mul3A_1297 = arith.mulf %mul3A_1296, %sub3A_1293 : vector<16xf32>
      %jit3A = arith.constant 0.000000e+00 : f32
      %broadcast_in_dim3A_1298 = vector.broadcast %jit3A : f32 to vector<16xf32>
      %select_n3A = arith.select %lt3A_1295, %mul3A_1297, %broadcast_in_dim3A_1298 : vector<16xi1>, vector<16xf32>
      %add3A_1299 = arith.addf %scan3A_1102, %select_n3A : vector<16xf32>
      %lt3A_1300 = arith.constant 31 : i32
      %lt3A_1301 = arith.cmpi slt, %scan3A_1097, %lt3A_1300 : i32
      %convert_element_type3A = arith.extui %lt3A_1301 : i1 to i32
      %cond3A = arith.constant 0 : i32
      %cond3A_1302 = arith.cmpi ne, %convert_element_type3A, %cond3A : i32
      scf.if %cond3A_1302 {
        %slice3A_1482 = vector.extract_strided_slice %min3A_1121 {offsets = [0], sizes = [1], strides = [1]} : vector<16xi32> to vector<1xi32>
        %squeeze3A_1483 = vector.extract %slice3A_1482[0] : i32 from vector<1xi32>
        %multiple_of3A_1484 = tpu.assume_multiple %squeeze3A_1483, 128 : i32
        %slice3A_1485 = vector.extract_strided_slice %min3A_1130 {offsets = [0], sizes = [1], strides = [1]} : vector<16xi32> to vector<1xi32>
        %squeeze3A_1486 = vector.extract %slice3A_1485[0] : i32 from vector<1xi32>
        %multiple_of3A_1487 = tpu.assume_multiple %squeeze3A_1486, 128 : i32
        %dma_start3A_1488 = arith.constant 0 : i32
        %dma_start3A_1489 = arith.constant 0 : i32
        %dma_start3A_1490 = tpu.memref_slice %arg15[%dma_start3A_1488, %dma_start3A_1489] : memref<16x1024xf32, #tpu.memory_space<vmem>> -> memref<8x128xf32, #tpu.memory_space<vmem>>
        %dma_start3A_1491 = arith.constant 0 : i32
        %dma_start3A_1492 = tpu.memref_slice %arg6[%dma_start3A_1491, %multiple_of3A_1484] : memref<16x1000000xf32, #tpu.memory_space<hbm>> -> memref<8x128xf32, #tpu.memory_space<hbm>>
        %dma_start3A_1493 = arith.constant 0 : i32
        %dma_start3A_1494 = arith.constant 0 : i32
        %dma_start3A_1495 = tpu.memref_slice %arg15[%dma_start3A_1493, %dma_start3A_1494] : memref<16x1024xf32, #tpu.memory_space<vmem>> -> memref<8x128xf32, #tpu.memory_space<vmem>>
        %dma_start3A_1496 = arith.constant 0 : i32
        %dma_start3A_1497 = tpu.memref_slice %arg6[%dma_start3A_1496, %multiple_of3A_1484] : memref<16x1000000xf32, #tpu.memory_space<hbm>> -> memref<8x128xf32, #tpu.memory_space<hbm>>
        tpu.enqueue_dma source(%dma_start3A_1497 : memref<8x128xf32, #tpu.memory_space<hbm>>) target(%dma_start3A_1495 : memref<8x128xf32, #tpu.memory_space<vmem>>) target_semaphore(%arg24 : memref<!tpu.dma_semaphore, #tpu.memory_space<semaphore_mem>>)
        %dma_start3A_1498 = arith.constant 8 : i32
        %dma_start3A_1499 = arith.constant 0 : i32
        %dma_start3A_1500 = tpu.memref_slice %arg15[%dma_start3A_1498, %dma_start3A_1499] : memref<16x1024xf32, #tpu.memory_space<vmem>> -> memref<8x128xf32, #tpu.memory_space<vmem>>
        %dma_start3A_1501 = arith.constant 8 : i32
        %dma_start3A_1502 = tpu.memref_slice %arg6[%dma_start3A_1501, %multiple_of3A_1484] : memref<16x1000000xf32, #tpu.memory_space<hbm>> -> memref<8x128xf32, #tpu.memory_space<hbm>>
        %dma_start3A_1503 = arith.constant 8 : i32
        %dma_start3A_1504 = arith.constant 0 : i32
        %dma_start3A_1505 = tpu.memref_slice %arg15[%dma_start3A_1503, %dma_start3A_1504] : memref<16x1024xf32, #tpu.memory_space<vmem>> -> memref<8x128xf32, #tpu.memory_space<vmem>>
        %dma_start3A_1506 = arith.constant 8 : i32
        %dma_start3A_1507 = tpu.memref_slice %arg6[%dma_start3A_1506, %multiple_of3A_1484] : memref<16x1000000xf32, #tpu.memory_space<hbm>> -> memref<8x128xf32, #tpu.memory_space<hbm>>
        tpu.enqueue_dma source(%dma_start3A_1507 : memref<8x128xf32, #tpu.memory_space<hbm>>) target(%dma_start3A_1505 : memref<8x128xf32, #tpu.memory_space<vmem>>) target_semaphore(%arg24 : memref<!tpu.dma_semaphore, #tpu.memory_space<semaphore_mem>>)
        %dma_start3A_1508 = arith.constant 0 : i32
        %dma_start3A_1509 = arith.constant 0 : i32
        %dma_start3A_1510 = tpu.memref_slice %arg17[%dma_start3A_1508, %dma_start3A_1509] : memref<16x1024xf32, #tpu.memory_space<vmem>> -> memref<8x128xf32, #tpu.memory_space<vmem>>
        %dma_start3A_1511 = arith.constant 0 : i32
        %dma_start3A_1512 = tpu.memref_slice %arg7[%dma_start3A_1511, %multiple_of3A_1487] : memref<16x1000000xf32, #tpu.memory_space<hbm>> -> memref<8x128xf32, #tpu.memory_space<hbm>>
        %dma_start3A_1513 = arith.constant 0 : i32
        %dma_start3A_1514 = arith.constant 0 : i32
        %dma_start3A_1515 = tpu.memref_slice %arg17[%dma_start3A_1513, %dma_start3A_1514] : memref<16x1024xf32, #tpu.memory_space<vmem>> -> memref<8x128xf32, #tpu.memory_space<vmem>>
        %dma_start3A_1516 = arith.constant 0 : i32
        %dma_start3A_1517 = tpu.memref_slice %arg7[%dma_start3A_1516, %multiple_of3A_1487] : memref<16x1000000xf32, #tpu.memory_space<hbm>> -> memref<8x128xf32, #tpu.memory_space<hbm>>
        tpu.enqueue_dma source(%dma_start3A_1517 : memref<8x128xf32, #tpu.memory_space<hbm>>) target(%dma_start3A_1515 : memref<8x128xf32, #tpu.memory_space<vmem>>) target_semaphore(%arg24 : memref<!tpu.dma_semaphore, #tpu.memory_space<semaphore_mem>>)
        %dma_start3A_1518 = arith.constant 8 : i32
        %dma_start3A_1519 = arith.constant 0 : i32
        %dma_start3A_1520 = tpu.memref_slice %arg17[%dma_start3A_1518, %dma_start3A_1519] : memref<16x1024xf32, #tpu.memory_space<vmem>> -> memref<8x128xf32, #tpu.memory_space<vmem>>
        %dma_start3A_1521 = arith.constant 8 : i32
        %dma_start3A_1522 = tpu.memref_slice %arg7[%dma_start3A_1521, %multiple_of3A_1487] : memref<16x1000000xf32, #tpu.memory_space<hbm>> -> memref<8x128xf32, #tpu.memory_space<hbm>>
        %dma_start3A_1523 = arith.constant 8 : i32
        %dma_start3A_1524 = arith.constant 0 : i32
        %dma_start3A_1525 = tpu.memref_slice %arg17[%dma_start3A_1523, %dma_start3A_1524] : memref<16x1024xf32, #tpu.memory_space<vmem>> -> memref<8x128xf32, #tpu.memory_space<vmem>>
        %dma_start3A_1526 = arith.constant 8 : i32
        %dma_start3A_1527 = tpu.memref_slice %arg7[%dma_start3A_1526, %multiple_of3A_1487] : memref<16x1000000xf32, #tpu.memory_space<hbm>> -> memref<8x128xf32, #tpu.memory_space<hbm>>
        tpu.enqueue_dma source(%dma_start3A_1527 : memref<8x128xf32, #tpu.memory_space<hbm>>) target(%dma_start3A_1525 : memref<8x128xf32, #tpu.memory_space<vmem>>) target_semaphore(%arg24 : memref<!tpu.dma_semaphore, #tpu.memory_space<semaphore_mem>>)
        %dma_start3A_1528 = arith.constant 0 : i32
        %dma_start3A_1529 = arith.constant 0 : i32
        %dma_start3A_1530 = tpu.memref_slice %arg19[%dma_start3A_1528, %dma_start3A_1529] : memref<8x128xf32, #tpu.memory_space<vmem>> -> memref<1x128xf32, #tpu.memory_space<vmem>>
        %dma_start3A_1531 = arith.constant 0 : i32
        %dma_start3A_1532 = tpu.memref_slice %arg8[%dma_start3A_1531, %multiple_of3A_1484] : memref<1x1000000xf32, #tpu.memory_space<hbm>> -> memref<1x128xf32, #tpu.memory_space<hbm>>
        %dma_start3A_1533 = arith.constant 0 : i32
        %dma_start3A_1534 = arith.constant 0 : i32
        %dma_start3A_1535 = tpu.memref_slice %arg19[%dma_start3A_1533, %dma_start3A_1534] : memref<8x128xf32, #tpu.memory_space<vmem>> -> memref<1x128xf32, #tpu.memory_space<vmem>>
        %dma_start3A_1536 = arith.constant 0 : i32
        %dma_start3A_1537 = tpu.memref_slice %arg8[%dma_start3A_1536, %multiple_of3A_1484] : memref<1x1000000xf32, #tpu.memory_space<hbm>> -> memref<1x128xf32, #tpu.memory_space<hbm>>
        tpu.enqueue_dma source(%dma_start3A_1537 : memref<1x128xf32, #tpu.memory_space<hbm>>) target(%dma_start3A_1535 : memref<1x128xf32, #tpu.memory_space<vmem>>) target_semaphore(%arg24 : memref<!tpu.dma_semaphore, #tpu.memory_space<semaphore_mem>>)
        %dma_start3A_1538 = arith.constant 0 : i32
        %dma_start3A_1539 = arith.constant 0 : i32
        %dma_start3A_1540 = tpu.memref_slice %arg21[%dma_start3A_1538, %dma_start3A_1539] : memref<8x128xf32, #tpu.memory_space<vmem>> -> memref<1x128xf32, #tpu.memory_space<vmem>>
        %dma_start3A_1541 = arith.constant 0 : i32
        %dma_start3A_1542 = tpu.memref_slice %arg9[%dma_start3A_1541, %multiple_of3A_1487] : memref<1x1000000xf32, #tpu.memory_space<hbm>> -> memref<1x128xf32, #tpu.memory_space<hbm>>
        %dma_start3A_1543 = arith.constant 0 : i32
        %dma_start3A_1544 = arith.constant 0 : i32
        %dma_start3A_1545 = tpu.memref_slice %arg21[%dma_start3A_1543, %dma_start3A_1544] : memref<8x128xf32, #tpu.memory_space<vmem>> -> memref<1x128xf32, #tpu.memory_space<vmem>>
        %dma_start3A_1546 = arith.constant 0 : i32
        %dma_start3A_1547 = tpu.memref_slice %arg9[%dma_start3A_1546, %multiple_of3A_1487] : memref<1x1000000xf32, #tpu.memory_space<hbm>> -> memref<1x128xf32, #tpu.memory_space<hbm>>
        tpu.enqueue_dma source(%dma_start3A_1547 : memref<1x128xf32, #tpu.memory_space<hbm>>) target(%dma_start3A_1545 : memref<1x128xf32, #tpu.memory_space<vmem>>) target_semaphore(%arg24 : memref<!tpu.dma_semaphore, #tpu.memory_space<semaphore_mem>>)
        %slice3A_1548 = vector.extract_strided_slice %min3A_1121 {offsets = [1], sizes = [1], strides = [1]} : vector<16xi32> to vector<1xi32>
        %squeeze3A_1549 = vector.extract %slice3A_1548[0] : i32 from vector<1xi32>
        %multiple_of3A_1550 = tpu.assume_multiple %squeeze3A_1549, 128 : i32
        %slice3A_1551 = vector.extract_strided_slice %min3A_1130 {offsets = [1], sizes = [1], strides = [1]} : vector<16xi32> to vector<1xi32>
        %squeeze3A_1552 = vector.extract %slice3A_1551[0] : i32 from vector<1xi32>
        %multiple_of3A_1553 = tpu.assume_multiple %squeeze3A_1552, 128 : i32
        %dma_start3A_1554 = arith.constant 0 : i32
        %dma_start3A_1555 = arith.constant 128 : i32
        %dma_start3A_1556 = tpu.memref_slice %arg15[%dma_start3A_1554, %dma_start3A_1555] : memref<16x1024xf32, #tpu.memory_space<vmem>> -> memref<8x128xf32, #tpu.memory_space<vmem>>
        %dma_start3A_1557 = arith.constant 0 : i32
        %dma_start3A_1558 = tpu.memref_slice %arg6[%dma_start3A_1557, %multiple_of3A_1550] : memref<16x1000000xf32, #tpu.memory_space<hbm>> -> memref<8x128xf32, #tpu.memory_space<hbm>>
        %dma_start3A_1559 = arith.constant 0 : i32
        %dma_start3A_1560 = arith.constant 128 : i32
        %dma_start3A_1561 = tpu.memref_slice %arg15[%dma_start3A_1559, %dma_start3A_1560] : memref<16x1024xf32, #tpu.memory_space<vmem>> -> memref<8x128xf32, #tpu.memory_space<vmem>>
        %dma_start3A_1562 = arith.constant 0 : i32
        %dma_start3A_1563 = tpu.memref_slice %arg6[%dma_start3A_1562, %multiple_of3A_1550] : memref<16x1000000xf32, #tpu.memory_space<hbm>> -> memref<8x128xf32, #tpu.memory_space<hbm>>
        tpu.enqueue_dma source(%dma_start3A_1563 : memref<8x128xf32, #tpu.memory_space<hbm>>) target(%dma_start3A_1561 : memref<8x128xf32, #tpu.memory_space<vmem>>) target_semaphore(%arg24 : memref<!tpu.dma_semaphore, #tpu.memory_space<semaphore_mem>>)
        %dma_start3A_1564 = arith.constant 8 : i32
        %dma_start3A_1565 = arith.constant 128 : i32
        %dma_start3A_1566 = tpu.memref_slice %arg15[%dma_start3A_1564, %dma_start3A_1565] : memref<16x1024xf32, #tpu.memory_space<vmem>> -> memref<8x128xf32, #tpu.memory_space<vmem>>
        %dma_start3A_1567 = arith.constant 8 : i32
        %dma_start3A_1568 = tpu.memref_slice %arg6[%dma_start3A_1567, %multiple_of3A_1550] : memref<16x1000000xf32, #tpu.memory_space<hbm>> -> memref<8x128xf32, #tpu.memory_space<hbm>>
        %dma_start3A_1569 = arith.constant 8 : i32
        %dma_start3A_1570 = arith.constant 128 : i32
        %dma_start3A_1571 = tpu.memref_slice %arg15[%dma_start3A_1569, %dma_start3A_1570] : memref<16x1024xf32, #tpu.memory_space<vmem>> -> memref<8x128xf32, #tpu.memory_space<vmem>>
        %dma_start3A_1572 = arith.constant 8 : i32
        %dma_start3A_1573 = tpu.memref_slice %arg6[%dma_start3A_1572, %multiple_of3A_1550] : memref<16x1000000xf32, #tpu.memory_space<hbm>> -> memref<8x128xf32, #tpu.memory_space<hbm>>
        tpu.enqueue_dma source(%dma_start3A_1573 : memref<8x128xf32, #tpu.memory_space<hbm>>) target(%dma_start3A_1571 : memref<8x128xf32, #tpu.memory_space<vmem>>) target_semaphore(%arg24 : memref<!tpu.dma_semaphore, #tpu.memory_space<semaphore_mem>>)
        %dma_start3A_1574 = arith.constant 0 : i32
        %dma_start3A_1575 = arith.constant 128 : i32
        %dma_start3A_1576 = tpu.memref_slice %arg17[%dma_start3A_1574, %dma_start3A_1575] : memref<16x1024xf32, #tpu.memory_space<vmem>> -> memref<8x128xf32, #tpu.memory_space<vmem>>
        %dma_start3A_1577 = arith.constant 0 : i32
        %dma_start3A_1578 = tpu.memref_slice %arg7[%dma_start3A_1577, %multiple_of3A_1553] : memref<16x1000000xf32, #tpu.memory_space<hbm>> -> memref<8x128xf32, #tpu.memory_space<hbm>>
        %dma_start3A_1579 = arith.constant 0 : i32
        %dma_start3A_1580 = arith.constant 128 : i32
        %dma_start3A_1581 = tpu.memref_slice %arg17[%dma_start3A_1579, %dma_start3A_1580] : memref<16x1024xf32, #tpu.memory_space<vmem>> -> memref<8x128xf32, #tpu.memory_space<vmem>>
        %dma_start3A_1582 = arith.constant 0 : i32
        %dma_start3A_1583 = tpu.memref_slice %arg7[%dma_start3A_1582, %multiple_of3A_1553] : memref<16x1000000xf32, #tpu.memory_space<hbm>> -> memref<8x128xf32, #tpu.memory_space<hbm>>
        tpu.enqueue_dma source(%dma_start3A_1583 : memref<8x128xf32, #tpu.memory_space<hbm>>) target(%dma_start3A_1581 : memref<8x128xf32, #tpu.memory_space<vmem>>) target_semaphore(%arg24 : memref<!tpu.dma_semaphore, #tpu.memory_space<semaphore_mem>>)
        %dma_start3A_1584 = arith.constant 8 : i32
        %dma_start3A_1585 = arith.constant 128 : i32
        %dma_start3A_1586 = tpu.memref_slice %arg17[%dma_start3A_1584, %dma_start3A_1585] : memref<16x1024xf32, #tpu.memory_space<vmem>> -> memref<8x128xf32, #tpu.memory_space<vmem>>
        %dma_start3A_1587 = arith.constant 8 : i32
        %dma_start3A_1588 = tpu.memref_slice %arg7[%dma_start3A_1587, %multiple_of3A_1553] : memref<16x1000000xf32, #tpu.memory_space<hbm>> -> memref<8x128xf32, #tpu.memory_space<hbm>>
        %dma_start3A_1589 = arith.constant 8 : i32
        %dma_start3A_1590 = arith.constant 128 : i32
        %dma_start3A_1591 = tpu.memref_slice %arg17[%dma_start3A_1589, %dma_start3A_1590] : memref<16x1024xf32, #tpu.memory_space<vmem>> -> memref<8x128xf32, #tpu.memory_space<vmem>>
        %dma_start3A_1592 = arith.constant 8 : i32
        %dma_start3A_1593 = tpu.memref_slice %arg7[%dma_start3A_1592, %multiple_of3A_1553] : memref<16x1000000xf32, #tpu.memory_space<hbm>> -> memref<8x128xf32, #tpu.memory_space<hbm>>
        tpu.enqueue_dma source(%dma_start3A_1593 : memref<8x128xf32, #tpu.memory_space<hbm>>) target(%dma_start3A_1591 : memref<8x128xf32, #tpu.memory_space<vmem>>) target_semaphore(%arg24 : memref<!tpu.dma_semaphore, #tpu.memory_space<semaphore_mem>>)
        %dma_start3A_1594 = arith.constant 1 : i32
        %dma_start3A_1595 = arith.constant 0 : i32
        %dma_start3A_1596 = tpu.memref_slice %arg19[%dma_start3A_1594, %dma_start3A_1595] : memref<8x128xf32, #tpu.memory_space<vmem>> -> memref<1x128xf32, #tpu.memory_space<vmem>>
        %dma_start3A_1597 = arith.constant 0 : i32
        %dma_start3A_1598 = tpu.memref_slice %arg8[%dma_start3A_1597, %multiple_of3A_1550] : memref<1x1000000xf32, #tpu.memory_space<hbm>> -> memref<1x128xf32, #tpu.memory_space<hbm>>
        %dma_start3A_1599 = arith.constant 1 : i32
        %dma_start3A_1600 = arith.constant 0 : i32
        %dma_start3A_1601 = tpu.memref_slice %arg19[%dma_start3A_1599, %dma_start3A_1600] : memref<8x128xf32, #tpu.memory_space<vmem>> -> memref<1x128xf32, #tpu.memory_space<vmem>>
        %dma_start3A_1602 = arith.constant 0 : i32
        %dma_start3A_1603 = tpu.memref_slice %arg8[%dma_start3A_1602, %multiple_of3A_1550] : memref<1x1000000xf32, #tpu.memory_space<hbm>> -> memref<1x128xf32, #tpu.memory_space<hbm>>
        tpu.enqueue_dma source(%dma_start3A_1603 : memref<1x128xf32, #tpu.memory_space<hbm>>) target(%dma_start3A_1601 : memref<1x128xf32, #tpu.memory_space<vmem>>) target_semaphore(%arg24 : memref<!tpu.dma_semaphore, #tpu.memory_space<semaphore_mem>>)
        %dma_start3A_1604 = arith.constant 1 : i32
        %dma_start3A_1605 = arith.constant 0 : i32
        %dma_start3A_1606 = tpu.memref_slice %arg21[%dma_start3A_1604, %dma_start3A_1605] : memref<8x128xf32, #tpu.memory_space<vmem>> -> memref<1x128xf32, #tpu.memory_space<vmem>>
        %dma_start3A_1607 = arith.constant 0 : i32
        %dma_start3A_1608 = tpu.memref_slice %arg9[%dma_start3A_1607, %multiple_of3A_1553] : memref<1x1000000xf32, #tpu.memory_space<hbm>> -> memref<1x128xf32, #tpu.memory_space<hbm>>
        %dma_start3A_1609 = arith.constant 1 : i32
        %dma_start3A_1610 = arith.constant 0 : i32
        %dma_start3A_1611 = tpu.memref_slice %arg21[%dma_start3A_1609, %dma_start3A_1610] : memref<8x128xf32, #tpu.memory_space<vmem>> -> memref<1x128xf32, #tpu.memory_space<vmem>>
        %dma_start3A_1612 = arith.constant 0 : i32
        %dma_start3A_1613 = tpu.memref_slice %arg9[%dma_start3A_1612, %multiple_of3A_1553] : memref<1x1000000xf32, #tpu.memory_space<hbm>> -> memref<1x128xf32, #tpu.memory_space<hbm>>
        tpu.enqueue_dma source(%dma_start3A_1613 : memref<1x128xf32, #tpu.memory_space<hbm>>) target(%dma_start3A_1611 : memref<1x128xf32, #tpu.memory_space<vmem>>) target_semaphore(%arg24 : memref<!tpu.dma_semaphore, #tpu.memory_space<semaphore_mem>>)
        %slice3A_1614 = vector.extract_strided_slice %min3A_1121 {offsets = [2], sizes = [1], strides = [1]} : vector<16xi32> to vector<1xi32>
        %squeeze3A_1615 = vector.extract %slice3A_1614[0] : i32 from vector<1xi32>
        %multiple_of3A_1616 = tpu.assume_multiple %squeeze3A_1615, 128 : i32
        %slice3A_1617 = vector.extract_strided_slice %min3A_1130 {offsets = [2], sizes = [1], strides = [1]} : vector<16xi32> to vector<1xi32>
        %squeeze3A_1618 = vector.extract %slice3A_1617[0] : i32 from vector<1xi32>
        %multiple_of3A_1619 = tpu.assume_multiple %squeeze3A_1618, 128 : i32
        %dma_start3A_1620 = arith.constant 0 : i32
        %dma_start3A_1621 = arith.constant 256 : i32
        %dma_start3A_1622 = tpu.memref_slice %arg15[%dma_start3A_1620, %dma_start3A_1621] : memref<16x1024xf32, #tpu.memory_space<vmem>> -> memref<8x128xf32, #tpu.memory_space<vmem>>
        %dma_start3A_1623 = arith.constant 0 : i32
        %dma_start3A_1624 = tpu.memref_slice %arg6[%dma_start3A_1623, %multiple_of3A_1616] : memref<16x1000000xf32, #tpu.memory_space<hbm>> -> memref<8x128xf32, #tpu.memory_space<hbm>>
        %dma_start3A_1625 = arith.constant 0 : i32
        %dma_start3A_1626 = arith.constant 256 : i32
        %dma_start3A_1627 = tpu.memref_slice %arg15[%dma_start3A_1625, %dma_start3A_1626] : memref<16x1024xf32, #tpu.memory_space<vmem>> -> memref<8x128xf32, #tpu.memory_space<vmem>>
        %dma_start3A_1628 = arith.constant 0 : i32
        %dma_start3A_1629 = tpu.memref_slice %arg6[%dma_start3A_1628, %multiple_of3A_1616] : memref<16x1000000xf32, #tpu.memory_space<hbm>> -> memref<8x128xf32, #tpu.memory_space<hbm>>
        tpu.enqueue_dma source(%dma_start3A_1629 : memref<8x128xf32, #tpu.memory_space<hbm>>) target(%dma_start3A_1627 : memref<8x128xf32, #tpu.memory_space<vmem>>) target_semaphore(%arg24 : memref<!tpu.dma_semaphore, #tpu.memory_space<semaphore_mem>>)
        %dma_start3A_1630 = arith.constant 8 : i32
        %dma_start3A_1631 = arith.constant 256 : i32
        %dma_start3A_1632 = tpu.memref_slice %arg15[%dma_start3A_1630, %dma_start3A_1631] : memref<16x1024xf32, #tpu.memory_space<vmem>> -> memref<8x128xf32, #tpu.memory_space<vmem>>
        %dma_start3A_1633 = arith.constant 8 : i32
        %dma_start3A_1634 = tpu.memref_slice %arg6[%dma_start3A_1633, %multiple_of3A_1616] : memref<16x1000000xf32, #tpu.memory_space<hbm>> -> memref<8x128xf32, #tpu.memory_space<hbm>>
        %dma_start3A_1635 = arith.constant 8 : i32
        %dma_start3A_1636 = arith.constant 256 : i32
        %dma_start3A_1637 = tpu.memref_slice %arg15[%dma_start3A_1635, %dma_start3A_1636] : memref<16x1024xf32, #tpu.memory_space<vmem>> -> memref<8x128xf32, #tpu.memory_space<vmem>>
        %dma_start3A_1638 = arith.constant 8 : i32
        %dma_start3A_1639 = tpu.memref_slice %arg6[%dma_start3A_1638, %multiple_of3A_1616] : memref<16x1000000xf32, #tpu.memory_space<hbm>> -> memref<8x128xf32, #tpu.memory_space<hbm>>
        tpu.enqueue_dma source(%dma_start3A_1639 : memref<8x128xf32, #tpu.memory_space<hbm>>) target(%dma_start3A_1637 : memref<8x128xf32, #tpu.memory_space<vmem>>) target_semaphore(%arg24 : memref<!tpu.dma_semaphore, #tpu.memory_space<semaphore_mem>>)
        %dma_start3A_1640 = arith.constant 0 : i32
        %dma_start3A_1641 = arith.constant 256 : i32
        %dma_start3A_1642 = tpu.memref_slice %arg17[%dma_start3A_1640, %dma_start3A_1641] : memref<16x1024xf32, #tpu.memory_space<vmem>> -> memref<8x128xf32, #tpu.memory_space<vmem>>
        %dma_start3A_1643 = arith.constant 0 : i32
        %dma_start3A_1644 = tpu.memref_slice %arg7[%dma_start3A_1643, %multiple_of3A_1619] : memref<16x1000000xf32, #tpu.memory_space<hbm>> -> memref<8x128xf32, #tpu.memory_space<hbm>>
        %dma_start3A_1645 = arith.constant 0 : i32
        %dma_start3A_1646 = arith.constant 256 : i32
        %dma_start3A_1647 = tpu.memref_slice %arg17[%dma_start3A_1645, %dma_start3A_1646] : memref<16x1024xf32, #tpu.memory_space<vmem>> -> memref<8x128xf32, #tpu.memory_space<vmem>>
        %dma_start3A_1648 = arith.constant 0 : i32
        %dma_start3A_1649 = tpu.memref_slice %arg7[%dma_start3A_1648, %multiple_of3A_1619] : memref<16x1000000xf32, #tpu.memory_space<hbm>> -> memref<8x128xf32, #tpu.memory_space<hbm>>
        tpu.enqueue_dma source(%dma_start3A_1649 : memref<8x128xf32, #tpu.memory_space<hbm>>) target(%dma_start3A_1647 : memref<8x128xf32, #tpu.memory_space<vmem>>) target_semaphore(%arg24 : memref<!tpu.dma_semaphore, #tpu.memory_space<semaphore_mem>>)
        %dma_start3A_1650 = arith.constant 8 : i32
        %dma_start3A_1651 = arith.constant 256 : i32
        %dma_start3A_1652 = tpu.memref_slice %arg17[%dma_start3A_1650, %dma_start3A_1651] : memref<16x1024xf32, #tpu.memory_space<vmem>> -> memref<8x128xf32, #tpu.memory_space<vmem>>
        %dma_start3A_1653 = arith.constant 8 : i32
        %dma_start3A_1654 = tpu.memref_slice %arg7[%dma_start3A_1653, %multiple_of3A_1619] : memref<16x1000000xf32, #tpu.memory_space<hbm>> -> memref<8x128xf32, #tpu.memory_space<hbm>>
        %dma_start3A_1655 = arith.constant 8 : i32
        %dma_start3A_1656 = arith.constant 256 : i32
        %dma_start3A_1657 = tpu.memref_slice %arg17[%dma_start3A_1655, %dma_start3A_1656] : memref<16x1024xf32, #tpu.memory_space<vmem>> -> memref<8x128xf32, #tpu.memory_space<vmem>>
        %dma_start3A_1658 = arith.constant 8 : i32
        %dma_start3A_1659 = tpu.memref_slice %arg7[%dma_start3A_1658, %multiple_of3A_1619] : memref<16x1000000xf32, #tpu.memory_space<hbm>> -> memref<8x128xf32, #tpu.memory_space<hbm>>
        tpu.enqueue_dma source(%dma_start3A_1659 : memref<8x128xf32, #tpu.memory_space<hbm>>) target(%dma_start3A_1657 : memref<8x128xf32, #tpu.memory_space<vmem>>) target_semaphore(%arg24 : memref<!tpu.dma_semaphore, #tpu.memory_space<semaphore_mem>>)
        %dma_start3A_1660 = arith.constant 2 : i32
        %dma_start3A_1661 = arith.constant 0 : i32
        %dma_start3A_1662 = tpu.memref_slice %arg19[%dma_start3A_1660, %dma_start3A_1661] : memref<8x128xf32, #tpu.memory_space<vmem>> -> memref<1x128xf32, #tpu.memory_space<vmem>>
        %dma_start3A_1663 = arith.constant 0 : i32
        %dma_start3A_1664 = tpu.memref_slice %arg8[%dma_start3A_1663, %multiple_of3A_1616] : memref<1x1000000xf32, #tpu.memory_space<hbm>> -> memref<1x128xf32, #tpu.memory_space<hbm>>
        %dma_start3A_1665 = arith.constant 2 : i32
        %dma_start3A_1666 = arith.constant 0 : i32
        %dma_start3A_1667 = tpu.memref_slice %arg19[%dma_start3A_1665, %dma_start3A_1666] : memref<8x128xf32, #tpu.memory_space<vmem>> -> memref<1x128xf32, #tpu.memory_space<vmem>>
        %dma_start3A_1668 = arith.constant 0 : i32
        %dma_start3A_1669 = tpu.memref_slice %arg8[%dma_start3A_1668, %multiple_of3A_1616] : memref<1x1000000xf32, #tpu.memory_space<hbm>> -> memref<1x128xf32, #tpu.memory_space<hbm>>
        tpu.enqueue_dma source(%dma_start3A_1669 : memref<1x128xf32, #tpu.memory_space<hbm>>) target(%dma_start3A_1667 : memref<1x128xf32, #tpu.memory_space<vmem>>) target_semaphore(%arg24 : memref<!tpu.dma_semaphore, #tpu.memory_space<semaphore_mem>>)
        %dma_start3A_1670 = arith.constant 2 : i32
        %dma_start3A_1671 = arith.constant 0 : i32
        %dma_start3A_1672 = tpu.memref_slice %arg21[%dma_start3A_1670, %dma_start3A_1671] : memref<8x128xf32, #tpu.memory_space<vmem>> -> memref<1x128xf32, #tpu.memory_space<vmem>>
        %dma_start3A_1673 = arith.constant 0 : i32
        %dma_start3A_1674 = tpu.memref_slice %arg9[%dma_start3A_1673, %multiple_of3A_1619] : memref<1x1000000xf32, #tpu.memory_space<hbm>> -> memref<1x128xf32, #tpu.memory_space<hbm>>
        %dma_start3A_1675 = arith.constant 2 : i32
        %dma_start3A_1676 = arith.constant 0 : i32
        %dma_start3A_1677 = tpu.memref_slice %arg21[%dma_start3A_1675, %dma_start3A_1676] : memref<8x128xf32, #tpu.memory_space<vmem>> -> memref<1x128xf32, #tpu.memory_space<vmem>>
        %dma_start3A_1678 = arith.constant 0 : i32
        %dma_start3A_1679 = tpu.memref_slice %arg9[%dma_start3A_1678, %multiple_of3A_1619] : memref<1x1000000xf32, #tpu.memory_space<hbm>> -> memref<1x128xf32, #tpu.memory_space<hbm>>
        tpu.enqueue_dma source(%dma_start3A_1679 : memref<1x128xf32, #tpu.memory_space<hbm>>) target(%dma_start3A_1677 : memref<1x128xf32, #tpu.memory_space<vmem>>) target_semaphore(%arg24 : memref<!tpu.dma_semaphore, #tpu.memory_space<semaphore_mem>>)
        %slice3A_1680 = vector.extract_strided_slice %min3A_1121 {offsets = [3], sizes = [1], strides = [1]} : vector<16xi32> to vector<1xi32>
        %squeeze3A_1681 = vector.extract %slice3A_1680[0] : i32 from vector<1xi32>
        %multiple_of3A_1682 = tpu.assume_multiple %squeeze3A_1681, 128 : i32
        %slice3A_1683 = vector.extract_strided_slice %min3A_1130 {offsets = [3], sizes = [1], strides = [1]} : vector<16xi32> to vector<1xi32>
        %squeeze3A_1684 = vector.extract %slice3A_1683[0] : i32 from vector<1xi32>
        %multiple_of3A_1685 = tpu.assume_multiple %squeeze3A_1684, 128 : i32
        %dma_start3A_1686 = arith.constant 0 : i32
        %dma_start3A_1687 = arith.constant 384 : i32
        %dma_start3A_1688 = tpu.memref_slice %arg15[%dma_start3A_1686, %dma_start3A_1687] : memref<16x1024xf32, #tpu.memory_space<vmem>> -> memref<8x128xf32, #tpu.memory_space<vmem>>
        %dma_start3A_1689 = arith.constant 0 : i32
        %dma_start3A_1690 = tpu.memref_slice %arg6[%dma_start3A_1689, %multiple_of3A_1682] : memref<16x1000000xf32, #tpu.memory_space<hbm>> -> memref<8x128xf32, #tpu.memory_space<hbm>>
        %dma_start3A_1691 = arith.constant 0 : i32
        %dma_start3A_1692 = arith.constant 384 : i32
        %dma_start3A_1693 = tpu.memref_slice %arg15[%dma_start3A_1691, %dma_start3A_1692] : memref<16x1024xf32, #tpu.memory_space<vmem>> -> memref<8x128xf32, #tpu.memory_space<vmem>>
        %dma_start3A_1694 = arith.constant 0 : i32
        %dma_start3A_1695 = tpu.memref_slice %arg6[%dma_start3A_1694, %multiple_of3A_1682] : memref<16x1000000xf32, #tpu.memory_space<hbm>> -> memref<8x128xf32, #tpu.memory_space<hbm>>
        tpu.enqueue_dma source(%dma_start3A_1695 : memref<8x128xf32, #tpu.memory_space<hbm>>) target(%dma_start3A_1693 : memref<8x128xf32, #tpu.memory_space<vmem>>) target_semaphore(%arg24 : memref<!tpu.dma_semaphore, #tpu.memory_space<semaphore_mem>>)
        %dma_start3A_1696 = arith.constant 8 : i32
        %dma_start3A_1697 = arith.constant 384 : i32
        %dma_start3A_1698 = tpu.memref_slice %arg15[%dma_start3A_1696, %dma_start3A_1697] : memref<16x1024xf32, #tpu.memory_space<vmem>> -> memref<8x128xf32, #tpu.memory_space<vmem>>
        %dma_start3A_1699 = arith.constant 8 : i32
        %dma_start3A_1700 = tpu.memref_slice %arg6[%dma_start3A_1699, %multiple_of3A_1682] : memref<16x1000000xf32, #tpu.memory_space<hbm>> -> memref<8x128xf32, #tpu.memory_space<hbm>>
        %dma_start3A_1701 = arith.constant 8 : i32
        %dma_start3A_1702 = arith.constant 384 : i32
        %dma_start3A_1703 = tpu.memref_slice %arg15[%dma_start3A_1701, %dma_start3A_1702] : memref<16x1024xf32, #tpu.memory_space<vmem>> -> memref<8x128xf32, #tpu.memory_space<vmem>>
        %dma_start3A_1704 = arith.constant 8 : i32
        %dma_start3A_1705 = tpu.memref_slice %arg6[%dma_start3A_1704, %multiple_of3A_1682] : memref<16x1000000xf32, #tpu.memory_space<hbm>> -> memref<8x128xf32, #tpu.memory_space<hbm>>
        tpu.enqueue_dma source(%dma_start3A_1705 : memref<8x128xf32, #tpu.memory_space<hbm>>) target(%dma_start3A_1703 : memref<8x128xf32, #tpu.memory_space<vmem>>) target_semaphore(%arg24 : memref<!tpu.dma_semaphore, #tpu.memory_space<semaphore_mem>>)
        %dma_start3A_1706 = arith.constant 0 : i32
        %dma_start3A_1707 = arith.constant 384 : i32
        %dma_start3A_1708 = tpu.memref_slice %arg17[%dma_start3A_1706, %dma_start3A_1707] : memref<16x1024xf32, #tpu.memory_space<vmem>> -> memref<8x128xf32, #tpu.memory_space<vmem>>
        %dma_start3A_1709 = arith.constant 0 : i32
        %dma_start3A_1710 = tpu.memref_slice %arg7[%dma_start3A_1709, %multiple_of3A_1685] : memref<16x1000000xf32, #tpu.memory_space<hbm>> -> memref<8x128xf32, #tpu.memory_space<hbm>>
        %dma_start3A_1711 = arith.constant 0 : i32
        %dma_start3A_1712 = arith.constant 384 : i32
        %dma_start3A_1713 = tpu.memref_slice %arg17[%dma_start3A_1711, %dma_start3A_1712] : memref<16x1024xf32, #tpu.memory_space<vmem>> -> memref<8x128xf32, #tpu.memory_space<vmem>>
        %dma_start3A_1714 = arith.constant 0 : i32
        %dma_start3A_1715 = tpu.memref_slice %arg7[%dma_start3A_1714, %multiple_of3A_1685] : memref<16x1000000xf32, #tpu.memory_space<hbm>> -> memref<8x128xf32, #tpu.memory_space<hbm>>
        tpu.enqueue_dma source(%dma_start3A_1715 : memref<8x128xf32, #tpu.memory_space<hbm>>) target(%dma_start3A_1713 : memref<8x128xf32, #tpu.memory_space<vmem>>) target_semaphore(%arg24 : memref<!tpu.dma_semaphore, #tpu.memory_space<semaphore_mem>>)
        %dma_start3A_1716 = arith.constant 8 : i32
        %dma_start3A_1717 = arith.constant 384 : i32
        %dma_start3A_1718 = tpu.memref_slice %arg17[%dma_start3A_1716, %dma_start3A_1717] : memref<16x1024xf32, #tpu.memory_space<vmem>> -> memref<8x128xf32, #tpu.memory_space<vmem>>
        %dma_start3A_1719 = arith.constant 8 : i32
        %dma_start3A_1720 = tpu.memref_slice %arg7[%dma_start3A_1719, %multiple_of3A_1685] : memref<16x1000000xf32, #tpu.memory_space<hbm>> -> memref<8x128xf32, #tpu.memory_space<hbm>>
        %dma_start3A_1721 = arith.constant 8 : i32
        %dma_start3A_1722 = arith.constant 384 : i32
        %dma_start3A_1723 = tpu.memref_slice %arg17[%dma_start3A_1721, %dma_start3A_1722] : memref<16x1024xf32, #tpu.memory_space<vmem>> -> memref<8x128xf32, #tpu.memory_space<vmem>>
        %dma_start3A_1724 = arith.constant 8 : i32
        %dma_start3A_1725 = tpu.memref_slice %arg7[%dma_start3A_1724, %multiple_of3A_1685] : memref<16x1000000xf32, #tpu.memory_space<hbm>> -> memref<8x128xf32, #tpu.memory_space<hbm>>
        tpu.enqueue_dma source(%dma_start3A_1725 : memref<8x128xf32, #tpu.memory_space<hbm>>) target(%dma_start3A_1723 : memref<8x128xf32, #tpu.memory_space<vmem>>) target_semaphore(%arg24 : memref<!tpu.dma_semaphore, #tpu.memory_space<semaphore_mem>>)
        %dma_start3A_1726 = arith.constant 3 : i32
        %dma_start3A_1727 = arith.constant 0 : i32
        %dma_start3A_1728 = tpu.memref_slice %arg19[%dma_start3A_1726, %dma_start3A_1727] : memref<8x128xf32, #tpu.memory_space<vmem>> -> memref<1x128xf32, #tpu.memory_space<vmem>>
        %dma_start3A_1729 = arith.constant 0 : i32
        %dma_start3A_1730 = tpu.memref_slice %arg8[%dma_start3A_1729, %multiple_of3A_1682] : memref<1x1000000xf32, #tpu.memory_space<hbm>> -> memref<1x128xf32, #tpu.memory_space<hbm>>
        %dma_start3A_1731 = arith.constant 3 : i32
        %dma_start3A_1732 = arith.constant 0 : i32
        %dma_start3A_1733 = tpu.memref_slice %arg19[%dma_start3A_1731, %dma_start3A_1732] : memref<8x128xf32, #tpu.memory_space<vmem>> -> memref<1x128xf32, #tpu.memory_space<vmem>>
        %dma_start3A_1734 = arith.constant 0 : i32
        %dma_start3A_1735 = tpu.memref_slice %arg8[%dma_start3A_1734, %multiple_of3A_1682] : memref<1x1000000xf32, #tpu.memory_space<hbm>> -> memref<1x128xf32, #tpu.memory_space<hbm>>
        tpu.enqueue_dma source(%dma_start3A_1735 : memref<1x128xf32, #tpu.memory_space<hbm>>) target(%dma_start3A_1733 : memref<1x128xf32, #tpu.memory_space<vmem>>) target_semaphore(%arg24 : memref<!tpu.dma_semaphore, #tpu.memory_space<semaphore_mem>>)
        %dma_start3A_1736 = arith.constant 3 : i32
        %dma_start3A_1737 = arith.constant 0 : i32
        %dma_start3A_1738 = tpu.memref_slice %arg21[%dma_start3A_1736, %dma_start3A_1737] : memref<8x128xf32, #tpu.memory_space<vmem>> -> memref<1x128xf32, #tpu.memory_space<vmem>>
        %dma_start3A_1739 = arith.constant 0 : i32
        %dma_start3A_1740 = tpu.memref_slice %arg9[%dma_start3A_1739, %multiple_of3A_1685] : memref<1x1000000xf32, #tpu.memory_space<hbm>> -> memref<1x128xf32, #tpu.memory_space<hbm>>
        %dma_start3A_1741 = arith.constant 3 : i32
        %dma_start3A_1742 = arith.constant 0 : i32
        %dma_start3A_1743 = tpu.memref_slice %arg21[%dma_start3A_1741, %dma_start3A_1742] : memref<8x128xf32, #tpu.memory_space<vmem>> -> memref<1x128xf32, #tpu.memory_space<vmem>>
        %dma_start3A_1744 = arith.constant 0 : i32
        %dma_start3A_1745 = tpu.memref_slice %arg9[%dma_start3A_1744, %multiple_of3A_1685] : memref<1x1000000xf32, #tpu.memory_space<hbm>> -> memref<1x128xf32, #tpu.memory_space<hbm>>
        tpu.enqueue_dma source(%dma_start3A_1745 : memref<1x128xf32, #tpu.memory_space<hbm>>) target(%dma_start3A_1743 : memref<1x128xf32, #tpu.memory_space<vmem>>) target_semaphore(%arg24 : memref<!tpu.dma_semaphore, #tpu.memory_space<semaphore_mem>>)
        %slice3A_1746 = vector.extract_strided_slice %min3A_1121 {offsets = [4], sizes = [1], strides = [1]} : vector<16xi32> to vector<1xi32>
        %squeeze3A_1747 = vector.extract %slice3A_1746[0] : i32 from vector<1xi32>
        %multiple_of3A_1748 = tpu.assume_multiple %squeeze3A_1747, 128 : i32
        %slice3A_1749 = vector.extract_strided_slice %min3A_1130 {offsets = [4], sizes = [1], strides = [1]} : vector<16xi32> to vector<1xi32>
        %squeeze3A_1750 = vector.extract %slice3A_1749[0] : i32 from vector<1xi32>
        %multiple_of3A_1751 = tpu.assume_multiple %squeeze3A_1750, 128 : i32
        %dma_start3A_1752 = arith.constant 0 : i32
        %dma_start3A_1753 = arith.constant 512 : i32
        %dma_start3A_1754 = tpu.memref_slice %arg15[%dma_start3A_1752, %dma_start3A_1753] : memref<16x1024xf32, #tpu.memory_space<vmem>> -> memref<8x128xf32, #tpu.memory_space<vmem>>
        %dma_start3A_1755 = arith.constant 0 : i32
        %dma_start3A_1756 = tpu.memref_slice %arg6[%dma_start3A_1755, %multiple_of3A_1748] : memref<16x1000000xf32, #tpu.memory_space<hbm>> -> memref<8x128xf32, #tpu.memory_space<hbm>>
        %dma_start3A_1757 = arith.constant 0 : i32
        %dma_start3A_1758 = arith.constant 512 : i32
        %dma_start3A_1759 = tpu.memref_slice %arg15[%dma_start3A_1757, %dma_start3A_1758] : memref<16x1024xf32, #tpu.memory_space<vmem>> -> memref<8x128xf32, #tpu.memory_space<vmem>>
        %dma_start3A_1760 = arith.constant 0 : i32
        %dma_start3A_1761 = tpu.memref_slice %arg6[%dma_start3A_1760, %multiple_of3A_1748] : memref<16x1000000xf32, #tpu.memory_space<hbm>> -> memref<8x128xf32, #tpu.memory_space<hbm>>
        tpu.enqueue_dma source(%dma_start3A_1761 : memref<8x128xf32, #tpu.memory_space<hbm>>) target(%dma_start3A_1759 : memref<8x128xf32, #tpu.memory_space<vmem>>) target_semaphore(%arg24 : memref<!tpu.dma_semaphore, #tpu.memory_space<semaphore_mem>>)
        %dma_start3A_1762 = arith.constant 8 : i32
        %dma_start3A_1763 = arith.constant 512 : i32
        %dma_start3A_1764 = tpu.memref_slice %arg15[%dma_start3A_1762, %dma_start3A_1763] : memref<16x1024xf32, #tpu.memory_space<vmem>> -> memref<8x128xf32, #tpu.memory_space<vmem>>
        %dma_start3A_1765 = arith.constant 8 : i32
        %dma_start3A_1766 = tpu.memref_slice %arg6[%dma_start3A_1765, %multiple_of3A_1748] : memref<16x1000000xf32, #tpu.memory_space<hbm>> -> memref<8x128xf32, #tpu.memory_space<hbm>>
        %dma_start3A_1767 = arith.constant 8 : i32
        %dma_start3A_1768 = arith.constant 512 : i32
        %dma_start3A_1769 = tpu.memref_slice %arg15[%dma_start3A_1767, %dma_start3A_1768] : memref<16x1024xf32, #tpu.memory_space<vmem>> -> memref<8x128xf32, #tpu.memory_space<vmem>>
        %dma_start3A_1770 = arith.constant 8 : i32
        %dma_start3A_1771 = tpu.memref_slice %arg6[%dma_start3A_1770, %multiple_of3A_1748] : memref<16x1000000xf32, #tpu.memory_space<hbm>> -> memref<8x128xf32, #tpu.memory_space<hbm>>
        tpu.enqueue_dma source(%dma_start3A_1771 : memref<8x128xf32, #tpu.memory_space<hbm>>) target(%dma_start3A_1769 : memref<8x128xf32, #tpu.memory_space<vmem>>) target_semaphore(%arg24 : memref<!tpu.dma_semaphore, #tpu.memory_space<semaphore_mem>>)
        %dma_start3A_1772 = arith.constant 0 : i32
        %dma_start3A_1773 = arith.constant 512 : i32
        %dma_start3A_1774 = tpu.memref_slice %arg17[%dma_start3A_1772, %dma_start3A_1773] : memref<16x1024xf32, #tpu.memory_space<vmem>> -> memref<8x128xf32, #tpu.memory_space<vmem>>
        %dma_start3A_1775 = arith.constant 0 : i32
        %dma_start3A_1776 = tpu.memref_slice %arg7[%dma_start3A_1775, %multiple_of3A_1751] : memref<16x1000000xf32, #tpu.memory_space<hbm>> -> memref<8x128xf32, #tpu.memory_space<hbm>>
        %dma_start3A_1777 = arith.constant 0 : i32
        %dma_start3A_1778 = arith.constant 512 : i32
        %dma_start3A_1779 = tpu.memref_slice %arg17[%dma_start3A_1777, %dma_start3A_1778] : memref<16x1024xf32, #tpu.memory_space<vmem>> -> memref<8x128xf32, #tpu.memory_space<vmem>>
        %dma_start3A_1780 = arith.constant 0 : i32
        %dma_start3A_1781 = tpu.memref_slice %arg7[%dma_start3A_1780, %multiple_of3A_1751] : memref<16x1000000xf32, #tpu.memory_space<hbm>> -> memref<8x128xf32, #tpu.memory_space<hbm>>
        tpu.enqueue_dma source(%dma_start3A_1781 : memref<8x128xf32, #tpu.memory_space<hbm>>) target(%dma_start3A_1779 : memref<8x128xf32, #tpu.memory_space<vmem>>) target_semaphore(%arg24 : memref<!tpu.dma_semaphore, #tpu.memory_space<semaphore_mem>>)
        %dma_start3A_1782 = arith.constant 8 : i32
        %dma_start3A_1783 = arith.constant 512 : i32
        %dma_start3A_1784 = tpu.memref_slice %arg17[%dma_start3A_1782, %dma_start3A_1783] : memref<16x1024xf32, #tpu.memory_space<vmem>> -> memref<8x128xf32, #tpu.memory_space<vmem>>
        %dma_start3A_1785 = arith.constant 8 : i32
        %dma_start3A_1786 = tpu.memref_slice %arg7[%dma_start3A_1785, %multiple_of3A_1751] : memref<16x1000000xf32, #tpu.memory_space<hbm>> -> memref<8x128xf32, #tpu.memory_space<hbm>>
        %dma_start3A_1787 = arith.constant 8 : i32
        %dma_start3A_1788 = arith.constant 512 : i32
        %dma_start3A_1789 = tpu.memref_slice %arg17[%dma_start3A_1787, %dma_start3A_1788] : memref<16x1024xf32, #tpu.memory_space<vmem>> -> memref<8x128xf32, #tpu.memory_space<vmem>>
        %dma_start3A_1790 = arith.constant 8 : i32
        %dma_start3A_1791 = tpu.memref_slice %arg7[%dma_start3A_1790, %multiple_of3A_1751] : memref<16x1000000xf32, #tpu.memory_space<hbm>> -> memref<8x128xf32, #tpu.memory_space<hbm>>
        tpu.enqueue_dma source(%dma_start3A_1791 : memref<8x128xf32, #tpu.memory_space<hbm>>) target(%dma_start3A_1789 : memref<8x128xf32, #tpu.memory_space<vmem>>) target_semaphore(%arg24 : memref<!tpu.dma_semaphore, #tpu.memory_space<semaphore_mem>>)
        %dma_start3A_1792 = arith.constant 4 : i32
        %dma_start3A_1793 = arith.constant 0 : i32
        %dma_start3A_1794 = tpu.memref_slice %arg19[%dma_start3A_1792, %dma_start3A_1793] : memref<8x128xf32, #tpu.memory_space<vmem>> -> memref<1x128xf32, #tpu.memory_space<vmem>>
        %dma_start3A_1795 = arith.constant 0 : i32
        %dma_start3A_1796 = tpu.memref_slice %arg8[%dma_start3A_1795, %multiple_of3A_1748] : memref<1x1000000xf32, #tpu.memory_space<hbm>> -> memref<1x128xf32, #tpu.memory_space<hbm>>
        %dma_start3A_1797 = arith.constant 4 : i32
        %dma_start3A_1798 = arith.constant 0 : i32
        %dma_start3A_1799 = tpu.memref_slice %arg19[%dma_start3A_1797, %dma_start3A_1798] : memref<8x128xf32, #tpu.memory_space<vmem>> -> memref<1x128xf32, #tpu.memory_space<vmem>>
        %dma_start3A_1800 = arith.constant 0 : i32
        %dma_start3A_1801 = tpu.memref_slice %arg8[%dma_start3A_1800, %multiple_of3A_1748] : memref<1x1000000xf32, #tpu.memory_space<hbm>> -> memref<1x128xf32, #tpu.memory_space<hbm>>
        tpu.enqueue_dma source(%dma_start3A_1801 : memref<1x128xf32, #tpu.memory_space<hbm>>) target(%dma_start3A_1799 : memref<1x128xf32, #tpu.memory_space<vmem>>) target_semaphore(%arg24 : memref<!tpu.dma_semaphore, #tpu.memory_space<semaphore_mem>>)
        %dma_start3A_1802 = arith.constant 4 : i32
        %dma_start3A_1803 = arith.constant 0 : i32
        %dma_start3A_1804 = tpu.memref_slice %arg21[%dma_start3A_1802, %dma_start3A_1803] : memref<8x128xf32, #tpu.memory_space<vmem>> -> memref<1x128xf32, #tpu.memory_space<vmem>>
        %dma_start3A_1805 = arith.constant 0 : i32
        %dma_start3A_1806 = tpu.memref_slice %arg9[%dma_start3A_1805, %multiple_of3A_1751] : memref<1x1000000xf32, #tpu.memory_space<hbm>> -> memref<1x128xf32, #tpu.memory_space<hbm>>
        %dma_start3A_1807 = arith.constant 4 : i32
        %dma_start3A_1808 = arith.constant 0 : i32
        %dma_start3A_1809 = tpu.memref_slice %arg21[%dma_start3A_1807, %dma_start3A_1808] : memref<8x128xf32, #tpu.memory_space<vmem>> -> memref<1x128xf32, #tpu.memory_space<vmem>>
        %dma_start3A_1810 = arith.constant 0 : i32
        %dma_start3A_1811 = tpu.memref_slice %arg9[%dma_start3A_1810, %multiple_of3A_1751] : memref<1x1000000xf32, #tpu.memory_space<hbm>> -> memref<1x128xf32, #tpu.memory_space<hbm>>
        tpu.enqueue_dma source(%dma_start3A_1811 : memref<1x128xf32, #tpu.memory_space<hbm>>) target(%dma_start3A_1809 : memref<1x128xf32, #tpu.memory_space<vmem>>) target_semaphore(%arg24 : memref<!tpu.dma_semaphore, #tpu.memory_space<semaphore_mem>>)
        %slice3A_1812 = vector.extract_strided_slice %min3A_1121 {offsets = [5], sizes = [1], strides = [1]} : vector<16xi32> to vector<1xi32>
        %squeeze3A_1813 = vector.extract %slice3A_1812[0] : i32 from vector<1xi32>
        %multiple_of3A_1814 = tpu.assume_multiple %squeeze3A_1813, 128 : i32
        %slice3A_1815 = vector.extract_strided_slice %min3A_1130 {offsets = [5], sizes = [1], strides = [1]} : vector<16xi32> to vector<1xi32>
        %squeeze3A_1816 = vector.extract %slice3A_1815[0] : i32 from vector<1xi32>
        %multiple_of3A_1817 = tpu.assume_multiple %squeeze3A_1816, 128 : i32
        %dma_start3A_1818 = arith.constant 0 : i32
        %dma_start3A_1819 = arith.constant 640 : i32
        %dma_start3A_1820 = tpu.memref_slice %arg15[%dma_start3A_1818, %dma_start3A_1819] : memref<16x1024xf32, #tpu.memory_space<vmem>> -> memref<8x128xf32, #tpu.memory_space<vmem>>
        %dma_start3A_1821 = arith.constant 0 : i32
        %dma_start3A_1822 = tpu.memref_slice %arg6[%dma_start3A_1821, %multiple_of3A_1814] : memref<16x1000000xf32, #tpu.memory_space<hbm>> -> memref<8x128xf32, #tpu.memory_space<hbm>>
        %dma_start3A_1823 = arith.constant 0 : i32
        %dma_start3A_1824 = arith.constant 640 : i32
        %dma_start3A_1825 = tpu.memref_slice %arg15[%dma_start3A_1823, %dma_start3A_1824] : memref<16x1024xf32, #tpu.memory_space<vmem>> -> memref<8x128xf32, #tpu.memory_space<vmem>>
        %dma_start3A_1826 = arith.constant 0 : i32
        %dma_start3A_1827 = tpu.memref_slice %arg6[%dma_start3A_1826, %multiple_of3A_1814] : memref<16x1000000xf32, #tpu.memory_space<hbm>> -> memref<8x128xf32, #tpu.memory_space<hbm>>
        tpu.enqueue_dma source(%dma_start3A_1827 : memref<8x128xf32, #tpu.memory_space<hbm>>) target(%dma_start3A_1825 : memref<8x128xf32, #tpu.memory_space<vmem>>) target_semaphore(%arg24 : memref<!tpu.dma_semaphore, #tpu.memory_space<semaphore_mem>>)
        %dma_start3A_1828 = arith.constant 8 : i32
        %dma_start3A_1829 = arith.constant 640 : i32
        %dma_start3A_1830 = tpu.memref_slice %arg15[%dma_start3A_1828, %dma_start3A_1829] : memref<16x1024xf32, #tpu.memory_space<vmem>> -> memref<8x128xf32, #tpu.memory_space<vmem>>
        %dma_start3A_1831 = arith.constant 8 : i32
        %dma_start3A_1832 = tpu.memref_slice %arg6[%dma_start3A_1831, %multiple_of3A_1814] : memref<16x1000000xf32, #tpu.memory_space<hbm>> -> memref<8x128xf32, #tpu.memory_space<hbm>>
        %dma_start3A_1833 = arith.constant 8 : i32
        %dma_start3A_1834 = arith.constant 640 : i32
        %dma_start3A_1835 = tpu.memref_slice %arg15[%dma_start3A_1833, %dma_start3A_1834] : memref<16x1024xf32, #tpu.memory_space<vmem>> -> memref<8x128xf32, #tpu.memory_space<vmem>>
        %dma_start3A_1836 = arith.constant 8 : i32
        %dma_start3A_1837 = tpu.memref_slice %arg6[%dma_start3A_1836, %multiple_of3A_1814] : memref<16x1000000xf32, #tpu.memory_space<hbm>> -> memref<8x128xf32, #tpu.memory_space<hbm>>
        tpu.enqueue_dma source(%dma_start3A_1837 : memref<8x128xf32, #tpu.memory_space<hbm>>) target(%dma_start3A_1835 : memref<8x128xf32, #tpu.memory_space<vmem>>) target_semaphore(%arg24 : memref<!tpu.dma_semaphore, #tpu.memory_space<semaphore_mem>>)
        %dma_start3A_1838 = arith.constant 0 : i32
        %dma_start3A_1839 = arith.constant 640 : i32
        %dma_start3A_1840 = tpu.memref_slice %arg17[%dma_start3A_1838, %dma_start3A_1839] : memref<16x1024xf32, #tpu.memory_space<vmem>> -> memref<8x128xf32, #tpu.memory_space<vmem>>
        %dma_start3A_1841 = arith.constant 0 : i32
        %dma_start3A_1842 = tpu.memref_slice %arg7[%dma_start3A_1841, %multiple_of3A_1817] : memref<16x1000000xf32, #tpu.memory_space<hbm>> -> memref<8x128xf32, #tpu.memory_space<hbm>>
        %dma_start3A_1843 = arith.constant 0 : i32
        %dma_start3A_1844 = arith.constant 640 : i32
        %dma_start3A_1845 = tpu.memref_slice %arg17[%dma_start3A_1843, %dma_start3A_1844] : memref<16x1024xf32, #tpu.memory_space<vmem>> -> memref<8x128xf32, #tpu.memory_space<vmem>>
        %dma_start3A_1846 = arith.constant 0 : i32
        %dma_start3A_1847 = tpu.memref_slice %arg7[%dma_start3A_1846, %multiple_of3A_1817] : memref<16x1000000xf32, #tpu.memory_space<hbm>> -> memref<8x128xf32, #tpu.memory_space<hbm>>
        tpu.enqueue_dma source(%dma_start3A_1847 : memref<8x128xf32, #tpu.memory_space<hbm>>) target(%dma_start3A_1845 : memref<8x128xf32, #tpu.memory_space<vmem>>) target_semaphore(%arg24 : memref<!tpu.dma_semaphore, #tpu.memory_space<semaphore_mem>>)
        %dma_start3A_1848 = arith.constant 8 : i32
        %dma_start3A_1849 = arith.constant 640 : i32
        %dma_start3A_1850 = tpu.memref_slice %arg17[%dma_start3A_1848, %dma_start3A_1849] : memref<16x1024xf32, #tpu.memory_space<vmem>> -> memref<8x128xf32, #tpu.memory_space<vmem>>
        %dma_start3A_1851 = arith.constant 8 : i32
        %dma_start3A_1852 = tpu.memref_slice %arg7[%dma_start3A_1851, %multiple_of3A_1817] : memref<16x1000000xf32, #tpu.memory_space<hbm>> -> memref<8x128xf32, #tpu.memory_space<hbm>>
        %dma_start3A_1853 = arith.constant 8 : i32
        %dma_start3A_1854 = arith.constant 640 : i32
        %dma_start3A_1855 = tpu.memref_slice %arg17[%dma_start3A_1853, %dma_start3A_1854] : memref<16x1024xf32, #tpu.memory_space<vmem>> -> memref<8x128xf32, #tpu.memory_space<vmem>>
        %dma_start3A_1856 = arith.constant 8 : i32
        %dma_start3A_1857 = tpu.memref_slice %arg7[%dma_start3A_1856, %multiple_of3A_1817] : memref<16x1000000xf32, #tpu.memory_space<hbm>> -> memref<8x128xf32, #tpu.memory_space<hbm>>
        tpu.enqueue_dma source(%dma_start3A_1857 : memref<8x128xf32, #tpu.memory_space<hbm>>) target(%dma_start3A_1855 : memref<8x128xf32, #tpu.memory_space<vmem>>) target_semaphore(%arg24 : memref<!tpu.dma_semaphore, #tpu.memory_space<semaphore_mem>>)
        %dma_start3A_1858 = arith.constant 5 : i32
        %dma_start3A_1859 = arith.constant 0 : i32
        %dma_start3A_1860 = tpu.memref_slice %arg19[%dma_start3A_1858, %dma_start3A_1859] : memref<8x128xf32, #tpu.memory_space<vmem>> -> memref<1x128xf32, #tpu.memory_space<vmem>>
        %dma_start3A_1861 = arith.constant 0 : i32
        %dma_start3A_1862 = tpu.memref_slice %arg8[%dma_start3A_1861, %multiple_of3A_1814] : memref<1x1000000xf32, #tpu.memory_space<hbm>> -> memref<1x128xf32, #tpu.memory_space<hbm>>
        %dma_start3A_1863 = arith.constant 5 : i32
        %dma_start3A_1864 = arith.constant 0 : i32
        %dma_start3A_1865 = tpu.memref_slice %arg19[%dma_start3A_1863, %dma_start3A_1864] : memref<8x128xf32, #tpu.memory_space<vmem>> -> memref<1x128xf32, #tpu.memory_space<vmem>>
        %dma_start3A_1866 = arith.constant 0 : i32
        %dma_start3A_1867 = tpu.memref_slice %arg8[%dma_start3A_1866, %multiple_of3A_1814] : memref<1x1000000xf32, #tpu.memory_space<hbm>> -> memref<1x128xf32, #tpu.memory_space<hbm>>
        tpu.enqueue_dma source(%dma_start3A_1867 : memref<1x128xf32, #tpu.memory_space<hbm>>) target(%dma_start3A_1865 : memref<1x128xf32, #tpu.memory_space<vmem>>) target_semaphore(%arg24 : memref<!tpu.dma_semaphore, #tpu.memory_space<semaphore_mem>>)
        %dma_start3A_1868 = arith.constant 5 : i32
        %dma_start3A_1869 = arith.constant 0 : i32
        %dma_start3A_1870 = tpu.memref_slice %arg21[%dma_start3A_1868, %dma_start3A_1869] : memref<8x128xf32, #tpu.memory_space<vmem>> -> memref<1x128xf32, #tpu.memory_space<vmem>>
        %dma_start3A_1871 = arith.constant 0 : i32
        %dma_start3A_1872 = tpu.memref_slice %arg9[%dma_start3A_1871, %multiple_of3A_1817] : memref<1x1000000xf32, #tpu.memory_space<hbm>> -> memref<1x128xf32, #tpu.memory_space<hbm>>
        %dma_start3A_1873 = arith.constant 5 : i32
        %dma_start3A_1874 = arith.constant 0 : i32
        %dma_start3A_1875 = tpu.memref_slice %arg21[%dma_start3A_1873, %dma_start3A_1874] : memref<8x128xf32, #tpu.memory_space<vmem>> -> memref<1x128xf32, #tpu.memory_space<vmem>>
        %dma_start3A_1876 = arith.constant 0 : i32
        %dma_start3A_1877 = tpu.memref_slice %arg9[%dma_start3A_1876, %multiple_of3A_1817] : memref<1x1000000xf32, #tpu.memory_space<hbm>> -> memref<1x128xf32, #tpu.memory_space<hbm>>
        tpu.enqueue_dma source(%dma_start3A_1877 : memref<1x128xf32, #tpu.memory_space<hbm>>) target(%dma_start3A_1875 : memref<1x128xf32, #tpu.memory_space<vmem>>) target_semaphore(%arg24 : memref<!tpu.dma_semaphore, #tpu.memory_space<semaphore_mem>>)
        %slice3A_1878 = vector.extract_strided_slice %min3A_1121 {offsets = [6], sizes = [1], strides = [1]} : vector<16xi32> to vector<1xi32>
        %squeeze3A_1879 = vector.extract %slice3A_1878[0] : i32 from vector<1xi32>
        %multiple_of3A_1880 = tpu.assume_multiple %squeeze3A_1879, 128 : i32
        %slice3A_1881 = vector.extract_strided_slice %min3A_1130 {offsets = [6], sizes = [1], strides = [1]} : vector<16xi32> to vector<1xi32>
        %squeeze3A_1882 = vector.extract %slice3A_1881[0] : i32 from vector<1xi32>
        %multiple_of3A_1883 = tpu.assume_multiple %squeeze3A_1882, 128 : i32
        %dma_start3A_1884 = arith.constant 0 : i32
        %dma_start3A_1885 = arith.constant 768 : i32
        %dma_start3A_1886 = tpu.memref_slice %arg15[%dma_start3A_1884, %dma_start3A_1885] : memref<16x1024xf32, #tpu.memory_space<vmem>> -> memref<8x128xf32, #tpu.memory_space<vmem>>
        %dma_start3A_1887 = arith.constant 0 : i32
        %dma_start3A_1888 = tpu.memref_slice %arg6[%dma_start3A_1887, %multiple_of3A_1880] : memref<16x1000000xf32, #tpu.memory_space<hbm>> -> memref<8x128xf32, #tpu.memory_space<hbm>>
        %dma_start3A_1889 = arith.constant 0 : i32
        %dma_start3A_1890 = arith.constant 768 : i32
        %dma_start3A_1891 = tpu.memref_slice %arg15[%dma_start3A_1889, %dma_start3A_1890] : memref<16x1024xf32, #tpu.memory_space<vmem>> -> memref<8x128xf32, #tpu.memory_space<vmem>>
        %dma_start3A_1892 = arith.constant 0 : i32
        %dma_start3A_1893 = tpu.memref_slice %arg6[%dma_start3A_1892, %multiple_of3A_1880] : memref<16x1000000xf32, #tpu.memory_space<hbm>> -> memref<8x128xf32, #tpu.memory_space<hbm>>
        tpu.enqueue_dma source(%dma_start3A_1893 : memref<8x128xf32, #tpu.memory_space<hbm>>) target(%dma_start3A_1891 : memref<8x128xf32, #tpu.memory_space<vmem>>) target_semaphore(%arg24 : memref<!tpu.dma_semaphore, #tpu.memory_space<semaphore_mem>>)
        %dma_start3A_1894 = arith.constant 8 : i32
        %dma_start3A_1895 = arith.constant 768 : i32
        %dma_start3A_1896 = tpu.memref_slice %arg15[%dma_start3A_1894, %dma_start3A_1895] : memref<16x1024xf32, #tpu.memory_space<vmem>> -> memref<8x128xf32, #tpu.memory_space<vmem>>
        %dma_start3A_1897 = arith.constant 8 : i32
        %dma_start3A_1898 = tpu.memref_slice %arg6[%dma_start3A_1897, %multiple_of3A_1880] : memref<16x1000000xf32, #tpu.memory_space<hbm>> -> memref<8x128xf32, #tpu.memory_space<hbm>>
        %dma_start3A_1899 = arith.constant 8 : i32
        %dma_start3A_1900 = arith.constant 768 : i32
        %dma_start3A_1901 = tpu.memref_slice %arg15[%dma_start3A_1899, %dma_start3A_1900] : memref<16x1024xf32, #tpu.memory_space<vmem>> -> memref<8x128xf32, #tpu.memory_space<vmem>>
        %dma_start3A_1902 = arith.constant 8 : i32
        %dma_start3A_1903 = tpu.memref_slice %arg6[%dma_start3A_1902, %multiple_of3A_1880] : memref<16x1000000xf32, #tpu.memory_space<hbm>> -> memref<8x128xf32, #tpu.memory_space<hbm>>
        tpu.enqueue_dma source(%dma_start3A_1903 : memref<8x128xf32, #tpu.memory_space<hbm>>) target(%dma_start3A_1901 : memref<8x128xf32, #tpu.memory_space<vmem>>) target_semaphore(%arg24 : memref<!tpu.dma_semaphore, #tpu.memory_space<semaphore_mem>>)
        %dma_start3A_1904 = arith.constant 0 : i32
        %dma_start3A_1905 = arith.constant 768 : i32
        %dma_start3A_1906 = tpu.memref_slice %arg17[%dma_start3A_1904, %dma_start3A_1905] : memref<16x1024xf32, #tpu.memory_space<vmem>> -> memref<8x128xf32, #tpu.memory_space<vmem>>
        %dma_start3A_1907 = arith.constant 0 : i32
        %dma_start3A_1908 = tpu.memref_slice %arg7[%dma_start3A_1907, %multiple_of3A_1883] : memref<16x1000000xf32, #tpu.memory_space<hbm>> -> memref<8x128xf32, #tpu.memory_space<hbm>>
        %dma_start3A_1909 = arith.constant 0 : i32
        %dma_start3A_1910 = arith.constant 768 : i32
        %dma_start3A_1911 = tpu.memref_slice %arg17[%dma_start3A_1909, %dma_start3A_1910] : memref<16x1024xf32, #tpu.memory_space<vmem>> -> memref<8x128xf32, #tpu.memory_space<vmem>>
        %dma_start3A_1912 = arith.constant 0 : i32
        %dma_start3A_1913 = tpu.memref_slice %arg7[%dma_start3A_1912, %multiple_of3A_1883] : memref<16x1000000xf32, #tpu.memory_space<hbm>> -> memref<8x128xf32, #tpu.memory_space<hbm>>
        tpu.enqueue_dma source(%dma_start3A_1913 : memref<8x128xf32, #tpu.memory_space<hbm>>) target(%dma_start3A_1911 : memref<8x128xf32, #tpu.memory_space<vmem>>) target_semaphore(%arg24 : memref<!tpu.dma_semaphore, #tpu.memory_space<semaphore_mem>>)
        %dma_start3A_1914 = arith.constant 8 : i32
        %dma_start3A_1915 = arith.constant 768 : i32
        %dma_start3A_1916 = tpu.memref_slice %arg17[%dma_start3A_1914, %dma_start3A_1915] : memref<16x1024xf32, #tpu.memory_space<vmem>> -> memref<8x128xf32, #tpu.memory_space<vmem>>
        %dma_start3A_1917 = arith.constant 8 : i32
        %dma_start3A_1918 = tpu.memref_slice %arg7[%dma_start3A_1917, %multiple_of3A_1883] : memref<16x1000000xf32, #tpu.memory_space<hbm>> -> memref<8x128xf32, #tpu.memory_space<hbm>>
        %dma_start3A_1919 = arith.constant 8 : i32
        %dma_start3A_1920 = arith.constant 768 : i32
        %dma_start3A_1921 = tpu.memref_slice %arg17[%dma_start3A_1919, %dma_start3A_1920] : memref<16x1024xf32, #tpu.memory_space<vmem>> -> memref<8x128xf32, #tpu.memory_space<vmem>>
        %dma_start3A_1922 = arith.constant 8 : i32
        %dma_start3A_1923 = tpu.memref_slice %arg7[%dma_start3A_1922, %multiple_of3A_1883] : memref<16x1000000xf32, #tpu.memory_space<hbm>> -> memref<8x128xf32, #tpu.memory_space<hbm>>
        tpu.enqueue_dma source(%dma_start3A_1923 : memref<8x128xf32, #tpu.memory_space<hbm>>) target(%dma_start3A_1921 : memref<8x128xf32, #tpu.memory_space<vmem>>) target_semaphore(%arg24 : memref<!tpu.dma_semaphore, #tpu.memory_space<semaphore_mem>>)
        %dma_start3A_1924 = arith.constant 6 : i32
        %dma_start3A_1925 = arith.constant 0 : i32
        %dma_start3A_1926 = tpu.memref_slice %arg19[%dma_start3A_1924, %dma_start3A_1925] : memref<8x128xf32, #tpu.memory_space<vmem>> -> memref<1x128xf32, #tpu.memory_space<vmem>>
        %dma_start3A_1927 = arith.constant 0 : i32
        %dma_start3A_1928 = tpu.memref_slice %arg8[%dma_start3A_1927, %multiple_of3A_1880] : memref<1x1000000xf32, #tpu.memory_space<hbm>> -> memref<1x128xf32, #tpu.memory_space<hbm>>
        %dma_start3A_1929 = arith.constant 6 : i32
        %dma_start3A_1930 = arith.constant 0 : i32
        %dma_start3A_1931 = tpu.memref_slice %arg19[%dma_start3A_1929, %dma_start3A_1930] : memref<8x128xf32, #tpu.memory_space<vmem>> -> memref<1x128xf32, #tpu.memory_space<vmem>>
        %dma_start3A_1932 = arith.constant 0 : i32
        %dma_start3A_1933 = tpu.memref_slice %arg8[%dma_start3A_1932, %multiple_of3A_1880] : memref<1x1000000xf32, #tpu.memory_space<hbm>> -> memref<1x128xf32, #tpu.memory_space<hbm>>
        tpu.enqueue_dma source(%dma_start3A_1933 : memref<1x128xf32, #tpu.memory_space<hbm>>) target(%dma_start3A_1931 : memref<1x128xf32, #tpu.memory_space<vmem>>) target_semaphore(%arg24 : memref<!tpu.dma_semaphore, #tpu.memory_space<semaphore_mem>>)
        %dma_start3A_1934 = arith.constant 6 : i32
        %dma_start3A_1935 = arith.constant 0 : i32
        %dma_start3A_1936 = tpu.memref_slice %arg21[%dma_start3A_1934, %dma_start3A_1935] : memref<8x128xf32, #tpu.memory_space<vmem>> -> memref<1x128xf32, #tpu.memory_space<vmem>>
        %dma_start3A_1937 = arith.constant 0 : i32
        %dma_start3A_1938 = tpu.memref_slice %arg9[%dma_start3A_1937, %multiple_of3A_1883] : memref<1x1000000xf32, #tpu.memory_space<hbm>> -> memref<1x128xf32, #tpu.memory_space<hbm>>
        %dma_start3A_1939 = arith.constant 6 : i32
        %dma_start3A_1940 = arith.constant 0 : i32
        %dma_start3A_1941 = tpu.memref_slice %arg21[%dma_start3A_1939, %dma_start3A_1940] : memref<8x128xf32, #tpu.memory_space<vmem>> -> memref<1x128xf32, #tpu.memory_space<vmem>>
        %dma_start3A_1942 = arith.constant 0 : i32
        %dma_start3A_1943 = tpu.memref_slice %arg9[%dma_start3A_1942, %multiple_of3A_1883] : memref<1x1000000xf32, #tpu.memory_space<hbm>> -> memref<1x128xf32, #tpu.memory_space<hbm>>
        tpu.enqueue_dma source(%dma_start3A_1943 : memref<1x128xf32, #tpu.memory_space<hbm>>) target(%dma_start3A_1941 : memref<1x128xf32, #tpu.memory_space<vmem>>) target_semaphore(%arg24 : memref<!tpu.dma_semaphore, #tpu.memory_space<semaphore_mem>>)
        %slice3A_1944 = vector.extract_strided_slice %min3A_1121 {offsets = [7], sizes = [1], strides = [1]} : vector<16xi32> to vector<1xi32>
        %squeeze3A_1945 = vector.extract %slice3A_1944[0] : i32 from vector<1xi32>
        %multiple_of3A_1946 = tpu.assume_multiple %squeeze3A_1945, 128 : i32
        %slice3A_1947 = vector.extract_strided_slice %min3A_1130 {offsets = [7], sizes = [1], strides = [1]} : vector<16xi32> to vector<1xi32>
        %squeeze3A_1948 = vector.extract %slice3A_1947[0] : i32 from vector<1xi32>
        %multiple_of3A_1949 = tpu.assume_multiple %squeeze3A_1948, 128 : i32
        %dma_start3A_1950 = arith.constant 0 : i32
        %dma_start3A_1951 = arith.constant 896 : i32
        %dma_start3A_1952 = tpu.memref_slice %arg15[%dma_start3A_1950, %dma_start3A_1951] : memref<16x1024xf32, #tpu.memory_space<vmem>> -> memref<8x128xf32, #tpu.memory_space<vmem>>
        %dma_start3A_1953 = arith.constant 0 : i32
        %dma_start3A_1954 = tpu.memref_slice %arg6[%dma_start3A_1953, %multiple_of3A_1946] : memref<16x1000000xf32, #tpu.memory_space<hbm>> -> memref<8x128xf32, #tpu.memory_space<hbm>>
        %dma_start3A_1955 = arith.constant 0 : i32
        %dma_start3A_1956 = arith.constant 896 : i32
        %dma_start3A_1957 = tpu.memref_slice %arg15[%dma_start3A_1955, %dma_start3A_1956] : memref<16x1024xf32, #tpu.memory_space<vmem>> -> memref<8x128xf32, #tpu.memory_space<vmem>>
        %dma_start3A_1958 = arith.constant 0 : i32
        %dma_start3A_1959 = tpu.memref_slice %arg6[%dma_start3A_1958, %multiple_of3A_1946] : memref<16x1000000xf32, #tpu.memory_space<hbm>> -> memref<8x128xf32, #tpu.memory_space<hbm>>
        tpu.enqueue_dma source(%dma_start3A_1959 : memref<8x128xf32, #tpu.memory_space<hbm>>) target(%dma_start3A_1957 : memref<8x128xf32, #tpu.memory_space<vmem>>) target_semaphore(%arg24 : memref<!tpu.dma_semaphore, #tpu.memory_space<semaphore_mem>>)
        %dma_start3A_1960 = arith.constant 8 : i32
        %dma_start3A_1961 = arith.constant 896 : i32
        %dma_start3A_1962 = tpu.memref_slice %arg15[%dma_start3A_1960, %dma_start3A_1961] : memref<16x1024xf32, #tpu.memory_space<vmem>> -> memref<8x128xf32, #tpu.memory_space<vmem>>
        %dma_start3A_1963 = arith.constant 8 : i32
        %dma_start3A_1964 = tpu.memref_slice %arg6[%dma_start3A_1963, %multiple_of3A_1946] : memref<16x1000000xf32, #tpu.memory_space<hbm>> -> memref<8x128xf32, #tpu.memory_space<hbm>>
        %dma_start3A_1965 = arith.constant 8 : i32
        %dma_start3A_1966 = arith.constant 896 : i32
        %dma_start3A_1967 = tpu.memref_slice %arg15[%dma_start3A_1965, %dma_start3A_1966] : memref<16x1024xf32, #tpu.memory_space<vmem>> -> memref<8x128xf32, #tpu.memory_space<vmem>>
        %dma_start3A_1968 = arith.constant 8 : i32
        %dma_start3A_1969 = tpu.memref_slice %arg6[%dma_start3A_1968, %multiple_of3A_1946] : memref<16x1000000xf32, #tpu.memory_space<hbm>> -> memref<8x128xf32, #tpu.memory_space<hbm>>
        tpu.enqueue_dma source(%dma_start3A_1969 : memref<8x128xf32, #tpu.memory_space<hbm>>) target(%dma_start3A_1967 : memref<8x128xf32, #tpu.memory_space<vmem>>) target_semaphore(%arg24 : memref<!tpu.dma_semaphore, #tpu.memory_space<semaphore_mem>>)
        %dma_start3A_1970 = arith.constant 0 : i32
        %dma_start3A_1971 = arith.constant 896 : i32
        %dma_start3A_1972 = tpu.memref_slice %arg17[%dma_start3A_1970, %dma_start3A_1971] : memref<16x1024xf32, #tpu.memory_space<vmem>> -> memref<8x128xf32, #tpu.memory_space<vmem>>
        %dma_start3A_1973 = arith.constant 0 : i32
        %dma_start3A_1974 = tpu.memref_slice %arg7[%dma_start3A_1973, %multiple_of3A_1949] : memref<16x1000000xf32, #tpu.memory_space<hbm>> -> memref<8x128xf32, #tpu.memory_space<hbm>>
        %dma_start3A_1975 = arith.constant 0 : i32
        %dma_start3A_1976 = arith.constant 896 : i32
        %dma_start3A_1977 = tpu.memref_slice %arg17[%dma_start3A_1975, %dma_start3A_1976] : memref<16x1024xf32, #tpu.memory_space<vmem>> -> memref<8x128xf32, #tpu.memory_space<vmem>>
        %dma_start3A_1978 = arith.constant 0 : i32
        %dma_start3A_1979 = tpu.memref_slice %arg7[%dma_start3A_1978, %multiple_of3A_1949] : memref<16x1000000xf32, #tpu.memory_space<hbm>> -> memref<8x128xf32, #tpu.memory_space<hbm>>
        tpu.enqueue_dma source(%dma_start3A_1979 : memref<8x128xf32, #tpu.memory_space<hbm>>) target(%dma_start3A_1977 : memref<8x128xf32, #tpu.memory_space<vmem>>) target_semaphore(%arg24 : memref<!tpu.dma_semaphore, #tpu.memory_space<semaphore_mem>>)
        %dma_start3A_1980 = arith.constant 8 : i32
        %dma_start3A_1981 = arith.constant 896 : i32
        %dma_start3A_1982 = tpu.memref_slice %arg17[%dma_start3A_1980, %dma_start3A_1981] : memref<16x1024xf32, #tpu.memory_space<vmem>> -> memref<8x128xf32, #tpu.memory_space<vmem>>
        %dma_start3A_1983 = arith.constant 8 : i32
        %dma_start3A_1984 = tpu.memref_slice %arg7[%dma_start3A_1983, %multiple_of3A_1949] : memref<16x1000000xf32, #tpu.memory_space<hbm>> -> memref<8x128xf32, #tpu.memory_space<hbm>>
        %dma_start3A_1985 = arith.constant 8 : i32
        %dma_start3A_1986 = arith.constant 896 : i32
        %dma_start3A_1987 = tpu.memref_slice %arg17[%dma_start3A_1985, %dma_start3A_1986] : memref<16x1024xf32, #tpu.memory_space<vmem>> -> memref<8x128xf32, #tpu.memory_space<vmem>>
        %dma_start3A_1988 = arith.constant 8 : i32
        %dma_start3A_1989 = tpu.memref_slice %arg7[%dma_start3A_1988, %multiple_of3A_1949] : memref<16x1000000xf32, #tpu.memory_space<hbm>> -> memref<8x128xf32, #tpu.memory_space<hbm>>
        tpu.enqueue_dma source(%dma_start3A_1989 : memref<8x128xf32, #tpu.memory_space<hbm>>) target(%dma_start3A_1987 : memref<8x128xf32, #tpu.memory_space<vmem>>) target_semaphore(%arg24 : memref<!tpu.dma_semaphore, #tpu.memory_space<semaphore_mem>>)
        %dma_start3A_1990 = arith.constant 7 : i32
        %dma_start3A_1991 = arith.constant 0 : i32
        %dma_start3A_1992 = tpu.memref_slice %arg19[%dma_start3A_1990, %dma_start3A_1991] : memref<8x128xf32, #tpu.memory_space<vmem>> -> memref<1x128xf32, #tpu.memory_space<vmem>>
        %dma_start3A_1993 = arith.constant 0 : i32
        %dma_start3A_1994 = tpu.memref_slice %arg8[%dma_start3A_1993, %multiple_of3A_1946] : memref<1x1000000xf32, #tpu.memory_space<hbm>> -> memref<1x128xf32, #tpu.memory_space<hbm>>
        %dma_start3A_1995 = arith.constant 7 : i32
        %dma_start3A_1996 = arith.constant 0 : i32
        %dma_start3A_1997 = tpu.memref_slice %arg19[%dma_start3A_1995, %dma_start3A_1996] : memref<8x128xf32, #tpu.memory_space<vmem>> -> memref<1x128xf32, #tpu.memory_space<vmem>>
        %dma_start3A_1998 = arith.constant 0 : i32
        %dma_start3A_1999 = tpu.memref_slice %arg8[%dma_start3A_1998, %multiple_of3A_1946] : memref<1x1000000xf32, #tpu.memory_space<hbm>> -> memref<1x128xf32, #tpu.memory_space<hbm>>
        tpu.enqueue_dma source(%dma_start3A_1999 : memref<1x128xf32, #tpu.memory_space<hbm>>) target(%dma_start3A_1997 : memref<1x128xf32, #tpu.memory_space<vmem>>) target_semaphore(%arg24 : memref<!tpu.dma_semaphore, #tpu.memory_space<semaphore_mem>>)
        %dma_start3A_2000 = arith.constant 7 : i32
        %dma_start3A_2001 = arith.constant 0 : i32
        %dma_start3A_2002 = tpu.memref_slice %arg21[%dma_start3A_2000, %dma_start3A_2001] : memref<8x128xf32, #tpu.memory_space<vmem>> -> memref<1x128xf32, #tpu.memory_space<vmem>>
        %dma_start3A_2003 = arith.constant 0 : i32
        %dma_start3A_2004 = tpu.memref_slice %arg9[%dma_start3A_2003, %multiple_of3A_1949] : memref<1x1000000xf32, #tpu.memory_space<hbm>> -> memref<1x128xf32, #tpu.memory_space<hbm>>
        %dma_start3A_2005 = arith.constant 7 : i32
        %dma_start3A_2006 = arith.constant 0 : i32
        %dma_start3A_2007 = tpu.memref_slice %arg21[%dma_start3A_2005, %dma_start3A_2006] : memref<8x128xf32, #tpu.memory_space<vmem>> -> memref<1x128xf32, #tpu.memory_space<vmem>>
        %dma_start3A_2008 = arith.constant 0 : i32
        %dma_start3A_2009 = tpu.memref_slice %arg9[%dma_start3A_2008, %multiple_of3A_1949] : memref<1x1000000xf32, #tpu.memory_space<hbm>> -> memref<1x128xf32, #tpu.memory_space<hbm>>
        tpu.enqueue_dma source(%dma_start3A_2009 : memref<1x128xf32, #tpu.memory_space<hbm>>) target(%dma_start3A_2007 : memref<1x128xf32, #tpu.memory_space<vmem>>) target_semaphore(%arg24 : memref<!tpu.dma_semaphore, #tpu.memory_space<semaphore_mem>>)
      } else {
      }
      %dma_wait3A_1303 = arith.constant 0 : i32
      %dma_wait3A_1304 = arith.constant 0 : i32
      %dma_wait3A_1305 = tpu.memref_slice %arg6[%dma_wait3A_1303, %dma_wait3A_1304] : memref<16x1000000xf32, #tpu.memory_space<hbm>> -> memref<16x1024xf32, #tpu.memory_space<hbm>>
      %dma_wait3A_1306 = arith.constant 0 : i32
      %dma_wait3A_1307 = arith.constant 0 : i32
      %dma_wait3A_1308 = tpu.memref_slice %arg6[%dma_wait3A_1306, %dma_wait3A_1307] : memref<16x1000000xf32, #tpu.memory_space<hbm>> -> memref<16x1024xf32, #tpu.memory_space<hbm>>
      tpu.wait_dma2 semaphore(%arg25 : memref<!tpu.dma_semaphore, #tpu.memory_space<semaphore_mem>>) src(%dma_wait3A_1308 : memref<16x1024xf32, #tpu.memory_space<hbm>>) dst(%arg16 : memref<16x1024xf32, #tpu.memory_space<vmem>>)
      %dma_wait3A_1309 = arith.constant 0 : i32
      %dma_wait3A_1310 = arith.constant 0 : i32
      %dma_wait3A_1311 = tpu.memref_slice %arg7[%dma_wait3A_1309, %dma_wait3A_1310] : memref<16x1000000xf32, #tpu.memory_space<hbm>> -> memref<16x1024xf32, #tpu.memory_space<hbm>>
      %dma_wait3A_1312 = arith.constant 0 : i32
      %dma_wait3A_1313 = arith.constant 0 : i32
      %dma_wait3A_1314 = tpu.memref_slice %arg7[%dma_wait3A_1312, %dma_wait3A_1313] : memref<16x1000000xf32, #tpu.memory_space<hbm>> -> memref<16x1024xf32, #tpu.memory_space<hbm>>
      tpu.wait_dma2 semaphore(%arg25 : memref<!tpu.dma_semaphore, #tpu.memory_space<semaphore_mem>>) src(%dma_wait3A_1314 : memref<16x1024xf32, #tpu.memory_space<hbm>>) dst(%arg18 : memref<16x1024xf32, #tpu.memory_space<vmem>>)
      %dma_wait3A_1315 = arith.constant 0 : i32
      %dma_wait3A_1316 = arith.constant 0 : i32
      %dma_wait3A_1317 = tpu.memref_slice %arg6[%dma_wait3A_1315, %dma_wait3A_1316] : memref<16x1000000xf32, #tpu.memory_space<hbm>> -> memref<8x128xf32, #tpu.memory_space<hbm>>
      %dma_wait3A_1318 = arith.constant 0 : i32
      %dma_wait3A_1319 = arith.constant 0 : i32
      %dma_wait3A_1320 = tpu.memref_slice %arg6[%dma_wait3A_1318, %dma_wait3A_1319] : memref<16x1000000xf32, #tpu.memory_space<hbm>> -> memref<8x128xf32, #tpu.memory_space<hbm>>
      tpu.wait_dma2 semaphore(%arg25 : memref<!tpu.dma_semaphore, #tpu.memory_space<semaphore_mem>>) src(%dma_wait3A_1320 : memref<8x128xf32, #tpu.memory_space<hbm>>) dst(%arg20 : memref<8x128xf32, #tpu.memory_space<vmem>>)
      %dma_wait3A_1321 = arith.constant 0 : i32
      %dma_wait3A_1322 = arith.constant 0 : i32
      %dma_wait3A_1323 = tpu.memref_slice %arg6[%dma_wait3A_1321, %dma_wait3A_1322] : memref<16x1000000xf32, #tpu.memory_space<hbm>> -> memref<8x128xf32, #tpu.memory_space<hbm>>
      %dma_wait3A_1324 = arith.constant 0 : i32
      %dma_wait3A_1325 = arith.constant 0 : i32
      %dma_wait3A_1326 = tpu.memref_slice %arg6[%dma_wait3A_1324, %dma_wait3A_1325] : memref<16x1000000xf32, #tpu.memory_space<hbm>> -> memref<8x128xf32, #tpu.memory_space<hbm>>
      tpu.wait_dma2 semaphore(%arg25 : memref<!tpu.dma_semaphore, #tpu.memory_space<semaphore_mem>>) src(%dma_wait3A_1326 : memref<8x128xf32, #tpu.memory_space<hbm>>) dst(%arg22 : memref<8x128xf32, #tpu.memory_space<vmem>>)
      %mul3A_1327 = arith.constant 16 : i32
      %mul3A_1328 = arith.muli %scan3A_1097, %mul3A_1327 : i32
      %add3A_1329 = arith.constant 8 : i32
      %add3A_1330 = arith.addi %mul3A_1328, %add3A_1329 : i32
      %add3A_1331 = vector.broadcast %add3A_1330 : i32 to vector<16xi32>
      %add3A_1332 = arith.addi %add3A_1331, %and3A_18 : vector<16xi32>
      %gather3A_1333 = tpu.vector_load_idx %arg11[%add3A_1332] : memref<512xi32, #tpu.memory_space<vmem>>[vector<16xi32>], vector<16xi32>,
      %gather3A_1334 = tpu.vector_load_idx %arg12[%add3A_1332] : memref<512xi32, #tpu.memory_space<vmem>>[vector<16xi32>], vector<16xi32>,
      %shift_right_logical3A_1335 = arith.constant 7 : i32
      %shift_right_logical3A_1336 = vector.broadcast %shift_right_logical3A_1335 : i32 to vector<16xi32>
      %shift_right_logical3A_1337 = arith.shrui %gather3A_1333, %shift_right_logical3A_1336 : vector<16xi32>
      %shift_left3A_1338 = arith.constant 7 : i32
      %shift_left3A_1339 = vector.broadcast %shift_left3A_1338 : i32 to vector<16xi32>
      %shift_left3A_1340 = arith.shli %shift_right_logical3A_1337, %shift_left3A_1339 : vector<16xi32>
      %min3A_1341 = arith.constant 999872 : i32
      %min3A_1342 = vector.broadcast %min3A_1341 : i32 to vector<16xi32>
      %min3A_1343 = arith.minsi %shift_left3A_1340, %min3A_1342 : vector<16xi32>
      %sub3A_1344 = arith.subi %gather3A_1333, %min3A_1343 : vector<16xi32>
      %shift_right_logical3A_1345 = arith.constant 7 : i32
      %shift_right_logical3A_1346 = vector.broadcast %shift_right_logical3A_1345 : i32 to vector<16xi32>
      %shift_right_logical3A_1347 = arith.shrui %gather3A_1334, %shift_right_logical3A_1346 : vector<16xi32>
      %shift_left3A_1348 = arith.constant 7 : i32
      %shift_left3A_1349 = vector.broadcast %shift_left3A_1348 : i32 to vector<16xi32>
      %shift_left3A_1350 = arith.shli %shift_right_logical3A_1347, %shift_left3A_1349 : vector<16xi32>
      %min3A_1351 = arith.constant 999872 : i32
      %min3A_1352 = vector.broadcast %min3A_1351 : i32 to vector<16xi32>
      %min3A_1353 = arith.minsi %shift_left3A_1350, %min3A_1352 : vector<16xi32>
      %sub3A_1354 = arith.subi %gather3A_1334, %min3A_1353 : vector<16xi32>
      %mul3A_1355 = arith.constant 128 : i32
      %mul3A_1356 = vector.broadcast %mul3A_1355 : i32 to vector<16xi32>
      %mul3A_1357 = arith.muli %and3A_18, %mul3A_1356 : vector<16xi32>
      %add3A_1358 = arith.addi %mul3A_1357, %sub3A_1344 : vector<16xi32>
      %mul3A_1359 = arith.constant 128 : i32
      %mul3A_1360 = vector.broadcast %mul3A_1359 : i32 to vector<16xi32>
      %mul3A_1361 = arith.muli %and3A_18, %mul3A_1360 : vector<16xi32>
      %add3A_1362 = arith.addi %mul3A_1361, %sub3A_1354 : vector<16xi32>
      %broadcast_in_dim3A_1363 = arith.constant 0.000000e+00 : f32
      %broadcast_in_dim3A_1364 = vector.broadcast %broadcast_in_dim3A_1363 : f32 to vector<16xf32>
      %broadcast_in_dim3A_1365 = arith.constant 0 : i32
      %broadcast_in_dim3A_1366 = vector.broadcast %broadcast_in_dim3A_1365 : i32 to vector<16xi32>
      %gather3A_1367 = tpu.vector_load_idx %arg16[%broadcast_in_dim3A_1366, %add3A_1358] : memref<16x1024xf32, #tpu.memory_space<vmem>>[vector<16xi32>, vector<16xi32>], vector<16xf32>,
      %gather3A_1368 = tpu.vector_load_idx %arg18[%broadcast_in_dim3A_1366, %add3A_1362] : memref<16x1024xf32, #tpu.memory_space<vmem>>[vector<16xi32>, vector<16xi32>], vector<16xf32>,
      %mul3A_1369 = arith.mulf %gather3A_1367, %gather3A_1368 : vector<16xf32>
      %add3A_1370 = arith.addf %broadcast_in_dim3A_1364, %mul3A_1369 : vector<16xf32>
      %broadcast_in_dim3A_1371 = arith.constant 1 : i32
      %broadcast_in_dim3A_1372 = vector.broadcast %broadcast_in_dim3A_1371 : i32 to vector<16xi32>
      %gather3A_1373 = tpu.vector_load_idx %arg16[%broadcast_in_dim3A_1372, %add3A_1358] : memref<16x1024xf32, #tpu.memory_space<vmem>>[vector<16xi32>, vector<16xi32>], vector<16xf32>,
      %gather3A_1374 = tpu.vector_load_idx %arg18[%broadcast_in_dim3A_1372, %add3A_1362] : memref<16x1024xf32, #tpu.memory_space<vmem>>[vector<16xi32>, vector<16xi32>], vector<16xf32>,
      %mul3A_1375 = arith.mulf %gather3A_1373, %gather3A_1374 : vector<16xf32>
      %add3A_1376 = arith.addf %add3A_1370, %mul3A_1375 : vector<16xf32>
      %broadcast_in_dim3A_1377 = arith.constant 2 : i32
      %broadcast_in_dim3A_1378 = vector.broadcast %broadcast_in_dim3A_1377 : i32 to vector<16xi32>
      %gather3A_1379 = tpu.vector_load_idx %arg16[%broadcast_in_dim3A_1378, %add3A_1358] : memref<16x1024xf32, #tpu.memory_space<vmem>>[vector<16xi32>, vector<16xi32>], vector<16xf32>,
      %gather3A_1380 = tpu.vector_load_idx %arg18[%broadcast_in_dim3A_1378, %add3A_1362] : memref<16x1024xf32, #tpu.memory_space<vmem>>[vector<16xi32>, vector<16xi32>], vector<16xf32>,
      %mul3A_1381 = arith.mulf %gather3A_1379, %gather3A_1380 : vector<16xf32>
      %add3A_1382 = arith.addf %add3A_1376, %mul3A_1381 : vector<16xf32>
      %broadcast_in_dim3A_1383 = arith.constant 3 : i32
      %broadcast_in_dim3A_1384 = vector.broadcast %broadcast_in_dim3A_1383 : i32 to vector<16xi32>
      %gather3A_1385 = tpu.vector_load_idx %arg16[%broadcast_in_dim3A_1384, %add3A_1358] : memref<16x1024xf32, #tpu.memory_space<vmem>>[vector<16xi32>, vector<16xi32>], vector<16xf32>,
      %gather3A_1386 = tpu.vector_load_idx %arg18[%broadcast_in_dim3A_1384, %add3A_1362] : memref<16x1024xf32, #tpu.memory_space<vmem>>[vector<16xi32>, vector<16xi32>], vector<16xf32>,
      %mul3A_1387 = arith.mulf %gather3A_1385, %gather3A_1386 : vector<16xf32>
      %add3A_1388 = arith.addf %add3A_1382, %mul3A_1387 : vector<16xf32>
      %broadcast_in_dim3A_1389 = arith.constant 4 : i32
      %broadcast_in_dim3A_1390 = vector.broadcast %broadcast_in_dim3A_1389 : i32 to vector<16xi32>
      %gather3A_1391 = tpu.vector_load_idx %arg16[%broadcast_in_dim3A_1390, %add3A_1358] : memref<16x1024xf32, #tpu.memory_space<vmem>>[vector<16xi32>, vector<16xi32>], vector<16xf32>,
      %gather3A_1392 = tpu.vector_load_idx %arg18[%broadcast_in_dim3A_1390, %add3A_1362] : memref<16x1024xf32, #tpu.memory_space<vmem>>[vector<16xi32>, vector<16xi32>], vector<16xf32>,
      %mul3A_1393 = arith.mulf %gather3A_1391, %gather3A_1392 : vector<16xf32>
      %add3A_1394 = arith.addf %add3A_1388, %mul3A_1393 : vector<16xf32>
      %broadcast_in_dim3A_1395 = arith.constant 5 : i32
      %broadcast_in_dim3A_1396 = vector.broadcast %broadcast_in_dim3A_1395 : i32 to vector<16xi32>
      %gather3A_1397 = tpu.vector_load_idx %arg16[%broadcast_in_dim3A_1396, %add3A_1358] : memref<16x1024xf32, #tpu.memory_space<vmem>>[vector<16xi32>, vector<16xi32>], vector<16xf32>,
      %gather3A_1398 = tpu.vector_load_idx %arg18[%broadcast_in_dim3A_1396, %add3A_1362] : memref<16x1024xf32, #tpu.memory_space<vmem>>[vector<16xi32>, vector<16xi32>], vector<16xf32>,
      %mul3A_1399 = arith.mulf %gather3A_1397, %gather3A_1398 : vector<16xf32>
      %add3A_1400 = arith.addf %add3A_1394, %mul3A_1399 : vector<16xf32>
      %broadcast_in_dim3A_1401 = arith.constant 6 : i32
      %broadcast_in_dim3A_1402 = vector.broadcast %broadcast_in_dim3A_1401 : i32 to vector<16xi32>
      %gather3A_1403 = tpu.vector_load_idx %arg16[%broadcast_in_dim3A_1402, %add3A_1358] : memref<16x1024xf32, #tpu.memory_space<vmem>>[vector<16xi32>, vector<16xi32>], vector<16xf32>,
      %gather3A_1404 = tpu.vector_load_idx %arg18[%broadcast_in_dim3A_1402, %add3A_1362] : memref<16x1024xf32, #tpu.memory_space<vmem>>[vector<16xi32>, vector<16xi32>], vector<16xf32>,
      %mul3A_1405 = arith.mulf %gather3A_1403, %gather3A_1404 : vector<16xf32>
      %add3A_1406 = arith.addf %add3A_1400, %mul3A_1405 : vector<16xf32>
      %broadcast_in_dim3A_1407 = arith.constant 7 : i32
      %broadcast_in_dim3A_1408 = vector.broadcast %broadcast_in_dim3A_1407 : i32 to vector<16xi32>
      %gather3A_1409 = tpu.vector_load_idx %arg16[%broadcast_in_dim3A_1408, %add3A_1358] : memref<16x1024xf32, #tpu.memory_space<vmem>>[vector<16xi32>, vector<16xi32>], vector<16xf32>,
      %gather3A_1410 = tpu.vector_load_idx %arg18[%broadcast_in_dim3A_1408, %add3A_1362] : memref<16x1024xf32, #tpu.memory_space<vmem>>[vector<16xi32>, vector<16xi32>], vector<16xf32>,
      %mul3A_1411 = arith.mulf %gather3A_1409, %gather3A_1410 : vector<16xf32>
      %add3A_1412 = arith.addf %add3A_1406, %mul3A_1411 : vector<16xf32>
      %broadcast_in_dim3A_1413 = arith.constant 8 : i32
      %broadcast_in_dim3A_1414 = vector.broadcast %broadcast_in_dim3A_1413 : i32 to vector<16xi32>
      %gather3A_1415 = tpu.vector_load_idx %arg16[%broadcast_in_dim3A_1414, %add3A_1358] : memref<16x1024xf32, #tpu.memory_space<vmem>>[vector<16xi32>, vector<16xi32>], vector<16xf32>,
      %gather3A_1416 = tpu.vector_load_idx %arg18[%broadcast_in_dim3A_1414, %add3A_1362] : memref<16x1024xf32, #tpu.memory_space<vmem>>[vector<16xi32>, vector<16xi32>], vector<16xf32>,
      %mul3A_1417 = arith.mulf %gather3A_1415, %gather3A_1416 : vector<16xf32>
      %add3A_1418 = arith.addf %add3A_1412, %mul3A_1417 : vector<16xf32>
      %broadcast_in_dim3A_1419 = arith.constant 9 : i32
      %broadcast_in_dim3A_1420 = vector.broadcast %broadcast_in_dim3A_1419 : i32 to vector<16xi32>
      %gather3A_1421 = tpu.vector_load_idx %arg16[%broadcast_in_dim3A_1420, %add3A_1358] : memref<16x1024xf32, #tpu.memory_space<vmem>>[vector<16xi32>, vector<16xi32>], vector<16xf32>,
      %gather3A_1422 = tpu.vector_load_idx %arg18[%broadcast_in_dim3A_1420, %add3A_1362] : memref<16x1024xf32, #tpu.memory_space<vmem>>[vector<16xi32>, vector<16xi32>], vector<16xf32>,
      %mul3A_1423 = arith.mulf %gather3A_1421, %gather3A_1422 : vector<16xf32>
      %add3A_1424 = arith.addf %add3A_1418, %mul3A_1423 : vector<16xf32>
      %broadcast_in_dim3A_1425 = arith.constant 10 : i32
      %broadcast_in_dim3A_1426 = vector.broadcast %broadcast_in_dim3A_1425 : i32 to vector<16xi32>
      %gather3A_1427 = tpu.vector_load_idx %arg16[%broadcast_in_dim3A_1426, %add3A_1358] : memref<16x1024xf32, #tpu.memory_space<vmem>>[vector<16xi32>, vector<16xi32>], vector<16xf32>,
      %gather3A_1428 = tpu.vector_load_idx %arg18[%broadcast_in_dim3A_1426, %add3A_1362] : memref<16x1024xf32, #tpu.memory_space<vmem>>[vector<16xi32>, vector<16xi32>], vector<16xf32>,
      %mul3A_1429 = arith.mulf %gather3A_1427, %gather3A_1428 : vector<16xf32>
      %add3A_1430 = arith.addf %add3A_1424, %mul3A_1429 : vector<16xf32>
      %broadcast_in_dim3A_1431 = arith.constant 11 : i32
      %broadcast_in_dim3A_1432 = vector.broadcast %broadcast_in_dim3A_1431 : i32 to vector<16xi32>
      %gather3A_1433 = tpu.vector_load_idx %arg16[%broadcast_in_dim3A_1432, %add3A_1358] : memref<16x1024xf32, #tpu.memory_space<vmem>>[vector<16xi32>, vector<16xi32>], vector<16xf32>,
      %gather3A_1434 = tpu.vector_load_idx %arg18[%broadcast_in_dim3A_1432, %add3A_1362] : memref<16x1024xf32, #tpu.memory_space<vmem>>[vector<16xi32>, vector<16xi32>], vector<16xf32>,
      %mul3A_1435 = arith.mulf %gather3A_1433, %gather3A_1434 : vector<16xf32>
      %add3A_1436 = arith.addf %add3A_1430, %mul3A_1435 : vector<16xf32>
      %broadcast_in_dim3A_1437 = arith.constant 12 : i32
      %broadcast_in_dim3A_1438 = vector.broadcast %broadcast_in_dim3A_1437 : i32 to vector<16xi32>
      %gather3A_1439 = tpu.vector_load_idx %arg16[%broadcast_in_dim3A_1438, %add3A_1358] : memref<16x1024xf32, #tpu.memory_space<vmem>>[vector<16xi32>, vector<16xi32>], vector<16xf32>,
      %gather3A_1440 = tpu.vector_load_idx %arg18[%broadcast_in_dim3A_1438, %add3A_1362] : memref<16x1024xf32, #tpu.memory_space<vmem>>[vector<16xi32>, vector<16xi32>], vector<16xf32>,
      %mul3A_1441 = arith.mulf %gather3A_1439, %gather3A_1440 : vector<16xf32>
      %add3A_1442 = arith.addf %add3A_1436, %mul3A_1441 : vector<16xf32>
      %broadcast_in_dim3A_1443 = arith.constant 13 : i32
      %broadcast_in_dim3A_1444 = vector.broadcast %broadcast_in_dim3A_1443 : i32 to vector<16xi32>
      %gather3A_1445 = tpu.vector_load_idx %arg16[%broadcast_in_dim3A_1444, %add3A_1358] : memref<16x1024xf32, #tpu.memory_space<vmem>>[vector<16xi32>, vector<16xi32>], vector<16xf32>,
      %gather3A_1446 = tpu.vector_load_idx %arg18[%broadcast_in_dim3A_1444, %add3A_1362] : memref<16x1024xf32, #tpu.memory_space<vmem>>[vector<16xi32>, vector<16xi32>], vector<16xf32>,
      %mul3A_1447 = arith.mulf %gather3A_1445, %gather3A_1446 : vector<16xf32>
      %add3A_1448 = arith.addf %add3A_1442, %mul3A_1447 : vector<16xf32>
      %broadcast_in_dim3A_1449 = arith.constant 14 : i32
      %broadcast_in_dim3A_1450 = vector.broadcast %broadcast_in_dim3A_1449 : i32 to vector<16xi32>
      %gather3A_1451 = tpu.vector_load_idx %arg16[%broadcast_in_dim3A_1450, %add3A_1358] : memref<16x1024xf32, #tpu.memory_space<vmem>>[vector<16xi32>, vector<16xi32>], vector<16xf32>,
      %gather3A_1452 = tpu.vector_load_idx %arg18[%broadcast_in_dim3A_1450, %add3A_1362] : memref<16x1024xf32, #tpu.memory_space<vmem>>[vector<16xi32>, vector<16xi32>], vector<16xf32>,
      %mul3A_1453 = arith.mulf %gather3A_1451, %gather3A_1452 : vector<16xf32>
      %add3A_1454 = arith.addf %add3A_1448, %mul3A_1453 : vector<16xf32>
      %broadcast_in_dim3A_1455 = arith.constant 15 : i32
      %broadcast_in_dim3A_1456 = vector.broadcast %broadcast_in_dim3A_1455 : i32 to vector<16xi32>
      %gather3A_1457 = tpu.vector_load_idx %arg16[%broadcast_in_dim3A_1456, %add3A_1358] : memref<16x1024xf32, #tpu.memory_space<vmem>>[vector<16xi32>, vector<16xi32>], vector<16xf32>,
      %gather3A_1458 = tpu.vector_load_idx %arg18[%broadcast_in_dim3A_1456, %add3A_1362] : memref<16x1024xf32, #tpu.memory_space<vmem>>[vector<16xi32>, vector<16xi32>], vector<16xf32>,
      %mul3A_1459 = arith.mulf %gather3A_1457, %gather3A_1458 : vector<16xf32>
      %add3A_1460 = arith.addf %add3A_1454, %mul3A_1459 : vector<16xf32>
      %gather3A_1461 = tpu.vector_load_idx %arg20[%and3A_18, %sub3A_1344] : memref<8x128xf32, #tpu.memory_space<vmem>>[vector<16xi32>, vector<16xi32>], vector<16xf32>,
      %gather3A_1462 = tpu.vector_load_idx %arg22[%and3A_18, %sub3A_1354] : memref<8x128xf32, #tpu.memory_space<vmem>>[vector<16xi32>, vector<16xi32>], vector<16xf32>,
      %gather3A_1463 = tpu.vector_load_idx %arg13[%add3A_1332] : memref<512xf32, #tpu.memory_space<vmem>>[vector<16xi32>], vector<16xf32>,
      %gather3A_1464 = tpu.vector_load_idx %arg14[%add3A_1332] : memref<512xf32, #tpu.memory_space<vmem>>[vector<16xi32>], vector<16xf32>,
      %add3A_1465 = arith.addf %add3A_1460, %gather3A_1461 : vector<16xf32>
      %add3A_1466 = arith.addf %add3A_1465, %gather3A_1462 : vector<16xf32>
      %sub3A_1467 = arith.subf %add3A_1466, %gather3A_1463 : vector<16xf32>
      %lt3A_1468 = arith.constant 8 : i32
      %lt3A_1469 = vector.broadcast %lt3A_1468 : i32 to vector<16xi32>
      %lt3A_1470 = arith.cmpi slt, %iota3A, %lt3A_1469 : vector<16xi32>
      %mul3A_1471 = arith.mulf %gather3A_1464, %sub3A_1467 : vector<16xf32>
      %mul3A_1472 = arith.mulf %mul3A_1471, %sub3A_1467 : vector<16xf32>
      %jit3A_1473 = arith.constant 0.000000e+00 : f32
      %broadcast_in_dim3A_1474 = vector.broadcast %jit3A_1473 : f32 to vector<16xf32>
      %select_n3A_1475 = arith.select %lt3A_1470, %mul3A_1472, %broadcast_in_dim3A_1474 : vector<16xi1>, vector<16xf32>
      %add3A_1476 = arith.addf %add3A_1299, %select_n3A_1475 : vector<16xf32>
      %lt3A_1477 = arith.constant 31 : i32
      %lt3A_1478 = arith.cmpi slt, %scan3A_1097, %lt3A_1477 : i32
      %convert_element_type3A_1479 = arith.extui %lt3A_1478 : i1 to i32
      %cond3A_1480 = arith.constant 0 : i32
      %cond3A_1481 = arith.cmpi ne, %convert_element_type3A_1479, %cond3A_1480 : i32
      scf.if %cond3A_1481 {
        %slice3A_1482 = vector.extract_strided_slice %min3A_1121 {offsets = [8], sizes = [1], strides = [1]} : vector<16xi32> to vector<1xi32>
        %squeeze3A_1483 = vector.extract %slice3A_1482[0] : i32 from vector<1xi32>
        %multiple_of3A_1484 = tpu.assume_multiple %squeeze3A_1483, 128 : i32
        %slice3A_1485 = vector.extract_strided_slice %min3A_1130 {offsets = [8], sizes = [1], strides = [1]} : vector<16xi32> to vector<1xi32>
        %squeeze3A_1486 = vector.extract %slice3A_1485[0] : i32 from vector<1xi32>
        %multiple_of3A_1487 = tpu.assume_multiple %squeeze3A_1486, 128 : i32
        %dma_start3A_1488 = arith.constant 0 : i32
        %dma_start3A_1489 = arith.constant 0 : i32
        %dma_start3A_1490 = tpu.memref_slice %arg16[%dma_start3A_1488, %dma_start3A_1489] : memref<16x1024xf32, #tpu.memory_space<vmem>> -> memref<8x128xf32, #tpu.memory_space<vmem>>
        %dma_start3A_1491 = arith.constant 0 : i32
        %dma_start3A_1492 = tpu.memref_slice %arg6[%dma_start3A_1491, %multiple_of3A_1484] : memref<16x1000000xf32, #tpu.memory_space<hbm>> -> memref<8x128xf32, #tpu.memory_space<hbm>>
        %dma_start3A_1493 = arith.constant 0 : i32
        %dma_start3A_1494 = arith.constant 0 : i32
        %dma_start3A_1495 = tpu.memref_slice %arg16[%dma_start3A_1493, %dma_start3A_1494] : memref<16x1024xf32, #tpu.memory_space<vmem>> -> memref<8x128xf32, #tpu.memory_space<vmem>>
        %dma_start3A_1496 = arith.constant 0 : i32
        %dma_start3A_1497 = tpu.memref_slice %arg6[%dma_start3A_1496, %multiple_of3A_1484] : memref<16x1000000xf32, #tpu.memory_space<hbm>> -> memref<8x128xf32, #tpu.memory_space<hbm>>
        tpu.enqueue_dma source(%dma_start3A_1497 : memref<8x128xf32, #tpu.memory_space<hbm>>) target(%dma_start3A_1495 : memref<8x128xf32, #tpu.memory_space<vmem>>) target_semaphore(%arg25 : memref<!tpu.dma_semaphore, #tpu.memory_space<semaphore_mem>>)
        %dma_start3A_1498 = arith.constant 8 : i32
        %dma_start3A_1499 = arith.constant 0 : i32
        %dma_start3A_1500 = tpu.memref_slice %arg16[%dma_start3A_1498, %dma_start3A_1499] : memref<16x1024xf32, #tpu.memory_space<vmem>> -> memref<8x128xf32, #tpu.memory_space<vmem>>
        %dma_start3A_1501 = arith.constant 8 : i32
        %dma_start3A_1502 = tpu.memref_slice %arg6[%dma_start3A_1501, %multiple_of3A_1484] : memref<16x1000000xf32, #tpu.memory_space<hbm>> -> memref<8x128xf32, #tpu.memory_space<hbm>>
        %dma_start3A_1503 = arith.constant 8 : i32
        %dma_start3A_1504 = arith.constant 0 : i32
        %dma_start3A_1505 = tpu.memref_slice %arg16[%dma_start3A_1503, %dma_start3A_1504] : memref<16x1024xf32, #tpu.memory_space<vmem>> -> memref<8x128xf32, #tpu.memory_space<vmem>>
        %dma_start3A_1506 = arith.constant 8 : i32
        %dma_start3A_1507 = tpu.memref_slice %arg6[%dma_start3A_1506, %multiple_of3A_1484] : memref<16x1000000xf32, #tpu.memory_space<hbm>> -> memref<8x128xf32, #tpu.memory_space<hbm>>
        tpu.enqueue_dma source(%dma_start3A_1507 : memref<8x128xf32, #tpu.memory_space<hbm>>) target(%dma_start3A_1505 : memref<8x128xf32, #tpu.memory_space<vmem>>) target_semaphore(%arg25 : memref<!tpu.dma_semaphore, #tpu.memory_space<semaphore_mem>>)
        %dma_start3A_1508 = arith.constant 0 : i32
        %dma_start3A_1509 = arith.constant 0 : i32
        %dma_start3A_1510 = tpu.memref_slice %arg18[%dma_start3A_1508, %dma_start3A_1509] : memref<16x1024xf32, #tpu.memory_space<vmem>> -> memref<8x128xf32, #tpu.memory_space<vmem>>
        %dma_start3A_1511 = arith.constant 0 : i32
        %dma_start3A_1512 = tpu.memref_slice %arg7[%dma_start3A_1511, %multiple_of3A_1487] : memref<16x1000000xf32, #tpu.memory_space<hbm>> -> memref<8x128xf32, #tpu.memory_space<hbm>>
        %dma_start3A_1513 = arith.constant 0 : i32
        %dma_start3A_1514 = arith.constant 0 : i32
        %dma_start3A_1515 = tpu.memref_slice %arg18[%dma_start3A_1513, %dma_start3A_1514] : memref<16x1024xf32, #tpu.memory_space<vmem>> -> memref<8x128xf32, #tpu.memory_space<vmem>>
        %dma_start3A_1516 = arith.constant 0 : i32
        %dma_start3A_1517 = tpu.memref_slice %arg7[%dma_start3A_1516, %multiple_of3A_1487] : memref<16x1000000xf32, #tpu.memory_space<hbm>> -> memref<8x128xf32, #tpu.memory_space<hbm>>
        tpu.enqueue_dma source(%dma_start3A_1517 : memref<8x128xf32, #tpu.memory_space<hbm>>) target(%dma_start3A_1515 : memref<8x128xf32, #tpu.memory_space<vmem>>) target_semaphore(%arg25 : memref<!tpu.dma_semaphore, #tpu.memory_space<semaphore_mem>>)
        %dma_start3A_1518 = arith.constant 8 : i32
        %dma_start3A_1519 = arith.constant 0 : i32
        %dma_start3A_1520 = tpu.memref_slice %arg18[%dma_start3A_1518, %dma_start3A_1519] : memref<16x1024xf32, #tpu.memory_space<vmem>> -> memref<8x128xf32, #tpu.memory_space<vmem>>
        %dma_start3A_1521 = arith.constant 8 : i32
        %dma_start3A_1522 = tpu.memref_slice %arg7[%dma_start3A_1521, %multiple_of3A_1487] : memref<16x1000000xf32, #tpu.memory_space<hbm>> -> memref<8x128xf32, #tpu.memory_space<hbm>>
        %dma_start3A_1523 = arith.constant 8 : i32
        %dma_start3A_1524 = arith.constant 0 : i32
        %dma_start3A_1525 = tpu.memref_slice %arg18[%dma_start3A_1523, %dma_start3A_1524] : memref<16x1024xf32, #tpu.memory_space<vmem>> -> memref<8x128xf32, #tpu.memory_space<vmem>>
        %dma_start3A_1526 = arith.constant 8 : i32
        %dma_start3A_1527 = tpu.memref_slice %arg7[%dma_start3A_1526, %multiple_of3A_1487] : memref<16x1000000xf32, #tpu.memory_space<hbm>> -> memref<8x128xf32, #tpu.memory_space<hbm>>
        tpu.enqueue_dma source(%dma_start3A_1527 : memref<8x128xf32, #tpu.memory_space<hbm>>) target(%dma_start3A_1525 : memref<8x128xf32, #tpu.memory_space<vmem>>) target_semaphore(%arg25 : memref<!tpu.dma_semaphore, #tpu.memory_space<semaphore_mem>>)
        %dma_start3A_1528 = arith.constant 0 : i32
        %dma_start3A_1529 = arith.constant 0 : i32
        %dma_start3A_1530 = tpu.memref_slice %arg20[%dma_start3A_1528, %dma_start3A_1529] : memref<8x128xf32, #tpu.memory_space<vmem>> -> memref<1x128xf32, #tpu.memory_space<vmem>>
        %dma_start3A_1531 = arith.constant 0 : i32
        %dma_start3A_1532 = tpu.memref_slice %arg8[%dma_start3A_1531, %multiple_of3A_1484] : memref<1x1000000xf32, #tpu.memory_space<hbm>> -> memref<1x128xf32, #tpu.memory_space<hbm>>
        %dma_start3A_1533 = arith.constant 0 : i32
        %dma_start3A_1534 = arith.constant 0 : i32
        %dma_start3A_1535 = tpu.memref_slice %arg20[%dma_start3A_1533, %dma_start3A_1534] : memref<8x128xf32, #tpu.memory_space<vmem>> -> memref<1x128xf32, #tpu.memory_space<vmem>>
        %dma_start3A_1536 = arith.constant 0 : i32
        %dma_start3A_1537 = tpu.memref_slice %arg8[%dma_start3A_1536, %multiple_of3A_1484] : memref<1x1000000xf32, #tpu.memory_space<hbm>> -> memref<1x128xf32, #tpu.memory_space<hbm>>
        tpu.enqueue_dma source(%dma_start3A_1537 : memref<1x128xf32, #tpu.memory_space<hbm>>) target(%dma_start3A_1535 : memref<1x128xf32, #tpu.memory_space<vmem>>) target_semaphore(%arg25 : memref<!tpu.dma_semaphore, #tpu.memory_space<semaphore_mem>>)
        %dma_start3A_1538 = arith.constant 0 : i32
        %dma_start3A_1539 = arith.constant 0 : i32
        %dma_start3A_1540 = tpu.memref_slice %arg22[%dma_start3A_1538, %dma_start3A_1539] : memref<8x128xf32, #tpu.memory_space<vmem>> -> memref<1x128xf32, #tpu.memory_space<vmem>>
        %dma_start3A_1541 = arith.constant 0 : i32
        %dma_start3A_1542 = tpu.memref_slice %arg9[%dma_start3A_1541, %multiple_of3A_1487] : memref<1x1000000xf32, #tpu.memory_space<hbm>> -> memref<1x128xf32, #tpu.memory_space<hbm>>
        %dma_start3A_1543 = arith.constant 0 : i32
        %dma_start3A_1544 = arith.constant 0 : i32
        %dma_start3A_1545 = tpu.memref_slice %arg22[%dma_start3A_1543, %dma_start3A_1544] : memref<8x128xf32, #tpu.memory_space<vmem>> -> memref<1x128xf32, #tpu.memory_space<vmem>>
        %dma_start3A_1546 = arith.constant 0 : i32
        %dma_start3A_1547 = tpu.memref_slice %arg9[%dma_start3A_1546, %multiple_of3A_1487] : memref<1x1000000xf32, #tpu.memory_space<hbm>> -> memref<1x128xf32, #tpu.memory_space<hbm>>
        tpu.enqueue_dma source(%dma_start3A_1547 : memref<1x128xf32, #tpu.memory_space<hbm>>) target(%dma_start3A_1545 : memref<1x128xf32, #tpu.memory_space<vmem>>) target_semaphore(%arg25 : memref<!tpu.dma_semaphore, #tpu.memory_space<semaphore_mem>>)
        %slice3A_1548 = vector.extract_strided_slice %min3A_1121 {offsets = [9], sizes = [1], strides = [1]} : vector<16xi32> to vector<1xi32>
        %squeeze3A_1549 = vector.extract %slice3A_1548[0] : i32 from vector<1xi32>
        %multiple_of3A_1550 = tpu.assume_multiple %squeeze3A_1549, 128 : i32
        %slice3A_1551 = vector.extract_strided_slice %min3A_1130 {offsets = [9], sizes = [1], strides = [1]} : vector<16xi32> to vector<1xi32>
        %squeeze3A_1552 = vector.extract %slice3A_1551[0] : i32 from vector<1xi32>
        %multiple_of3A_1553 = tpu.assume_multiple %squeeze3A_1552, 128 : i32
        %dma_start3A_1554 = arith.constant 0 : i32
        %dma_start3A_1555 = arith.constant 128 : i32
        %dma_start3A_1556 = tpu.memref_slice %arg16[%dma_start3A_1554, %dma_start3A_1555] : memref<16x1024xf32, #tpu.memory_space<vmem>> -> memref<8x128xf32, #tpu.memory_space<vmem>>
        %dma_start3A_1557 = arith.constant 0 : i32
        %dma_start3A_1558 = tpu.memref_slice %arg6[%dma_start3A_1557, %multiple_of3A_1550] : memref<16x1000000xf32, #tpu.memory_space<hbm>> -> memref<8x128xf32, #tpu.memory_space<hbm>>
        %dma_start3A_1559 = arith.constant 0 : i32
        %dma_start3A_1560 = arith.constant 128 : i32
        %dma_start3A_1561 = tpu.memref_slice %arg16[%dma_start3A_1559, %dma_start3A_1560] : memref<16x1024xf32, #tpu.memory_space<vmem>> -> memref<8x128xf32, #tpu.memory_space<vmem>>
        %dma_start3A_1562 = arith.constant 0 : i32
        %dma_start3A_1563 = tpu.memref_slice %arg6[%dma_start3A_1562, %multiple_of3A_1550] : memref<16x1000000xf32, #tpu.memory_space<hbm>> -> memref<8x128xf32, #tpu.memory_space<hbm>>
        tpu.enqueue_dma source(%dma_start3A_1563 : memref<8x128xf32, #tpu.memory_space<hbm>>) target(%dma_start3A_1561 : memref<8x128xf32, #tpu.memory_space<vmem>>) target_semaphore(%arg25 : memref<!tpu.dma_semaphore, #tpu.memory_space<semaphore_mem>>)
        %dma_start3A_1564 = arith.constant 8 : i32
        %dma_start3A_1565 = arith.constant 128 : i32
        %dma_start3A_1566 = tpu.memref_slice %arg16[%dma_start3A_1564, %dma_start3A_1565] : memref<16x1024xf32, #tpu.memory_space<vmem>> -> memref<8x128xf32, #tpu.memory_space<vmem>>
        %dma_start3A_1567 = arith.constant 8 : i32
        %dma_start3A_1568 = tpu.memref_slice %arg6[%dma_start3A_1567, %multiple_of3A_1550] : memref<16x1000000xf32, #tpu.memory_space<hbm>> -> memref<8x128xf32, #tpu.memory_space<hbm>>
        %dma_start3A_1569 = arith.constant 8 : i32
        %dma_start3A_1570 = arith.constant 128 : i32
        %dma_start3A_1571 = tpu.memref_slice %arg16[%dma_start3A_1569, %dma_start3A_1570] : memref<16x1024xf32, #tpu.memory_space<vmem>> -> memref<8x128xf32, #tpu.memory_space<vmem>>
        %dma_start3A_1572 = arith.constant 8 : i32
        %dma_start3A_1573 = tpu.memref_slice %arg6[%dma_start3A_1572, %multiple_of3A_1550] : memref<16x1000000xf32, #tpu.memory_space<hbm>> -> memref<8x128xf32, #tpu.memory_space<hbm>>
        tpu.enqueue_dma source(%dma_start3A_1573 : memref<8x128xf32, #tpu.memory_space<hbm>>) target(%dma_start3A_1571 : memref<8x128xf32, #tpu.memory_space<vmem>>) target_semaphore(%arg25 : memref<!tpu.dma_semaphore, #tpu.memory_space<semaphore_mem>>)
        %dma_start3A_1574 = arith.constant 0 : i32
        %dma_start3A_1575 = arith.constant 128 : i32
        %dma_start3A_1576 = tpu.memref_slice %arg18[%dma_start3A_1574, %dma_start3A_1575] : memref<16x1024xf32, #tpu.memory_space<vmem>> -> memref<8x128xf32, #tpu.memory_space<vmem>>
        %dma_start3A_1577 = arith.constant 0 : i32
        %dma_start3A_1578 = tpu.memref_slice %arg7[%dma_start3A_1577, %multiple_of3A_1553] : memref<16x1000000xf32, #tpu.memory_space<hbm>> -> memref<8x128xf32, #tpu.memory_space<hbm>>
        %dma_start3A_1579 = arith.constant 0 : i32
        %dma_start3A_1580 = arith.constant 128 : i32
        %dma_start3A_1581 = tpu.memref_slice %arg18[%dma_start3A_1579, %dma_start3A_1580] : memref<16x1024xf32, #tpu.memory_space<vmem>> -> memref<8x128xf32, #tpu.memory_space<vmem>>
        %dma_start3A_1582 = arith.constant 0 : i32
        %dma_start3A_1583 = tpu.memref_slice %arg7[%dma_start3A_1582, %multiple_of3A_1553] : memref<16x1000000xf32, #tpu.memory_space<hbm>> -> memref<8x128xf32, #tpu.memory_space<hbm>>
        tpu.enqueue_dma source(%dma_start3A_1583 : memref<8x128xf32, #tpu.memory_space<hbm>>) target(%dma_start3A_1581 : memref<8x128xf32, #tpu.memory_space<vmem>>) target_semaphore(%arg25 : memref<!tpu.dma_semaphore, #tpu.memory_space<semaphore_mem>>)
        %dma_start3A_1584 = arith.constant 8 : i32
        %dma_start3A_1585 = arith.constant 128 : i32
        %dma_start3A_1586 = tpu.memref_slice %arg18[%dma_start3A_1584, %dma_start3A_1585] : memref<16x1024xf32, #tpu.memory_space<vmem>> -> memref<8x128xf32, #tpu.memory_space<vmem>>
        %dma_start3A_1587 = arith.constant 8 : i32
        %dma_start3A_1588 = tpu.memref_slice %arg7[%dma_start3A_1587, %multiple_of3A_1553] : memref<16x1000000xf32, #tpu.memory_space<hbm>> -> memref<8x128xf32, #tpu.memory_space<hbm>>
        %dma_start3A_1589 = arith.constant 8 : i32
        %dma_start3A_1590 = arith.constant 128 : i32
        %dma_start3A_1591 = tpu.memref_slice %arg18[%dma_start3A_1589, %dma_start3A_1590] : memref<16x1024xf32, #tpu.memory_space<vmem>> -> memref<8x128xf32, #tpu.memory_space<vmem>>
        %dma_start3A_1592 = arith.constant 8 : i32
        %dma_start3A_1593 = tpu.memref_slice %arg7[%dma_start3A_1592, %multiple_of3A_1553] : memref<16x1000000xf32, #tpu.memory_space<hbm>> -> memref<8x128xf32, #tpu.memory_space<hbm>>
        tpu.enqueue_dma source(%dma_start3A_1593 : memref<8x128xf32, #tpu.memory_space<hbm>>) target(%dma_start3A_1591 : memref<8x128xf32, #tpu.memory_space<vmem>>) target_semaphore(%arg25 : memref<!tpu.dma_semaphore, #tpu.memory_space<semaphore_mem>>)
        %dma_start3A_1594 = arith.constant 1 : i32
        %dma_start3A_1595 = arith.constant 0 : i32
        %dma_start3A_1596 = tpu.memref_slice %arg20[%dma_start3A_1594, %dma_start3A_1595] : memref<8x128xf32, #tpu.memory_space<vmem>> -> memref<1x128xf32, #tpu.memory_space<vmem>>
        %dma_start3A_1597 = arith.constant 0 : i32
        %dma_start3A_1598 = tpu.memref_slice %arg8[%dma_start3A_1597, %multiple_of3A_1550] : memref<1x1000000xf32, #tpu.memory_space<hbm>> -> memref<1x128xf32, #tpu.memory_space<hbm>>
        %dma_start3A_1599 = arith.constant 1 : i32
        %dma_start3A_1600 = arith.constant 0 : i32
        %dma_start3A_1601 = tpu.memref_slice %arg20[%dma_start3A_1599, %dma_start3A_1600] : memref<8x128xf32, #tpu.memory_space<vmem>> -> memref<1x128xf32, #tpu.memory_space<vmem>>
        %dma_start3A_1602 = arith.constant 0 : i32
        %dma_start3A_1603 = tpu.memref_slice %arg8[%dma_start3A_1602, %multiple_of3A_1550] : memref<1x1000000xf32, #tpu.memory_space<hbm>> -> memref<1x128xf32, #tpu.memory_space<hbm>>
        tpu.enqueue_dma source(%dma_start3A_1603 : memref<1x128xf32, #tpu.memory_space<hbm>>) target(%dma_start3A_1601 : memref<1x128xf32, #tpu.memory_space<vmem>>) target_semaphore(%arg25 : memref<!tpu.dma_semaphore, #tpu.memory_space<semaphore_mem>>)
        %dma_start3A_1604 = arith.constant 1 : i32
        %dma_start3A_1605 = arith.constant 0 : i32
        %dma_start3A_1606 = tpu.memref_slice %arg22[%dma_start3A_1604, %dma_start3A_1605] : memref<8x128xf32, #tpu.memory_space<vmem>> -> memref<1x128xf32, #tpu.memory_space<vmem>>
        %dma_start3A_1607 = arith.constant 0 : i32
        %dma_start3A_1608 = tpu.memref_slice %arg9[%dma_start3A_1607, %multiple_of3A_1553] : memref<1x1000000xf32, #tpu.memory_space<hbm>> -> memref<1x128xf32, #tpu.memory_space<hbm>>
        %dma_start3A_1609 = arith.constant 1 : i32
        %dma_start3A_1610 = arith.constant 0 : i32
        %dma_start3A_1611 = tpu.memref_slice %arg22[%dma_start3A_1609, %dma_start3A_1610] : memref<8x128xf32, #tpu.memory_space<vmem>> -> memref<1x128xf32, #tpu.memory_space<vmem>>
        %dma_start3A_1612 = arith.constant 0 : i32
        %dma_start3A_1613 = tpu.memref_slice %arg9[%dma_start3A_1612, %multiple_of3A_1553] : memref<1x1000000xf32, #tpu.memory_space<hbm>> -> memref<1x128xf32, #tpu.memory_space<hbm>>
        tpu.enqueue_dma source(%dma_start3A_1613 : memref<1x128xf32, #tpu.memory_space<hbm>>) target(%dma_start3A_1611 : memref<1x128xf32, #tpu.memory_space<vmem>>) target_semaphore(%arg25 : memref<!tpu.dma_semaphore, #tpu.memory_space<semaphore_mem>>)
        %slice3A_1614 = vector.extract_strided_slice %min3A_1121 {offsets = [10], sizes = [1], strides = [1]} : vector<16xi32> to vector<1xi32>
        %squeeze3A_1615 = vector.extract %slice3A_1614[0] : i32 from vector<1xi32>
        %multiple_of3A_1616 = tpu.assume_multiple %squeeze3A_1615, 128 : i32
        %slice3A_1617 = vector.extract_strided_slice %min3A_1130 {offsets = [10], sizes = [1], strides = [1]} : vector<16xi32> to vector<1xi32>
        %squeeze3A_1618 = vector.extract %slice3A_1617[0] : i32 from vector<1xi32>
        %multiple_of3A_1619 = tpu.assume_multiple %squeeze3A_1618, 128 : i32
        %dma_start3A_1620 = arith.constant 0 : i32
        %dma_start3A_1621 = arith.constant 256 : i32
        %dma_start3A_1622 = tpu.memref_slice %arg16[%dma_start3A_1620, %dma_start3A_1621] : memref<16x1024xf32, #tpu.memory_space<vmem>> -> memref<8x128xf32, #tpu.memory_space<vmem>>
        %dma_start3A_1623 = arith.constant 0 : i32
        %dma_start3A_1624 = tpu.memref_slice %arg6[%dma_start3A_1623, %multiple_of3A_1616] : memref<16x1000000xf32, #tpu.memory_space<hbm>> -> memref<8x128xf32, #tpu.memory_space<hbm>>
        %dma_start3A_1625 = arith.constant 0 : i32
        %dma_start3A_1626 = arith.constant 256 : i32
        %dma_start3A_1627 = tpu.memref_slice %arg16[%dma_start3A_1625, %dma_start3A_1626] : memref<16x1024xf32, #tpu.memory_space<vmem>> -> memref<8x128xf32, #tpu.memory_space<vmem>>
        %dma_start3A_1628 = arith.constant 0 : i32
        %dma_start3A_1629 = tpu.memref_slice %arg6[%dma_start3A_1628, %multiple_of3A_1616] : memref<16x1000000xf32, #tpu.memory_space<hbm>> -> memref<8x128xf32, #tpu.memory_space<hbm>>
        tpu.enqueue_dma source(%dma_start3A_1629 : memref<8x128xf32, #tpu.memory_space<hbm>>) target(%dma_start3A_1627 : memref<8x128xf32, #tpu.memory_space<vmem>>) target_semaphore(%arg25 : memref<!tpu.dma_semaphore, #tpu.memory_space<semaphore_mem>>)
        %dma_start3A_1630 = arith.constant 8 : i32
        %dma_start3A_1631 = arith.constant 256 : i32
        %dma_start3A_1632 = tpu.memref_slice %arg16[%dma_start3A_1630, %dma_start3A_1631] : memref<16x1024xf32, #tpu.memory_space<vmem>> -> memref<8x128xf32, #tpu.memory_space<vmem>>
        %dma_start3A_1633 = arith.constant 8 : i32
        %dma_start3A_1634 = tpu.memref_slice %arg6[%dma_start3A_1633, %multiple_of3A_1616] : memref<16x1000000xf32, #tpu.memory_space<hbm>> -> memref<8x128xf32, #tpu.memory_space<hbm>>
        %dma_start3A_1635 = arith.constant 8 : i32
        %dma_start3A_1636 = arith.constant 256 : i32
        %dma_start3A_1637 = tpu.memref_slice %arg16[%dma_start3A_1635, %dma_start3A_1636] : memref<16x1024xf32, #tpu.memory_space<vmem>> -> memref<8x128xf32, #tpu.memory_space<vmem>>
        %dma_start3A_1638 = arith.constant 8 : i32
        %dma_start3A_1639 = tpu.memref_slice %arg6[%dma_start3A_1638, %multiple_of3A_1616] : memref<16x1000000xf32, #tpu.memory_space<hbm>> -> memref<8x128xf32, #tpu.memory_space<hbm>>
        tpu.enqueue_dma source(%dma_start3A_1639 : memref<8x128xf32, #tpu.memory_space<hbm>>) target(%dma_start3A_1637 : memref<8x128xf32, #tpu.memory_space<vmem>>) target_semaphore(%arg25 : memref<!tpu.dma_semaphore, #tpu.memory_space<semaphore_mem>>)
        %dma_start3A_1640 = arith.constant 0 : i32
        %dma_start3A_1641 = arith.constant 256 : i32
        %dma_start3A_1642 = tpu.memref_slice %arg18[%dma_start3A_1640, %dma_start3A_1641] : memref<16x1024xf32, #tpu.memory_space<vmem>> -> memref<8x128xf32, #tpu.memory_space<vmem>>
        %dma_start3A_1643 = arith.constant 0 : i32
        %dma_start3A_1644 = tpu.memref_slice %arg7[%dma_start3A_1643, %multiple_of3A_1619] : memref<16x1000000xf32, #tpu.memory_space<hbm>> -> memref<8x128xf32, #tpu.memory_space<hbm>>
        %dma_start3A_1645 = arith.constant 0 : i32
        %dma_start3A_1646 = arith.constant 256 : i32
        %dma_start3A_1647 = tpu.memref_slice %arg18[%dma_start3A_1645, %dma_start3A_1646] : memref<16x1024xf32, #tpu.memory_space<vmem>> -> memref<8x128xf32, #tpu.memory_space<vmem>>
        %dma_start3A_1648 = arith.constant 0 : i32
        %dma_start3A_1649 = tpu.memref_slice %arg7[%dma_start3A_1648, %multiple_of3A_1619] : memref<16x1000000xf32, #tpu.memory_space<hbm>> -> memref<8x128xf32, #tpu.memory_space<hbm>>
        tpu.enqueue_dma source(%dma_start3A_1649 : memref<8x128xf32, #tpu.memory_space<hbm>>) target(%dma_start3A_1647 : memref<8x128xf32, #tpu.memory_space<vmem>>) target_semaphore(%arg25 : memref<!tpu.dma_semaphore, #tpu.memory_space<semaphore_mem>>)
        %dma_start3A_1650 = arith.constant 8 : i32
        %dma_start3A_1651 = arith.constant 256 : i32
        %dma_start3A_1652 = tpu.memref_slice %arg18[%dma_start3A_1650, %dma_start3A_1651] : memref<16x1024xf32, #tpu.memory_space<vmem>> -> memref<8x128xf32, #tpu.memory_space<vmem>>
        %dma_start3A_1653 = arith.constant 8 : i32
        %dma_start3A_1654 = tpu.memref_slice %arg7[%dma_start3A_1653, %multiple_of3A_1619] : memref<16x1000000xf32, #tpu.memory_space<hbm>> -> memref<8x128xf32, #tpu.memory_space<hbm>>
        %dma_start3A_1655 = arith.constant 8 : i32
        %dma_start3A_1656 = arith.constant 256 : i32
        %dma_start3A_1657 = tpu.memref_slice %arg18[%dma_start3A_1655, %dma_start3A_1656] : memref<16x1024xf32, #tpu.memory_space<vmem>> -> memref<8x128xf32, #tpu.memory_space<vmem>>
        %dma_start3A_1658 = arith.constant 8 : i32
        %dma_start3A_1659 = tpu.memref_slice %arg7[%dma_start3A_1658, %multiple_of3A_1619] : memref<16x1000000xf32, #tpu.memory_space<hbm>> -> memref<8x128xf32, #tpu.memory_space<hbm>>
        tpu.enqueue_dma source(%dma_start3A_1659 : memref<8x128xf32, #tpu.memory_space<hbm>>) target(%dma_start3A_1657 : memref<8x128xf32, #tpu.memory_space<vmem>>) target_semaphore(%arg25 : memref<!tpu.dma_semaphore, #tpu.memory_space<semaphore_mem>>)
        %dma_start3A_1660 = arith.constant 2 : i32
        %dma_start3A_1661 = arith.constant 0 : i32
        %dma_start3A_1662 = tpu.memref_slice %arg20[%dma_start3A_1660, %dma_start3A_1661] : memref<8x128xf32, #tpu.memory_space<vmem>> -> memref<1x128xf32, #tpu.memory_space<vmem>>
        %dma_start3A_1663 = arith.constant 0 : i32
        %dma_start3A_1664 = tpu.memref_slice %arg8[%dma_start3A_1663, %multiple_of3A_1616] : memref<1x1000000xf32, #tpu.memory_space<hbm>> -> memref<1x128xf32, #tpu.memory_space<hbm>>
        %dma_start3A_1665 = arith.constant 2 : i32
        %dma_start3A_1666 = arith.constant 0 : i32
        %dma_start3A_1667 = tpu.memref_slice %arg20[%dma_start3A_1665, %dma_start3A_1666] : memref<8x128xf32, #tpu.memory_space<vmem>> -> memref<1x128xf32, #tpu.memory_space<vmem>>
        %dma_start3A_1668 = arith.constant 0 : i32
        %dma_start3A_1669 = tpu.memref_slice %arg8[%dma_start3A_1668, %multiple_of3A_1616] : memref<1x1000000xf32, #tpu.memory_space<hbm>> -> memref<1x128xf32, #tpu.memory_space<hbm>>
        tpu.enqueue_dma source(%dma_start3A_1669 : memref<1x128xf32, #tpu.memory_space<hbm>>) target(%dma_start3A_1667 : memref<1x128xf32, #tpu.memory_space<vmem>>) target_semaphore(%arg25 : memref<!tpu.dma_semaphore, #tpu.memory_space<semaphore_mem>>)
        %dma_start3A_1670 = arith.constant 2 : i32
        %dma_start3A_1671 = arith.constant 0 : i32
        %dma_start3A_1672 = tpu.memref_slice %arg22[%dma_start3A_1670, %dma_start3A_1671] : memref<8x128xf32, #tpu.memory_space<vmem>> -> memref<1x128xf32, #tpu.memory_space<vmem>>
        %dma_start3A_1673 = arith.constant 0 : i32
        %dma_start3A_1674 = tpu.memref_slice %arg9[%dma_start3A_1673, %multiple_of3A_1619] : memref<1x1000000xf32, #tpu.memory_space<hbm>> -> memref<1x128xf32, #tpu.memory_space<hbm>>
        %dma_start3A_1675 = arith.constant 2 : i32
        %dma_start3A_1676 = arith.constant 0 : i32
        %dma_start3A_1677 = tpu.memref_slice %arg22[%dma_start3A_1675, %dma_start3A_1676] : memref<8x128xf32, #tpu.memory_space<vmem>> -> memref<1x128xf32, #tpu.memory_space<vmem>>
        %dma_start3A_1678 = arith.constant 0 : i32
        %dma_start3A_1679 = tpu.memref_slice %arg9[%dma_start3A_1678, %multiple_of3A_1619] : memref<1x1000000xf32, #tpu.memory_space<hbm>> -> memref<1x128xf32, #tpu.memory_space<hbm>>
        tpu.enqueue_dma source(%dma_start3A_1679 : memref<1x128xf32, #tpu.memory_space<hbm>>) target(%dma_start3A_1677 : memref<1x128xf32, #tpu.memory_space<vmem>>) target_semaphore(%arg25 : memref<!tpu.dma_semaphore, #tpu.memory_space<semaphore_mem>>)
        %slice3A_1680 = vector.extract_strided_slice %min3A_1121 {offsets = [11], sizes = [1], strides = [1]} : vector<16xi32> to vector<1xi32>
        %squeeze3A_1681 = vector.extract %slice3A_1680[0] : i32 from vector<1xi32>
        %multiple_of3A_1682 = tpu.assume_multiple %squeeze3A_1681, 128 : i32
        %slice3A_1683 = vector.extract_strided_slice %min3A_1130 {offsets = [11], sizes = [1], strides = [1]} : vector<16xi32> to vector<1xi32>
        %squeeze3A_1684 = vector.extract %slice3A_1683[0] : i32 from vector<1xi32>
        %multiple_of3A_1685 = tpu.assume_multiple %squeeze3A_1684, 128 : i32
        %dma_start3A_1686 = arith.constant 0 : i32
        %dma_start3A_1687 = arith.constant 384 : i32
        %dma_start3A_1688 = tpu.memref_slice %arg16[%dma_start3A_1686, %dma_start3A_1687] : memref<16x1024xf32, #tpu.memory_space<vmem>> -> memref<8x128xf32, #tpu.memory_space<vmem>>
        %dma_start3A_1689 = arith.constant 0 : i32
        %dma_start3A_1690 = tpu.memref_slice %arg6[%dma_start3A_1689, %multiple_of3A_1682] : memref<16x1000000xf32, #tpu.memory_space<hbm>> -> memref<8x128xf32, #tpu.memory_space<hbm>>
        %dma_start3A_1691 = arith.constant 0 : i32
        %dma_start3A_1692 = arith.constant 384 : i32
        %dma_start3A_1693 = tpu.memref_slice %arg16[%dma_start3A_1691, %dma_start3A_1692] : memref<16x1024xf32, #tpu.memory_space<vmem>> -> memref<8x128xf32, #tpu.memory_space<vmem>>
        %dma_start3A_1694 = arith.constant 0 : i32
        %dma_start3A_1695 = tpu.memref_slice %arg6[%dma_start3A_1694, %multiple_of3A_1682] : memref<16x1000000xf32, #tpu.memory_space<hbm>> -> memref<8x128xf32, #tpu.memory_space<hbm>>
        tpu.enqueue_dma source(%dma_start3A_1695 : memref<8x128xf32, #tpu.memory_space<hbm>>) target(%dma_start3A_1693 : memref<8x128xf32, #tpu.memory_space<vmem>>) target_semaphore(%arg25 : memref<!tpu.dma_semaphore, #tpu.memory_space<semaphore_mem>>)
        %dma_start3A_1696 = arith.constant 8 : i32
        %dma_start3A_1697 = arith.constant 384 : i32
        %dma_start3A_1698 = tpu.memref_slice %arg16[%dma_start3A_1696, %dma_start3A_1697] : memref<16x1024xf32, #tpu.memory_space<vmem>> -> memref<8x128xf32, #tpu.memory_space<vmem>>
        %dma_start3A_1699 = arith.constant 8 : i32
        %dma_start3A_1700 = tpu.memref_slice %arg6[%dma_start3A_1699, %multiple_of3A_1682] : memref<16x1000000xf32, #tpu.memory_space<hbm>> -> memref<8x128xf32, #tpu.memory_space<hbm>>
        %dma_start3A_1701 = arith.constant 8 : i32
        %dma_start3A_1702 = arith.constant 384 : i32
        %dma_start3A_1703 = tpu.memref_slice %arg16[%dma_start3A_1701, %dma_start3A_1702] : memref<16x1024xf32, #tpu.memory_space<vmem>> -> memref<8x128xf32, #tpu.memory_space<vmem>>
        %dma_start3A_1704 = arith.constant 8 : i32
        %dma_start3A_1705 = tpu.memref_slice %arg6[%dma_start3A_1704, %multiple_of3A_1682] : memref<16x1000000xf32, #tpu.memory_space<hbm>> -> memref<8x128xf32, #tpu.memory_space<hbm>>
        tpu.enqueue_dma source(%dma_start3A_1705 : memref<8x128xf32, #tpu.memory_space<hbm>>) target(%dma_start3A_1703 : memref<8x128xf32, #tpu.memory_space<vmem>>) target_semaphore(%arg25 : memref<!tpu.dma_semaphore, #tpu.memory_space<semaphore_mem>>)
        %dma_start3A_1706 = arith.constant 0 : i32
        %dma_start3A_1707 = arith.constant 384 : i32
        %dma_start3A_1708 = tpu.memref_slice %arg18[%dma_start3A_1706, %dma_start3A_1707] : memref<16x1024xf32, #tpu.memory_space<vmem>> -> memref<8x128xf32, #tpu.memory_space<vmem>>
        %dma_start3A_1709 = arith.constant 0 : i32
        %dma_start3A_1710 = tpu.memref_slice %arg7[%dma_start3A_1709, %multiple_of3A_1685] : memref<16x1000000xf32, #tpu.memory_space<hbm>> -> memref<8x128xf32, #tpu.memory_space<hbm>>
        %dma_start3A_1711 = arith.constant 0 : i32
        %dma_start3A_1712 = arith.constant 384 : i32
        %dma_start3A_1713 = tpu.memref_slice %arg18[%dma_start3A_1711, %dma_start3A_1712] : memref<16x1024xf32, #tpu.memory_space<vmem>> -> memref<8x128xf32, #tpu.memory_space<vmem>>
        %dma_start3A_1714 = arith.constant 0 : i32
        %dma_start3A_1715 = tpu.memref_slice %arg7[%dma_start3A_1714, %multiple_of3A_1685] : memref<16x1000000xf32, #tpu.memory_space<hbm>> -> memref<8x128xf32, #tpu.memory_space<hbm>>
        tpu.enqueue_dma source(%dma_start3A_1715 : memref<8x128xf32, #tpu.memory_space<hbm>>) target(%dma_start3A_1713 : memref<8x128xf32, #tpu.memory_space<vmem>>) target_semaphore(%arg25 : memref<!tpu.dma_semaphore, #tpu.memory_space<semaphore_mem>>)
        %dma_start3A_1716 = arith.constant 8 : i32
        %dma_start3A_1717 = arith.constant 384 : i32
        %dma_start3A_1718 = tpu.memref_slice %arg18[%dma_start3A_1716, %dma_start3A_1717] : memref<16x1024xf32, #tpu.memory_space<vmem>> -> memref<8x128xf32, #tpu.memory_space<vmem>>
        %dma_start3A_1719 = arith.constant 8 : i32
        %dma_start3A_1720 = tpu.memref_slice %arg7[%dma_start3A_1719, %multiple_of3A_1685] : memref<16x1000000xf32, #tpu.memory_space<hbm>> -> memref<8x128xf32, #tpu.memory_space<hbm>>
        %dma_start3A_1721 = arith.constant 8 : i32
        %dma_start3A_1722 = arith.constant 384 : i32
        %dma_start3A_1723 = tpu.memref_slice %arg18[%dma_start3A_1721, %dma_start3A_1722] : memref<16x1024xf32, #tpu.memory_space<vmem>> -> memref<8x128xf32, #tpu.memory_space<vmem>>
        %dma_start3A_1724 = arith.constant 8 : i32
        %dma_start3A_1725 = tpu.memref_slice %arg7[%dma_start3A_1724, %multiple_of3A_1685] : memref<16x1000000xf32, #tpu.memory_space<hbm>> -> memref<8x128xf32, #tpu.memory_space<hbm>>
        tpu.enqueue_dma source(%dma_start3A_1725 : memref<8x128xf32, #tpu.memory_space<hbm>>) target(%dma_start3A_1723 : memref<8x128xf32, #tpu.memory_space<vmem>>) target_semaphore(%arg25 : memref<!tpu.dma_semaphore, #tpu.memory_space<semaphore_mem>>)
        %dma_start3A_1726 = arith.constant 3 : i32
        %dma_start3A_1727 = arith.constant 0 : i32
        %dma_start3A_1728 = tpu.memref_slice %arg20[%dma_start3A_1726, %dma_start3A_1727] : memref<8x128xf32, #tpu.memory_space<vmem>> -> memref<1x128xf32, #tpu.memory_space<vmem>>
        %dma_start3A_1729 = arith.constant 0 : i32
        %dma_start3A_1730 = tpu.memref_slice %arg8[%dma_start3A_1729, %multiple_of3A_1682] : memref<1x1000000xf32, #tpu.memory_space<hbm>> -> memref<1x128xf32, #tpu.memory_space<hbm>>
        %dma_start3A_1731 = arith.constant 3 : i32
        %dma_start3A_1732 = arith.constant 0 : i32
        %dma_start3A_1733 = tpu.memref_slice %arg20[%dma_start3A_1731, %dma_start3A_1732] : memref<8x128xf32, #tpu.memory_space<vmem>> -> memref<1x128xf32, #tpu.memory_space<vmem>>
        %dma_start3A_1734 = arith.constant 0 : i32
        %dma_start3A_1735 = tpu.memref_slice %arg8[%dma_start3A_1734, %multiple_of3A_1682] : memref<1x1000000xf32, #tpu.memory_space<hbm>> -> memref<1x128xf32, #tpu.memory_space<hbm>>
        tpu.enqueue_dma source(%dma_start3A_1735 : memref<1x128xf32, #tpu.memory_space<hbm>>) target(%dma_start3A_1733 : memref<1x128xf32, #tpu.memory_space<vmem>>) target_semaphore(%arg25 : memref<!tpu.dma_semaphore, #tpu.memory_space<semaphore_mem>>)
        %dma_start3A_1736 = arith.constant 3 : i32
        %dma_start3A_1737 = arith.constant 0 : i32
        %dma_start3A_1738 = tpu.memref_slice %arg22[%dma_start3A_1736, %dma_start3A_1737] : memref<8x128xf32, #tpu.memory_space<vmem>> -> memref<1x128xf32, #tpu.memory_space<vmem>>
        %dma_start3A_1739 = arith.constant 0 : i32
        %dma_start3A_1740 = tpu.memref_slice %arg9[%dma_start3A_1739, %multiple_of3A_1685] : memref<1x1000000xf32, #tpu.memory_space<hbm>> -> memref<1x128xf32, #tpu.memory_space<hbm>>
        %dma_start3A_1741 = arith.constant 3 : i32
        %dma_start3A_1742 = arith.constant 0 : i32
        %dma_start3A_1743 = tpu.memref_slice %arg22[%dma_start3A_1741, %dma_start3A_1742] : memref<8x128xf32, #tpu.memory_space<vmem>> -> memref<1x128xf32, #tpu.memory_space<vmem>>
        %dma_start3A_1744 = arith.constant 0 : i32
        %dma_start3A_1745 = tpu.memref_slice %arg9[%dma_start3A_1744, %multiple_of3A_1685] : memref<1x1000000xf32, #tpu.memory_space<hbm>> -> memref<1x128xf32, #tpu.memory_space<hbm>>
        tpu.enqueue_dma source(%dma_start3A_1745 : memref<1x128xf32, #tpu.memory_space<hbm>>) target(%dma_start3A_1743 : memref<1x128xf32, #tpu.memory_space<vmem>>) target_semaphore(%arg25 : memref<!tpu.dma_semaphore, #tpu.memory_space<semaphore_mem>>)
        %slice3A_1746 = vector.extract_strided_slice %min3A_1121 {offsets = [12], sizes = [1], strides = [1]} : vector<16xi32> to vector<1xi32>
        %squeeze3A_1747 = vector.extract %slice3A_1746[0] : i32 from vector<1xi32>
        %multiple_of3A_1748 = tpu.assume_multiple %squeeze3A_1747, 128 : i32
        %slice3A_1749 = vector.extract_strided_slice %min3A_1130 {offsets = [12], sizes = [1], strides = [1]} : vector<16xi32> to vector<1xi32>
        %squeeze3A_1750 = vector.extract %slice3A_1749[0] : i32 from vector<1xi32>
        %multiple_of3A_1751 = tpu.assume_multiple %squeeze3A_1750, 128 : i32
        %dma_start3A_1752 = arith.constant 0 : i32
        %dma_start3A_1753 = arith.constant 512 : i32
        %dma_start3A_1754 = tpu.memref_slice %arg16[%dma_start3A_1752, %dma_start3A_1753] : memref<16x1024xf32, #tpu.memory_space<vmem>> -> memref<8x128xf32, #tpu.memory_space<vmem>>
        %dma_start3A_1755 = arith.constant 0 : i32
        %dma_start3A_1756 = tpu.memref_slice %arg6[%dma_start3A_1755, %multiple_of3A_1748] : memref<16x1000000xf32, #tpu.memory_space<hbm>> -> memref<8x128xf32, #tpu.memory_space<hbm>>
        %dma_start3A_1757 = arith.constant 0 : i32
        %dma_start3A_1758 = arith.constant 512 : i32
        %dma_start3A_1759 = tpu.memref_slice %arg16[%dma_start3A_1757, %dma_start3A_1758] : memref<16x1024xf32, #tpu.memory_space<vmem>> -> memref<8x128xf32, #tpu.memory_space<vmem>>
        %dma_start3A_1760 = arith.constant 0 : i32
        %dma_start3A_1761 = tpu.memref_slice %arg6[%dma_start3A_1760, %multiple_of3A_1748] : memref<16x1000000xf32, #tpu.memory_space<hbm>> -> memref<8x128xf32, #tpu.memory_space<hbm>>
        tpu.enqueue_dma source(%dma_start3A_1761 : memref<8x128xf32, #tpu.memory_space<hbm>>) target(%dma_start3A_1759 : memref<8x128xf32, #tpu.memory_space<vmem>>) target_semaphore(%arg25 : memref<!tpu.dma_semaphore, #tpu.memory_space<semaphore_mem>>)
        %dma_start3A_1762 = arith.constant 8 : i32
        %dma_start3A_1763 = arith.constant 512 : i32
        %dma_start3A_1764 = tpu.memref_slice %arg16[%dma_start3A_1762, %dma_start3A_1763] : memref<16x1024xf32, #tpu.memory_space<vmem>> -> memref<8x128xf32, #tpu.memory_space<vmem>>
        %dma_start3A_1765 = arith.constant 8 : i32
        %dma_start3A_1766 = tpu.memref_slice %arg6[%dma_start3A_1765, %multiple_of3A_1748] : memref<16x1000000xf32, #tpu.memory_space<hbm>> -> memref<8x128xf32, #tpu.memory_space<hbm>>
        %dma_start3A_1767 = arith.constant 8 : i32
        %dma_start3A_1768 = arith.constant 512 : i32
        %dma_start3A_1769 = tpu.memref_slice %arg16[%dma_start3A_1767, %dma_start3A_1768] : memref<16x1024xf32, #tpu.memory_space<vmem>> -> memref<8x128xf32, #tpu.memory_space<vmem>>
        %dma_start3A_1770 = arith.constant 8 : i32
        %dma_start3A_1771 = tpu.memref_slice %arg6[%dma_start3A_1770, %multiple_of3A_1748] : memref<16x1000000xf32, #tpu.memory_space<hbm>> -> memref<8x128xf32, #tpu.memory_space<hbm>>
        tpu.enqueue_dma source(%dma_start3A_1771 : memref<8x128xf32, #tpu.memory_space<hbm>>) target(%dma_start3A_1769 : memref<8x128xf32, #tpu.memory_space<vmem>>) target_semaphore(%arg25 : memref<!tpu.dma_semaphore, #tpu.memory_space<semaphore_mem>>)
        %dma_start3A_1772 = arith.constant 0 : i32
        %dma_start3A_1773 = arith.constant 512 : i32
        %dma_start3A_1774 = tpu.memref_slice %arg18[%dma_start3A_1772, %dma_start3A_1773] : memref<16x1024xf32, #tpu.memory_space<vmem>> -> memref<8x128xf32, #tpu.memory_space<vmem>>
        %dma_start3A_1775 = arith.constant 0 : i32
        %dma_start3A_1776 = tpu.memref_slice %arg7[%dma_start3A_1775, %multiple_of3A_1751] : memref<16x1000000xf32, #tpu.memory_space<hbm>> -> memref<8x128xf32, #tpu.memory_space<hbm>>
        %dma_start3A_1777 = arith.constant 0 : i32
        %dma_start3A_1778 = arith.constant 512 : i32
        %dma_start3A_1779 = tpu.memref_slice %arg18[%dma_start3A_1777, %dma_start3A_1778] : memref<16x1024xf32, #tpu.memory_space<vmem>> -> memref<8x128xf32, #tpu.memory_space<vmem>>
        %dma_start3A_1780 = arith.constant 0 : i32
        %dma_start3A_1781 = tpu.memref_slice %arg7[%dma_start3A_1780, %multiple_of3A_1751] : memref<16x1000000xf32, #tpu.memory_space<hbm>> -> memref<8x128xf32, #tpu.memory_space<hbm>>
        tpu.enqueue_dma source(%dma_start3A_1781 : memref<8x128xf32, #tpu.memory_space<hbm>>) target(%dma_start3A_1779 : memref<8x128xf32, #tpu.memory_space<vmem>>) target_semaphore(%arg25 : memref<!tpu.dma_semaphore, #tpu.memory_space<semaphore_mem>>)
        %dma_start3A_1782 = arith.constant 8 : i32
        %dma_start3A_1783 = arith.constant 512 : i32
        %dma_start3A_1784 = tpu.memref_slice %arg18[%dma_start3A_1782, %dma_start3A_1783] : memref<16x1024xf32, #tpu.memory_space<vmem>> -> memref<8x128xf32, #tpu.memory_space<vmem>>
        %dma_start3A_1785 = arith.constant 8 : i32
        %dma_start3A_1786 = tpu.memref_slice %arg7[%dma_start3A_1785, %multiple_of3A_1751] : memref<16x1000000xf32, #tpu.memory_space<hbm>> -> memref<8x128xf32, #tpu.memory_space<hbm>>
        %dma_start3A_1787 = arith.constant 8 : i32
        %dma_start3A_1788 = arith.constant 512 : i32
        %dma_start3A_1789 = tpu.memref_slice %arg18[%dma_start3A_1787, %dma_start3A_1788] : memref<16x1024xf32, #tpu.memory_space<vmem>> -> memref<8x128xf32, #tpu.memory_space<vmem>>
        %dma_start3A_1790 = arith.constant 8 : i32
        %dma_start3A_1791 = tpu.memref_slice %arg7[%dma_start3A_1790, %multiple_of3A_1751] : memref<16x1000000xf32, #tpu.memory_space<hbm>> -> memref<8x128xf32, #tpu.memory_space<hbm>>
        tpu.enqueue_dma source(%dma_start3A_1791 : memref<8x128xf32, #tpu.memory_space<hbm>>) target(%dma_start3A_1789 : memref<8x128xf32, #tpu.memory_space<vmem>>) target_semaphore(%arg25 : memref<!tpu.dma_semaphore, #tpu.memory_space<semaphore_mem>>)
        %dma_start3A_1792 = arith.constant 4 : i32
        %dma_start3A_1793 = arith.constant 0 : i32
        %dma_start3A_1794 = tpu.memref_slice %arg20[%dma_start3A_1792, %dma_start3A_1793] : memref<8x128xf32, #tpu.memory_space<vmem>> -> memref<1x128xf32, #tpu.memory_space<vmem>>
        %dma_start3A_1795 = arith.constant 0 : i32
        %dma_start3A_1796 = tpu.memref_slice %arg8[%dma_start3A_1795, %multiple_of3A_1748] : memref<1x1000000xf32, #tpu.memory_space<hbm>> -> memref<1x128xf32, #tpu.memory_space<hbm>>
        %dma_start3A_1797 = arith.constant 4 : i32
        %dma_start3A_1798 = arith.constant 0 : i32
        %dma_start3A_1799 = tpu.memref_slice %arg20[%dma_start3A_1797, %dma_start3A_1798] : memref<8x128xf32, #tpu.memory_space<vmem>> -> memref<1x128xf32, #tpu.memory_space<vmem>>
        %dma_start3A_1800 = arith.constant 0 : i32
        %dma_start3A_1801 = tpu.memref_slice %arg8[%dma_start3A_1800, %multiple_of3A_1748] : memref<1x1000000xf32, #tpu.memory_space<hbm>> -> memref<1x128xf32, #tpu.memory_space<hbm>>
        tpu.enqueue_dma source(%dma_start3A_1801 : memref<1x128xf32, #tpu.memory_space<hbm>>) target(%dma_start3A_1799 : memref<1x128xf32, #tpu.memory_space<vmem>>) target_semaphore(%arg25 : memref<!tpu.dma_semaphore, #tpu.memory_space<semaphore_mem>>)
        %dma_start3A_1802 = arith.constant 4 : i32
        %dma_start3A_1803 = arith.constant 0 : i32
        %dma_start3A_1804 = tpu.memref_slice %arg22[%dma_start3A_1802, %dma_start3A_1803] : memref<8x128xf32, #tpu.memory_space<vmem>> -> memref<1x128xf32, #tpu.memory_space<vmem>>
        %dma_start3A_1805 = arith.constant 0 : i32
        %dma_start3A_1806 = tpu.memref_slice %arg9[%dma_start3A_1805, %multiple_of3A_1751] : memref<1x1000000xf32, #tpu.memory_space<hbm>> -> memref<1x128xf32, #tpu.memory_space<hbm>>
        %dma_start3A_1807 = arith.constant 4 : i32
        %dma_start3A_1808 = arith.constant 0 : i32
        %dma_start3A_1809 = tpu.memref_slice %arg22[%dma_start3A_1807, %dma_start3A_1808] : memref<8x128xf32, #tpu.memory_space<vmem>> -> memref<1x128xf32, #tpu.memory_space<vmem>>
        %dma_start3A_1810 = arith.constant 0 : i32
        %dma_start3A_1811 = tpu.memref_slice %arg9[%dma_start3A_1810, %multiple_of3A_1751] : memref<1x1000000xf32, #tpu.memory_space<hbm>> -> memref<1x128xf32, #tpu.memory_space<hbm>>
        tpu.enqueue_dma source(%dma_start3A_1811 : memref<1x128xf32, #tpu.memory_space<hbm>>) target(%dma_start3A_1809 : memref<1x128xf32, #tpu.memory_space<vmem>>) target_semaphore(%arg25 : memref<!tpu.dma_semaphore, #tpu.memory_space<semaphore_mem>>)
        %slice3A_1812 = vector.extract_strided_slice %min3A_1121 {offsets = [13], sizes = [1], strides = [1]} : vector<16xi32> to vector<1xi32>
        %squeeze3A_1813 = vector.extract %slice3A_1812[0] : i32 from vector<1xi32>
        %multiple_of3A_1814 = tpu.assume_multiple %squeeze3A_1813, 128 : i32
        %slice3A_1815 = vector.extract_strided_slice %min3A_1130 {offsets = [13], sizes = [1], strides = [1]} : vector<16xi32> to vector<1xi32>
        %squeeze3A_1816 = vector.extract %slice3A_1815[0] : i32 from vector<1xi32>
        %multiple_of3A_1817 = tpu.assume_multiple %squeeze3A_1816, 128 : i32
        %dma_start3A_1818 = arith.constant 0 : i32
        %dma_start3A_1819 = arith.constant 640 : i32
        %dma_start3A_1820 = tpu.memref_slice %arg16[%dma_start3A_1818, %dma_start3A_1819] : memref<16x1024xf32, #tpu.memory_space<vmem>> -> memref<8x128xf32, #tpu.memory_space<vmem>>
        %dma_start3A_1821 = arith.constant 0 : i32
        %dma_start3A_1822 = tpu.memref_slice %arg6[%dma_start3A_1821, %multiple_of3A_1814] : memref<16x1000000xf32, #tpu.memory_space<hbm>> -> memref<8x128xf32, #tpu.memory_space<hbm>>
        %dma_start3A_1823 = arith.constant 0 : i32
        %dma_start3A_1824 = arith.constant 640 : i32
        %dma_start3A_1825 = tpu.memref_slice %arg16[%dma_start3A_1823, %dma_start3A_1824] : memref<16x1024xf32, #tpu.memory_space<vmem>> -> memref<8x128xf32, #tpu.memory_space<vmem>>
        %dma_start3A_1826 = arith.constant 0 : i32
        %dma_start3A_1827 = tpu.memref_slice %arg6[%dma_start3A_1826, %multiple_of3A_1814] : memref<16x1000000xf32, #tpu.memory_space<hbm>> -> memref<8x128xf32, #tpu.memory_space<hbm>>
        tpu.enqueue_dma source(%dma_start3A_1827 : memref<8x128xf32, #tpu.memory_space<hbm>>) target(%dma_start3A_1825 : memref<8x128xf32, #tpu.memory_space<vmem>>) target_semaphore(%arg25 : memref<!tpu.dma_semaphore, #tpu.memory_space<semaphore_mem>>)
        %dma_start3A_1828 = arith.constant 8 : i32
        %dma_start3A_1829 = arith.constant 640 : i32
        %dma_start3A_1830 = tpu.memref_slice %arg16[%dma_start3A_1828, %dma_start3A_1829] : memref<16x1024xf32, #tpu.memory_space<vmem>> -> memref<8x128xf32, #tpu.memory_space<vmem>>
        %dma_start3A_1831 = arith.constant 8 : i32
        %dma_start3A_1832 = tpu.memref_slice %arg6[%dma_start3A_1831, %multiple_of3A_1814] : memref<16x1000000xf32, #tpu.memory_space<hbm>> -> memref<8x128xf32, #tpu.memory_space<hbm>>
        %dma_start3A_1833 = arith.constant 8 : i32
        %dma_start3A_1834 = arith.constant 640 : i32
        %dma_start3A_1835 = tpu.memref_slice %arg16[%dma_start3A_1833, %dma_start3A_1834] : memref<16x1024xf32, #tpu.memory_space<vmem>> -> memref<8x128xf32, #tpu.memory_space<vmem>>
        %dma_start3A_1836 = arith.constant 8 : i32
        %dma_start3A_1837 = tpu.memref_slice %arg6[%dma_start3A_1836, %multiple_of3A_1814] : memref<16x1000000xf32, #tpu.memory_space<hbm>> -> memref<8x128xf32, #tpu.memory_space<hbm>>
        tpu.enqueue_dma source(%dma_start3A_1837 : memref<8x128xf32, #tpu.memory_space<hbm>>) target(%dma_start3A_1835 : memref<8x128xf32, #tpu.memory_space<vmem>>) target_semaphore(%arg25 : memref<!tpu.dma_semaphore, #tpu.memory_space<semaphore_mem>>)
        %dma_start3A_1838 = arith.constant 0 : i32
        %dma_start3A_1839 = arith.constant 640 : i32
        %dma_start3A_1840 = tpu.memref_slice %arg18[%dma_start3A_1838, %dma_start3A_1839] : memref<16x1024xf32, #tpu.memory_space<vmem>> -> memref<8x128xf32, #tpu.memory_space<vmem>>
        %dma_start3A_1841 = arith.constant 0 : i32
        %dma_start3A_1842 = tpu.memref_slice %arg7[%dma_start3A_1841, %multiple_of3A_1817] : memref<16x1000000xf32, #tpu.memory_space<hbm>> -> memref<8x128xf32, #tpu.memory_space<hbm>>
        %dma_start3A_1843 = arith.constant 0 : i32
        %dma_start3A_1844 = arith.constant 640 : i32
        %dma_start3A_1845 = tpu.memref_slice %arg18[%dma_start3A_1843, %dma_start3A_1844] : memref<16x1024xf32, #tpu.memory_space<vmem>> -> memref<8x128xf32, #tpu.memory_space<vmem>>
        %dma_start3A_1846 = arith.constant 0 : i32
        %dma_start3A_1847 = tpu.memref_slice %arg7[%dma_start3A_1846, %multiple_of3A_1817] : memref<16x1000000xf32, #tpu.memory_space<hbm>> -> memref<8x128xf32, #tpu.memory_space<hbm>>
        tpu.enqueue_dma source(%dma_start3A_1847 : memref<8x128xf32, #tpu.memory_space<hbm>>) target(%dma_start3A_1845 : memref<8x128xf32, #tpu.memory_space<vmem>>) target_semaphore(%arg25 : memref<!tpu.dma_semaphore, #tpu.memory_space<semaphore_mem>>)
        %dma_start3A_1848 = arith.constant 8 : i32
        %dma_start3A_1849 = arith.constant 640 : i32
        %dma_start3A_1850 = tpu.memref_slice %arg18[%dma_start3A_1848, %dma_start3A_1849] : memref<16x1024xf32, #tpu.memory_space<vmem>> -> memref<8x128xf32, #tpu.memory_space<vmem>>
        %dma_start3A_1851 = arith.constant 8 : i32
        %dma_start3A_1852 = tpu.memref_slice %arg7[%dma_start3A_1851, %multiple_of3A_1817] : memref<16x1000000xf32, #tpu.memory_space<hbm>> -> memref<8x128xf32, #tpu.memory_space<hbm>>
        %dma_start3A_1853 = arith.constant 8 : i32
        %dma_start3A_1854 = arith.constant 640 : i32
        %dma_start3A_1855 = tpu.memref_slice %arg18[%dma_start3A_1853, %dma_start3A_1854] : memref<16x1024xf32, #tpu.memory_space<vmem>> -> memref<8x128xf32, #tpu.memory_space<vmem>>
        %dma_start3A_1856 = arith.constant 8 : i32
        %dma_start3A_1857 = tpu.memref_slice %arg7[%dma_start3A_1856, %multiple_of3A_1817] : memref<16x1000000xf32, #tpu.memory_space<hbm>> -> memref<8x128xf32, #tpu.memory_space<hbm>>
        tpu.enqueue_dma source(%dma_start3A_1857 : memref<8x128xf32, #tpu.memory_space<hbm>>) target(%dma_start3A_1855 : memref<8x128xf32, #tpu.memory_space<vmem>>) target_semaphore(%arg25 : memref<!tpu.dma_semaphore, #tpu.memory_space<semaphore_mem>>)
        %dma_start3A_1858 = arith.constant 5 : i32
        %dma_start3A_1859 = arith.constant 0 : i32
        %dma_start3A_1860 = tpu.memref_slice %arg20[%dma_start3A_1858, %dma_start3A_1859] : memref<8x128xf32, #tpu.memory_space<vmem>> -> memref<1x128xf32, #tpu.memory_space<vmem>>
        %dma_start3A_1861 = arith.constant 0 : i32
        %dma_start3A_1862 = tpu.memref_slice %arg8[%dma_start3A_1861, %multiple_of3A_1814] : memref<1x1000000xf32, #tpu.memory_space<hbm>> -> memref<1x128xf32, #tpu.memory_space<hbm>>
        %dma_start3A_1863 = arith.constant 5 : i32
        %dma_start3A_1864 = arith.constant 0 : i32
        %dma_start3A_1865 = tpu.memref_slice %arg20[%dma_start3A_1863, %dma_start3A_1864] : memref<8x128xf32, #tpu.memory_space<vmem>> -> memref<1x128xf32, #tpu.memory_space<vmem>>
        %dma_start3A_1866 = arith.constant 0 : i32
        %dma_start3A_1867 = tpu.memref_slice %arg8[%dma_start3A_1866, %multiple_of3A_1814] : memref<1x1000000xf32, #tpu.memory_space<hbm>> -> memref<1x128xf32, #tpu.memory_space<hbm>>
        tpu.enqueue_dma source(%dma_start3A_1867 : memref<1x128xf32, #tpu.memory_space<hbm>>) target(%dma_start3A_1865 : memref<1x128xf32, #tpu.memory_space<vmem>>) target_semaphore(%arg25 : memref<!tpu.dma_semaphore, #tpu.memory_space<semaphore_mem>>)
        %dma_start3A_1868 = arith.constant 5 : i32
        %dma_start3A_1869 = arith.constant 0 : i32
        %dma_start3A_1870 = tpu.memref_slice %arg22[%dma_start3A_1868, %dma_start3A_1869] : memref<8x128xf32, #tpu.memory_space<vmem>> -> memref<1x128xf32, #tpu.memory_space<vmem>>
        %dma_start3A_1871 = arith.constant 0 : i32
        %dma_start3A_1872 = tpu.memref_slice %arg9[%dma_start3A_1871, %multiple_of3A_1817] : memref<1x1000000xf32, #tpu.memory_space<hbm>> -> memref<1x128xf32, #tpu.memory_space<hbm>>
        %dma_start3A_1873 = arith.constant 5 : i32
        %dma_start3A_1874 = arith.constant 0 : i32
        %dma_start3A_1875 = tpu.memref_slice %arg22[%dma_start3A_1873, %dma_start3A_1874] : memref<8x128xf32, #tpu.memory_space<vmem>> -> memref<1x128xf32, #tpu.memory_space<vmem>>
        %dma_start3A_1876 = arith.constant 0 : i32
        %dma_start3A_1877 = tpu.memref_slice %arg9[%dma_start3A_1876, %multiple_of3A_1817] : memref<1x1000000xf32, #tpu.memory_space<hbm>> -> memref<1x128xf32, #tpu.memory_space<hbm>>
        tpu.enqueue_dma source(%dma_start3A_1877 : memref<1x128xf32, #tpu.memory_space<hbm>>) target(%dma_start3A_1875 : memref<1x128xf32, #tpu.memory_space<vmem>>) target_semaphore(%arg25 : memref<!tpu.dma_semaphore, #tpu.memory_space<semaphore_mem>>)
        %slice3A_1878 = vector.extract_strided_slice %min3A_1121 {offsets = [14], sizes = [1], strides = [1]} : vector<16xi32> to vector<1xi32>
        %squeeze3A_1879 = vector.extract %slice3A_1878[0] : i32 from vector<1xi32>
        %multiple_of3A_1880 = tpu.assume_multiple %squeeze3A_1879, 128 : i32
        %slice3A_1881 = vector.extract_strided_slice %min3A_1130 {offsets = [14], sizes = [1], strides = [1]} : vector<16xi32> to vector<1xi32>
        %squeeze3A_1882 = vector.extract %slice3A_1881[0] : i32 from vector<1xi32>
        %multiple_of3A_1883 = tpu.assume_multiple %squeeze3A_1882, 128 : i32
        %dma_start3A_1884 = arith.constant 0 : i32
        %dma_start3A_1885 = arith.constant 768 : i32
        %dma_start3A_1886 = tpu.memref_slice %arg16[%dma_start3A_1884, %dma_start3A_1885] : memref<16x1024xf32, #tpu.memory_space<vmem>> -> memref<8x128xf32, #tpu.memory_space<vmem>>
        %dma_start3A_1887 = arith.constant 0 : i32
        %dma_start3A_1888 = tpu.memref_slice %arg6[%dma_start3A_1887, %multiple_of3A_1880] : memref<16x1000000xf32, #tpu.memory_space<hbm>> -> memref<8x128xf32, #tpu.memory_space<hbm>>
        %dma_start3A_1889 = arith.constant 0 : i32
        %dma_start3A_1890 = arith.constant 768 : i32
        %dma_start3A_1891 = tpu.memref_slice %arg16[%dma_start3A_1889, %dma_start3A_1890] : memref<16x1024xf32, #tpu.memory_space<vmem>> -> memref<8x128xf32, #tpu.memory_space<vmem>>
        %dma_start3A_1892 = arith.constant 0 : i32
        %dma_start3A_1893 = tpu.memref_slice %arg6[%dma_start3A_1892, %multiple_of3A_1880] : memref<16x1000000xf32, #tpu.memory_space<hbm>> -> memref<8x128xf32, #tpu.memory_space<hbm>>
        tpu.enqueue_dma source(%dma_start3A_1893 : memref<8x128xf32, #tpu.memory_space<hbm>>) target(%dma_start3A_1891 : memref<8x128xf32, #tpu.memory_space<vmem>>) target_semaphore(%arg25 : memref<!tpu.dma_semaphore, #tpu.memory_space<semaphore_mem>>)
        %dma_start3A_1894 = arith.constant 8 : i32
        %dma_start3A_1895 = arith.constant 768 : i32
        %dma_start3A_1896 = tpu.memref_slice %arg16[%dma_start3A_1894, %dma_start3A_1895] : memref<16x1024xf32, #tpu.memory_space<vmem>> -> memref<8x128xf32, #tpu.memory_space<vmem>>
        %dma_start3A_1897 = arith.constant 8 : i32
        %dma_start3A_1898 = tpu.memref_slice %arg6[%dma_start3A_1897, %multiple_of3A_1880] : memref<16x1000000xf32, #tpu.memory_space<hbm>> -> memref<8x128xf32, #tpu.memory_space<hbm>>
        %dma_start3A_1899 = arith.constant 8 : i32
        %dma_start3A_1900 = arith.constant 768 : i32
        %dma_start3A_1901 = tpu.memref_slice %arg16[%dma_start3A_1899, %dma_start3A_1900] : memref<16x1024xf32, #tpu.memory_space<vmem>> -> memref<8x128xf32, #tpu.memory_space<vmem>>
        %dma_start3A_1902 = arith.constant 8 : i32
        %dma_start3A_1903 = tpu.memref_slice %arg6[%dma_start3A_1902, %multiple_of3A_1880] : memref<16x1000000xf32, #tpu.memory_space<hbm>> -> memref<8x128xf32, #tpu.memory_space<hbm>>
        tpu.enqueue_dma source(%dma_start3A_1903 : memref<8x128xf32, #tpu.memory_space<hbm>>) target(%dma_start3A_1901 : memref<8x128xf32, #tpu.memory_space<vmem>>) target_semaphore(%arg25 : memref<!tpu.dma_semaphore, #tpu.memory_space<semaphore_mem>>)
        %dma_start3A_1904 = arith.constant 0 : i32
        %dma_start3A_1905 = arith.constant 768 : i32
        %dma_start3A_1906 = tpu.memref_slice %arg18[%dma_start3A_1904, %dma_start3A_1905] : memref<16x1024xf32, #tpu.memory_space<vmem>> -> memref<8x128xf32, #tpu.memory_space<vmem>>
        %dma_start3A_1907 = arith.constant 0 : i32
        %dma_start3A_1908 = tpu.memref_slice %arg7[%dma_start3A_1907, %multiple_of3A_1883] : memref<16x1000000xf32, #tpu.memory_space<hbm>> -> memref<8x128xf32, #tpu.memory_space<hbm>>
        %dma_start3A_1909 = arith.constant 0 : i32
        %dma_start3A_1910 = arith.constant 768 : i32
        %dma_start3A_1911 = tpu.memref_slice %arg18[%dma_start3A_1909, %dma_start3A_1910] : memref<16x1024xf32, #tpu.memory_space<vmem>> -> memref<8x128xf32, #tpu.memory_space<vmem>>
        %dma_start3A_1912 = arith.constant 0 : i32
        %dma_start3A_1913 = tpu.memref_slice %arg7[%dma_start3A_1912, %multiple_of3A_1883] : memref<16x1000000xf32, #tpu.memory_space<hbm>> -> memref<8x128xf32, #tpu.memory_space<hbm>>
        tpu.enqueue_dma source(%dma_start3A_1913 : memref<8x128xf32, #tpu.memory_space<hbm>>) target(%dma_start3A_1911 : memref<8x128xf32, #tpu.memory_space<vmem>>) target_semaphore(%arg25 : memref<!tpu.dma_semaphore, #tpu.memory_space<semaphore_mem>>)
        %dma_start3A_1914 = arith.constant 8 : i32
        %dma_start3A_1915 = arith.constant 768 : i32
        %dma_start3A_1916 = tpu.memref_slice %arg18[%dma_start3A_1914, %dma_start3A_1915] : memref<16x1024xf32, #tpu.memory_space<vmem>> -> memref<8x128xf32, #tpu.memory_space<vmem>>
        %dma_start3A_1917 = arith.constant 8 : i32
        %dma_start3A_1918 = tpu.memref_slice %arg7[%dma_start3A_1917, %multiple_of3A_1883] : memref<16x1000000xf32, #tpu.memory_space<hbm>> -> memref<8x128xf32, #tpu.memory_space<hbm>>
        %dma_start3A_1919 = arith.constant 8 : i32
        %dma_start3A_1920 = arith.constant 768 : i32
        %dma_start3A_1921 = tpu.memref_slice %arg18[%dma_start3A_1919, %dma_start3A_1920] : memref<16x1024xf32, #tpu.memory_space<vmem>> -> memref<8x128xf32, #tpu.memory_space<vmem>>
        %dma_start3A_1922 = arith.constant 8 : i32
        %dma_start3A_1923 = tpu.memref_slice %arg7[%dma_start3A_1922, %multiple_of3A_1883] : memref<16x1000000xf32, #tpu.memory_space<hbm>> -> memref<8x128xf32, #tpu.memory_space<hbm>>
        tpu.enqueue_dma source(%dma_start3A_1923 : memref<8x128xf32, #tpu.memory_space<hbm>>) target(%dma_start3A_1921 : memref<8x128xf32, #tpu.memory_space<vmem>>) target_semaphore(%arg25 : memref<!tpu.dma_semaphore, #tpu.memory_space<semaphore_mem>>)
        %dma_start3A_1924 = arith.constant 6 : i32
        %dma_start3A_1925 = arith.constant 0 : i32
        %dma_start3A_1926 = tpu.memref_slice %arg20[%dma_start3A_1924, %dma_start3A_1925] : memref<8x128xf32, #tpu.memory_space<vmem>> -> memref<1x128xf32, #tpu.memory_space<vmem>>
        %dma_start3A_1927 = arith.constant 0 : i32
        %dma_start3A_1928 = tpu.memref_slice %arg8[%dma_start3A_1927, %multiple_of3A_1880] : memref<1x1000000xf32, #tpu.memory_space<hbm>> -> memref<1x128xf32, #tpu.memory_space<hbm>>
        %dma_start3A_1929 = arith.constant 6 : i32
        %dma_start3A_1930 = arith.constant 0 : i32
        %dma_start3A_1931 = tpu.memref_slice %arg20[%dma_start3A_1929, %dma_start3A_1930] : memref<8x128xf32, #tpu.memory_space<vmem>> -> memref<1x128xf32, #tpu.memory_space<vmem>>
        %dma_start3A_1932 = arith.constant 0 : i32
        %dma_start3A_1933 = tpu.memref_slice %arg8[%dma_start3A_1932, %multiple_of3A_1880] : memref<1x1000000xf32, #tpu.memory_space<hbm>> -> memref<1x128xf32, #tpu.memory_space<hbm>>
        tpu.enqueue_dma source(%dma_start3A_1933 : memref<1x128xf32, #tpu.memory_space<hbm>>) target(%dma_start3A_1931 : memref<1x128xf32, #tpu.memory_space<vmem>>) target_semaphore(%arg25 : memref<!tpu.dma_semaphore, #tpu.memory_space<semaphore_mem>>)
        %dma_start3A_1934 = arith.constant 6 : i32
        %dma_start3A_1935 = arith.constant 0 : i32
        %dma_start3A_1936 = tpu.memref_slice %arg22[%dma_start3A_1934, %dma_start3A_1935] : memref<8x128xf32, #tpu.memory_space<vmem>> -> memref<1x128xf32, #tpu.memory_space<vmem>>
        %dma_start3A_1937 = arith.constant 0 : i32
        %dma_start3A_1938 = tpu.memref_slice %arg9[%dma_start3A_1937, %multiple_of3A_1883] : memref<1x1000000xf32, #tpu.memory_space<hbm>> -> memref<1x128xf32, #tpu.memory_space<hbm>>
        %dma_start3A_1939 = arith.constant 6 : i32
        %dma_start3A_1940 = arith.constant 0 : i32
        %dma_start3A_1941 = tpu.memref_slice %arg22[%dma_start3A_1939, %dma_start3A_1940] : memref<8x128xf32, #tpu.memory_space<vmem>> -> memref<1x128xf32, #tpu.memory_space<vmem>>
        %dma_start3A_1942 = arith.constant 0 : i32
        %dma_start3A_1943 = tpu.memref_slice %arg9[%dma_start3A_1942, %multiple_of3A_1883] : memref<1x1000000xf32, #tpu.memory_space<hbm>> -> memref<1x128xf32, #tpu.memory_space<hbm>>
        tpu.enqueue_dma source(%dma_start3A_1943 : memref<1x128xf32, #tpu.memory_space<hbm>>) target(%dma_start3A_1941 : memref<1x128xf32, #tpu.memory_space<vmem>>) target_semaphore(%arg25 : memref<!tpu.dma_semaphore, #tpu.memory_space<semaphore_mem>>)
        %slice3A_1944 = vector.extract_strided_slice %min3A_1121 {offsets = [15], sizes = [1], strides = [1]} : vector<16xi32> to vector<1xi32>
        %squeeze3A_1945 = vector.extract %slice3A_1944[0] : i32 from vector<1xi32>
        %multiple_of3A_1946 = tpu.assume_multiple %squeeze3A_1945, 128 : i32
        %slice3A_1947 = vector.extract_strided_slice %min3A_1130 {offsets = [15], sizes = [1], strides = [1]} : vector<16xi32> to vector<1xi32>
        %squeeze3A_1948 = vector.extract %slice3A_1947[0] : i32 from vector<1xi32>
        %multiple_of3A_1949 = tpu.assume_multiple %squeeze3A_1948, 128 : i32
        %dma_start3A_1950 = arith.constant 0 : i32
        %dma_start3A_1951 = arith.constant 896 : i32
        %dma_start3A_1952 = tpu.memref_slice %arg16[%dma_start3A_1950, %dma_start3A_1951] : memref<16x1024xf32, #tpu.memory_space<vmem>> -> memref<8x128xf32, #tpu.memory_space<vmem>>
        %dma_start3A_1953 = arith.constant 0 : i32
        %dma_start3A_1954 = tpu.memref_slice %arg6[%dma_start3A_1953, %multiple_of3A_1946] : memref<16x1000000xf32, #tpu.memory_space<hbm>> -> memref<8x128xf32, #tpu.memory_space<hbm>>
        %dma_start3A_1955 = arith.constant 0 : i32
        %dma_start3A_1956 = arith.constant 896 : i32
        %dma_start3A_1957 = tpu.memref_slice %arg16[%dma_start3A_1955, %dma_start3A_1956] : memref<16x1024xf32, #tpu.memory_space<vmem>> -> memref<8x128xf32, #tpu.memory_space<vmem>>
        %dma_start3A_1958 = arith.constant 0 : i32
        %dma_start3A_1959 = tpu.memref_slice %arg6[%dma_start3A_1958, %multiple_of3A_1946] : memref<16x1000000xf32, #tpu.memory_space<hbm>> -> memref<8x128xf32, #tpu.memory_space<hbm>>
        tpu.enqueue_dma source(%dma_start3A_1959 : memref<8x128xf32, #tpu.memory_space<hbm>>) target(%dma_start3A_1957 : memref<8x128xf32, #tpu.memory_space<vmem>>) target_semaphore(%arg25 : memref<!tpu.dma_semaphore, #tpu.memory_space<semaphore_mem>>)
        %dma_start3A_1960 = arith.constant 8 : i32
        %dma_start3A_1961 = arith.constant 896 : i32
        %dma_start3A_1962 = tpu.memref_slice %arg16[%dma_start3A_1960, %dma_start3A_1961] : memref<16x1024xf32, #tpu.memory_space<vmem>> -> memref<8x128xf32, #tpu.memory_space<vmem>>
        %dma_start3A_1963 = arith.constant 8 : i32
        %dma_start3A_1964 = tpu.memref_slice %arg6[%dma_start3A_1963, %multiple_of3A_1946] : memref<16x1000000xf32, #tpu.memory_space<hbm>> -> memref<8x128xf32, #tpu.memory_space<hbm>>
        %dma_start3A_1965 = arith.constant 8 : i32
        %dma_start3A_1966 = arith.constant 896 : i32
        %dma_start3A_1967 = tpu.memref_slice %arg16[%dma_start3A_1965, %dma_start3A_1966] : memref<16x1024xf32, #tpu.memory_space<vmem>> -> memref<8x128xf32, #tpu.memory_space<vmem>>
        %dma_start3A_1968 = arith.constant 8 : i32
        %dma_start3A_1969 = tpu.memref_slice %arg6[%dma_start3A_1968, %multiple_of3A_1946] : memref<16x1000000xf32, #tpu.memory_space<hbm>> -> memref<8x128xf32, #tpu.memory_space<hbm>>
        tpu.enqueue_dma source(%dma_start3A_1969 : memref<8x128xf32, #tpu.memory_space<hbm>>) target(%dma_start3A_1967 : memref<8x128xf32, #tpu.memory_space<vmem>>) target_semaphore(%arg25 : memref<!tpu.dma_semaphore, #tpu.memory_space<semaphore_mem>>)
        %dma_start3A_1970 = arith.constant 0 : i32
        %dma_start3A_1971 = arith.constant 896 : i32
        %dma_start3A_1972 = tpu.memref_slice %arg18[%dma_start3A_1970, %dma_start3A_1971] : memref<16x1024xf32, #tpu.memory_space<vmem>> -> memref<8x128xf32, #tpu.memory_space<vmem>>
        %dma_start3A_1973 = arith.constant 0 : i32
        %dma_start3A_1974 = tpu.memref_slice %arg7[%dma_start3A_1973, %multiple_of3A_1949] : memref<16x1000000xf32, #tpu.memory_space<hbm>> -> memref<8x128xf32, #tpu.memory_space<hbm>>
        %dma_start3A_1975 = arith.constant 0 : i32
        %dma_start3A_1976 = arith.constant 896 : i32
        %dma_start3A_1977 = tpu.memref_slice %arg18[%dma_start3A_1975, %dma_start3A_1976] : memref<16x1024xf32, #tpu.memory_space<vmem>> -> memref<8x128xf32, #tpu.memory_space<vmem>>
        %dma_start3A_1978 = arith.constant 0 : i32
        %dma_start3A_1979 = tpu.memref_slice %arg7[%dma_start3A_1978, %multiple_of3A_1949] : memref<16x1000000xf32, #tpu.memory_space<hbm>> -> memref<8x128xf32, #tpu.memory_space<hbm>>
        tpu.enqueue_dma source(%dma_start3A_1979 : memref<8x128xf32, #tpu.memory_space<hbm>>) target(%dma_start3A_1977 : memref<8x128xf32, #tpu.memory_space<vmem>>) target_semaphore(%arg25 : memref<!tpu.dma_semaphore, #tpu.memory_space<semaphore_mem>>)
        %dma_start3A_1980 = arith.constant 8 : i32
        %dma_start3A_1981 = arith.constant 896 : i32
        %dma_start3A_1982 = tpu.memref_slice %arg18[%dma_start3A_1980, %dma_start3A_1981] : memref<16x1024xf32, #tpu.memory_space<vmem>> -> memref<8x128xf32, #tpu.memory_space<vmem>>
        %dma_start3A_1983 = arith.constant 8 : i32
        %dma_start3A_1984 = tpu.memref_slice %arg7[%dma_start3A_1983, %multiple_of3A_1949] : memref<16x1000000xf32, #tpu.memory_space<hbm>> -> memref<8x128xf32, #tpu.memory_space<hbm>>
        %dma_start3A_1985 = arith.constant 8 : i32
        %dma_start3A_1986 = arith.constant 896 : i32
        %dma_start3A_1987 = tpu.memref_slice %arg18[%dma_start3A_1985, %dma_start3A_1986] : memref<16x1024xf32, #tpu.memory_space<vmem>> -> memref<8x128xf32, #tpu.memory_space<vmem>>
        %dma_start3A_1988 = arith.constant 8 : i32
        %dma_start3A_1989 = tpu.memref_slice %arg7[%dma_start3A_1988, %multiple_of3A_1949] : memref<16x1000000xf32, #tpu.memory_space<hbm>> -> memref<8x128xf32, #tpu.memory_space<hbm>>
        tpu.enqueue_dma source(%dma_start3A_1989 : memref<8x128xf32, #tpu.memory_space<hbm>>) target(%dma_start3A_1987 : memref<8x128xf32, #tpu.memory_space<vmem>>) target_semaphore(%arg25 : memref<!tpu.dma_semaphore, #tpu.memory_space<semaphore_mem>>)
        %dma_start3A_1990 = arith.constant 7 : i32
        %dma_start3A_1991 = arith.constant 0 : i32
        %dma_start3A_1992 = tpu.memref_slice %arg20[%dma_start3A_1990, %dma_start3A_1991] : memref<8x128xf32, #tpu.memory_space<vmem>> -> memref<1x128xf32, #tpu.memory_space<vmem>>
        %dma_start3A_1993 = arith.constant 0 : i32
        %dma_start3A_1994 = tpu.memref_slice %arg8[%dma_start3A_1993, %multiple_of3A_1946] : memref<1x1000000xf32, #tpu.memory_space<hbm>> -> memref<1x128xf32, #tpu.memory_space<hbm>>
        %dma_start3A_1995 = arith.constant 7 : i32
        %dma_start3A_1996 = arith.constant 0 : i32
        %dma_start3A_1997 = tpu.memref_slice %arg20[%dma_start3A_1995, %dma_start3A_1996] : memref<8x128xf32, #tpu.memory_space<vmem>> -> memref<1x128xf32, #tpu.memory_space<vmem>>
        %dma_start3A_1998 = arith.constant 0 : i32
        %dma_start3A_1999 = tpu.memref_slice %arg8[%dma_start3A_1998, %multiple_of3A_1946] : memref<1x1000000xf32, #tpu.memory_space<hbm>> -> memref<1x128xf32, #tpu.memory_space<hbm>>
        tpu.enqueue_dma source(%dma_start3A_1999 : memref<1x128xf32, #tpu.memory_space<hbm>>) target(%dma_start3A_1997 : memref<1x128xf32, #tpu.memory_space<vmem>>) target_semaphore(%arg25 : memref<!tpu.dma_semaphore, #tpu.memory_space<semaphore_mem>>)
        %dma_start3A_2000 = arith.constant 7 : i32
        %dma_start3A_2001 = arith.constant 0 : i32
        %dma_start3A_2002 = tpu.memref_slice %arg22[%dma_start3A_2000, %dma_start3A_2001] : memref<8x128xf32, #tpu.memory_space<vmem>> -> memref<1x128xf32, #tpu.memory_space<vmem>>
        %dma_start3A_2003 = arith.constant 0 : i32
        %dma_start3A_2004 = tpu.memref_slice %arg9[%dma_start3A_2003, %multiple_of3A_1949] : memref<1x1000000xf32, #tpu.memory_space<hbm>> -> memref<1x128xf32, #tpu.memory_space<hbm>>
        %dma_start3A_2005 = arith.constant 7 : i32
        %dma_start3A_2006 = arith.constant 0 : i32
        %dma_start3A_2007 = tpu.memref_slice %arg22[%dma_start3A_2005, %dma_start3A_2006] : memref<8x128xf32, #tpu.memory_space<vmem>> -> memref<1x128xf32, #tpu.memory_space<vmem>>
        %dma_start3A_2008 = arith.constant 0 : i32
        %dma_start3A_2009 = tpu.memref_slice %arg9[%dma_start3A_2008, %multiple_of3A_1949] : memref<1x1000000xf32, #tpu.memory_space<hbm>> -> memref<1x128xf32, #tpu.memory_space<hbm>>
        tpu.enqueue_dma source(%dma_start3A_2009 : memref<1x128xf32, #tpu.memory_space<hbm>>) target(%dma_start3A_2007 : memref<1x128xf32, #tpu.memory_space<vmem>>) target_semaphore(%arg25 : memref<!tpu.dma_semaphore, #tpu.memory_space<semaphore_mem>>)
      } else {
      }
      scf.yield %get3A_1110, %get3A_1112, %min3A_1121, %min3A_1130, %add3A_1476 : vector<16xi32>, vector<16xi32>, vector<16xi32>, vector<16xi32>, vector<16xf32>
    }
    %scan3A_1095 = arith.constant 32 : i32
    %swap3A = arith.constant 0 : index
    %swap3A_1096 = tpu.vector_load %arg23[%swap3A] {strides = array<i32>} : memref<16xf32, #tpu.memory_space<vmem>>, vector<16xf32>,
    tpu.vector_store %arg23[%swap3A], %scan3A_1094#4 {strides = array<i32>} : memref<16xf32, #tpu.memory_space<vmem>>, vector<16xf32>,
    "tpu.region"() ({
      %run_scoped3A = tpu.sem_alloc : memref<!tpu.dma_semaphore, #tpu.memory_space<semaphore_mem>>
      %dma_start3A_1097 = arith.constant 0 : i32
      %dma_start3A_1098 = tpu.memref_slice %arg10[%add3A, %dma_start3A_1097] : memref<32x16xf32, #tpu.memory_space<hbm>> -> memref<1x16xf32, #tpu.memory_space<hbm>>
      %dma_start3A_1099 = tpu.memref_squeeze %dma_start3A_1098 : memref<1x16xf32, #tpu.memory_space<hbm>> -> memref<16xf32, #tpu.memory_space<hbm>>
      %dma_start3A_1100 = arith.constant 0 : i32
      %dma_start3A_1101 = tpu.memref_slice %arg10[%add3A, %dma_start3A_1100] : memref<32x16xf32, #tpu.memory_space<hbm>> -> memref<1x16xf32, #tpu.memory_space<hbm>>
      %dma_start3A_1102 = tpu.memref_squeeze %dma_start3A_1101 : memref<1x16xf32, #tpu.memory_space<hbm>> -> memref<16xf32, #tpu.memory_space<hbm>>
      tpu.enqueue_dma source(%arg23 : memref<16xf32, #tpu.memory_space<vmem>>) target(%dma_start3A_1102 : memref<16xf32, #tpu.memory_space<hbm>>) target_semaphore(%run_scoped3A : memref<!tpu.dma_semaphore, #tpu.memory_space<semaphore_mem>>)
      %dma_wait3A_1103 = arith.constant 0 : i32
      %dma_wait3A_1104 = tpu.memref_slice %arg10[%add3A, %dma_wait3A_1103] : memref<32x16xf32, #tpu.memory_space<hbm>> -> memref<1x16xf32, #tpu.memory_space<hbm>>
      %dma_wait3A_1105 = tpu.memref_squeeze %dma_wait3A_1104 : memref<1x16xf32, #tpu.memory_space<hbm>> -> memref<16xf32, #tpu.memory_space<hbm>>
      %dma_wait3A_1106 = arith.constant 0 : i32
      %dma_wait3A_1107 = tpu.memref_slice %arg10[%add3A, %dma_wait3A_1106] : memref<32x16xf32, #tpu.memory_space<hbm>> -> memref<1x16xf32, #tpu.memory_space<hbm>>
      %dma_wait3A_1108 = tpu.memref_squeeze %dma_wait3A_1107 : memref<1x16xf32, #tpu.memory_space<hbm>> -> memref<16xf32, #tpu.memory_space<hbm>>
      tpu.wait_dma2 semaphore(%run_scoped3A : memref<!tpu.dma_semaphore, #tpu.memory_space<semaphore_mem>>) src(%arg23 : memref<16xf32, #tpu.memory_space<vmem>>) dst(%dma_wait3A_1108 : memref<16xf32, #tpu.memory_space<hbm>>)
      tpu.yield
    }) : () -> ()
    return
  }
}

</mosaic_0001>

<sc_bundles>
// kernel: kernel.3.cloned.1.call-start
scs
__scs_entry_jumppad:
0x0: {  	(pc) =	sbr.rel $0x88, $3  }
0x1: {  	(tag) =	ssettag $0x0;
	lr =	simm.s32 $0x1  }
0x2: {  	[smem:$0x3F99] =	sst lr;
	_ =	strace $0xD0000000  }
0x3: {  	_ = 	snop  }
0x4: {  	_ = 	snop  }
0x5: {  	_ = 	snop  }
0x6: {  	_ = 	snop  }
0x7: {  	_ = 	snop  }
__scs_overlays_trampoline_lowered:
0x8: {  	[smem:$0x3FA8] =	sst s0  }
0x9: {  	[smem:$0x3FA9] =	sst s1  }
0xa: {  	[smem:$0x3FAA] =	sst s2  }
0xb: {  	[smem:$0x3FAB] =	sst s3  }
0xc: {  	[smem:$0x3FAC] =	sst s4  }
0xd: {  	[smem:$0x3FAD] =	sst s5  }
0xe: {  	[smem:$0x3FAE] =	sst s6  }
0xf: {  	[smem:$0x3FAF] =	sst s7  }
0x10: {  	[smem:$0x3FB0] =	sst s8  }
0x11: {  	[smem:$0x3FB1] =	sst s9;
	s0 =	simm.s32 @!p0 $0x0  }
0x12: {  	s1 =	sld [smem:$0x3F97];
	s0 =	simm.s32 @p0 $0x1  }
0x13: {  	[smem:$0x3FB2] =	sst s0;
	s0 =	simm.s32 @!p1 $0x0  }
0x14: {  	s2 =	sld [smem:$0x3F96];
	s0 =	simm.s32 @p1 $0x1  }
0x15: {  	[smem:$0x3FB3] =	sst s0;
	s0 =	simm.s32 @!p2 $0x0  }
0x16: {  	s3 =	sld [smem:$0x3FDB];
	s0 =	simm.s32 @p2 $0x1  }
0x17: {  	s4 =	simm.s32 $0x1BF5;
	[smem:$0x3FB5] =	sst s0  }
0x18: {  	s0 =	sld [smem:$0x3F98];
	_ =	swait.ge [sflag:s4], $0x0  }
0x19: {  	s7 =	sld [smem:$0x3F99]  }
0x1a: {  	s8 =	sadd.s32 $0xFFFFE003, lr  }
0x1b: {  	s9 =	sadd.s32 $0xFFFFFEF7, lr;
	s5 =	simm.s32 $0xFFFFFFFF;
	p2 =	slt.u32 s8, $0xFFFFF086  }
0x1c: {  	p1 =	slt.u32 s9, $0xF7A;
	s5 =	simm.s32 @!p2 $0x0  }
0x1d: {  	s5 =	simm.s32 @p1 $0x1;
	p0 =	seq.s32 s7, s2  }
0x1e: {  	s7 =	smul.u32 @!p0 $0xF7A, s2;
	p2 =	seq.s32 @!p0 s5, $0x0  }
0x1f: {  	s9 =	smul.u32 $0xF7A, s1;
	s8 =	simm.s32 @!p0 $0x1BF5;
	p2 =	por !p2, p0  }
0x20: {  	[sflag:s8] =	ssyncset.s32 @!p0 $0xFFFFF086;
	s6 =	sadd.s32 @!p0 s3, s7;
	s7 =	simm.s32 @!p0 $0x108  }
0x21: {  	s3 =	sadd.s32 s3, s9;
	s6 =	sadd.s32 @!p0 $0x88, s6;
	s7 =	simm.s32 @p2 $0x1082  }
0x22: {  	[simem:s7], [sflag:s8] =	dma.local @!p0 [hbm:s6], $0xF7A  }
0x23: {  	s9 =	sor.u32 $0xD0000000, s2;
	s6 =	simm.s32 $0x108;
	_ =	swait.ge @!p0 [sflag:s8], $0x0  }
0x24: {  	s3 =	sadd.s32 $0x88, s3;
	s6 =	simm.s32 @!p1 $0x1082;
	[sflag:s4] =	ssyncset.s32 $0xFFFFF086  }
0x25: {  	[simem:s6], [sflag:s4] =	dma.local [hbm:s3], $0xF7A  }
0x26: {  	[smem:$0x3F99] =	sst s1;
	(tag) =	ssettag s2;
	_ =	strace s9  }
0x27: {  	s1 =	sld [smem:$0x3FA9]  }
0x28: {  	s2 =	sld [smem:$0x3FAA]  }
0x29: {  	s4 =	sld [smem:$0x3FAC]  }
0x2a: {  	p0 =	seq.s32 s5, $0x0;
	s5 =	sld [smem:$0x3FAD]  }
0x2b: {  	s6 =	sld [smem:$0x3FAE]  }
0x2c: {  	s7 =	sld [smem:$0x3FAF]  }
0x2d: {  	s3 =	simm.s32 $0x108;
	s8 =	sld [smem:$0x3FB0]  }
0x2e: {  	s3 =	simm.s32 @!p0 $0x1082;
	s9 =	sld [smem:$0x3FB1]  }
0x2f: {  	lr =	sadd.s32 s0, s3;
	s0 =	sld [smem:$0x3FA8]  }
0x30: {  	s3 =	sld [smem:$0x3FAB]  }
0x31: {  	[smem:$0x3FB4] =	sst s10  }
0x32: {  	s10 =	sld [smem:$0x3FB2];
	_ =	sdelay $0x3  }
0x33: {  	p0 =	seq.s32 s10, $0x1;
	s10 =	sld [smem:$0x3FB4];
	_ =	sdelay $0x3  }
0x34: {  	[smem:$0x3FB4] =	sst s10  }
0x35: {  	s10 =	sld [smem:$0x3FB3];
	_ =	sdelay $0x3  }
0x36: {  	p1 =	seq.s32 s10, $0x1;
	s10 =	sld [smem:$0x3FB4];
	_ =	sdelay $0x3  }
0x37: {  	[smem:$0x3FB4] =	sst s10  }
0x38: {  	s10 =	sld [smem:$0x3FB5]  }
0x39: {  	_ = 	snop;
	(pc) =	sbr.ind lr, $3  }
0x3a: {  	_ = 	snop  }
0x3b: {  	_ = 	snop  }
0x3c: {  	p2 =	seq.s32 s10, $0x1;
	s10 =	sld [smem:$0x3FB4]  }
0x3d: {  	_ =	shalt  }
0x3e: {  	_ =	shalt  }
0x3f: {  	_ =	shalt  }
0x40: {  	_ =	shalt  }
0x41: {  	_ =	shalt  }
0x42: {  	_ =	shalt  }
0x43: {  	_ =	shalt  }
0x44: {  	_ =	shalt  }
0x45: {  	_ =	shalt  }
0x46: {  	_ =	shalt  }
0x47: {  	_ =	shalt  }
0x48: {  	_ =	shalt  }
0x49: {  	_ =	shalt  }
0x4a: {  	_ =	shalt  }
0x4b: {  	_ =	shalt  }
0x4c: {  	_ =	shalt  }
0x4d: {  	_ =	shalt  }
0x4e: {  	_ =	shalt  }
0x4f: {  	_ =	shalt  }
0x50: {  	_ =	shalt  }
0x51: {  	_ =	shalt  }
0x52: {  	_ =	shalt  }
0x53: {  	_ =	shalt  }
0x54: {  	_ =	shalt  }
0x55: {  	_ =	shalt  }
0x56: {  	_ =	shalt  }
0x57: {  	_ =	shalt  }
0x58: {  	_ =	shalt  }
0x59: {  	_ =	shalt  }
0x5a: {  	_ =	shalt  }
0x5b: {  	_ =	shalt  }
0x5c: {  	_ =	shalt  }
0x5d: {  	_ =	shalt  }
0x5e: {  	_ =	shalt  }
0x5f: {  	_ =	shalt  }
0x60: {  	_ =	shalt  }
0x61: {  	_ =	shalt  }
0x62: {  	_ =	shalt  }
0x63: {  	_ =	shalt  }
0x64: {  	_ =	shalt  }
0x65: {  	_ =	shalt  }
0x66: {  	_ =	shalt  }
0x67: {  	_ =	shalt  }
0x68: {  	_ =	shalt  }
0x69: {  	_ =	shalt  }
0x6a: {  	_ =	shalt  }
0x6b: {  	_ =	shalt  }
0x6c: {  	_ =	shalt  }
0x6d: {  	_ =	shalt  }
0x6e: {  	_ =	shalt  }
0x6f: {  	_ =	shalt  }
0x70: {  	_ =	shalt  }
0x71: {  	_ =	shalt  }
0x72: {  	_ =	shalt  }
0x73: {  	_ =	shalt  }
0x74: {  	_ =	shalt  }
0x75: {  	_ =	shalt  }
0x76: {  	_ =	shalt  }
0x77: {  	_ =	shalt  }
0x78: {  	_ =	shalt  }
0x79: {  	_ =	shalt  }
0x7a: {  	_ =	shalt  }
0x7b: {  	_ =	shalt  }
0x7c: {  	_ =	shalt  }
0x7d: {  	_ =	shalt  }
0x7e: {  	_ =	shalt  }
0x7f: {  	_ =	shalt  }
0x80: {  	_ =	shalt  }
0x81: {  	_ =	shalt  }
0x82: {  	_ =	shalt  }
0x83: {  	_ =	shalt  }
0x84: {  	_ =	shalt  }
0x85: {  	_ =	shalt  }
0x86: {  	_ =	shalt  }
0x87: {  	_ =	shalt  }
.Lfunc_end0:
.L_simem_size_0:
called_computation_lowered:
.L_overlay_start_0:
0x88: {  	s2 =	sld [smem:$0x3FD9]  }
0x89: {  	s3 =	sld [smem:$0x3FFE];
	_ =	sdelay $0x1  }
0x8a: {  	s1 =	srdreg.scid  }
0x8b: {  	s0 =	sand.u32 $0x1, s1  }
0x8c: {  	s17 =	sshll.u32 s0, $0xA;
	s2 =	sadd.s32 s3, s2  }
0x8d: {  	s2 =	sadd.s32 s2, s17  }
0x8e: {  	[smem:$0x3FC0] =	sst s2  }
0x8f: {  	_ = 	snop  }
0x90: {  	s2 =	sld [smem:$0x3FC9]  }
0x91: {  	s18 =	sld [smem:$0x3FC8]  }
0x92: {  	s4 =	sld [smem:$0x3FC7]  }
0x93: {  	s5 =	sld [smem:$0x3FC6]  }
0x94: {  	s6 =	sld [smem:$0x3FC5]  }
0x95: {  	s7 =	sld [smem:$0x3FC4]  }
0x96: {  	s8 =	sld [smem:$0x3FC3]  }
0x97: {  	s9 =	sld [smem:$0x3FC2];
	(tm) =	ssettm $0x1  }
0x98: {  	s10 =	sld [smem:$0x3FFB];
	_ =	sdelay $0x3  }
0x99: {  	_ =	strace s10  }
0x9a: {  	s10 =	sld [smem:$0x3FFC];
	_ =	sdelay $0x3  }
0x9b: {  	_ =	strace s10  }
0x9c: {  	s10 =	sld [smem:$0x3FFD];
	_ =	sdelay $0x3  }
0x9d: {  	_ =	strace s10  }
0x9e: {  	_ =	strace $0x8FFFFFFF  }
0x9f: {  	s19 =	sld [smem:$0x3FDB];
	_ =	sdelay $0x1  }
0xa0: {  	s11 =	simm.s32 $_scs_section_size  }
0xa1: {  	s12 =	simm.s32 $_size__tile_overlayer_lowered;
	s13 =	simm.s32 $_tile_overlayer_lowered  }
0xa2: {  	s22 =	simm.s32 $0x1BFF;
	s21 =	sshll.u32 s13, $0x1;
	s10 =	sadd.s32 s11, s19  }
0xa3: {  	s14 =	simm.s32 $0x0;
	s20 =	sshll.u32 s12, $0x1;
	s12 =	sadd.s32 s21, s10  }
0xa4: {  	[timem:s14], [sflag:s22] =	dma.local [hbm:s12], s20  }
0xa5: {  	_ =	swait.ge [sflag:s22], s20  }
0xa6: {  	s11 =	ssub.s32 $0x0, s20;
	[sflag:s22] =	ssyncset.done $0x0  }
0xa7: {  	[sflag:s22] =	ssyncadd.s32 s11;
	_ =	sdelay $0x1  }
0xa8: {  	s23 =	simm.s32 $0x1B8B  }
0xa9: {  	_ =	swait.ge [sflag:s23], $0x1  }
0xaa: {  	[sflag:s23] =	ssyncset.done $0x0  }
0xab: {  	s25 =	simm.s32 $0x1B8E;
	s24 =	sld [smem:$0x3FFE];
	[sflag:s23] =	ssyncadd.s32 $0xFFFFFFFF  }
0xac: {  	s26 =	simm.s32 $execute0_lowered;
	[smem:$0x3FD2] =	sst s25  }
0xad: {  	s12 =	sshll.u32 s26, $0x1;
	_ =	strace $0x80000046;
	[dreg:$0x1] =	wrdreg $0xFFFFFFFF  }
0xae: {  	s28 =	simm.s32 $_size_execute0_lowered;
	s10 =	sadd.s32 s10, s12;
	[dreg:$0x0] =	wrdreg $0x0  }
0xaf: {  	s12 =	sshll.u32 s28, $0x1;
	[dreg:$0x2] =	wrdreg s10  }
0xb0: {  	[dreg:$0x3] =	wrdreg s12  }
0xb1: {  	[dreg:$0x4] =	wrdreg $0xC0  }
0xb2: {  	_ =	task [dreg:s14], $0x5FFFF  }
0xb3: {  	[dreg:$0x1] =	wrdreg $0xFFFFFFFF  }
0xb4: {  	[dreg:$0x0] =	wrdreg $0x60  }
0xb5: {  	[dreg:$0x2] =	wrdreg s2  }
0xb6: {  	[dreg:$0x3] =	wrdreg s18  }
0xb7: {  	[dreg:$0x4] =	wrdreg s4  }
0xb8: {  	[dreg:$0x5] =	wrdreg s5  }
0xb9: {  	[dreg:$0x6] =	wrdreg s6  }
0xba: {  	[dreg:$0x7] =	wrdreg s7  }
0xbb: {  	[dreg:$0x8] =	wrdreg s8  }
0xbc: {  	[dreg:$0x9] =	wrdreg s9  }
0xbd: {  	[dreg:$0xa] =	wrdreg s24  }
0xbe: {  	[dreg:$0xb] =	wrdreg $0x9  }
0xbf: {  	_ =	task.clear_ibuf [dreg:s14], $0xCFFFF;
	_ =	strace $0x90000046  }
0xc0: {  	s29 =	simm.s32 $0x9;
	_ =	strace $0x80000048  }
0xc1: {  	_ =	swait.ge [sflag:s29], $0x1  }
0xc2: {  	[sflag:s29] =	ssyncadd.s32 $0xFFFFFFFF  }
0xc3: {  	_ =	strace $0x90000048  }
0xc4: {  	_ =	sfence  }
0xc5: {  	s30 =	sld [smem:$0x0];
	_ =	sdelay $0x2  }
0xc6: {  	s31 =	sshll.u32 s1, $0xD;
	s1 =	sshrl.u32 s1, $0x2  }
0xc7: {  	s3 =	sand.u32 $0x4000, s31;
	s1 =	sadd.s32 s1, s30  }
0xc8: {  	s0 =	sor.u32 s3, s0;
	s1 =	sshll.u32 s1, $0x11  }
0xc9: {  	s0 =	sor.u32 s1, s0  }
0xca: {  	s0 =	sadd.s32 $0x8F2B, s0  }
0xcb: {  	[sflag:s0] =	ssyncadd.remote.s32 $0x1  }
0xcc: {  	_ =	sfence.sel $0xFFFF  }
0xcd: {  	[dreg:$0x0] =	wrdreg $0xFFFFFFFF;
	(pc) =	sbr.abs _section_cstart, $3  }
0xce: {  	[dreg:$0x1] =	wrdreg $0xFFFFFFFF  }
0xcf: {  	_ =	task.clear_ibuf [dreg:s14], $0x2FFFF;
	_ =	strace $0x9FFFFFFF  }
0xd0: {  	(tm) =	ssettm $0x7FFFFFFF  }
0xd1: {  	_ =	shalt  }
tec
execute0_lowered:
.L_overlay_start_1:
0x0: {  	(tag) =	ssettag $0x1  }
0x1: {  	s1 =	rddreg [dreg:$0x0]  }
0x2: {  	s3 =	rddreg [dreg:$0x1]  }
0x3: {  	s7 =	rddreg [dreg:$0x2]  }
0x4: {  	s8 =	rddreg [dreg:$0x3]  }
0x5: {  	s0 =	rddreg [dreg:$0x4]  }
0x6: {  	s2 =	rddreg [dreg:$0x5]  }
0x7: {  	s4 =	rddreg [dreg:$0x6]  }
0x8: {  	s5 =	rddreg [dreg:$0x7]  }
0x9: {  	s9 =	rddreg [dreg:$0x8]  }
0xa: {  	s6 =	srdreg.scid;
	s11 =	stileid.u32  }
0xb: {  	s14 =	simm.s32 $0x400;
	s15 =	simm.s32 $0x600;
	s17 =	simm.s32 $0x800  }
0xc: {  	s19 =	simm.s32 $0x8800;
	s30 =	simm.s32 $0x4800;
	s18 =	simm.s32 $0x6800  }
0xd: {  	s28 =	simm.s32 $0x10F80;
	s29 =	simm.s32 $0x11780;
	s16 =	simm.s32 $0x1  }
0xe: {  	s31 =	simm.s32 $0x2;
	s10 =	sand.u32 $0x1, s6;
	s11 =	sshll.u32 s11, $0x1  }
0xf: {  	s6 =	simm.s32 $0x0;
	s12 =	ssub.s32 $0x2, s10;
	s10 =	sor.u32 s10, s11  }
0x10: {  	[smem:$0x7FF] =	sst s6;
	s21 =	sshrl.u32 s12, $0x1;
	s13 =	sshll.u32 s10, $0x6  }
0x11: {  	_ =	strace $0x80000047;
	s24 =	sshll.u32 s10, $0x4;
	s10 =	simm.s32 $0x0  }
0x12: {  	s11 =	ssub.s32 s12, s21;
	s1 =	sadd.s32 s1, s13;
	s22 =	sadd.s32 s3, s13  }
0x13: {  	s23 =	sadd.s32 s7, s13;
	s25 =	sadd.s32 s8, s13;
	[dreg:$0xa] =	wrdreg s1  }
0x14: {  	s13 =	simm.s32 $0x200;
	s21 =	simm.s32 $0x10800;
	[dreg:$0xb] =	wrdreg s22  }
.Ltmp0:
0x15: {  	s7 =	simm.s32 $0x10C00;
	[dreg:$0xc] =	wrdreg s23;
	(pc) =	sbr.rel .LBB2_1-.Ltmp0, $4  }
0x16: {  	s8 =	simm.s32 $0x11400;
	[dreg:$0xd] =	wrdreg s25;
	s1 =	sadd.s32 s9, s24  }
0x17: {  	v0 =	vlaneseq.u32;
	s26 =	smax.u32 s11, $0x1;
	s22 =	simm.s32 $0x11000;
	s23 =	simm.s32 $0x6400  }
0x18: {  	v0 =	vand.u32 $0x7, v0;
	s24 =	simm.s32 $0x8400;
	s25 =	simm.s32 $0xE400;
	[dreg:$0xe] =	wrdreg s1  }
0x19: {  	vm0 =	vmmov $0xff;
	v1 =	vmul.u32 $0x80, v0;
	[dreg:$0xf] =	wrdreg s26;
	s1 =	simm.s32 $0xC800;
	s26 =	simm.s32 $0x10400  }
.LBB2_6:
0x1a: {  	[tilespmem:$0x11800] =	vst v2;
	s3 =	rddreg [dreg:$0xe];
	s9 =	simm.s32 $0x11800;
	s12 =	simm.s32 $0x4  }
0x1b: {  	[hbm4b:s3+s6] =	stream.linear.scatter [tilespmem:s9], [sflag:$0x4], $0x80, $0x38;
	[tilespmem:$0x11880] =	vst v63  }
0x1c: {  	_ =	swait.ge [sflag:s12], $0x80  }
0x1d: {  	s10 =	rddreg [dreg:$0x10]  }
0x1e: {  	s20 =	rddreg [dreg:$0xf];
	s10 =	sadd.s32 $0x1, s10  }
0x1f: {  	p0 =	sne.s32 s10, s20  }
.Ltmp1:
0x20: {  	_ = 	snop;
	(pc) =	sbr.rel @!p0 .LBB2_7-.Ltmp1, $3  }
0x21: {  	_ =	sdelay $0x1  }
0x22: {  	[sflag:s12] =	ssyncset.done $0x0  }
0x23: {  	[sflag:s12] =	ssyncadd.s32 $0xFFFFFF80  }
.LBB2_1:
0x24: {  	[dreg:$0x10] =	wrdreg s10  }
0x25: {  	s3 =	rddreg [dreg:$0xa]  }
0x26: {  	[tilespmem:s6], [sflag:$0x3] =	stream.linear.gather [hbm4b:s3+s6], $0x200, $0x38;
	[tilespmem:$0x11880] =	vst v63  }
0x27: {  	s20 =	rddreg [dreg:$0xb]  }
0x28: {  	[tilespmem:s13], [sflag:$0x3] =	stream.linear.gather [hbm4b:s20+s6], $0x200, $0x38;
	[tilespmem:$0x11880] =	vst v63  }
0x29: {  	s9 =	rddreg [dreg:$0xc]  }
0x2a: {  	[tilespmem:s14], [sflag:$0x3] =	stream.linear.gather [hbm4b:s9+s6], $0x200, $0x38;
	[tilespmem:$0x11880] =	vst v63  }
0x2b: {  	s10 =	rddreg [dreg:$0xd];
	s11 =	simm.s32 $0x3  }
0x2c: {  	[tilespmem:s15], [sflag:$0x3] =	stream.linear.gather [hbm4b:s10+s6], $0x200, $0x38;
	[tilespmem:$0x11880] =	vst v63  }
0x2d: {  	_ =	swait.ge [sflag:s11], $0x200  }
0x2e: {  	[sflag:s11] =	ssyncset.done $0x0  }
0x2f: {  	[sflag:s11] =	ssyncadd.s32 $0xFFFFFE00  }
0x30: {  	_ =	swait.ge [sflag:s11], $0x200  }
0x31: {  	[sflag:s11] =	ssyncset.done $0x0  }
0x32: {  	[sflag:s11] =	ssyncadd.s32 $0xFFFFFE00  }
0x33: {  	_ =	swait.ge [sflag:s11], $0x200  }
0x34: {  	[sflag:s11] =	ssyncset.done $0x0  }
0x35: {  	[sflag:s11] =	ssyncadd.s32 $0xFFFFFE00  }
0x36: {  	_ =	swait.ge [sflag:s11], $0x200  }
0x37: {  	[sflag:s11] =	ssyncset.done $0x0  }
0x38: {  	[sflag:s11] =	ssyncadd.s32 $0xFFFFFE00  }
0x39: {  	v2 =	vld [tilespmem:$0x0];
	_ =	sdelay $0x1  }
0x3a: {  	v4 =	vld [tilespmem:$0x200];
	_ =	sdelay $0x2  }
0x3b: {  	v2 =	vand.u32 $0xFFFFFF80, v2  }
0x3c: {  	vm1 =	vlt.s32 v2, $0xF41C0  }
0x3d: {  	v3 =	vnsel vm1, $0xF41C0, v2;
	v2 =	vand.u32 $0xFFFFFF80, v4  }
0x3e: {  	(v2sf) =	vpush v3, $0x0;
	vm1 =	vlt.s32 v2, $0xF41C0  }
0x3f: {  	v2 =	vnsel vm1, $0xF41C0, v2  }
0x40: {  	(v2sf) =	vpush v2, $0x0;
	_ =	sdelay $0xc  }
0x41: {  	s3 =	spop (v2sf);
	(v2sf) =	vpush v3, $0x1  }
0x42: {  	s9 =	sand.u32 $0xFFFFF80, s3  }
0x43: {  	s9 =	sadd.s32 s0, s9;
	s10 =	spop (v2sf);
	(v2sf) =	vpush v2, $0x1  }
0x44: {  	[tilespmem:s17], [sflag:$0x1] =	stream.linear.gather [hbm4b:s9+s6], $0x400, $0x38;
	[tilespmem:$0x11880] =	vst v63  }
0x45: {  	s11 =	simm.s32 $0x2800;
	s9 =	sadd.s32 $0xF4280, s9;
	s12 =	sand.u32 $0xFFFFF80, s10  }
0x46: {  	[tilespmem:s11], [sflag:$0x1] =	stream.linear.gather [hbm4b:s9+s6], $0x400, $0x38;
	[tilespmem:$0x11880] =	vst v63  }
0x47: {  	s3 =	sshrl.u32 s3, $0x3;
	s9 =	sadd.s32 s2, s12  }
0x48: {  	[tilespmem:s19], [sflag:$0x1] =	stream.linear.gather [hbm4b:s9+s6], $0x400, $0x38;
	[tilespmem:$0x11880] =	vst v63  }
0x49: {  	s20 =	simm.s32 $0xA800;
	s3 =	sand.u32 $0x1FFFFFF0, s3;
	s9 =	sadd.s32 $0xF4280, s9  }
0x4a: {  	[tilespmem:s20], [sflag:$0x1] =	stream.linear.gather [hbm4b:s9+s6], $0x400, $0x38;
	[tilespmem:$0x11880] =	vst v63  }
0x4b: {  	s3 =	sadd.s32 s4, s3;
	s10 =	sshrl.u32 s10, $0x3  }
0x4c: {  	[tilespmem:s21], [sflag:$0x1] =	stream.linear.gather [hbm4b:s3+s6], $0x80, $0x38;
	[tilespmem:$0x11880] =	vst v63  }
0x4d: {  	s3 =	sand.u32 $0x1FFFFFF0, s10  }
0x4e: {  	s3 =	sadd.s32 s5, s3  }
0x4f: {  	[tilespmem:s22], [sflag:$0x1] =	stream.linear.gather [hbm4b:s3+s6], $0x80, $0x38;
	[tilespmem:$0x11880] =	vst v63  }
0x50: {  	s3 =	spop (v2sf);
	(v2sf) =	vpush v3, $0x2  }
0x51: {  	s11 =	sand.u32 $0xFFFFF80, s3  }
0x52: {  	s12 =	simm.s32 $0xC00;
	s9 =	sadd.s32 s0, s11;
	s10 =	spop (v2sf);
	(v2sf) =	vpush v2, $0x2  }
0x53: {  	[tilespmem:s12], [sflag:$0x1] =	stream.linear.gather [hbm4b:s9+s6], $0x400, $0x38;
	[tilespmem:$0x11880] =	vst v63  }
0x54: {  	s20 =	simm.s32 $0x2C00;
	s9 =	sadd.s32 $0xF4280, s9;
	s12 =	sand.u32 $0xFFFFF80, s10  }
0x55: {  	[tilespmem:s20], [sflag:$0x1] =	stream.linear.gather [hbm4b:s9+s6], $0x400, $0x38;
	[tilespmem:$0x11880] =	vst v63  }
0x56: {  	s3 =	sshrl.u32 s3, $0x3;
	s9 =	sadd.s32 s2, s12;
	s20 =	simm.s32 $0x8C00  }
0x57: {  	[tilespmem:s20], [sflag:$0x1] =	stream.linear.gather [hbm4b:s9+s6], $0x400, $0x38;
	[tilespmem:$0x11880] =	vst v63  }
0x58: {  	s3 =	sand.u32 $0x1FFFFFF0, s3;
	s12 =	simm.s32 $0xAC00;
	s9 =	sadd.s32 $0xF4280, s9  }
0x59: {  	[tilespmem:s12], [sflag:$0x1] =	stream.linear.gather [hbm4b:s9+s6], $0x400, $0x38;
	[tilespmem:$0x11880] =	vst v63  }
0x5a: {  	s3 =	sadd.s32 s4, s3;
	s20 =	simm.s32 $0x10880;
	s9 =	sshrl.u32 s10, $0x3  }
0x5b: {  	[tilespmem:s20], [sflag:$0x1] =	stream.linear.gather [hbm4b:s3+s6], $0x80, $0x38;
	[tilespmem:$0x11880] =	vst v63  }
0x5c: {  	s3 =	sand.u32 $0x1FFFFFF0, s9  }
0x5d: {  	s10 =	simm.s32 $0x11080;
	s3 =	sadd.s32 s5, s3  }
0x5e: {  	[tilespmem:s10], [sflag:$0x1] =	stream.linear.gather [hbm4b:s3+s6], $0x80, $0x38;
	[tilespmem:$0x11880] =	vst v63  }
0x5f: {  	s3 =	spop (v2sf);
	(v2sf) =	vpush v3, $0x3  }
0x60: {  	s11 =	sand.u32 $0xFFFFF80, s3  }
0x61: {  	s12 =	simm.s32 $0x1000;
	s9 =	sadd.s32 s0, s11;
	s10 =	spop (v2sf);
	(v2sf) =	vpush v2, $0x3  }
0x62: {  	[tilespmem:s12], [sflag:$0x1] =	stream.linear.gather [hbm4b:s9+s6], $0x400, $0x38;
	[tilespmem:$0x11880] =	vst v63  }
0x63: {  	s20 =	simm.s32 $0x3000;
	s9 =	sadd.s32 $0xF4280, s9;
	s12 =	sand.u32 $0xFFFFF80, s10  }
0x64: {  	[tilespmem:s20], [sflag:$0x1] =	stream.linear.gather [hbm4b:s9+s6], $0x400, $0x38;
	[tilespmem:$0x11880] =	vst v63  }
0x65: {  	s3 =	sshrl.u32 s3, $0x3;
	s9 =	sadd.s32 s2, s12;
	s20 =	simm.s32 $0x9000  }
0x66: {  	[tilespmem:s20], [sflag:$0x1] =	stream.linear.gather [hbm4b:s9+s6], $0x400, $0x38;
	[tilespmem:$0x11880] =	vst v63  }
0x67: {  	s3 =	sand.u32 $0x1FFFFFF0, s3;
	s12 =	simm.s32 $0xB000;
	s9 =	sadd.s32 $0xF4280, s9  }
0x68: {  	[tilespmem:s12], [sflag:$0x1] =	stream.linear.gather [hbm4b:s9+s6], $0x400, $0x38;
	[tilespmem:$0x11880] =	vst v63  }
0x69: {  	s3 =	sadd.s32 s4, s3;
	s20 =	simm.s32 $0x10900;
	s9 =	sshrl.u32 s10, $0x3  }
0x6a: {  	[tilespmem:s20], [sflag:$0x1] =	stream.linear.gather [hbm4b:s3+s6], $0x80, $0x38;
	[tilespmem:$0x11880] =	vst v63  }
0x6b: {  	s3 =	sand.u32 $0x1FFFFFF0, s9  }
0x6c: {  	s10 =	simm.s32 $0x11100;
	s3 =	sadd.s32 s5, s3  }
0x6d: {  	[tilespmem:s10], [sflag:$0x1] =	stream.linear.gather [hbm4b:s3+s6], $0x80, $0x38;
	[tilespmem:$0x11880] =	vst v63  }
0x6e: {  	s3 =	spop (v2sf);
	(v2sf) =	vpush v3, $0x4  }
0x6f: {  	s11 =	sand.u32 $0xFFFFF80, s3  }
0x70: {  	s12 =	simm.s32 $0x1400;
	s9 =	sadd.s32 s0, s11;
	s10 =	spop (v2sf);
	(v2sf) =	vpush v2, $0x4  }
0x71: {  	[tilespmem:s12], [sflag:$0x1] =	stream.linear.gather [hbm4b:s9+s6], $0x400, $0x38;
	[tilespmem:$0x11880] =	vst v63  }
0x72: {  	s20 =	simm.s32 $0x3400;
	s9 =	sadd.s32 $0xF4280, s9;
	s12 =	sand.u32 $0xFFFFF80, s10  }
0x73: {  	[tilespmem:s20], [sflag:$0x1] =	stream.linear.gather [hbm4b:s9+s6], $0x400, $0x38;
	[tilespmem:$0x11880] =	vst v63  }
0x74: {  	s3 =	sshrl.u32 s3, $0x3;
	s9 =	sadd.s32 s2, s12;
	s20 =	simm.s32 $0x9400  }
0x75: {  	[tilespmem:s20], [sflag:$0x1] =	stream.linear.gather [hbm4b:s9+s6], $0x400, $0x38;
	[tilespmem:$0x11880] =	vst v63  }
0x76: {  	s3 =	sand.u32 $0x1FFFFFF0, s3;
	s12 =	simm.s32 $0xB400;
	s9 =	sadd.s32 $0xF4280, s9  }
0x77: {  	[tilespmem:s12], [sflag:$0x1] =	stream.linear.gather [hbm4b:s9+s6], $0x400, $0x38;
	[tilespmem:$0x11880] =	vst v63  }
0x78: {  	s3 =	sadd.s32 s4, s3;
	s20 =	simm.s32 $0x10980;
	s9 =	sshrl.u32 s10, $0x3  }
0x79: {  	[tilespmem:s20], [sflag:$0x1] =	stream.linear.gather [hbm4b:s3+s6], $0x80, $0x38;
	[tilespmem:$0x11880] =	vst v63  }
0x7a: {  	s3 =	sand.u32 $0x1FFFFFF0, s9  }
0x7b: {  	s10 =	simm.s32 $0x11180;
	s3 =	sadd.s32 s5, s3  }
0x7c: {  	[tilespmem:s10], [sflag:$0x1] =	stream.linear.gather [hbm4b:s3+s6], $0x80, $0x38;
	[tilespmem:$0x11880] =	vst v63  }
0x7d: {  	s3 =	spop (v2sf);
	(v2sf) =	vpush v3, $0x5  }
0x7e: {  	s11 =	sand.u32 $0xFFFFF80, s3  }
0x7f: {  	s12 =	simm.s32 $0x1800;
	s9 =	sadd.s32 s0, s11;
	s10 =	spop (v2sf);
	(v2sf) =	vpush v2, $0x5  }
0x80: {  	[tilespmem:s12], [sflag:$0x1] =	stream.linear.gather [hbm4b:s9+s6], $0x400, $0x38;
	[tilespmem:$0x11880] =	vst v63  }
0x81: {  	s20 =	simm.s32 $0x3800;
	s9 =	sadd.s32 $0xF4280, s9;
	s12 =	sand.u32 $0xFFFFF80, s10  }
0x82: {  	[tilespmem:s20], [sflag:$0x1] =	stream.linear.gather [hbm4b:s9+s6], $0x400, $0x38;
	[tilespmem:$0x11880] =	vst v63  }
0x83: {  	s3 =	sshrl.u32 s3, $0x3;
	s9 =	sadd.s32 s2, s12;
	s20 =	simm.s32 $0x9800  }
0x84: {  	[tilespmem:s20], [sflag:$0x1] =	stream.linear.gather [hbm4b:s9+s6], $0x400, $0x38;
	[tilespmem:$0x11880] =	vst v63  }
0x85: {  	s3 =	sand.u32 $0x1FFFFFF0, s3;
	s12 =	simm.s32 $0xB800;
	s9 =	sadd.s32 $0xF4280, s9  }
0x86: {  	[tilespmem:s12], [sflag:$0x1] =	stream.linear.gather [hbm4b:s9+s6], $0x400, $0x38;
	[tilespmem:$0x11880] =	vst v63  }
0x87: {  	s3 =	sadd.s32 s4, s3;
	s20 =	simm.s32 $0x10A00;
	s9 =	sshrl.u32 s10, $0x3  }
0x88: {  	[tilespmem:s20], [sflag:$0x1] =	stream.linear.gather [hbm4b:s3+s6], $0x80, $0x38;
	[tilespmem:$0x11880] =	vst v63  }
0x89: {  	s3 =	sand.u32 $0x1FFFFFF0, s9  }
0x8a: {  	s10 =	simm.s32 $0x11200;
	s3 =	sadd.s32 s5, s3  }
0x8b: {  	[tilespmem:s10], [sflag:$0x1] =	stream.linear.gather [hbm4b:s3+s6], $0x80, $0x38;
	[tilespmem:$0x11880] =	vst v63  }
0x8c: {  	s3 =	spop (v2sf);
	(v2sf) =	vpush v3, $0x6  }
0x8d: {  	s11 =	sand.u32 $0xFFFFF80, s3  }
0x8e: {  	s12 =	simm.s32 $0x1C00;
	s9 =	sadd.s32 s0, s11;
	s10 =	spop (v2sf);
	(v2sf) =	vpush v2, $0x6  }
0x8f: {  	[tilespmem:s12], [sflag:$0x1] =	stream.linear.gather [hbm4b:s9+s6], $0x400, $0x38;
	[tilespmem:$0x11880] =	vst v63  }
0x90: {  	s20 =	simm.s32 $0x3C00;
	s9 =	sadd.s32 $0xF4280, s9;
	s12 =	sand.u32 $0xFFFFF80, s10  }
0x91: {  	[tilespmem:s20], [sflag:$0x1] =	stream.linear.gather [hbm4b:s9+s6], $0x400, $0x38;
	[tilespmem:$0x11880] =	vst v63  }
0x92: {  	s3 =	sshrl.u32 s3, $0x3;
	s9 =	sadd.s32 s2, s12;
	s20 =	simm.s32 $0x9C00  }
0x93: {  	[tilespmem:s20], [sflag:$0x1] =	stream.linear.gather [hbm4b:s9+s6], $0x400, $0x38;
	[tilespmem:$0x11880] =	vst v63  }
0x94: {  	s3 =	sand.u32 $0x1FFFFFF0, s3;
	s12 =	simm.s32 $0xBC00;
	s9 =	sadd.s32 $0xF4280, s9  }
0x95: {  	[tilespmem:s12], [sflag:$0x1] =	stream.linear.gather [hbm4b:s9+s6], $0x400, $0x38;
	[tilespmem:$0x11880] =	vst v63  }
0x96: {  	s3 =	sadd.s32 s4, s3;
	s20 =	simm.s32 $0x10A80;
	s9 =	sshrl.u32 s10, $0x3  }
0x97: {  	[tilespmem:s20], [sflag:$0x1] =	stream.linear.gather [hbm4b:s3+s6], $0x80, $0x38;
	[tilespmem:$0x11880] =	vst v63  }
0x98: {  	s3 =	sand.u32 $0x1FFFFFF0, s9  }
0x99: {  	s10 =	simm.s32 $0x11280;
	s3 =	sadd.s32 s5, s3  }
0x9a: {  	[tilespmem:s10], [sflag:$0x1] =	stream.linear.gather [hbm4b:s3+s6], $0x80, $0x38;
	[tilespmem:$0x11880] =	vst v63  }
0x9b: {  	s3 =	spop (v2sf);
	(v2sf) =	vpush v3, $0x7  }
0x9c: {  	s11 =	sand.u32 $0xFFFFF80, s3  }
0x9d: {  	s12 =	simm.s32 $0x2000;
	s9 =	sadd.s32 s0, s11;
	s10 =	spop (v2sf);
	(v2sf) =	vpush v2, $0x7  }
0x9e: {  	[tilespmem:s12], [sflag:$0x1] =	stream.linear.gather [hbm4b:s9+s6], $0x400, $0x38;
	[tilespmem:$0x11880] =	vst v63  }
0x9f: {  	s20 =	simm.s32 $0x4000;
	s9 =	sadd.s32 $0xF4280, s9;
	s12 =	sand.u32 $0xFFFFF80, s10  }
0xa0: {  	[tilespmem:s20], [sflag:$0x1] =	stream.linear.gather [hbm4b:s9+s6], $0x400, $0x38;
	[tilespmem:$0x11880] =	vst v63  }
0xa1: {  	s3 =	sshrl.u32 s3, $0x3;
	s9 =	sadd.s32 s2, s12;
	s20 =	simm.s32 $0xA000  }
0xa2: {  	[tilespmem:s20], [sflag:$0x1] =	stream.linear.gather [hbm4b:s9+s6], $0x400, $0x38;
	[tilespmem:$0x11880] =	vst v63  }
0xa3: {  	s3 =	sand.u32 $0x1FFFFFF0, s3;
	s12 =	simm.s32 $0xC000;
	s9 =	sadd.s32 $0xF4280, s9  }
0xa4: {  	[tilespmem:s12], [sflag:$0x1] =	stream.linear.gather [hbm4b:s9+s6], $0x400, $0x38;
	[tilespmem:$0x11880] =	vst v63  }
0xa5: {  	s3 =	sadd.s32 s4, s3;
	s20 =	simm.s32 $0x10B00;
	s9 =	sshrl.u32 s10, $0x3  }
0xa6: {  	[tilespmem:s20], [sflag:$0x1] =	stream.linear.gather [hbm4b:s3+s6], $0x80, $0x38;
	[tilespmem:$0x11880] =	vst v63  }
0xa7: {  	s3 =	sand.u32 $0x1FFFFFF0, s9  }
0xa8: {  	s10 =	simm.s32 $0x11300;
	s3 =	sadd.s32 s5, s3  }
0xa9: {  	[tilespmem:s10], [sflag:$0x1] =	stream.linear.gather [hbm4b:s3+s6], $0x80, $0x38;
	[tilespmem:$0x11880] =	vst v63  }
0xaa: {  	s3 =	spop (v2sf);
	(v2sf) =	vpush v3, $0x8  }
0xab: {  	s11 =	sand.u32 $0xFFFFF80, s3  }
0xac: {  	s12 =	simm.s32 $0x2400;
	s9 =	sadd.s32 s0, s11;
	s10 =	spop (v2sf);
	(v2sf) =	vpush v2, $0x8  }
0xad: {  	[tilespmem:s12], [sflag:$0x1] =	stream.linear.gather [hbm4b:s9+s6], $0x400, $0x38;
	[tilespmem:$0x11880] =	vst v63  }
0xae: {  	s20 =	simm.s32 $0x4400;
	s9 =	sadd.s32 $0xF4280, s9;
	s12 =	sand.u32 $0xFFFFF80, s10  }
0xaf: {  	[tilespmem:s20], [sflag:$0x1] =	stream.linear.gather [hbm4b:s9+s6], $0x400, $0x38;
	[tilespmem:$0x11880] =	vst v63  }
0xb0: {  	s3 =	sshrl.u32 s3, $0x3;
	s9 =	sadd.s32 s2, s12;
	s20 =	simm.s32 $0xA400  }
0xb1: {  	[tilespmem:s20], [sflag:$0x1] =	stream.linear.gather [hbm4b:s9+s6], $0x400, $0x38;
	[tilespmem:$0x11880] =	vst v63  }
0xb2: {  	s3 =	sand.u32 $0x1FFFFFF0, s3;
	s12 =	simm.s32 $0xC400;
	s9 =	sadd.s32 $0xF4280, s9  }
0xb3: {  	[tilespmem:s12], [sflag:$0x1] =	stream.linear.gather [hbm4b:s9+s6], $0x400, $0x38;
	[tilespmem:$0x11880] =	vst v63  }
0xb4: {  	s3 =	sadd.s32 s4, s3;
	s20 =	simm.s32 $0x10B80;
	s9 =	sshrl.u32 s10, $0x3  }
0xb5: {  	[tilespmem:s20], [sflag:$0x1] =	stream.linear.gather [hbm4b:s3+s6], $0x80, $0x38;
	[tilespmem:$0x11880] =	vst v63  }
0xb6: {  	s3 =	sand.u32 $0x1FFFFFF0, s9  }
0xb7: {  	s10 =	simm.s32 $0x11380;
	s3 =	sadd.s32 s5, s3  }
0xb8: {  	[tilespmem:s10], [sflag:$0x1] =	stream.linear.gather [hbm4b:s3+s6], $0x80, $0x38;
	[tilespmem:$0x11880] =	vst v63  }
0xb9: {  	s3 =	spop (v2sf);
	(v2sf) =	vpush v3, $0x9  }
0xba: {  	s11 =	sand.u32 $0xFFFFF80, s3  }
0xbb: {  	s9 =	sadd.s32 s0, s11;
	s10 =	spop (v2sf);
	(v2sf) =	vpush v2, $0x9  }
0xbc: {  	[tilespmem:s30], [sflag:$0x2] =	stream.linear.gather [hbm4b:s9+s6], $0x400, $0x38;
	[tilespmem:$0x11880] =	vst v63  }
0xbd: {  	s9 =	sadd.s32 $0xF4280, s9;
	s12 =	sand.u32 $0xFFFFF80, s10  }
0xbe: {  	[tilespmem:s18], [sflag:$0x2] =	stream.linear.gather [hbm4b:s9+s6], $0x400, $0x38;
	[tilespmem:$0x11880] =	vst v63  }
0xbf: {  	s3 =	sshrl.u32 s3, $0x3;
	s9 =	sadd.s32 s2, s12  }
0xc0: {  	[tilespmem:s1], [sflag:$0x2] =	stream.linear.gather [hbm4b:s9+s6], $0x400, $0x38;
	[tilespmem:$0x11880] =	vst v63  }
0xc1: {  	s20 =	simm.s32 $0xE800;
	s3 =	sand.u32 $0x1FFFFFF0, s3;
	s9 =	sadd.s32 $0xF4280, s9  }
0xc2: {  	[tilespmem:s20], [sflag:$0x2] =	stream.linear.gather [hbm4b:s9+s6], $0x400, $0x38;
	[tilespmem:$0x11880] =	vst v63  }
0xc3: {  	s3 =	sadd.s32 s4, s3;
	s10 =	sshrl.u32 s10, $0x3  }
0xc4: {  	[tilespmem:s7], [sflag:$0x2] =	stream.linear.gather [hbm4b:s3+s6], $0x80, $0x38;
	[tilespmem:$0x11880] =	vst v63  }
0xc5: {  	s3 =	sand.u32 $0x1FFFFFF0, s10  }
0xc6: {  	s3 =	sadd.s32 s5, s3  }
0xc7: {  	[tilespmem:s8], [sflag:$0x2] =	stream.linear.gather [hbm4b:s3+s6], $0x80, $0x38;
	[tilespmem:$0x11880] =	vst v63  }
0xc8: {  	s3 =	spop (v2sf);
	(v2sf) =	vpush v3, $0xA  }
0xc9: {  	s11 =	sand.u32 $0xFFFFF80, s3  }
0xca: {  	s12 =	simm.s32 $0x4C00;
	s9 =	sadd.s32 s0, s11;
	s10 =	spop (v2sf);
	(v2sf) =	vpush v2, $0xA  }
0xcb: {  	[tilespmem:s12], [sflag:$0x2] =	stream.linear.gather [hbm4b:s9+s6], $0x400, $0x38;
	[tilespmem:$0x11880] =	vst v63  }
0xcc: {  	s20 =	simm.s32 $0x6C00;
	s9 =	sadd.s32 $0xF4280, s9;
	s12 =	sand.u32 $0xFFFFF80, s10  }
0xcd: {  	[tilespmem:s20], [sflag:$0x2] =	stream.linear.gather [hbm4b:s9+s6], $0x400, $0x38;
	[tilespmem:$0x11880] =	vst v63  }
0xce: {  	s3 =	sshrl.u32 s3, $0x3;
	s9 =	sadd.s32 s2, s12;
	s20 =	simm.s32 $0xCC00  }
0xcf: {  	[tilespmem:s20], [sflag:$0x2] =	stream.linear.gather [hbm4b:s9+s6], $0x400, $0x38;
	[tilespmem:$0x11880] =	vst v63  }
0xd0: {  	s3 =	sand.u32 $0x1FFFFFF0, s3;
	s12 =	simm.s32 $0xEC00;
	s9 =	sadd.s32 $0xF4280, s9  }
0xd1: {  	[tilespmem:s12], [sflag:$0x2] =	stream.linear.gather [hbm4b:s9+s6], $0x400, $0x38;
	[tilespmem:$0x11880] =	vst v63  }
0xd2: {  	s3 =	sadd.s32 s4, s3;
	s20 =	simm.s32 $0x10C80;
	s9 =	sshrl.u32 s10, $0x3  }
0xd3: {  	[tilespmem:s20], [sflag:$0x2] =	stream.linear.gather [hbm4b:s3+s6], $0x80, $0x38;
	[tilespmem:$0x11880] =	vst v63  }
0xd4: {  	s3 =	sand.u32 $0x1FFFFFF0, s9  }
0xd5: {  	s10 =	simm.s32 $0x11480;
	s3 =	sadd.s32 s5, s3  }
0xd6: {  	[tilespmem:s10], [sflag:$0x2] =	stream.linear.gather [hbm4b:s3+s6], $0x80, $0x38;
	[tilespmem:$0x11880] =	vst v63  }
0xd7: {  	s3 =	spop (v2sf);
	(v2sf) =	vpush v3, $0xB  }
0xd8: {  	s11 =	sand.u32 $0xFFFFF80, s3  }
0xd9: {  	s12 =	simm.s32 $0x5000;
	s9 =	sadd.s32 s0, s11;
	s10 =	spop (v2sf);
	(v2sf) =	vpush v2, $0xB  }
0xda: {  	[tilespmem:s12], [sflag:$0x2] =	stream.linear.gather [hbm4b:s9+s6], $0x400, $0x38;
	[tilespmem:$0x11880] =	vst v63  }
0xdb: {  	s20 =	simm.s32 $0x7000;
	s9 =	sadd.s32 $0xF4280, s9;
	s12 =	sand.u32 $0xFFFFF80, s10  }
0xdc: {  	[tilespmem:s20], [sflag:$0x2] =	stream.linear.gather [hbm4b:s9+s6], $0x400, $0x38;
	[tilespmem:$0x11880] =	vst v63  }
0xdd: {  	s3 =	sshrl.u32 s3, $0x3;
	s9 =	sadd.s32 s2, s12;
	s20 =	simm.s32 $0xD000  }
0xde: {  	[tilespmem:s20], [sflag:$0x2] =	stream.linear.gather [hbm4b:s9+s6], $0x400, $0x38;
	[tilespmem:$0x11880] =	vst v63  }
0xdf: {  	s3 =	sand.u32 $0x1FFFFFF0, s3;
	s12 =	simm.s32 $0xF000;
	s9 =	sadd.s32 $0xF4280, s9  }
0xe0: {  	[tilespmem:s12], [sflag:$0x2] =	stream.linear.gather [hbm4b:s9+s6], $0x400, $0x38;
	[tilespmem:$0x11880] =	vst v63  }
0xe1: {  	s3 =	sadd.s32 s4, s3;
	s20 =	simm.s32 $0x10D00;
	s9 =	sshrl.u32 s10, $0x3  }
0xe2: {  	[tilespmem:s20], [sflag:$0x2] =	stream.linear.gather [hbm4b:s3+s6], $0x80, $0x38;
	[tilespmem:$0x11880] =	vst v63  }
0xe3: {  	s3 =	sand.u32 $0x1FFFFFF0, s9  }
0xe4: {  	s10 =	simm.s32 $0x11500;
	s3 =	sadd.s32 s5, s3  }
0xe5: {  	[tilespmem:s10], [sflag:$0x2] =	stream.linear.gather [hbm4b:s3+s6], $0x80, $0x38;
	[tilespmem:$0x11880] =	vst v63  }
0xe6: {  	s3 =	spop (v2sf);
	(v2sf) =	vpush v3, $0xC  }
0xe7: {  	s11 =	sand.u32 $0xFFFFF80, s3  }
0xe8: {  	s12 =	simm.s32 $0x5400;
	s9 =	sadd.s32 s0, s11;
	s10 =	spop (v2sf);
	(v2sf) =	vpush v2, $0xC  }
0xe9: {  	[tilespmem:s12], [sflag:$0x2] =	stream.linear.gather [hbm4b:s9+s6], $0x400, $0x38;
	[tilespmem:$0x11880] =	vst v63  }
0xea: {  	s20 =	simm.s32 $0x7400;
	s9 =	sadd.s32 $0xF4280, s9;
	s12 =	sand.u32 $0xFFFFF80, s10  }
0xeb: {  	[tilespmem:s20], [sflag:$0x2] =	stream.linear.gather [hbm4b:s9+s6], $0x400, $0x38;
	[tilespmem:$0x11880] =	vst v63  }
0xec: {  	s3 =	sshrl.u32 s3, $0x3;
	s9 =	sadd.s32 s2, s12;
	s20 =	simm.s32 $0xD400  }
0xed: {  	[tilespmem:s20], [sflag:$0x2] =	stream.linear.gather [hbm4b:s9+s6], $0x400, $0x38;
	[tilespmem:$0x11880] =	vst v63  }
0xee: {  	s3 =	sand.u32 $0x1FFFFFF0, s3;
	s12 =	simm.s32 $0xF400;
	s9 =	sadd.s32 $0xF4280, s9  }
0xef: {  	[tilespmem:s12], [sflag:$0x2] =	stream.linear.gather [hbm4b:s9+s6], $0x400, $0x38;
	[tilespmem:$0x11880] =	vst v63  }
0xf0: {  	s3 =	sadd.s32 s4, s3;
	s20 =	simm.s32 $0x10D80;
	s9 =	sshrl.u32 s10, $0x3  }
0xf1: {  	[tilespmem:s20], [sflag:$0x2] =	stream.linear.gather [hbm4b:s3+s6], $0x80, $0x38;
	[tilespmem:$0x11880] =	vst v63  }
0xf2: {  	s3 =	sand.u32 $0x1FFFFFF0, s9  }
0xf3: {  	s10 =	simm.s32 $0x11580;
	s3 =	sadd.s32 s5, s3  }
0xf4: {  	[tilespmem:s10], [sflag:$0x2] =	stream.linear.gather [hbm4b:s3+s6], $0x80, $0x38;
	[tilespmem:$0x11880] =	vst v63  }
0xf5: {  	s3 =	spop (v2sf);
	(v2sf) =	vpush v3, $0xD  }
0xf6: {  	s11 =	sand.u32 $0xFFFFF80, s3  }
0xf7: {  	s12 =	simm.s32 $0x5800;
	s9 =	sadd.s32 s0, s11;
	s10 =	spop (v2sf);
	(v2sf) =	vpush v2, $0xD  }
0xf8: {  	[tilespmem:s12], [sflag:$0x2] =	stream.linear.gather [hbm4b:s9+s6], $0x400, $0x38;
	[tilespmem:$0x11880] =	vst v63  }
0xf9: {  	s20 =	simm.s32 $0x7800;
	s9 =	sadd.s32 $0xF4280, s9;
	s12 =	sand.u32 $0xFFFFF80, s10  }
0xfa: {  	[tilespmem:s20], [sflag:$0x2] =	stream.linear.gather [hbm4b:s9+s6], $0x400, $0x38;
	[tilespmem:$0x11880] =	vst v63  }
0xfb: {  	s3 =	sshrl.u32 s3, $0x3;
	s9 =	sadd.s32 s2, s12;
	s20 =	simm.s32 $0xD800  }
0xfc: {  	[tilespmem:s20], [sflag:$0x2] =	stream.linear.gather [hbm4b:s9+s6], $0x400, $0x38;
	[tilespmem:$0x11880] =	vst v63  }
0xfd: {  	s3 =	sand.u32 $0x1FFFFFF0, s3;
	s12 =	simm.s32 $0xF800;
	s9 =	sadd.s32 $0xF4280, s9  }
0xfe: {  	[tilespmem:s12], [sflag:$0x2] =	stream.linear.gather [hbm4b:s9+s6], $0x400, $0x38;
	[tilespmem:$0x11880] =	vst v63  }
0xff: {  	s3 =	sadd.s32 s4, s3;
	s20 =	simm.s32 $0x10E00;
	s9 =	sshrl.u32 s10, $0x3  }
0x100: {  	[tilespmem:s20], [sflag:$0x2] =	stream.linear.gather [hbm4b:s3+s6], $0x80, $0x38;
	[tilespmem:$0x11880] =	vst v63  }
0x101: {  	s3 =	sand.u32 $0x1FFFFFF0, s9  }
0x102: {  	s10 =	simm.s32 $0x11600;
	s3 =	sadd.s32 s5, s3  }
0x103: {  	[tilespmem:s10], [sflag:$0x2] =	stream.linear.gather [hbm4b:s3+s6], $0x80, $0x38;
	[tilespmem:$0x11880] =	vst v63  }
0x104: {  	s3 =	spop (v2sf);
	(v2sf) =	vpush v3, $0xE  }
0x105: {  	s11 =	sand.u32 $0xFFFFF80, s3  }
0x106: {  	s12 =	simm.s32 $0x5C00;
	s9 =	sadd.s32 s0, s11;
	s10 =	spop (v2sf);
	(v2sf) =	vpush v2, $0xE  }
0x107: {  	[tilespmem:s12], [sflag:$0x2] =	stream.linear.gather [hbm4b:s9+s6], $0x400, $0x38;
	[tilespmem:$0x11880] =	vst v63  }
0x108: {  	s20 =	simm.s32 $0x7C00;
	s9 =	sadd.s32 $0xF4280, s9;
	s12 =	sand.u32 $0xFFFFF80, s10  }
0x109: {  	[tilespmem:s20], [sflag:$0x2] =	stream.linear.gather [hbm4b:s9+s6], $0x400, $0x38;
	[tilespmem:$0x11880] =	vst v63  }
0x10a: {  	s3 =	sshrl.u32 s3, $0x3;
	s9 =	sadd.s32 s2, s12;
	s20 =	simm.s32 $0xDC00  }
0x10b: {  	[tilespmem:s20], [sflag:$0x2] =	stream.linear.gather [hbm4b:s9+s6], $0x400, $0x38;
	[tilespmem:$0x11880] =	vst v63  }
0x10c: {  	s3 =	sand.u32 $0x1FFFFFF0, s3;
	s12 =	simm.s32 $0xFC00;
	s9 =	sadd.s32 $0xF4280, s9  }
0x10d: {  	[tilespmem:s12], [sflag:$0x2] =	stream.linear.gather [hbm4b:s9+s6], $0x400, $0x38;
	[tilespmem:$0x11880] =	vst v63  }
0x10e: {  	s3 =	sadd.s32 s4, s3;
	s20 =	simm.s32 $0x10E80;
	s9 =	sshrl.u32 s10, $0x3  }
0x10f: {  	[tilespmem:s20], [sflag:$0x2] =	stream.linear.gather [hbm4b:s3+s6], $0x80, $0x38;
	[tilespmem:$0x11880] =	vst v63  }
0x110: {  	s3 =	sand.u32 $0x1FFFFFF0, s9  }
0x111: {  	s10 =	simm.s32 $0x11680;
	s3 =	sadd.s32 s5, s3  }
0x112: {  	[tilespmem:s10], [sflag:$0x2] =	stream.linear.gather [hbm4b:s3+s6], $0x80, $0x38;
	[tilespmem:$0x11880] =	vst v63  }
0x113: {  	s3 =	spop (v2sf);
	(v2sf) =	vpush v3, $0xF  }
0x114: {  	s11 =	sand.u32 $0xFFFFF80, s3  }
0x115: {  	s12 =	simm.s32 $0x6000;
	s9 =	sadd.s32 s0, s11;
	s10 =	spop (v2sf);
	(v2sf) =	vpush v2, $0xF  }
0x116: {  	[tilespmem:s12], [sflag:$0x2] =	stream.linear.gather [hbm4b:s9+s6], $0x400, $0x38;
	[tilespmem:$0x11880] =	vst v63  }
0x117: {  	s20 =	simm.s32 $0x8000;
	s9 =	sadd.s32 $0xF4280, s9;
	s12 =	sand.u32 $0xFFFFF80, s10  }
0x118: {  	[tilespmem:s20], [sflag:$0x2] =	stream.linear.gather [hbm4b:s9+s6], $0x400, $0x38;
	[tilespmem:$0x11880] =	vst v63  }
0x119: {  	s3 =	sshrl.u32 s3, $0x3;
	s9 =	sadd.s32 s2, s12;
	s20 =	simm.s32 $0xE000  }
0x11a: {  	[tilespmem:s20], [sflag:$0x2] =	stream.linear.gather [hbm4b:s9+s6], $0x400, $0x38;
	[tilespmem:$0x11880] =	vst v63  }
0x11b: {  	s3 =	sand.u32 $0x1FFFFFF0, s3;
	s12 =	simm.s32 $0x10000;
	s9 =	sadd.s32 $0xF4280, s9  }
0x11c: {  	[tilespmem:s12], [sflag:$0x2] =	stream.linear.gather [hbm4b:s9+s6], $0x400, $0x38;
	[tilespmem:$0x11880] =	vst v63  }
0x11d: {  	s3 =	sadd.s32 s4, s3;
	s10 =	sshrl.u32 s10, $0x3;
	s20 =	simm.s32 $0x10F00  }
0x11e: {  	[tilespmem:s20], [sflag:$0x2] =	stream.linear.gather [hbm4b:s3+s6], $0x80, $0x38;
	[tilespmem:$0x11880] =	vst v63  }
0x11f: {  	s3 =	sand.u32 $0x1FFFFFF0, s10  }
0x120: {  	s11 =	simm.s32 $0x11700;
	s3 =	sadd.s32 s5, s3  }
0x121: {  	[tilespmem:s11], [sflag:$0x2] =	stream.linear.gather [hbm4b:s3+s6], $0x80, $0x38;
	[tilespmem:$0x11880] =	vst v63  }
0x122: {  	s9 =	spop (v2sf)  }
0x123: {  	s12 =	sand.u32 $0xFFFFF80, s9  }
0x124: {  	s3 =	sadd.s32 s0, s12;
	s20 =	spop (v2sf)  }
0x125: {  	[tilespmem:s23], [sflag:$0x2] =	stream.linear.gather [hbm4b:s3+s6], $0x400, $0x38;
	[tilespmem:$0x11880] =	vst v63  }
0x126: {  	s3 =	sadd.s32 $0xF4280, s3;
	s11 =	sand.u32 $0xFFFFF80, s20  }
0x127: {  	[tilespmem:s24], [sflag:$0x2] =	stream.linear.gather [hbm4b:s3+s6], $0x400, $0x38;
	[tilespmem:$0x11880] =	vst v63  }
0x128: {  	s3 =	sadd.s32 s2, s11  }
0x129: {  	[tilespmem:s25], [sflag:$0x2] =	stream.linear.gather [hbm4b:s3+s6], $0x400, $0x38;
	[tilespmem:$0x11880] =	vst v63  }
0x12a: {  	s12 =	sshrl.u32 s9, $0x3;
	s3 =	sadd.s32 $0xF4280, s3  }
0x12b: {  	[tilespmem:s26], [sflag:$0x2] =	stream.linear.gather [hbm4b:s3+s6], $0x400, $0x38;
	[tilespmem:$0x11880] =	vst v63  }
0x12c: {  	s3 =	sand.u32 $0x1FFFFFF0, s12  }
0x12d: {  	s20 =	sshrl.u32 s20, $0x3;
	s3 =	sadd.s32 s4, s3  }
0x12e: {  	[tilespmem:s28], [sflag:$0x2] =	stream.linear.gather [hbm4b:s3+s6], $0x80, $0x38;
	[tilespmem:$0x11880] =	vst v63  }
0x12f: {  	s3 =	sand.u32 $0x1FFFFFF0, s20  }
0x130: {  	s3 =	sadd.s32 s5, s3  }
0x131: {  	[tilespmem:s29], [sflag:$0x2] =	stream.linear.gather [hbm4b:s3+s6], $0x80, $0x38;
	[tilespmem:$0x11880] =	vst v63  }
0x132: {  	v2 =	vimm.f32 $0.0e+00;
	s9 =	simm.s32 $0x0;
	s3 =	simm.s32 $0x1  }
.LBB2_2:
0x133: {  	s10 =	smin.u32 s3, $0x1F  }
0x134: {  	s10 =	sshll.u32 s10, $0x4  }
0x135: {  	v3 =	vld [tilespmem:s10+$0x0]  }
0x136: {  	v4 =	vld [tilespmem:s10+$0x200];
	_ =	swait.ge [sflag:s16], $0x4000  }
0x137: {  	[sflag:s16] =	ssyncset.done $0x0  }
0x138: {  	[sflag:s16] =	ssyncadd.s32 $0xFFFFC000  }
0x139: {  	_ =	swait.ge [sflag:s16], $0x4000  }
0x13a: {  	[sflag:s16] =	ssyncset.done $0x0  }
0x13b: {  	[sflag:s16] =	ssyncadd.s32 $0xFFFFC000  }
0x13c: {  	_ =	swait.ge [sflag:s16], $0x400  }
0x13d: {  	v8 =	vor.u32 s9, v0;
	[sflag:s16] =	ssyncset.done $0x0  }
0x13e: {  	[sflag:s16] =	ssyncadd.s32 $0xFFFFFC00  }
0x13f: {  	_ =	swait.ge [sflag:s16], $0x400  }
0x140: {  	[sflag:s16] =	ssyncset.done $0x0  }
0x141: {  	[sflag:s16] =	ssyncadd.s32 $0xFFFFFC00  }
0x142: {  	v5 =	vld.idx.msk [tilespmem:v8+s6+$0x0], $0xffff  }
0x143: {  	v6 =	vld.idx.msk [tilespmem:v8+s13+$0x0], $0xffff;
	_ =	sdelay $0x3  }
0x144: {  	v7 =	vand.u32 $0xFFFFFF80, v5  }
0x145: {  	v9 =	vand.u32 $0xFFFFFF80, v6;
	vm1 =	vlt.s32 v7, $0xF41C0  }
0x146: {  	v7 =	vnsel vm1, $0xF41C0, v7;
	vm1 =	vlt.s32 v9, $0xF41C0  }
0x147: {  	v5 =	vsub.s32 v5, v7;
	v7 =	vnsel vm1, $0xF41C0, v9  }
0x148: {  	v6 =	vsub.s32 v6, v7;
	v7 =	vadd.s32 v1, v5  }
0x149: {  	v41 =	vadd.s32 v1, v6;
	v9 =	vshll.u32 v7, $0x3  }
0x14a: {  	v5 =	vand.u32 $0x7F, v5;
	v9 =	vand.u32 $0xFFFFFC00, v9;
	v10 =	vshll.u32 v41, $0x3  }
0x14b: {  	v6 =	vand.u32 $0x7F, v6;
	v5 =	vor.u32 v5, v9;
	v9 =	vand.u32 $0xFFFFFC00, v10  }
0x14c: {  	v6 =	vor.u32 v6, v9  }
0x14d: {  	v9 =	vor.u32 $0x80, v5  }
0x14e: {  	v11 =	vor.u32 $0x100, v5  }
0x14f: {  	v10 =	vor.u32 $0x80, v6  }
0x150: {  	v13 =	vor.u32 $0x180, v5;
	v38 =	vld.idx.msk [tilespmem:v5+s17+$0x0], $0xffff  }
0x151: {  	v12 =	vor.u32 $0x100, v6;
	v40 =	vld.idx.msk [tilespmem:v6+s19+$0x0], $0xffff  }
0x152: {  	v37 =	vld.idx.msk [tilespmem:v9+s17+$0x0], $0xffff;
	v9 =	vor.u32 $0x180, v6  }
0x153: {  	v35 =	vld.idx.msk [tilespmem:v11+s17+$0x0], $0xffff;
	v11 =	vor.u32 $0x200, v6  }
0x154: {  	v39 =	vld.idx.msk [tilespmem:v10+s19+$0x0], $0xffff;
	v10 =	vor.u32 $0x200, v5  }
0x155: {  	v33 =	vld.idx.msk [tilespmem:v13+s17+$0x0], $0xffff;
	v13 =	vor.u32 $0x280, v6  }
0x156: {  	v36 =	vld.idx.msk [tilespmem:v12+s19+$0x0], $0xffff;
	v12 =	vor.u32 $0x280, v5  }
0x157: {  	v34 =	vld.idx.msk [tilespmem:v9+s19+$0x0], $0xffff;
	v9 =	vor.u32 $0x300, v5  }
0x158: {  	v32 =	vld.idx.msk [tilespmem:v11+s19+$0x0], $0xffff;
	v11 =	vor.u32 $0x380, v5  }
0x159: {  	v31 =	vld.idx.msk [tilespmem:v10+s17+$0x0], $0xffff;
	v10 =	vor.u32 $0x300, v6  }
0x15a: {  	v30 =	vld.idx.msk [tilespmem:v13+s19+$0x0], $0xffff;
	v13 =	vadd.s32 $0x2000, v5  }
0x15b: {  	v29 =	vld.idx.msk [tilespmem:v12+s17+$0x0], $0xffff;
	v12 =	vor.u32 $0x380, v6  }
0x15c: {  	v27 =	vld.idx.msk [tilespmem:v9+s17+$0x0], $0xffff;
	v9 =	vadd.s32 $0x2000, v6  }
0x15d: {  	v25 =	vld.idx.msk [tilespmem:v11+s17+$0x0], $0xffff;
	v11 =	vadd.s32 $0x2080, v6  }
0x15e: {  	v28 =	vld.idx.msk [tilespmem:v10+s19+$0x0], $0xffff;
	v10 =	vadd.s32 $0x2080, v5  }
0x15f: {  	v23 =	vld.idx.msk [tilespmem:v13+s17+$0x0], $0xffff;
	v13 =	vadd.s32 $0x2100, v6  }
0x160: {  	v26 =	vld.idx.msk [tilespmem:v12+s19+$0x0], $0xffff;
	v12 =	vadd.s32 $0x2100, v5  }
0x161: {  	v24 =	vld.idx.msk [tilespmem:v9+s19+$0x0], $0xffff;
	v9 =	vadd.s32 $0x2180, v5  }
0x162: {  	v22 =	vld.idx.msk [tilespmem:v11+s19+$0x0], $0xffff;
	v11 =	vadd.s32 $0x2200, v5  }
0x163: {  	v21 =	vld.idx.msk [tilespmem:v10+s17+$0x0], $0xffff;
	v10 =	vadd.s32 $0x2180, v6  }
0x164: {  	v20 =	vld.idx.msk [tilespmem:v13+s19+$0x0], $0xffff;
	v13 =	vadd.s32 $0x2280, v5  }
0x165: {  	v19 =	vld.idx.msk [tilespmem:v12+s17+$0x0], $0xffff;
	v12 =	vadd.s32 $0x2200, v6  }
0x166: {  	v42 =	vadd.s32 $0x2300, v6;
	v17 =	vld.idx.msk [tilespmem:v9+s17+$0x0], $0xffff  }
0x167: {  	v9 =	vadd.s32 $0x2280, v6;
	v14 =	vld.idx.msk [tilespmem:v11+s17+$0x0], $0xffff  }
0x168: {  	v18 =	vld.idx.msk [tilespmem:v10+s19+$0x0], $0xffff;
	v10 =	vadd.s32 $0x2300, v5  }
0x169: {  	v13 =	vld.idx.msk [tilespmem:v13+s17+$0x0], $0xffff;
	v5 =	vadd.s32 $0x2380, v5  }
0x16a: {  	v6 =	vadd.s32 $0x2380, v6;
	v16 =	vld.idx.msk [tilespmem:v12+s19+$0x0], $0xffff  }
0x16b: {  	v12 =	vld.idx.msk [tilespmem:v42+s19+$0x0], $0xffff  }
0x16c: {  	v15 =	vld.idx.msk [tilespmem:v9+s19+$0x0], $0xffff  }
0x16d: {  	v11 =	vld.idx.msk [tilespmem:v10+s17+$0x0], $0xffff  }
0x16e: {  	p0 =	seq.s32 s9, $0x1F0;
	v9 =	vld.idx.msk [tilespmem:v5+s17+$0x0], $0xffff  }
.Ltmp2:
0x16f: {  	v10 =	vld.idx.msk [tilespmem:v6+s19+$0x0], $0xffff;
	(pc) =	sbr.rel @p0 .LBB2_4-.Ltmp2, $4  }
0x170: {  	v5 =	vld.idx.msk [tilespmem:v7+s21+$0x0], $0xffff  }
0x171: {  	v3 =	vand.u32 $0xFFFFFF80, v3;
	v63 =	vand.u32 $0xFFFFFF80, v4;
	v6 =	vld.idx.msk [tilespmem:v41+s22+$0x0], $0xffff  }
0x172: {  	vm2 =	vlt.s32 v63, $0xF41C0;
	vm1 =	vlt.s32 v3, $0xF41C0;
	v7 =	vld.idx.msk [tilespmem:v8+s14+$0x0], $0xffff  }
0x173: {  	v4 =	vnsel vm1, $0xF41C0, v3;
	v3 =	vnsel vm2, $0xF41C0, v63;
	v8 =	vld.idx.msk [tilespmem:v8+s15+$0x0], $0xffff  }
0x174: {  	(v2sf) =	vpush v4, $0x0;
	_ =	sdelay $0x1  }
0x175: {  	(v2sf) =	vpush v3, $0x0;
	_ =	sdelay $0xc  }
0x176: {  	s10 =	spop (v2sf)  }
0x177: {  	(v2sf) =	vpush v4, $0x1;
	s11 =	sand.u32 $0xFFFFF80, s10  }
0x178: {  	s12 =	spop (v2sf);
	s11 =	sadd.s32 s0, s11  }
0x179: {  	(v2sf) =	vpush v3, $0x1;
	[tilespmem:s17], [sflag:$0x1] =	stream.linear.gather [hbm4b:s11+s6], $0x400, $0x38;
	[tilespmem:$0x11880] =	vst v63  }
0x17a: {  	s18 =	simm.s32 $0x2800;
	s11 =	sadd.s32 $0xF4280, s11  }
0x17b: {  	[tilespmem:s18], [sflag:$0x1] =	stream.linear.gather [hbm4b:s11+s6], $0x400, $0x38;
	[tilespmem:$0x11880] =	vst v63  }
0x17c: {  	s18 =	sand.u32 $0xFFFFF80, s12  }
0x17d: {  	s10 =	sshrl.u32 s10, $0x3;
	s11 =	sadd.s32 s2, s18  }
0x17e: {  	[tilespmem:s19], [sflag:$0x1] =	stream.linear.gather [hbm4b:s11+s6], $0x400, $0x38;
	[tilespmem:$0x11880] =	vst v63  }
0x17f: {  	s20 =	simm.s32 $0xA800;
	s10 =	sand.u32 $0x1FFFFFF0, s10;
	s11 =	sadd.s32 $0xF4280, s11  }
0x180: {  	[tilespmem:s20], [sflag:$0x1] =	stream.linear.gather [hbm4b:s11+s6], $0x400, $0x38;
	[tilespmem:$0x11880] =	vst v63  }
0x181: {  	s10 =	sadd.s32 s4, s10;
	s11 =	sshrl.u32 s12, $0x3  }
0x182: {  	[tilespmem:s21], [sflag:$0x1] =	stream.linear.gather [hbm4b:s10+s6], $0x80, $0x38;
	[tilespmem:$0x11880] =	vst v63  }
0x183: {  	s10 =	sand.u32 $0x1FFFFFF0, s11  }
0x184: {  	s10 =	sadd.s32 s5, s10  }
0x185: {  	[tilespmem:s22], [sflag:$0x1] =	stream.linear.gather [hbm4b:s10+s6], $0x80, $0x38;
	[tilespmem:$0x11880] =	vst v63  }
0x186: {  	s10 =	spop (v2sf);
	(v2sf) =	vpush v4, $0x2  }
0x187: {  	s12 =	sand.u32 $0xFFFFF80, s10  }
0x188: {  	s18 =	simm.s32 $0xC00;
	s11 =	sadd.s32 s0, s12;
	s12 =	spop (v2sf);
	(v2sf) =	vpush v3, $0x2  }
0x189: {  	[tilespmem:s18], [sflag:$0x1] =	stream.linear.gather [hbm4b:s11+s6], $0x400, $0x38;
	[tilespmem:$0x11880] =	vst v63  }
0x18a: {  	s20 =	simm.s32 $0x2C00;
	s11 =	sadd.s32 $0xF4280, s11;
	s18 =	sand.u32 $0xFFFFF80, s12  }
0x18b: {  	[tilespmem:s20], [sflag:$0x1] =	stream.linear.gather [hbm4b:s11+s6], $0x400, $0x38;
	[tilespmem:$0x11880] =	vst v63  }
0x18c: {  	s10 =	sshrl.u32 s10, $0x3;
	s11 =	sadd.s32 s2, s18;
	s20 =	simm.s32 $0x8C00  }
0x18d: {  	[tilespmem:s20], [sflag:$0x1] =	stream.linear.gather [hbm4b:s11+s6], $0x400, $0x38;
	[tilespmem:$0x11880] =	vst v63  }
0x18e: {  	s10 =	sand.u32 $0x1FFFFFF0, s10;
	s11 =	sadd.s32 $0xF4280, s11;
	s20 =	simm.s32 $0xAC00  }
0x18f: {  	[tilespmem:s20], [sflag:$0x1] =	stream.linear.gather [hbm4b:s11+s6], $0x400, $0x38;
	[tilespmem:$0x11880] =	vst v63  }
0x190: {  	s10 =	sadd.s32 s4, s10;
	s18 =	sshrl.u32 s12, $0x3;
	s20 =	simm.s32 $0x10880  }
0x191: {  	[tilespmem:s20], [sflag:$0x1] =	stream.linear.gather [hbm4b:s10+s6], $0x80, $0x38;
	[tilespmem:$0x11880] =	vst v63  }
0x192: {  	s10 =	sand.u32 $0x1FFFFFF0, s18  }
0x193: {  	s20 =	simm.s32 $0x11080;
	s10 =	sadd.s32 s5, s10  }
0x194: {  	[tilespmem:s20], [sflag:$0x1] =	stream.linear.gather [hbm4b:s10+s6], $0x80, $0x38;
	[tilespmem:$0x11880] =	vst v63  }
0x195: {  	s10 =	spop (v2sf);
	(v2sf) =	vpush v4, $0x3  }
0x196: {  	s12 =	sand.u32 $0xFFFFF80, s10  }
0x197: {  	s18 =	simm.s32 $0x1000;
	s11 =	sadd.s32 s0, s12;
	s12 =	spop (v2sf);
	(v2sf) =	vpush v3, $0x3  }
0x198: {  	[tilespmem:s18], [sflag:$0x1] =	stream.linear.gather [hbm4b:s11+s6], $0x400, $0x38;
	[tilespmem:$0x11880] =	vst v63  }
0x199: {  	s20 =	simm.s32 $0x3000;
	s11 =	sadd.s32 $0xF4280, s11;
	s18 =	sand.u32 $0xFFFFF80, s12  }
0x19a: {  	[tilespmem:s20], [sflag:$0x1] =	stream.linear.gather [hbm4b:s11+s6], $0x400, $0x38;
	[tilespmem:$0x11880] =	vst v63  }
0x19b: {  	s10 =	sshrl.u32 s10, $0x3;
	s11 =	sadd.s32 s2, s18;
	s20 =	simm.s32 $0x9000  }
0x19c: {  	[tilespmem:s20], [sflag:$0x1] =	stream.linear.gather [hbm4b:s11+s6], $0x400, $0x38;
	[tilespmem:$0x11880] =	vst v63  }
0x19d: {  	s10 =	sand.u32 $0x1FFFFFF0, s10;
	s11 =	sadd.s32 $0xF4280, s11;
	s20 =	simm.s32 $0xB000  }
0x19e: {  	[tilespmem:s20], [sflag:$0x1] =	stream.linear.gather [hbm4b:s11+s6], $0x400, $0x38;
	[tilespmem:$0x11880] =	vst v63  }
0x19f: {  	s10 =	sadd.s32 s4, s10;
	s18 =	sshrl.u32 s12, $0x3;
	s20 =	simm.s32 $0x10900  }
0x1a0: {  	[tilespmem:s20], [sflag:$0x1] =	stream.linear.gather [hbm4b:s10+s6], $0x80, $0x38;
	[tilespmem:$0x11880] =	vst v63  }
0x1a1: {  	s10 =	sand.u32 $0x1FFFFFF0, s18  }
0x1a2: {  	s20 =	simm.s32 $0x11100;
	s10 =	sadd.s32 s5, s10  }
0x1a3: {  	[tilespmem:s20], [sflag:$0x1] =	stream.linear.gather [hbm4b:s10+s6], $0x80, $0x38;
	[tilespmem:$0x11880] =	vst v63  }
0x1a4: {  	s10 =	spop (v2sf);
	(v2sf) =	vpush v4, $0x4  }
0x1a5: {  	s12 =	sand.u32 $0xFFFFF80, s10  }
0x1a6: {  	s18 =	simm.s32 $0x1400;
	s11 =	sadd.s32 s0, s12;
	s12 =	spop (v2sf);
	(v2sf) =	vpush v3, $0x4  }
0x1a7: {  	[tilespmem:s18], [sflag:$0x1] =	stream.linear.gather [hbm4b:s11+s6], $0x400, $0x38;
	[tilespmem:$0x11880] =	vst v63  }
0x1a8: {  	s20 =	simm.s32 $0x3400;
	s11 =	sadd.s32 $0xF4280, s11;
	s18 =	sand.u32 $0xFFFFF80, s12  }
0x1a9: {  	[tilespmem:s20], [sflag:$0x1] =	stream.linear.gather [hbm4b:s11+s6], $0x400, $0x38;
	[tilespmem:$0x11880] =	vst v63  }
0x1aa: {  	s10 =	sshrl.u32 s10, $0x3;
	s11 =	sadd.s32 s2, s18;
	s20 =	simm.s32 $0x9400  }
0x1ab: {  	[tilespmem:s20], [sflag:$0x1] =	stream.linear.gather [hbm4b:s11+s6], $0x400, $0x38;
	[tilespmem:$0x11880] =	vst v63  }
0x1ac: {  	s10 =	sand.u32 $0x1FFFFFF0, s10;
	s11 =	sadd.s32 $0xF4280, s11;
	s20 =	simm.s32 $0xB400  }
0x1ad: {  	[tilespmem:s20], [sflag:$0x1] =	stream.linear.gather [hbm4b:s11+s6], $0x400, $0x38;
	[tilespmem:$0x11880] =	vst v63  }
0x1ae: {  	s10 =	sadd.s32 s4, s10;
	s18 =	sshrl.u32 s12, $0x3;
	s20 =	simm.s32 $0x10980  }
0x1af: {  	[tilespmem:s20], [sflag:$0x1] =	stream.linear.gather [hbm4b:s10+s6], $0x80, $0x38;
	[tilespmem:$0x11880] =	vst v63  }
0x1b0: {  	s10 =	sand.u32 $0x1FFFFFF0, s18  }
0x1b1: {  	s20 =	simm.s32 $0x11180;
	s10 =	sadd.s32 s5, s10  }
0x1b2: {  	[tilespmem:s20], [sflag:$0x1] =	stream.linear.gather [hbm4b:s10+s6], $0x80, $0x38;
	[tilespmem:$0x11880] =	vst v63  }
0x1b3: {  	s10 =	spop (v2sf);
	(v2sf) =	vpush v4, $0x5  }
0x1b4: {  	s12 =	sand.u32 $0xFFFFF80, s10  }
0x1b5: {  	s18 =	simm.s32 $0x1800;
	s11 =	sadd.s32 s0, s12;
	s12 =	spop (v2sf);
	(v2sf) =	vpush v3, $0x5  }
0x1b6: {  	[tilespmem:s18], [sflag:$0x1] =	stream.linear.gather [hbm4b:s11+s6], $0x400, $0x38;
	[tilespmem:$0x11880] =	vst v63  }
0x1b7: {  	s20 =	simm.s32 $0x3800;
	s11 =	sadd.s32 $0xF4280, s11;
	s18 =	sand.u32 $0xFFFFF80, s12  }
0x1b8: {  	[tilespmem:s20], [sflag:$0x1] =	stream.linear.gather [hbm4b:s11+s6], $0x400, $0x38;
	[tilespmem:$0x11880] =	vst v63  }
0x1b9: {  	s10 =	sshrl.u32 s10, $0x3;
	s11 =	sadd.s32 s2, s18;
	s20 =	simm.s32 $0x9800  }
0x1ba: {  	[tilespmem:s20], [sflag:$0x1] =	stream.linear.gather [hbm4b:s11+s6], $0x400, $0x38;
	[tilespmem:$0x11880] =	vst v63  }
0x1bb: {  	s10 =	sand.u32 $0x1FFFFFF0, s10;
	s11 =	sadd.s32 $0xF4280, s11;
	s20 =	simm.s32 $0xB800  }
0x1bc: {  	[tilespmem:s20], [sflag:$0x1] =	stream.linear.gather [hbm4b:s11+s6], $0x400, $0x38;
	[tilespmem:$0x11880] =	vst v63  }
0x1bd: {  	s10 =	sadd.s32 s4, s10;
	s18 =	sshrl.u32 s12, $0x3;
	s20 =	simm.s32 $0x10A00  }
0x1be: {  	[tilespmem:s20], [sflag:$0x1] =	stream.linear.gather [hbm4b:s10+s6], $0x80, $0x38;
	[tilespmem:$0x11880] =	vst v63  }
0x1bf: {  	s10 =	sand.u32 $0x1FFFFFF0, s18  }
0x1c0: {  	s20 =	simm.s32 $0x11200;
	s10 =	sadd.s32 s5, s10  }
0x1c1: {  	[tilespmem:s20], [sflag:$0x1] =	stream.linear.gather [hbm4b:s10+s6], $0x80, $0x38;
	[tilespmem:$0x11880] =	vst v63  }
0x1c2: {  	s10 =	spop (v2sf);
	(v2sf) =	vpush v4, $0x6  }
0x1c3: {  	s12 =	sand.u32 $0xFFFFF80, s10  }
0x1c4: {  	s18 =	simm.s32 $0x1C00;
	s11 =	sadd.s32 s0, s12;
	s12 =	spop (v2sf);
	(v2sf) =	vpush v3, $0x6  }
0x1c5: {  	[tilespmem:s18], [sflag:$0x1] =	stream.linear.gather [hbm4b:s11+s6], $0x400, $0x38;
	[tilespmem:$0x11880] =	vst v63  }
0x1c6: {  	s20 =	simm.s32 $0x3C00;
	s11 =	sadd.s32 $0xF4280, s11;
	s18 =	sand.u32 $0xFFFFF80, s12  }
0x1c7: {  	[tilespmem:s20], [sflag:$0x1] =	stream.linear.gather [hbm4b:s11+s6], $0x400, $0x38;
	[tilespmem:$0x11880] =	vst v63  }
0x1c8: {  	s10 =	sshrl.u32 s10, $0x3;
	s11 =	sadd.s32 s2, s18;
	s20 =	simm.s32 $0x9C00  }
0x1c9: {  	[tilespmem:s20], [sflag:$0x1] =	stream.linear.gather [hbm4b:s11+s6], $0x400, $0x38;
	[tilespmem:$0x11880] =	vst v63  }
0x1ca: {  	s10 =	sand.u32 $0x1FFFFFF0, s10;
	s11 =	sadd.s32 $0xF4280, s11;
	s20 =	simm.s32 $0xBC00  }
0x1cb: {  	[tilespmem:s20], [sflag:$0x1] =	stream.linear.gather [hbm4b:s11+s6], $0x400, $0x38;
	[tilespmem:$0x11880] =	vst v63  }
0x1cc: {  	s10 =	sadd.s32 s4, s10;
	s18 =	sshrl.u32 s12, $0x3;
	s20 =	simm.s32 $0x10A80  }
0x1cd: {  	[tilespmem:s20], [sflag:$0x1] =	stream.linear.gather [hbm4b:s10+s6], $0x80, $0x38;
	[tilespmem:$0x11880] =	vst v63  }
0x1ce: {  	s10 =	sand.u32 $0x1FFFFFF0, s18  }
0x1cf: {  	s20 =	simm.s32 $0x11280;
	s10 =	sadd.s32 s5, s10  }
0x1d0: {  	[tilespmem:s20], [sflag:$0x1] =	stream.linear.gather [hbm4b:s10+s6], $0x80, $0x38;
	[tilespmem:$0x11880] =	vst v63  }
0x1d1: {  	s10 =	spop (v2sf);
	(v2sf) =	vpush v4, $0x7  }
0x1d2: {  	s12 =	sand.u32 $0xFFFFF80, s10  }
0x1d3: {  	s18 =	simm.s32 $0x2000;
	s11 =	sadd.s32 s0, s12;
	s12 =	spop (v2sf);
	(v2sf) =	vpush v3, $0x7  }
0x1d4: {  	[tilespmem:s18], [sflag:$0x1] =	stream.linear.gather [hbm4b:s11+s6], $0x400, $0x38;
	[tilespmem:$0x11880] =	vst v63  }
0x1d5: {  	s20 =	simm.s32 $0x4000;
	s11 =	sadd.s32 $0xF4280, s11;
	s18 =	sand.u32 $0xFFFFF80, s12  }
0x1d6: {  	[tilespmem:s20], [sflag:$0x1] =	stream.linear.gather [hbm4b:s11+s6], $0x400, $0x38;
	[tilespmem:$0x11880] =	vst v63  }
0x1d7: {  	s10 =	sshrl.u32 s10, $0x3;
	s11 =	sadd.s32 s2, s18;
	s20 =	simm.s32 $0xA000  }
0x1d8: {  	[tilespmem:s20], [sflag:$0x1] =	stream.linear.gather [hbm4b:s11+s6], $0x400, $0x38;
	[tilespmem:$0x11880] =	vst v63  }
0x1d9: {  	s10 =	sand.u32 $0x1FFFFFF0, s10;
	s11 =	sadd.s32 $0xF4280, s11;
	s20 =	simm.s32 $0xC000  }
0x1da: {  	[tilespmem:s20], [sflag:$0x1] =	stream.linear.gather [hbm4b:s11+s6], $0x400, $0x38;
	[tilespmem:$0x11880] =	vst v63  }
0x1db: {  	s10 =	sadd.s32 s4, s10;
	s18 =	sshrl.u32 s12, $0x3;
	s20 =	simm.s32 $0x10B00  }
0x1dc: {  	[tilespmem:s20], [sflag:$0x1] =	stream.linear.gather [hbm4b:s10+s6], $0x80, $0x38;
	[tilespmem:$0x11880] =	vst v63  }
0x1dd: {  	s10 =	sand.u32 $0x1FFFFFF0, s18  }
0x1de: {  	s20 =	simm.s32 $0x11300;
	s10 =	sadd.s32 s5, s10  }
0x1df: {  	[tilespmem:s20], [sflag:$0x1] =	stream.linear.gather [hbm4b:s10+s6], $0x80, $0x38;
	[tilespmem:$0x11880] =	vst v63  }
0x1e0: {  	s11 =	spop (v2sf)  }
0x1e1: {  	s12 =	sand.u32 $0xFFFFF80, s11  }
0x1e2: {  	s18 =	simm.s32 $0x2400;
	s10 =	sadd.s32 s0, s12;
	s12 =	spop (v2sf)  }
0x1e3: {  	[tilespmem:s18], [sflag:$0x1] =	stream.linear.gather [hbm4b:s10+s6], $0x400, $0x38;
	[tilespmem:$0x11880] =	vst v63  }
0x1e4: {  	s20 =	simm.s32 $0x4400;
	s10 =	sadd.s32 $0xF4280, s10;
	s18 =	sand.u32 $0xFFFFF80, s12  }
0x1e5: {  	[tilespmem:s20], [sflag:$0x1] =	stream.linear.gather [hbm4b:s10+s6], $0x400, $0x38;
	[tilespmem:$0x11880] =	vst v63  }
0x1e6: {  	s10 =	sadd.s32 s2, s18;
	s20 =	simm.s32 $0xA400  }
0x1e7: {  	[tilespmem:s20], [sflag:$0x1] =	stream.linear.gather [hbm4b:s10+s6], $0x400, $0x38;
	[tilespmem:$0x11880] =	vst v63  }
0x1e8: {  	s11 =	sshrl.u32 s11, $0x3;
	s10 =	sadd.s32 $0xF4280, s10;
	s20 =	simm.s32 $0xC400  }
0x1e9: {  	[tilespmem:s20], [sflag:$0x1] =	stream.linear.gather [hbm4b:s10+s6], $0x400, $0x38;
	[tilespmem:$0x11880] =	vst v63  }
0x1ea: {  	s10 =	sand.u32 $0x1FFFFFF0, s11  }
0x1eb: {  	s12 =	sshrl.u32 s12, $0x3;
	s20 =	simm.s32 $0x10B80;
	s10 =	sadd.s32 s4, s10  }
0x1ec: {  	[tilespmem:s20], [sflag:$0x1] =	stream.linear.gather [hbm4b:s10+s6], $0x80, $0x38;
	[tilespmem:$0x11880] =	vst v63  }
0x1ed: {  	s10 =	sand.u32 $0x1FFFFFF0, s12  }
0x1ee: {  	s18 =	simm.s32 $0x6800;
	s20 =	simm.s32 $0x11380;
	s10 =	sadd.s32 s5, s10  }
0x1ef: {  	[tilespmem:s20], [sflag:$0x1] =	stream.linear.gather [hbm4b:s10+s6], $0x80, $0x38;
	[tilespmem:$0x11880] =	vst v63  }
.LBB2_4:
0x1f0: {  	_ =	swait.ge [sflag:s31], $0x4000  }
0x1f1: {  	[sflag:s31] =	ssyncset.done $0x0  }
0x1f2: {  	[sflag:s31] =	ssyncadd.s32 $0xFFFFC000  }
0x1f3: {  	_ =	swait.ge [sflag:s31], $0x4000  }
0x1f4: {  	[sflag:s31] =	ssyncset.done $0x0  }
0x1f5: {  	[sflag:s31] =	ssyncadd.s32 $0xFFFFC000  }
0x1f6: {  	s10 =	sadd.s32 $0x8, s9;
	_ =	swait.ge [sflag:s31], $0x400  }
0x1f7: {  	v41 =	vor.u32 s10, v0;
	[sflag:s31] =	ssyncset.done $0x0  }
0x1f8: {  	[sflag:s31] =	ssyncadd.s32 $0xFFFFFC00  }
0x1f9: {  	_ =	swait.ge [sflag:s31], $0x400  }
0x1fa: {  	[sflag:s31] =	ssyncset.done $0x0  }
0x1fb: {  	[sflag:s31] =	ssyncadd.s32 $0xFFFFFC00  }
0x1fc: {  	v42 =	vld.idx.msk [tilespmem:v41+s6+$0x0], $0xffff  }
0x1fd: {  	v43 =	vld.idx.msk [tilespmem:v41+s13+$0x0], $0xffff;
	_ =	sdelay $0x3  }
0x1fe: {  	v44 =	vand.u32 $0xFFFFFF80, v42  }
0x1ff: {  	v45 =	vand.u32 $0xFFFFFF80, v43;
	vm1 =	vlt.s32 v44, $0xF41C0  }
0x200: {  	v44 =	vnsel vm1, $0xF41C0, v44;
	vm1 =	vlt.s32 v45, $0xF41C0  }
0x201: {  	v44 =	vsub.s32 v42, v44;
	v54 =	vnsel vm1, $0xF41C0, v45  }
0x202: {  	v45 =	vsub.s32 v43, v54;
	v43 =	vadd.s32 v1, v44  }
0x203: {  	v42 =	vadd.s32 v1, v45;
	v46 =	vshll.u32 v43, $0x3  }
0x204: {  	v44 =	vand.u32 $0x7F, v44;
	v46 =	vand.u32 $0xFFFFFC00, v46;
	v47 =	vshll.u32 v42, $0x3  }
0x205: {  	v45 =	vand.u32 $0x7F, v45;
	v44 =	vor.u32 v44, v46;
	v55 =	vand.u32 $0xFFFFFC00, v47  }
0x206: {  	v45 =	vor.u32 v45, v55  }
0x207: {  	v56 =	vor.u32 $0x80, v44  }
0x208: {  	v57 =	vor.u32 $0x80, v45  }
0x209: {  	v48 =	vor.u32 $0x100, v44  }
0x20a: {  	v50 =	vor.u32 $0x100, v45;
	v49 =	vld.idx.msk [tilespmem:v44+s30+$0x0], $0xffff  }
0x20b: {  	v53 =	vor.u32 $0x180, v45;
	v51 =	vld.idx.msk [tilespmem:v45+s1+$0x0], $0xffff  }
0x20c: {  	v52 =	vor.u32 $0x180, v44;
	v46 =	vld.idx.msk [tilespmem:v56+s30+$0x0], $0xffff  }
0x20d: {  	v38 =	vmul.f32 v40, v38;
	v59 =	vor.u32 $0x200, v44;
	v58 =	vld.idx.msk [tilespmem:v57+s1+$0x0], $0xffff  }
0x20e: {  	v54 =	vor.u32 $0x200, v45;
	v48 =	vld.idx.msk [tilespmem:v48+s30+$0x0], $0xffff  }
0x20f: {  	v37 =	vmul.f32 v39, v37;
	v38 =	vadd.f32 $0.0e+00, v38;
	v61 =	vor.u32 $0x280, v44;
	v60 =	vld.idx.msk [tilespmem:v50+s1+$0x0], $0xffff  }
0x210: {  	v62 =	vor.u32 $0x280, v45;
	v63 =	vld.idx.msk [tilespmem:v53+s1+$0x0], $0xffff;
	v49 =	vmul.f32 v51, v49  }
0x211: {  	v35 =	vmul.f32 v36, v35;
	v37 =	vadd.f32 v37, v38;
	v56 =	vor.u32 $0x300, v45;
	v51 =	vld.idx.msk [tilespmem:v52+s30+$0x0], $0xffff  }
0x212: {  	v55 =	vld.idx.msk [tilespmem:v59+s30+$0x0], $0xffff;
	v53 =	vor.u32 $0x300, v44;
	v40 =	vmul.f32 v58, v46;
	v49 =	vadd.f32 $0.0e+00, v49  }
0x213: {  	v33 =	vmul.f32 v34, v33;
	v35 =	vadd.f32 v35, v37;
	v57 =	vld.idx.msk [tilespmem:v54+s1+$0x0], $0xffff;
	v58 =	vor.u32 $0x380, v44  }
0x214: {  	v59 =	vld.idx.msk [tilespmem:v61+s30+$0x0], $0xffff;
	v39 =	vmul.f32 v60, v48;
	v60 =	vor.u32 $0x380, v45;
	v40 =	vadd.f32 v40, v49  }
0x215: {  	v31 =	vmul.f32 v32, v31;
	v33 =	vadd.f32 v33, v35;
	v61 =	vld.idx.msk [tilespmem:v62+s1+$0x0], $0xffff;
	v62 =	vadd.s32 $0x2000, v44  }
0x216: {  	v50 =	vld.idx.msk [tilespmem:v56+s1+$0x0], $0xffff;
	v36 =	vmul.f32 v63, v51;
	v63 =	vadd.s32 $0x2000, v45;
	v39 =	vadd.f32 v39, v40  }
0x217: {  	v29 =	vmul.f32 v30, v29;
	v31 =	vadd.f32 v31, v33;
	v52 =	vadd.s32 $0x2080, v45;
	v38 =	vld.idx.msk [tilespmem:v53+s30+$0x0], $0xffff  }
0x218: {  	v34 =	vmul.f32 v57, v55;
	v51 =	vadd.s32 $0x2080, v44;
	v37 =	vld.idx.msk [tilespmem:v58+s30+$0x0], $0xffff;
	v36 =	vadd.f32 v36, v39  }
0x219: {  	v27 =	vmul.f32 v28, v27;
	v29 =	vadd.f32 v29, v31;
	v54 =	vadd.s32 $0x2100, v44;
	v53 =	vld.idx.msk [tilespmem:v60+s1+$0x0], $0xffff  }
0x21a: {  	v32 =	vmul.f32 v61, v59;
	v35 =	vld.idx.msk [tilespmem:v62+s30+$0x0], $0xffff;
	v55 =	vadd.s32 $0x2100, v45;
	v34 =	vadd.f32 v34, v36  }
0x21b: {  	v25 =	vmul.f32 v26, v25;
	v27 =	vadd.f32 v27, v29;
	v57 =	vadd.s32 $0x2180, v44;
	v56 =	vld.idx.msk [tilespmem:v63+s1+$0x0], $0xffff  }
0x21c: {  	v59 =	vld.idx.msk [tilespmem:v52+s1+$0x0], $0xffff;
	v30 =	vmul.f32 v50, v38;
	v58 =	vadd.s32 $0x2180, v45;
	v32 =	vadd.f32 v32, v34  }
0x21d: {  	v23 =	vmul.f32 v24, v23;
	v25 =	vadd.f32 v25, v27;
	v61 =	vadd.s32 $0x2200, v45;
	v33 =	vld.idx.msk [tilespmem:v51+s30+$0x0], $0xffff  }
0x21e: {  	v31 =	vld.idx.msk [tilespmem:v54+s30+$0x0], $0xffff;
	v60 =	vadd.s32 $0x2200, v44;
	v28 =	vmul.f32 v53, v37;
	v30 =	vadd.f32 v30, v32  }
0x21f: {  	v21 =	vmul.f32 v22, v21;
	v23 =	vadd.f32 v23, v25;
	v62 =	vld.idx.msk [tilespmem:v55+s1+$0x0], $0xffff;
	v63 =	vadd.s32 $0x2280, v44  }
0x220: {  	v29 =	vld.idx.msk [tilespmem:v57+s30+$0x0], $0xffff;
	v36 =	vadd.s32 $0x2280, v45;
	v26 =	vmul.f32 v56, v35;
	v28 =	vadd.f32 v28, v30  }
0x221: {  	v19 =	vmul.f32 v20, v19;
	v21 =	vadd.f32 v21, v23;
	v38 =	vadd.s32 $0x2300, v44;
	v37 =	vld.idx.msk [tilespmem:v58+s1+$0x0], $0xffff  }
0x222: {  	v40 =	vld.idx.msk [tilespmem:v61+s1+$0x0], $0xffff;
	v39 =	vadd.s32 $0x2300, v45;
	v24 =	vmul.f32 v59, v33;
	v26 =	vadd.f32 v26, v28  }
0x223: {  	v17 =	vmul.f32 v18, v17;
	v19 =	vadd.f32 v19, v21;
	v47 =	vadd.s32 $0x2380, v45;
	v27 =	vld.idx.msk [tilespmem:v60+s30+$0x0], $0xffff  }
0x224: {  	v46 =	vadd.s32 $0x2380, v44;
	v22 =	vmul.f32 v62, v31;
	v25 =	vld.idx.msk [tilespmem:v63+s30+$0x0], $0xffff;
	v24 =	vadd.f32 v24, v26  }
0x225: {  	v14 =	vmul.f32 v16, v14;
	v48 =	vld.idx.msk [tilespmem:v36+s1+$0x0], $0xffff  }
0x226: {  	v17 =	vadd.f32 v17, v19;
	v50 =	vld.idx.msk [tilespmem:v38+s30+$0x0], $0xffff;
	v20 =	vmul.f32 v37, v29;
	v49 =	vadd.f32 v22, v24  }
0x227: {  	v13 =	vmul.f32 v15, v13;
	v51 =	vld.idx.msk [tilespmem:v39+s1+$0x0], $0xffff  }
0x228: {  	v14 =	vadd.f32 v14, v17;
	v54 =	vld.idx.msk [tilespmem:v47+s1+$0x0], $0xffff;
	v18 =	vmul.f32 v40, v27;
	v52 =	vadd.f32 v20, v49  }
0x229: {  	v11 =	vmul.f32 v12, v11;
	v53 =	vld.idx.msk [tilespmem:v46+s30+$0x0], $0xffff  }
0x22a: {  	v13 =	vadd.f32 v13, v14;
	v16 =	vmul.f32 v48, v25;
	v55 =	vadd.f32 v18, v52  }
0x22b: {  	v9 =	vmul.f32 v10, v9  }
0x22c: {  	v11 =	vadd.f32 v11, v13;
	v57 =	vmul.f32 v51, v50;
	v56 =	vadd.f32 v16, v55  }
0x22d: {  	v58 =	vld.idx.msk [tilespmem:v43+s7+$0x0], $0xffff  }
0x22e: {  	v9 =	vadd.f32 v9, v11;
	v59 =	vmul.f32 v54, v53;
	v10 =	vadd.f32 v57, v56  }
0x22f: {  	v60 =	vld.idx.msk [tilespmem:v42+s8+$0x0], $0xffff  }
0x230: {  	v5 =	vadd.f32 v9, v5;
	v61 =	vadd.f32 v59, v10  }
0x231: {  	v62 =	vld.idx.msk [tilespmem:v41+s14+$0x0], $0xffff  }
0x232: {  	v5 =	vadd.f32 v5, v6;
	v6 =	vadd.f32 v61, v58  }
0x233: {  	v63 =	vld.idx.msk [tilespmem:v41+s15+$0x0], $0xffff  }
0x234: {  	v5 =	vsub.f32 v5, v7;
	v6 =	vadd.f32 v6, v60;
	_ =	sdelay $0x1  }
0x235: {  	v7 =	vmul.f32 v5, v8;
	v6 =	vsub.f32 v6, v62;
	_ =	sdelay $0x1  }
0x236: {  	v5 =	vmul.f32 v7, v5;
	v7 =	vmul.f32 v6, v63;
	_ =	sdelay $0x1  }
.Ltmp3:
0x237: {  	v5 =	vnsel vm0, $0x0, v5;
	v6 =	vmul.f32 v7, v6;
	(pc) =	sbr.rel @p0 .LBB2_6-.Ltmp3, $3  }
0x238: {  	v2 =	vadd.f32 v5, v2  }
0x239: {  	v5 =	vnsel vm0, $0x0, v6  }
0x23a: {  	v2 =	vadd.f32 v5, v2;
	_ =	sdelay $0x1  }
0x23b: {  	(v2sf) =	vpush v4, $0x8;
	_ =	sdelay $0x1  }
0x23c: {  	(v2sf) =	vpush v3, $0x8;
	_ =	sdelay $0xc  }
0x23d: {  	s10 =	spop (v2sf);
	(v2sf) =	vpush v4, $0x9  }
0x23e: {  	s11 =	sand.u32 $0xFFFFF80, s10  }
0x23f: {  	s12 =	spop (v2sf);
	(v2sf) =	vpush v3, $0x9;
	s11 =	sadd.s32 s0, s11  }
0x240: {  	[tilespmem:s30], [sflag:$0x2] =	stream.linear.gather [hbm4b:s11+s6], $0x400, $0x38;
	[tilespmem:$0x11880] =	vst v63  }
0x241: {  	s20 =	sand.u32 $0xFFFFF80, s12;
	s11 =	sadd.s32 $0xF4280, s11  }
0x242: {  	[tilespmem:s18], [sflag:$0x2] =	stream.linear.gather [hbm4b:s11+s6], $0x400, $0x38;
	[tilespmem:$0x11880] =	vst v63  }
0x243: {  	s10 =	sshrl.u32 s10, $0x3;
	s11 =	sadd.s32 s2, s20  }
0x244: {  	[tilespmem:s1], [sflag:$0x2] =	stream.linear.gather [hbm4b:s11+s6], $0x400, $0x38;
	[tilespmem:$0x11880] =	vst v63  }
0x245: {  	s10 =	sand.u32 $0x1FFFFFF0, s10;
	s20 =	simm.s32 $0xE800;
	s11 =	sadd.s32 $0xF4280, s11  }
0x246: {  	[tilespmem:s20], [sflag:$0x2] =	stream.linear.gather [hbm4b:s11+s6], $0x400, $0x38;
	[tilespmem:$0x11880] =	vst v63  }
0x247: {  	s10 =	sadd.s32 s4, s10;
	s11 =	sshrl.u32 s12, $0x3  }
0x248: {  	[tilespmem:s7], [sflag:$0x2] =	stream.linear.gather [hbm4b:s10+s6], $0x80, $0x38;
	[tilespmem:$0x11880] =	vst v63  }
0x249: {  	s10 =	sand.u32 $0x1FFFFFF0, s11  }
0x24a: {  	s10 =	sadd.s32 s5, s10  }
0x24b: {  	[tilespmem:s8], [sflag:$0x2] =	stream.linear.gather [hbm4b:s10+s6], $0x80, $0x38;
	[tilespmem:$0x11880] =	vst v63  }
0x24c: {  	s10 =	spop (v2sf)  }
0x24d: {  	(v2sf) =	vpush v4, $0xA;
	s12 =	sand.u32 $0xFFFFF80, s10  }
0x24e: {  	s20 =	simm.s32 $0x4C00;
	s11 =	sadd.s32 s0, s12;
	s12 =	spop (v2sf)  }
0x24f: {  	(v2sf) =	vpush v3, $0xA;
	[tilespmem:s20], [sflag:$0x2] =	stream.linear.gather [hbm4b:s11+s6], $0x400, $0x38;
	[tilespmem:$0x11880] =	vst v63  }
0x250: {  	s11 =	sadd.s32 $0xF4280, s11;
	s20 =	simm.s32 $0x6C00  }
0x251: {  	[tilespmem:s20], [sflag:$0x2] =	stream.linear.gather [hbm4b:s11+s6], $0x400, $0x38;
	[tilespmem:$0x11880] =	vst v63  }
0x252: {  	s20 =	sand.u32 $0xFFFFF80, s12  }
0x253: {  	s10 =	sshrl.u32 s10, $0x3;
	s11 =	sadd.s32 s2, s20;
	s20 =	simm.s32 $0xCC00  }
0x254: {  	[tilespmem:s20], [sflag:$0x2] =	stream.linear.gather [hbm4b:s11+s6], $0x400, $0x38;
	[tilespmem:$0x11880] =	vst v63  }
0x255: {  	s10 =	sand.u32 $0x1FFFFFF0, s10;
	s11 =	sadd.s32 $0xF4280, s11;
	s20 =	simm.s32 $0xEC00  }
0x256: {  	[tilespmem:s20], [sflag:$0x2] =	stream.linear.gather [hbm4b:s11+s6], $0x400, $0x38;
	[tilespmem:$0x11880] =	vst v63  }
0x257: {  	s10 =	sadd.s32 s4, s10;
	s12 =	sshrl.u32 s12, $0x3;
	s20 =	simm.s32 $0x10C80  }
0x258: {  	[tilespmem:s20], [sflag:$0x2] =	stream.linear.gather [hbm4b:s10+s6], $0x80, $0x38;
	[tilespmem:$0x11880] =	vst v63  }
0x259: {  	s10 =	sand.u32 $0x1FFFFFF0, s12  }
0x25a: {  	s20 =	simm.s32 $0x11480;
	s10 =	sadd.s32 s5, s10  }
0x25b: {  	[tilespmem:s20], [sflag:$0x2] =	stream.linear.gather [hbm4b:s10+s6], $0x80, $0x38;
	[tilespmem:$0x11880] =	vst v63  }
0x25c: {  	s10 =	spop (v2sf)  }
0x25d: {  	(v2sf) =	vpush v4, $0xB;
	s12 =	sand.u32 $0xFFFFF80, s10  }
0x25e: {  	s20 =	simm.s32 $0x5000;
	s11 =	sadd.s32 s0, s12;
	s12 =	spop (v2sf)  }
0x25f: {  	(v2sf) =	vpush v3, $0xB;
	[tilespmem:s20], [sflag:$0x2] =	stream.linear.gather [hbm4b:s11+s6], $0x400, $0x38;
	[tilespmem:$0x11880] =	vst v63  }
0x260: {  	s11 =	sadd.s32 $0xF4280, s11;
	s20 =	simm.s32 $0x7000  }
0x261: {  	[tilespmem:s20], [sflag:$0x2] =	stream.linear.gather [hbm4b:s11+s6], $0x400, $0x38;
	[tilespmem:$0x11880] =	vst v63  }
0x262: {  	s20 =	sand.u32 $0xFFFFF80, s12  }
0x263: {  	s10 =	sshrl.u32 s10, $0x3;
	s11 =	sadd.s32 s2, s20;
	s20 =	simm.s32 $0xD000  }
0x264: {  	[tilespmem:s20], [sflag:$0x2] =	stream.linear.gather [hbm4b:s11+s6], $0x400, $0x38;
	[tilespmem:$0x11880] =	vst v63  }
0x265: {  	s10 =	sand.u32 $0x1FFFFFF0, s10;
	s11 =	sadd.s32 $0xF4280, s11;
	s20 =	simm.s32 $0xF000  }
0x266: {  	[tilespmem:s20], [sflag:$0x2] =	stream.linear.gather [hbm4b:s11+s6], $0x400, $0x38;
	[tilespmem:$0x11880] =	vst v63  }
0x267: {  	s10 =	sadd.s32 s4, s10;
	s12 =	sshrl.u32 s12, $0x3;
	s20 =	simm.s32 $0x10D00  }
0x268: {  	[tilespmem:s20], [sflag:$0x2] =	stream.linear.gather [hbm4b:s10+s6], $0x80, $0x38;
	[tilespmem:$0x11880] =	vst v63  }
0x269: {  	s10 =	sand.u32 $0x1FFFFFF0, s12  }
0x26a: {  	s20 =	simm.s32 $0x11500;
	s10 =	sadd.s32 s5, s10  }
0x26b: {  	[tilespmem:s20], [sflag:$0x2] =	stream.linear.gather [hbm4b:s10+s6], $0x80, $0x38;
	[tilespmem:$0x11880] =	vst v63  }
0x26c: {  	s10 =	spop (v2sf)  }
0x26d: {  	(v2sf) =	vpush v4, $0xC;
	s12 =	sand.u32 $0xFFFFF80, s10  }
0x26e: {  	s20 =	simm.s32 $0x5400;
	s11 =	sadd.s32 s0, s12;
	s12 =	spop (v2sf)  }
0x26f: {  	(v2sf) =	vpush v3, $0xC;
	[tilespmem:s20], [sflag:$0x2] =	stream.linear.gather [hbm4b:s11+s6], $0x400, $0x38;
	[tilespmem:$0x11880] =	vst v63  }
0x270: {  	s11 =	sadd.s32 $0xF4280, s11;
	s20 =	simm.s32 $0x7400  }
0x271: {  	[tilespmem:s20], [sflag:$0x2] =	stream.linear.gather [hbm4b:s11+s6], $0x400, $0x38;
	[tilespmem:$0x11880] =	vst v63  }
0x272: {  	s20 =	sand.u32 $0xFFFFF80, s12  }
0x273: {  	s10 =	sshrl.u32 s10, $0x3;
	s11 =	sadd.s32 s2, s20;
	s20 =	simm.s32 $0xD400  }
0x274: {  	[tilespmem:s20], [sflag:$0x2] =	stream.linear.gather [hbm4b:s11+s6], $0x400, $0x38;
	[tilespmem:$0x11880] =	vst v63  }
0x275: {  	s10 =	sand.u32 $0x1FFFFFF0, s10;
	s11 =	sadd.s32 $0xF4280, s11;
	s20 =	simm.s32 $0xF400  }
0x276: {  	[tilespmem:s20], [sflag:$0x2] =	stream.linear.gather [hbm4b:s11+s6], $0x400, $0x38;
	[tilespmem:$0x11880] =	vst v63  }
0x277: {  	s10 =	sadd.s32 s4, s10;
	s12 =	sshrl.u32 s12, $0x3;
	s20 =	simm.s32 $0x10D80  }
0x278: {  	[tilespmem:s20], [sflag:$0x2] =	stream.linear.gather [hbm4b:s10+s6], $0x80, $0x38;
	[tilespmem:$0x11880] =	vst v63  }
0x279: {  	s10 =	sand.u32 $0x1FFFFFF0, s12  }
0x27a: {  	s20 =	simm.s32 $0x11580;
	s10 =	sadd.s32 s5, s10  }
0x27b: {  	[tilespmem:s20], [sflag:$0x2] =	stream.linear.gather [hbm4b:s10+s6], $0x80, $0x38;
	[tilespmem:$0x11880] =	vst v63  }
0x27c: {  	s10 =	spop (v2sf)  }
0x27d: {  	(v2sf) =	vpush v4, $0xD;
	s12 =	sand.u32 $0xFFFFF80, s10  }
0x27e: {  	s20 =	simm.s32 $0x5800;
	s11 =	sadd.s32 s0, s12;
	s12 =	spop (v2sf)  }
0x27f: {  	(v2sf) =	vpush v3, $0xD;
	[tilespmem:s20], [sflag:$0x2] =	stream.linear.gather [hbm4b:s11+s6], $0x400, $0x38;
	[tilespmem:$0x11880] =	vst v63  }
0x280: {  	s11 =	sadd.s32 $0xF4280, s11;
	s20 =	simm.s32 $0x7800  }
0x281: {  	[tilespmem:s20], [sflag:$0x2] =	stream.linear.gather [hbm4b:s11+s6], $0x400, $0x38;
	[tilespmem:$0x11880] =	vst v63  }
0x282: {  	s20 =	sand.u32 $0xFFFFF80, s12  }
0x283: {  	s10 =	sshrl.u32 s10, $0x3;
	s11 =	sadd.s32 s2, s20;
	s20 =	simm.s32 $0xD800  }
0x284: {  	[tilespmem:s20], [sflag:$0x2] =	stream.linear.gather [hbm4b:s11+s6], $0x400, $0x38;
	[tilespmem:$0x11880] =	vst v63  }
0x285: {  	s10 =	sand.u32 $0x1FFFFFF0, s10;
	s11 =	sadd.s32 $0xF4280, s11;
	s20 =	simm.s32 $0xF800  }
0x286: {  	[tilespmem:s20], [sflag:$0x2] =	stream.linear.gather [hbm4b:s11+s6], $0x400, $0x38;
	[tilespmem:$0x11880] =	vst v63  }
0x287: {  	s10 =	sadd.s32 s4, s10;
	s12 =	sshrl.u32 s12, $0x3;
	s20 =	simm.s32 $0x10E00  }
0x288: {  	[tilespmem:s20], [sflag:$0x2] =	stream.linear.gather [hbm4b:s10+s6], $0x80, $0x38;
	[tilespmem:$0x11880] =	vst v63  }
0x289: {  	s10 =	sand.u32 $0x1FFFFFF0, s12  }
0x28a: {  	s20 =	simm.s32 $0x11600;
	s10 =	sadd.s32 s5, s10  }
0x28b: {  	[tilespmem:s20], [sflag:$0x2] =	stream.linear.gather [hbm4b:s10+s6], $0x80, $0x38;
	[tilespmem:$0x11880] =	vst v63  }
0x28c: {  	s10 =	spop (v2sf)  }
0x28d: {  	(v2sf) =	vpush v4, $0xE;
	s12 =	sand.u32 $0xFFFFF80, s10  }
0x28e: {  	s20 =	simm.s32 $0x5C00;
	s11 =	sadd.s32 s0, s12;
	s12 =	spop (v2sf)  }
0x28f: {  	(v2sf) =	vpush v3, $0xE;
	[tilespmem:s20], [sflag:$0x2] =	stream.linear.gather [hbm4b:s11+s6], $0x400, $0x38;
	[tilespmem:$0x11880] =	vst v63  }
0x290: {  	s11 =	sadd.s32 $0xF4280, s11;
	s20 =	simm.s32 $0x7C00  }
0x291: {  	[tilespmem:s20], [sflag:$0x2] =	stream.linear.gather [hbm4b:s11+s6], $0x400, $0x38;
	[tilespmem:$0x11880] =	vst v63  }
0x292: {  	s20 =	sand.u32 $0xFFFFF80, s12  }
0x293: {  	s10 =	sshrl.u32 s10, $0x3;
	s11 =	sadd.s32 s2, s20;
	s20 =	simm.s32 $0xDC00  }
0x294: {  	[tilespmem:s20], [sflag:$0x2] =	stream.linear.gather [hbm4b:s11+s6], $0x400, $0x38;
	[tilespmem:$0x11880] =	vst v63  }
0x295: {  	s10 =	sand.u32 $0x1FFFFFF0, s10;
	s11 =	sadd.s32 $0xF4280, s11;
	s20 =	simm.s32 $0xFC00  }
0x296: {  	[tilespmem:s20], [sflag:$0x2] =	stream.linear.gather [hbm4b:s11+s6], $0x400, $0x38;
	[tilespmem:$0x11880] =	vst v63  }
0x297: {  	s10 =	sadd.s32 s4, s10;
	s12 =	sshrl.u32 s12, $0x3;
	s20 =	simm.s32 $0x10E80  }
0x298: {  	[tilespmem:s20], [sflag:$0x2] =	stream.linear.gather [hbm4b:s10+s6], $0x80, $0x38;
	[tilespmem:$0x11880] =	vst v63  }
0x299: {  	s10 =	sand.u32 $0x1FFFFFF0, s12  }
0x29a: {  	s20 =	simm.s32 $0x11680;
	s10 =	sadd.s32 s5, s10  }
0x29b: {  	[tilespmem:s20], [sflag:$0x2] =	stream.linear.gather [hbm4b:s10+s6], $0x80, $0x38;
	[tilespmem:$0x11880] =	vst v63  }
0x29c: {  	s10 =	spop (v2sf)  }
0x29d: {  	(v2sf) =	vpush v4, $0xF;
	s12 =	sand.u32 $0xFFFFF80, s10  }
0x29e: {  	s20 =	simm.s32 $0x6000;
	s11 =	sadd.s32 s0, s12;
	s12 =	spop (v2sf)  }
0x29f: {  	(v2sf) =	vpush v3, $0xF;
	[tilespmem:s20], [sflag:$0x2] =	stream.linear.gather [hbm4b:s11+s6], $0x400, $0x38;
	[tilespmem:$0x11880] =	vst v63  }
0x2a0: {  	s11 =	sadd.s32 $0xF4280, s11;
	s20 =	simm.s32 $0x8000  }
0x2a1: {  	[tilespmem:s20], [sflag:$0x2] =	stream.linear.gather [hbm4b:s11+s6], $0x400, $0x38;
	[tilespmem:$0x11880] =	vst v63  }
0x2a2: {  	s20 =	sand.u32 $0xFFFFF80, s12  }
0x2a3: {  	s10 =	sshrl.u32 s10, $0x3;
	s11 =	sadd.s32 s2, s20;
	s20 =	simm.s32 $0xE000  }
0x2a4: {  	[tilespmem:s20], [sflag:$0x2] =	stream.linear.gather [hbm4b:s11+s6], $0x400, $0x38;
	[tilespmem:$0x11880] =	vst v63  }
0x2a5: {  	s10 =	sand.u32 $0x1FFFFFF0, s10;
	s11 =	sadd.s32 $0xF4280, s11;
	s20 =	simm.s32 $0x10000  }
0x2a6: {  	[tilespmem:s20], [sflag:$0x2] =	stream.linear.gather [hbm4b:s11+s6], $0x400, $0x38;
	[tilespmem:$0x11880] =	vst v63  }
0x2a7: {  	s10 =	sadd.s32 s4, s10;
	s12 =	sshrl.u32 s12, $0x3;
	s20 =	simm.s32 $0x10F00  }
0x2a8: {  	[tilespmem:s20], [sflag:$0x2] =	stream.linear.gather [hbm4b:s10+s6], $0x80, $0x38;
	[tilespmem:$0x11880] =	vst v63  }
0x2a9: {  	s10 =	sand.u32 $0x1FFFFFF0, s12  }
0x2aa: {  	s20 =	simm.s32 $0x11700;
	s10 =	sadd.s32 s5, s10  }
0x2ab: {  	[tilespmem:s20], [sflag:$0x2] =	stream.linear.gather [hbm4b:s10+s6], $0x80, $0x38;
	[tilespmem:$0x11880] =	vst v63  }
0x2ac: {  	s11 =	spop (v2sf)  }
0x2ad: {  	s12 =	sand.u32 $0xFFFFF80, s11  }
0x2ae: {  	s10 =	sadd.s32 s0, s12;
	s12 =	spop (v2sf)  }
0x2af: {  	[tilespmem:s23], [sflag:$0x2] =	stream.linear.gather [hbm4b:s10+s6], $0x400, $0x38;
	[tilespmem:$0x11880] =	vst v63  }
0x2b0: {  	s10 =	sadd.s32 $0xF4280, s10;
	s20 =	sand.u32 $0xFFFFF80, s12  }
0x2b1: {  	[tilespmem:s24], [sflag:$0x2] =	stream.linear.gather [hbm4b:s10+s6], $0x400, $0x38;
	[tilespmem:$0x11880] =	vst v63  }
0x2b2: {  	s10 =	sadd.s32 s2, s20  }
0x2b3: {  	[tilespmem:s25], [sflag:$0x2] =	stream.linear.gather [hbm4b:s10+s6], $0x400, $0x38;
	[tilespmem:$0x11880] =	vst v63  }
0x2b4: {  	s11 =	sshrl.u32 s11, $0x3;
	s10 =	sadd.s32 $0xF4280, s10  }
0x2b5: {  	[tilespmem:s26], [sflag:$0x2] =	stream.linear.gather [hbm4b:s10+s6], $0x400, $0x38;
	[tilespmem:$0x11880] =	vst v63  }
0x2b6: {  	s9 =	sadd.s32 $0x10, s9;
	s10 =	sand.u32 $0x1FFFFFF0, s11  }
0x2b7: {  	p0 =	sne.s32 s9, $0x200;
	s10 =	sadd.s32 s4, s10  }
0x2b8: {  	[tilespmem:s28], [sflag:$0x2] =	stream.linear.gather [hbm4b:s10+s6], $0x80, $0x38;
	[tilespmem:$0x11880] =	vst v63  }
.Ltmp4:
0x2b9: {  	_ = 	snop;
	(pc) =	sbr.rel @p0 .LBB2_2-.Ltmp4, $4  }
.Ltmp5:
0x2ba: {  	s20 =	sshrl.u32 s12, $0x3;
	(pc) =	sbr.rel @!p0 .LBB2_6-.Ltmp5, $4  }
0x2bb: {  	s10 =	sand.u32 $0x1FFFFFF0, s20  }
0x2bc: {  	s3 =	sadd.s32 $0x1, s3;
	s10 =	sadd.s32 s5, s10  }
0x2bd: {  	[tilespmem:s29], [sflag:$0x2] =	stream.linear.gather [hbm4b:s10+s6], $0x80, $0x38;
	[tilespmem:$0x11880] =	vst v63  }
0x2be: {  	_ = 	snop  }
.LBB2_7:
0x2bf: {  	_ =	sfence.sel $0x180000  }
0x2c0: {  	[bflag:$0x0] =	sbarrier.arrive $0xFFFF  }
0x2c1: {  	_ =	strace $0x90000047  }
0x2c2: {  	s0 =	stileid.u32;
	[bflag:$0x2] =	sbarrier.arrive $0xFFFF  }
0x2c3: {  	p0 =	sne.s32 s0, $0x0;
	s0 =	rddreg [dreg:$0x9]  }
0x2c4: {  	s0 =	sadd.s32 @!p0 $0x100000, s0  }
0x2c5: {  	[sflag:s0] =	ssyncadd.tile.s32 @!p0 $0x1;
	_ =	shalt  }
.Lfunc_end2:
_tile_overlayer_lowered:
.L_overlay_start_2:
0x2c6: {  	(tag) =	ssettag $0x2  }
0x2c7: {  	s0 =	rddreg [dreg:$0x0];
	s2 =	stileid.u32  }
0x2c8: {  	s1 =	rddreg [dreg:$0x1];
	p0 =	sne.s32 s2, $0x0  }
0x2c9: {  	s3 =	rddreg [dreg:$0x2];
	[bflag:$0x3] =	sbarrier.arrive $0xFFFF;
	s2 =	simm.s32 @!p0 $0x1C04  }
0x2ca: {  	[timem:s3], [sflag:s2] =	dma.local @!p0 [hbm:s0], s1  }
0x2cb: {  	s0 =	simm.s32 @!p0 $0x4  }
0x2cc: {  	_ =	swait.ge @!p0 [sflag:s0], s1  }
0x2cd: {  	s1 =	ssub.s32 @!p0 $0x0, s1;
	[sflag:s0] =	ssyncset.done @!p0 $0x0  }
0x2ce: {  	[sflag:s0] =	ssyncadd.s32 @!p0 s1  }
0x2cf: {  	[bflag:$0x3] =	sbarrier.arrive $0xFFFF  }
0x2d0: {  	_ =	shalt  }

</sc_bundles>
